<compile_context>
chip_gen: v7x
topology: tpu7x:2x2x1
jax: 0.10.2.dev20260603
libtpu: 0.0.44.dev20260713+nightly
codegen_flags: <defaults>
</compile_context>

<pallas_src>
import functools

import jax
import jax.numpy as jnp
import numpy as np
from jax import lax
from jax.experimental import pallas as pl
from jax.experimental.pallas import tpu as pltpu
from jax.experimental.pallas import tpu_sc as plsc

_N = 10000
_E = 160000

_NC, _NS = 2, 16
_NW = _NC * _NS
_GC = 128
_W = 128
_G8 = 1024
_EH = _E // 2
_NGF = _EH // _G8
_JF = _NGF // _NW
_GEXT = _NGF - _JF * _NW
_REMB = _NGF * _G8
_REMC = _EH - _REMB

_EB = 1600

_S3 = 1.0 / np.sqrt(3.0)
_INV = 1.0 / np.sqrt(32.0)

_PERM = np.concatenate([np.arange(16)] + [16 + 3 * np.arange(16) + k for k in range(3)])
_COLMAP = np.zeros(64, dtype=np.int32)
_COLMAP[:16] = np.arange(16)
for _w in range(16):
    for _k in range(3):
        _COLMAP[16 + 3 * _w + _k] = 16 + 16 * _k + _w


def _assemble_wc(W2, b2):
    W2r = W2.reshape(16, 4, 16, 16)
    b2r = b2.reshape(4, 16, 16)
    T = jnp.zeros((17, 128, 128), jnp.float32)
    T = T.at[:16, 0:16, 0:16].set(W2r[:, 0])
    T = T.at[:16, 16:32, 0:16].set(_S3 * W2r[:, 3])
    T = T.at[:16, 32:48, 16:32].set(W2r[:, 1])
    for kk in range(3):
        T = T.at[:16, 48 + 16 * kk:64 + 16 * kk, 32 + 16 * kk:48 + 16 * kk].set(W2r[:, 2])
    T = T.at[16, 0:16, 0:16].set(b2r[0])
    T = T.at[16, 16:32, 0:16].set(_S3 * b2r[3])
    T = T.at[16, 32:48, 16:32].set(b2r[1])
    for kk in range(3):
        T = T.at[16, 48 + 16 * kk:64 + 16 * kk, 32 + 16 * kk:48 + 16 * kk].set(b2r[2])
    return T.transpose(1, 0, 2).reshape(128, 17 * 128)


_REP = np.zeros((16, 16 * 128), np.float32)
for _kk in range(16):
    _REP[_kk, 128 * _kk:128 * (_kk + 1)] = 1.0
_SHB = np.zeros((4, 64), np.float32)
for _kk in range(4):
    _SHB[_kk, 16 * _kk:16 * (_kk + 1)] = 1.0



def _sc_gather(na, src):
    mesh = plsc.VectorSubcoreMesh(core_axis_name="c", subcore_axis_name="s")

    @functools.partial(
        pl.kernel,
        out_type=jax.ShapeDtypeStruct((_EH, _W), jnp.float32),
        mesh=mesh,
        scratch_types=[
            pltpu.VMEM((_G8,), jnp.int32),
            pltpu.VMEM((512, _W), jnp.float32),
            pltpu.SemaphoreType.DMA,
        ],
    )
    def gk(na_hbm, src_hbm, x_hbm, idx_v, rows_v, sem):
        c = lax.axis_index("c")
        s = lax.axis_index("s")
        wid = s * _NC + c

        def group(gid):
            base = pl.multiple_of(gid * _G8, _G8)
            pltpu.sync_copy(src_hbm.at[pl.ds(base, _G8)], idx_v)
            for half in range(2):
                descs = [pltpu.async_copy(
                    na_hbm.at[idx_v.at[pl.ds(half * 512 + _GC * i, _GC)]],
                    rows_v.at[pl.ds(_GC * i, _GC)], sem) for i in range(4)]
                for d in descs:
                    d.wait()
                pltpu.sync_copy(rows_v, x_hbm.at[pl.ds(base + half * 512, 512)])

        def body(j, carry):
            group(j * _NW + wid)
            return carry

        lax.fori_loop(0, _JF, body, 0)

        @pl.when(wid < _GEXT)
        def _():
            group(_JF * _NW + wid)

        @pl.when(wid == _GEXT)
        def _():
            pltpu.sync_copy(src_hbm.at[pl.ds(_REMB, _REMC)], idx_v.at[pl.ds(0, _REMC)])
            descs = [pltpu.async_copy(
                na_hbm.at[idx_v.at[pl.ds(_GC * i, _GC)]],
                rows_v.at[pl.ds(_GC * i, _GC)], sem) for i in range(_REMC // _GC)]
            for d in descs:
                d.wait()
            pltpu.sync_copy(rows_v.at[pl.ds(0, _REMC)], x_hbm.at[pl.ds(_REMB, _REMC)])

    return gk(na, src)



def _tc_dense(x, easb, W1, b1, Wc, Rep, Shb):
    def body(x_ref, easb_ref, w1_ref, b1_ref, wc_ref, rep_ref,
             shb_ref, o_ref):
        xb = x_ref[...]
        easbb = easb_ref[...]
        a = jnp.dot(easbb[:, 0:16], w1_ref[...],
                    preferred_element_type=jnp.float32) + b1_ref[...]
        h = a * (1.0 / (1.0 + jnp.exp(-a)))
        shb = jnp.dot(easbb[:, 16:20], shb_ref[...], preferred_element_type=jnp.float32)
        y0 = shb[:, 0:16]
        yv0 = shb[:, 16:32]
        yv1 = shb[:, 32:48]
        yv2 = shb[:, 48:64]
        xs = xb[:, 0:16]
        xv0 = xb[:, 16:32]
        xv1 = xb[:, 32:48]
        xv2 = xb[:, 48:64]
        zA = xs * y0
        dot = xv0 * yv0 + xv1 * yv1 + xv2 * yv2
        g = jnp.concatenate(
            [zA, dot, xs, xv0, xv1, xv2, jnp.zeros((_EB, 32), jnp.float32)], axis=1)
        Q = jnp.dot(g.astype(jnp.bfloat16), wc_ref[...],
                    preferred_element_type=jnp.float32)
        H = jnp.dot(h.astype(jnp.bfloat16), rep_ref[...],
                    preferred_element_type=jnp.float32)
        S = Q[:, 16 * 128:17 * 128]
        for k in range(16):
            S = S + H[:, 128 * k:128 * (k + 1)] * Q[:, 128 * k:128 * (k + 1)]
        out0 = _INV * S[:, 0:16]
        t = S[:, 16:32]
        o1 = [
            _INV * (t * shb[:, 16 + 16 * k:32 + 16 * k] + y0 * S[:, 32 + 16 * k:48 + 16 * k])
            for k in range(3)
        ]
        o_ref[...] = jnp.concatenate(
            [out0] + o1
            + [jnp.ones((_EB, 16), jnp.float32), jnp.zeros((_EB, 48), jnp.float32)],
            axis=1)

    return pl.pallas_call(
        body,
        grid=(_EH // _EB,),
        in_specs=[
            pl.BlockSpec((_EB, _W), lambda i: (i, 0)),
            pl.BlockSpec((_EB, 20), lambda i: (i, 0)),
            pl.BlockSpec((16, 16), lambda i: (0, 0)),
            pl.BlockSpec((1, 16), lambda i: (0, 0)),
            pl.BlockSpec((128, 17 * 128), lambda i: (0, 0)),
            pl.BlockSpec((16, 16 * 128), lambda i: (0, 0)),
            pl.BlockSpec((4, 64), lambda i: (0, 0)),
        ],
        out_specs=pl.BlockSpec((_EB, _W), lambda i: (i, 0)),
        out_shape=jax.ShapeDtypeStruct((_EH, _W), jnp.float32),
    )(x, easb, W1, b1, Wc, Rep, Shb)



def _sc_scatter(y, dst2p, zrow):
    mesh = plsc.VectorSubcoreMesh(core_axis_name="c", subcore_axis_name="s")

    @functools.partial(
        pl.kernel,
        out_type=jax.ShapeDtypeStruct((_NC, _N, _W), jnp.float32),
        mesh=mesh,
        scratch_types=[
            pltpu.VMEM((8, _GC), jnp.int32),
            pltpu.VMEM((_GC, _W), jnp.float32),
            pltpu.VMEM((_GC, _W), jnp.float32),
            pltpu.VMEM_SHARED((_N, _W), jnp.float32),
            pltpu.SemaphoreType.DMA,
            pltpu.SemaphoreType.DMA,
        ],
    )
    def sk(y_hbm, dst2_hbm, z_hbm, psum_hbm, idx_v, y_v, y_w, acc_sh, semy, sems):
        c = lax.axis_index("c")
        s = lax.axis_index("s")
        wid = s * _NC + c

        @pl.when(s == 0)
        def _():
            pltpu.sync_copy(z_hbm, acc_sh)

        plsc.subcore_barrier()

        def group(gid):
            base = pl.multiple_of(gid * _G8, _G8)
            grow = pl.multiple_of(gid * 8, 8)
            pltpu.sync_copy(dst2_hbm.at[pl.ds(grow, 8)], idx_v)
            dl = {}
            ds_ = {}
            for i in range(8):
                buf = (y_v, y_w)[i % 2]
                if i >= 2:
                    ds_[i - 2].wait()
                dl[i] = pltpu.async_copy(
                    y_hbm.at[pl.ds(base + _GC * i, _GC)], buf, semy)
                if i >= 1:
                    bufj = (y_v, y_w)[(i - 1) % 2]
                    dl[i - 1].wait()
                    ds_[i - 1] = pltpu.async_copy(
                        bufj, acc_sh.at[idx_v.at[i - 1]], sems, add=True)
            dl[7].wait()
            ds_[7] = pltpu.async_copy(y_w, acc_sh.at[idx_v.at[7]], sems, add=True)
            ds_[6].wait()
            ds_[7].wait()

        def body(j, carry):
            group(j * _NW + wid)
            return carry

        lax.fori_loop(0, _JF, body, 0)

        @pl.when(wid < _GEXT)
        def _():
            group(_JF * _NW + wid)

        @pl.when(wid == _GEXT)
        def _():
            pltpu.sync_copy(dst2_hbm.at[pl.ds(_NGF * 8, 8)], idx_v)
            pltpu.sync_copy(y_hbm.at[pl.ds(_REMB, _GC)], y_v)
            pltpu.async_copy(y_v, acc_sh.at[idx_v.at[0]], sems, add=True).wait()

        plsc.subcore_barrier()

        nfull = _N // _GC
        rem = _N - nfull * _GC

        def dump(r0, nrows):
            pltpu.sync_copy(acc_sh.at[pl.ds(r0, nrows)], y_v.at[pl.ds(0, nrows)])
            pltpu.sync_copy(y_v.at[pl.ds(0, nrows)], psum_hbm.at[c, pl.ds(r0, nrows)])

        def dbody(j, carry):
            g = j * _NS + s

            @pl.when(g < nfull)
            def _():
                dump(pl.multiple_of(g * _GC, _GC), _GC)

            @pl.when(g == nfull)
            def _():
                dump(nfull * _GC, rem)

            return carry

        lax.fori_loop(0, (nfull + _NS) // _NS, dbody, 0)

    return sk(y, dst2p, zrow)



_CPM = np.zeros((64, 64), np.float32)
for _j in range(64):
    _CPM[_COLMAP[_j], _j] = 1.0


def _tc_finalize(psum1, psum2):
    def body(p1_ref, p2_ref, pm_ref, o_ref):
        ssum = (p1_ref[0, :, 0:64] + p1_ref[1, :, 0:64]
                + p2_ref[0, :, 0:64] + p2_ref[1, :, 0:64])
        cnt = (p1_ref[0, :, 64:65] + p1_ref[1, :, 64:65]
               + p2_ref[0, :, 64:65] + p2_ref[1, :, 64:65])
        o_ref[...] = jnp.dot(ssum / jnp.maximum(cnt, 1.0), pm_ref[...],
                             preferred_element_type=jnp.float32)

    return pl.pallas_call(
        body,
        out_shape=jax.ShapeDtypeStruct((_N, 64), jnp.float32),
    )(psum1, psum2, jnp.asarray(_CPM))



def kernel(node_attr, edge_index, edge_attr, edge_sh, W1, b1, W2, b2):
    na = jnp.pad(node_attr[:, _PERM], ((0, 0), (0, _W - 64)))
    src = edge_index[0]
    dst = edge_index[1]
    Wc = _assemble_wc(W2, b2).astype(jnp.bfloat16)
    Rep = jnp.asarray(_REP, jnp.bfloat16)
    Shb = jnp.asarray(_SHB)
    b1r = b1.reshape(1, 16)
    zrow = jnp.zeros((_N, _W), jnp.float32)

    def dst2pad(d1):
        return jnp.pad(d1.reshape(_EH // _GC, _GC), ((0, 7), (0, 0)))

    easb = jnp.concatenate([edge_attr, edge_sh], axis=1)
    x1 = _sc_gather(na, src[:_EH])
    x2 = _sc_gather(na, src[_EH:])
    y1 = _tc_dense(x1, easb[:_EH], W1, b1r, Wc, Rep, Shb)
    psum1 = _sc_scatter(y1, dst2pad(dst[:_EH]), zrow)
    y2 = _tc_dense(x2, easb[_EH:], W1, b1r, Wc, Rep, Shb)
    psum2 = _sc_scatter(y2, dst2pad(dst[_EH:]), zrow)
    return _tc_finalize(psum1, psum2)

# --- scband reference (transcript-rebuilt; emitter-appended) ---
"""Pipeline reference for scband-conv-12962211300035 (READ-ONLY COPY).

The authoritative reference and input builder live on the scoring server;
editing this copy changes nothing except your own understanding.
"""

import jax, jax.numpy as jnp
import numpy as np

N = 10000
E = 160000
MUL = 16
EDGE_ATTR_DIM = 16
WEIGHT_NUMEL = 4 * MUL * MUL  # 4 uvw paths: (0e,0e->0e),(0e,1o->1o),(1o,0e->1o),(1o,1o->0e)


def setup_inputs(seed: int = 0) -> dict:
    key = jax.random.key(seed)
    ks = jax.random.split(key, 8)
    node_attr = jax.random.normal(ks[0], (N, 4 * MUL), dtype=jnp.float32)
    edge_index = jax.random.randint(ks[1], (2, E), 0, N, dtype=jnp.int32)
    edge_attr = jax.random.normal(ks[2], (E, EDGE_ATTR_DIM), dtype=jnp.float32)
    edge_sh = jax.random.normal(ks[3], (E, 4), dtype=jnp.float32)
    # radial MLP params (ScalarMLP: Linear -> SiLU -> Linear)
    W1 = jax.random.normal(ks[4], (EDGE_ATTR_DIM, EDGE_ATTR_DIM), dtype=jnp.float32) / np.sqrt(EDGE_ATTR_DIM)
    b1 = jnp.zeros((EDGE_ATTR_DIM,), dtype=jnp.float32)
    W2 = jax.random.normal(ks[5], (EDGE_ATTR_DIM, WEIGHT_NUMEL), dtype=jnp.float32) / np.sqrt(EDGE_ATTR_DIM)
    b2 = jnp.zeros((WEIGHT_NUMEL,), dtype=jnp.float32)
    return {"node_attr": node_attr, "edge_index": edge_index, "edge_attr": edge_attr,
            "edge_sh": edge_sh, "W1": W1, "b1": b1, "W2": W2, "b2": b2}


def _conv(node_attr, edge_attr, edge_sh, W1, b1, W2, b2, edge_index):
    n = node_attr.shape[0]
    src = edge_index[0]
    dst = edge_index[1]
    # gather source node features per edge
    x = jnp.take(node_attr, src, axis=0)  # [E, 64]
    # radial nn -> per-edge tensor-product weights
    h = jax.nn.silu(edge_attr @ W1 + b1)
    w = h @ W2 + b2  # [E, WEIGHT_NUMEL]
    m = MUL
    wA = w[:, 0 * m * m:1 * m * m].reshape(-1, m, m)  # (0e,0e)->0e
    wB = w[:, 1 * m * m:2 * m * m].reshape(-1, m, m)  # (0e,1o)->1o
    wC = w[:, 2 * m * m:3 * m * m].reshape(-1, m, m)  # (1o,0e)->1o
    wD = w[:, 3 * m * m:4 * m * m].reshape(-1, m, m)  # (1o,1o)->0e
    xs = x[:, :m]                      # [E, 16] scalars
    xv = x[:, m:].reshape(-1, m, 3)    # [E, 16, 3] vectors
    y0 = edge_sh[:, 0:1]               # [E, 1]
    yv = edge_sh[:, 1:4]               # [E, 3]
    # e3nn FullyConnectedTensorProduct normalization (component / element):
    # each output irrep has fan-in sum(mul1*mul2)=32; w3j(1,1,0)=(delta/sqrt3), w3j(0,1,1)=(delta/sqrt3)
    inv = 1.0 / jnp.sqrt(32.0)
    s3 = 1.0 / jnp.sqrt(3.0)
    outA = jnp.einsum('euw,eu->ew', wA, xs * y0)
    dot = jnp.einsum('eui,ei->eu', xv, yv)
    outD = jnp.einsum('euw,eu->ew', wD, dot) * s3
    out0 = inv * (outA + outD)  # [E, 16]
    outB = jnp.einsum('euw,eu,ek->ewk', wB, xs, yv)
    outC = jnp.einsum('euw,euk->ewk', wC, xv * y0[:, :, None])
    out1 = inv * (outB + outC)  # [E, 16, 3]
    out_ij = jnp.concatenate([out0, out1.reshape(-1, 3 * m)], axis=1)  # [E, 64]
    # scatter-mean over destination nodes
    summed = jax.ops.segment_sum(out_ij, dst, num_segments=n)
    counts = jax.ops.segment_sum(jnp.ones((dst.shape[0],), dtype=jnp.float32), dst, num_segments=n)
    return summed / jnp.maximum(counts, 1.0)[:, None]


def reference(node_attr, edge_index, edge_attr, edge_sh, W1, b1, W2, b2):
    return _conv(node_attr, edge_attr, edge_sh, W1, b1, W2, b2, edge_index)

if __name__ == "__main__":
    import jax
    _d = setup_inputs()
    print(jax.jit(kernel)(*tuple(_d.values())))

</pallas_src>

<mosaic_0001>
#map = affine_map<(d0, d1) -> (0, 0)>
#map1 = affine_map<(d0, d1) -> (0, 0, 0)>
module attributes {stable_mosaic.version = 14 : i64} {
  func.func @sk(%arg0: i32, %arg1: i32, %arg2: memref<80000x128xf32, #tpu.memory_space<hbm>>, %arg3: memref<632x128xi32, #tpu.memory_space<hbm>>, %arg4: memref<10000x128xf32, #tpu.memory_space<hbm>>, %arg5: memref<2x10000x128xf32, #tpu.memory_space<hbm>>, %arg6: memref<8x128xi32, #tpu.memory_space<vmem>>, %arg7: memref<128x128xf32, #tpu.memory_space<vmem>>, %arg8: memref<128x128xf32, #tpu.memory_space<vmem>>, %arg9: memref<10000x128xf32, #tpu.memory_space<vmem_shared>>, %arg10: memref<!tpu.dma_semaphore, #tpu.memory_space<semaphore_mem>>, %arg11: memref<!tpu.dma_semaphore, #tpu.memory_space<semaphore_mem>>) attributes {dimension_semantics = [#tpu.dimension_semantics<core_parallel>, #tpu.dimension_semantics<subcore_parallel>], iteration_bounds = array<i64: 2, 16>, scalar_prefetch = 0 : i64, scratch_operands = 6 : i64, tpu.core_type = #tpu.core_type<sc_vector_subcore>, window_params = [{transform_indices = #map}, {transform_indices = #map}, {transform_indices = #map}, {transform_indices = #map1}]} {
    %mul3A = arith.constant 2 : i32
    %mul3A_0 = arith.muli %arg1, %mul3A : i32
    %add3A = arith.addi %mul3A_0, %arg0 : i32
    %eq3A = arith.constant 0 : i32
    %eq3A_1 = arith.cmpi eq, %arg1, %eq3A : i32
    %convert_element_type3A = arith.extui %eq3A_1 : i1 to i32
    %cond3A = arith.constant 0 : i32
    %cond3A_2 = arith.cmpi ne, %convert_element_type3A, %cond3A : i32
    scf.if %cond3A_2 {
      "tpu.region"() ({
        %run_scoped3A = tpu.sem_alloc : memref<!tpu.dma_semaphore, #tpu.memory_space<semaphore_mem>>
        tpu.enqueue_dma source(%arg4 : memref<10000x128xf32, #tpu.memory_space<hbm>>) target(%arg9 : memref<10000x128xf32, #tpu.memory_space<vmem_shared>>) target_semaphore(%run_scoped3A : memref<!tpu.dma_semaphore, #tpu.memory_space<semaphore_mem>>)
        tpu.wait_dma2 semaphore(%run_scoped3A : memref<!tpu.dma_semaphore, #tpu.memory_space<semaphore_mem>>) src(%arg4 : memref<10000x128xf32, #tpu.memory_space<hbm>>) dst(%arg9 : memref<10000x128xf32, #tpu.memory_space<vmem_shared>>)
        tpu.yield
      }) : () -> ()
    } else {
    }
    %barrier3A = arith.constant 0 : index
    tpu.barrier barrier_id(%barrier3A)
    %scan3A = arith.constant 0 : i32
    %scan3A_3 = arith.constant 0 : i32
    %scan3A_4 = arith.constant 2 : i32
    %scan3A_5 = arith.addi %scan3A_3, %scan3A_4 : i32
    %scan3A_6 = arith.constant 1 : i32
    scf.for %scan3A_24 = %scan3A_3 to %scan3A_5 step %scan3A_6  : i32 {
      %mul3A_25 = arith.constant 32 : i32
      %mul3A_26 = arith.muli %scan3A_24, %mul3A_25 : i32
      %add3A_27 = arith.addi %mul3A_26, %add3A : i32
      %mul3A_28 = arith.constant 1024 : i32
      %mul3A_29 = arith.muli %add3A_27, %mul3A_28 : i32
      %multiple_of3A = tpu.assume_multiple %mul3A_29, 1024 : i32
      %mul3A_30 = arith.constant 8 : i32
      %mul3A_31 = arith.muli %add3A_27, %mul3A_30 : i32
      %multiple_of3A_32 = tpu.assume_multiple %mul3A_31, 8 : i32
      "tpu.region"() ({
        %run_scoped3A = tpu.sem_alloc : memref<!tpu.dma_semaphore, #tpu.memory_space<semaphore_mem>>
        %dma_start3A_223 = arith.constant 0 : i32
        %dma_start3A_224 = tpu.memref_slice %arg3[%multiple_of3A_32, %dma_start3A_223] : memref<632x128xi32, #tpu.memory_space<hbm>> -> memref<8x128xi32, #tpu.memory_space<hbm>>
        %dma_start3A_225 = arith.constant 0 : i32
        %dma_start3A_226 = tpu.memref_slice %arg3[%multiple_of3A_32, %dma_start3A_225] : memref<632x128xi32, #tpu.memory_space<hbm>> -> memref<8x128xi32, #tpu.memory_space<hbm>>
        tpu.enqueue_dma source(%dma_start3A_226 : memref<8x128xi32, #tpu.memory_space<hbm>>) target(%arg6 : memref<8x128xi32, #tpu.memory_space<vmem>>) target_semaphore(%run_scoped3A : memref<!tpu.dma_semaphore, #tpu.memory_space<semaphore_mem>>)
        %dma_wait3A_227 = arith.constant 0 : i32
        %dma_wait3A_228 = tpu.memref_slice %arg3[%multiple_of3A_32, %dma_wait3A_227] : memref<632x128xi32, #tpu.memory_space<hbm>> -> memref<8x128xi32, #tpu.memory_space<hbm>>
        %dma_wait3A_229 = arith.constant 0 : i32
        %dma_wait3A_230 = tpu.memref_slice %arg3[%multiple_of3A_32, %dma_wait3A_229] : memref<632x128xi32, #tpu.memory_space<hbm>> -> memref<8x128xi32, #tpu.memory_space<hbm>>
        tpu.wait_dma2 semaphore(%run_scoped3A : memref<!tpu.dma_semaphore, #tpu.memory_space<semaphore_mem>>) src(%dma_wait3A_230 : memref<8x128xi32, #tpu.memory_space<hbm>>) dst(%arg6 : memref<8x128xi32, #tpu.memory_space<vmem>>)
        tpu.yield
      }) : () -> ()
      %add3A_33 = arith.constant 0 : i32
      %add3A_34 = arith.addi %multiple_of3A, %add3A_33 : i32
      %dma_start3A = arith.constant 0 : i32
      %dma_start3A_35 = tpu.memref_slice %arg2[%add3A_34, %dma_start3A] : memref<80000x128xf32, #tpu.memory_space<hbm>> -> memref<128x128xf32, #tpu.memory_space<hbm>>
      %dma_start3A_36 = arith.constant 0 : i32
      %dma_start3A_37 = tpu.memref_slice %arg2[%add3A_34, %dma_start3A_36] : memref<80000x128xf32, #tpu.memory_space<hbm>> -> memref<128x128xf32, #tpu.memory_space<hbm>>
      tpu.enqueue_dma source(%dma_start3A_37 : memref<128x128xf32, #tpu.memory_space<hbm>>) target(%arg7 : memref<128x128xf32, #tpu.memory_space<vmem>>) target_semaphore(%arg10 : memref<!tpu.dma_semaphore, #tpu.memory_space<semaphore_mem>>)
      %add3A_38 = arith.constant 128 : i32
      %add3A_39 = arith.addi %multiple_of3A, %add3A_38 : i32
      %dma_start3A_40 = arith.constant 0 : i32
      %dma_start3A_41 = tpu.memref_slice %arg2[%add3A_39, %dma_start3A_40] : memref<80000x128xf32, #tpu.memory_space<hbm>> -> memref<128x128xf32, #tpu.memory_space<hbm>>
      %dma_start3A_42 = arith.constant 0 : i32
      %dma_start3A_43 = tpu.memref_slice %arg2[%add3A_39, %dma_start3A_42] : memref<80000x128xf32, #tpu.memory_space<hbm>> -> memref<128x128xf32, #tpu.memory_space<hbm>>
      tpu.enqueue_dma source(%dma_start3A_43 : memref<128x128xf32, #tpu.memory_space<hbm>>) target(%arg8 : memref<128x128xf32, #tpu.memory_space<vmem>>) target_semaphore(%arg10 : memref<!tpu.dma_semaphore, #tpu.memory_space<semaphore_mem>>)
      %dma_wait3A = arith.constant 0 : i32
      %dma_wait3A_44 = tpu.memref_slice %arg2[%add3A_34, %dma_wait3A] : memref<80000x128xf32, #tpu.memory_space<hbm>> -> memref<128x128xf32, #tpu.memory_space<hbm>>
      %dma_wait3A_45 = arith.constant 0 : i32
      %dma_wait3A_46 = tpu.memref_slice %arg2[%add3A_34, %dma_wait3A_45] : memref<80000x128xf32, #tpu.memory_space<hbm>> -> memref<128x128xf32, #tpu.memory_space<hbm>>
      tpu.wait_dma2 semaphore(%arg10 : memref<!tpu.dma_semaphore, #tpu.memory_space<semaphore_mem>>) src(%dma_wait3A_46 : memref<128x128xf32, #tpu.memory_space<hbm>>) dst(%arg7 : memref<128x128xf32, #tpu.memory_space<vmem>>)
      %dma_start3A_47 = arith.constant 0 : i32
      %dma_start3A_48 = arith.constant 0 : i32
      %dma_start3A_49 = tpu.memref_slice %arg6[%dma_start3A_47, %dma_start3A_48] : memref<8x128xi32, #tpu.memory_space<vmem>> -> memref<1x128xi32, #tpu.memory_space<vmem>>
      %dma_start3A_50 = tpu.memref_squeeze %dma_start3A_49 : memref<1x128xi32, #tpu.memory_space<vmem>> -> memref<128xi32, #tpu.memory_space<vmem>>
      %dma_start3A_51 = arith.constant 0 : i32
      %dma_start3A_52 = arith.constant 0 : i32
      %dma_start3A_53 = tpu.memref_slice %arg9[%dma_start3A_51, %dma_start3A_52] : memref<10000x128xf32, #tpu.memory_space<vmem_shared>> -> memref<10000x128xf32, #tpu.memory_space<vmem_shared>>
      tpu.enqueue_indirect_dma source(%arg7 : memref<128x128xf32, #tpu.memory_space<vmem>>) target(%dma_start3A_53 : memref<10000x128xf32, #tpu.memory_space<vmem_shared>>) offsets(%dma_start3A_50 : memref<128xi32, #tpu.memory_space<vmem>>) semaphore(%arg11 : memref<!tpu.dma_semaphore, #tpu.memory_space<semaphore_mem>>) {add = true}
      %dma_wait3A_54 = arith.constant 0 : i32
      %dma_wait3A_55 = arith.constant 0 : i32
      %dma_wait3A_56 = tpu.memref_slice %arg6[%dma_wait3A_54, %dma_wait3A_55] : memref<8x128xi32, #tpu.memory_space<vmem>> -> memref<1x128xi32, #tpu.memory_space<vmem>>
      %dma_wait3A_57 = tpu.memref_squeeze %dma_wait3A_56 : memref<1x128xi32, #tpu.memory_space<vmem>> -> memref<128xi32, #tpu.memory_space<vmem>>
      %dma_wait3A_58 = arith.constant 0 : i32
      %dma_wait3A_59 = arith.constant 0 : i32
      %dma_wait3A_60 = tpu.memref_slice %arg9[%dma_wait3A_58, %dma_wait3A_59] : memref<10000x128xf32, #tpu.memory_space<vmem_shared>> -> memref<10000x128xf32, #tpu.memory_space<vmem_shared>>
      tpu.wait_indirect_dma semaphore(%arg11 : memref<!tpu.dma_semaphore, #tpu.memory_space<semaphore_mem>>) src(%arg7 : memref<128x128xf32, #tpu.memory_space<vmem>>) dst(%dma_wait3A_60 : memref<10000x128xf32, #tpu.memory_space<vmem_shared>>)
      %add3A_61 = arith.constant 256 : i32
      %add3A_62 = arith.addi %multiple_of3A, %add3A_61 : i32
      %dma_start3A_63 = arith.constant 0 : i32
      %dma_start3A_64 = tpu.memref_slice %arg2[%add3A_62, %dma_start3A_63] : memref<80000x128xf32, #tpu.memory_space<hbm>> -> memref<128x128xf32, #tpu.memory_space<hbm>>
      %dma_start3A_65 = arith.constant 0 : i32
      %dma_start3A_66 = tpu.memref_slice %arg2[%add3A_62, %dma_start3A_65] : memref<80000x128xf32, #tpu.memory_space<hbm>> -> memref<128x128xf32, #tpu.memory_space<hbm>>
      tpu.enqueue_dma source(%dma_start3A_66 : memref<128x128xf32, #tpu.memory_space<hbm>>) target(%arg7 : memref<128x128xf32, #tpu.memory_space<vmem>>) target_semaphore(%arg10 : memref<!tpu.dma_semaphore, #tpu.memory_space<semaphore_mem>>)
      %dma_wait3A_67 = arith.constant 0 : i32
      %dma_wait3A_68 = tpu.memref_slice %arg2[%add3A_39, %dma_wait3A_67] : memref<80000x128xf32, #tpu.memory_space<hbm>> -> memref<128x128xf32, #tpu.memory_space<hbm>>
      %dma_wait3A_69 = arith.constant 0 : i32
      %dma_wait3A_70 = tpu.memref_slice %arg2[%add3A_39, %dma_wait3A_69] : memref<80000x128xf32, #tpu.memory_space<hbm>> -> memref<128x128xf32, #tpu.memory_space<hbm>>
      tpu.wait_dma2 semaphore(%arg10 : memref<!tpu.dma_semaphore, #tpu.memory_space<semaphore_mem>>) src(%dma_wait3A_70 : memref<128x128xf32, #tpu.memory_space<hbm>>) dst(%arg8 : memref<128x128xf32, #tpu.memory_space<vmem>>)
      %dma_start3A_71 = arith.constant 1 : i32
      %dma_start3A_72 = arith.constant 0 : i32
      %dma_start3A_73 = tpu.memref_slice %arg6[%dma_start3A_71, %dma_start3A_72] : memref<8x128xi32, #tpu.memory_space<vmem>> -> memref<1x128xi32, #tpu.memory_space<vmem>>
      %dma_start3A_74 = tpu.memref_squeeze %dma_start3A_73 : memref<1x128xi32, #tpu.memory_space<vmem>> -> memref<128xi32, #tpu.memory_space<vmem>>
      %dma_start3A_75 = arith.constant 0 : i32
      %dma_start3A_76 = arith.constant 0 : i32
      %dma_start3A_77 = tpu.memref_slice %arg9[%dma_start3A_75, %dma_start3A_76] : memref<10000x128xf32, #tpu.memory_space<vmem_shared>> -> memref<10000x128xf32, #tpu.memory_space<vmem_shared>>
      tpu.enqueue_indirect_dma source(%arg8 : memref<128x128xf32, #tpu.memory_space<vmem>>) target(%dma_start3A_77 : memref<10000x128xf32, #tpu.memory_space<vmem_shared>>) offsets(%dma_start3A_74 : memref<128xi32, #tpu.memory_space<vmem>>) semaphore(%arg11 : memref<!tpu.dma_semaphore, #tpu.memory_space<semaphore_mem>>) {add = true}
      %dma_wait3A_78 = arith.constant 1 : i32
      %dma_wait3A_79 = arith.constant 0 : i32
      %dma_wait3A_80 = tpu.memref_slice %arg6[%dma_wait3A_78, %dma_wait3A_79] : memref<8x128xi32, #tpu.memory_space<vmem>> -> memref<1x128xi32, #tpu.memory_space<vmem>>
      %dma_wait3A_81 = tpu.memref_squeeze %dma_wait3A_80 : memref<1x128xi32, #tpu.memory_space<vmem>> -> memref<128xi32, #tpu.memory_space<vmem>>
      %dma_wait3A_82 = arith.constant 0 : i32
      %dma_wait3A_83 = arith.constant 0 : i32
      %dma_wait3A_84 = tpu.memref_slice %arg9[%dma_wait3A_82, %dma_wait3A_83] : memref<10000x128xf32, #tpu.memory_space<vmem_shared>> -> memref<10000x128xf32, #tpu.memory_space<vmem_shared>>
      tpu.wait_indirect_dma semaphore(%arg11 : memref<!tpu.dma_semaphore, #tpu.memory_space<semaphore_mem>>) src(%arg8 : memref<128x128xf32, #tpu.memory_space<vmem>>) dst(%dma_wait3A_84 : memref<10000x128xf32, #tpu.memory_space<vmem_shared>>)
      %add3A_85 = arith.constant 384 : i32
      %add3A_86 = arith.addi %multiple_of3A, %add3A_85 : i32
      %dma_start3A_87 = arith.constant 0 : i32
      %dma_start3A_88 = tpu.memref_slice %arg2[%add3A_86, %dma_start3A_87] : memref<80000x128xf32, #tpu.memory_space<hbm>> -> memref<128x128xf32, #tpu.memory_space<hbm>>
      %dma_start3A_89 = arith.constant 0 : i32
      %dma_start3A_90 = tpu.memref_slice %arg2[%add3A_86, %dma_start3A_89] : memref<80000x128xf32, #tpu.memory_space<hbm>> -> memref<128x128xf32, #tpu.memory_space<hbm>>
      tpu.enqueue_dma source(%dma_start3A_90 : memref<128x128xf32, #tpu.memory_space<hbm>>) target(%arg8 : memref<128x128xf32, #tpu.memory_space<vmem>>) target_semaphore(%arg10 : memref<!tpu.dma_semaphore, #tpu.memory_space<semaphore_mem>>)
      %dma_wait3A_91 = arith.constant 0 : i32
      %dma_wait3A_92 = tpu.memref_slice %arg2[%add3A_62, %dma_wait3A_91] : memref<80000x128xf32, #tpu.memory_space<hbm>> -> memref<128x128xf32, #tpu.memory_space<hbm>>
      %dma_wait3A_93 = arith.constant 0 : i32
      %dma_wait3A_94 = tpu.memref_slice %arg2[%add3A_62, %dma_wait3A_93] : memref<80000x128xf32, #tpu.memory_space<hbm>> -> memref<128x128xf32, #tpu.memory_space<hbm>>
      tpu.wait_dma2 semaphore(%arg10 : memref<!tpu.dma_semaphore, #tpu.memory_space<semaphore_mem>>) src(%dma_wait3A_94 : memref<128x128xf32, #tpu.memory_space<hbm>>) dst(%arg7 : memref<128x128xf32, #tpu.memory_space<vmem>>)
      %dma_start3A_95 = arith.constant 2 : i32
      %dma_start3A_96 = arith.constant 0 : i32
      %dma_start3A_97 = tpu.memref_slice %arg6[%dma_start3A_95, %dma_start3A_96] : memref<8x128xi32, #tpu.memory_space<vmem>> -> memref<1x128xi32, #tpu.memory_space<vmem>>
      %dma_start3A_98 = tpu.memref_squeeze %dma_start3A_97 : memref<1x128xi32, #tpu.memory_space<vmem>> -> memref<128xi32, #tpu.memory_space<vmem>>
      %dma_start3A_99 = arith.constant 0 : i32
      %dma_start3A_100 = arith.constant 0 : i32
      %dma_start3A_101 = tpu.memref_slice %arg9[%dma_start3A_99, %dma_start3A_100] : memref<10000x128xf32, #tpu.memory_space<vmem_shared>> -> memref<10000x128xf32, #tpu.memory_space<vmem_shared>>
      tpu.enqueue_indirect_dma source(%arg7 : memref<128x128xf32, #tpu.memory_space<vmem>>) target(%dma_start3A_101 : memref<10000x128xf32, #tpu.memory_space<vmem_shared>>) offsets(%dma_start3A_98 : memref<128xi32, #tpu.memory_space<vmem>>) semaphore(%arg11 : memref<!tpu.dma_semaphore, #tpu.memory_space<semaphore_mem>>) {add = true}
      %dma_wait3A_102 = arith.constant 2 : i32
      %dma_wait3A_103 = arith.constant 0 : i32
      %dma_wait3A_104 = tpu.memref_slice %arg6[%dma_wait3A_102, %dma_wait3A_103] : memref<8x128xi32, #tpu.memory_space<vmem>> -> memref<1x128xi32, #tpu.memory_space<vmem>>
      %dma_wait3A_105 = tpu.memref_squeeze %dma_wait3A_104 : memref<1x128xi32, #tpu.memory_space<vmem>> -> memref<128xi32, #tpu.memory_space<vmem>>
      %dma_wait3A_106 = arith.constant 0 : i32
      %dma_wait3A_107 = arith.constant 0 : i32
      %dma_wait3A_108 = tpu.memref_slice %arg9[%dma_wait3A_106, %dma_wait3A_107] : memref<10000x128xf32, #tpu.memory_space<vmem_shared>> -> memref<10000x128xf32, #tpu.memory_space<vmem_shared>>
      tpu.wait_indirect_dma semaphore(%arg11 : memref<!tpu.dma_semaphore, #tpu.memory_space<semaphore_mem>>) src(%arg7 : memref<128x128xf32, #tpu.memory_space<vmem>>) dst(%dma_wait3A_108 : memref<10000x128xf32, #tpu.memory_space<vmem_shared>>)
      %add3A_109 = arith.constant 512 : i32
      %add3A_110 = arith.addi %multiple_of3A, %add3A_109 : i32
      %dma_start3A_111 = arith.constant 0 : i32
      %dma_start3A_112 = tpu.memref_slice %arg2[%add3A_110, %dma_start3A_111] : memref<80000x128xf32, #tpu.memory_space<hbm>> -> memref<128x128xf32, #tpu.memory_space<hbm>>
      %dma_start3A_113 = arith.constant 0 : i32
      %dma_start3A_114 = tpu.memref_slice %arg2[%add3A_110, %dma_start3A_113] : memref<80000x128xf32, #tpu.memory_space<hbm>> -> memref<128x128xf32, #tpu.memory_space<hbm>>
      tpu.enqueue_dma source(%dma_start3A_114 : memref<128x128xf32, #tpu.memory_space<hbm>>) target(%arg7 : memref<128x128xf32, #tpu.memory_space<vmem>>) target_semaphore(%arg10 : memref<!tpu.dma_semaphore, #tpu.memory_space<semaphore_mem>>)
      %dma_wait3A_115 = arith.constant 0 : i32
      %dma_wait3A_116 = tpu.memref_slice %arg2[%add3A_86, %dma_wait3A_115] : memref<80000x128xf32, #tpu.memory_space<hbm>> -> memref<128x128xf32, #tpu.memory_space<hbm>>
      %dma_wait3A_117 = arith.constant 0 : i32
      %dma_wait3A_118 = tpu.memref_slice %arg2[%add3A_86, %dma_wait3A_117] : memref<80000x128xf32, #tpu.memory_space<hbm>> -> memref<128x128xf32, #tpu.memory_space<hbm>>
      tpu.wait_dma2 semaphore(%arg10 : memref<!tpu.dma_semaphore, #tpu.memory_space<semaphore_mem>>) src(%dma_wait3A_118 : memref<128x128xf32, #tpu.memory_space<hbm>>) dst(%arg8 : memref<128x128xf32, #tpu.memory_space<vmem>>)
      %dma_start3A_119 = arith.constant 3 : i32
      %dma_start3A_120 = arith.constant 0 : i32
      %dma_start3A_121 = tpu.memref_slice %arg6[%dma_start3A_119, %dma_start3A_120] : memref<8x128xi32, #tpu.memory_space<vmem>> -> memref<1x128xi32, #tpu.memory_space<vmem>>
      %dma_start3A_122 = tpu.memref_squeeze %dma_start3A_121 : memref<1x128xi32, #tpu.memory_space<vmem>> -> memref<128xi32, #tpu.memory_space<vmem>>
      %dma_start3A_123 = arith.constant 0 : i32
      %dma_start3A_124 = arith.constant 0 : i32
      %dma_start3A_125 = tpu.memref_slice %arg9[%dma_start3A_123, %dma_start3A_124] : memref<10000x128xf32, #tpu.memory_space<vmem_shared>> -> memref<10000x128xf32, #tpu.memory_space<vmem_shared>>
      tpu.enqueue_indirect_dma source(%arg8 : memref<128x128xf32, #tpu.memory_space<vmem>>) target(%dma_start3A_125 : memref<10000x128xf32, #tpu.memory_space<vmem_shared>>) offsets(%dma_start3A_122 : memref<128xi32, #tpu.memory_space<vmem>>) semaphore(%arg11 : memref<!tpu.dma_semaphore, #tpu.memory_space<semaphore_mem>>) {add = true}
      %dma_wait3A_126 = arith.constant 3 : i32
      %dma_wait3A_127 = arith.constant 0 : i32
      %dma_wait3A_128 = tpu.memref_slice %arg6[%dma_wait3A_126, %dma_wait3A_127] : memref<8x128xi32, #tpu.memory_space<vmem>> -> memref<1x128xi32, #tpu.memory_space<vmem>>
      %dma_wait3A_129 = tpu.memref_squeeze %dma_wait3A_128 : memref<1x128xi32, #tpu.memory_space<vmem>> -> memref<128xi32, #tpu.memory_space<vmem>>
      %dma_wait3A_130 = arith.constant 0 : i32
      %dma_wait3A_131 = arith.constant 0 : i32
      %dma_wait3A_132 = tpu.memref_slice %arg9[%dma_wait3A_130, %dma_wait3A_131] : memref<10000x128xf32, #tpu.memory_space<vmem_shared>> -> memref<10000x128xf32, #tpu.memory_space<vmem_shared>>
      tpu.wait_indirect_dma semaphore(%arg11 : memref<!tpu.dma_semaphore, #tpu.memory_space<semaphore_mem>>) src(%arg8 : memref<128x128xf32, #tpu.memory_space<vmem>>) dst(%dma_wait3A_132 : memref<10000x128xf32, #tpu.memory_space<vmem_shared>>)
      %add3A_133 = arith.constant 640 : i32
      %add3A_134 = arith.addi %multiple_of3A, %add3A_133 : i32
      %dma_start3A_135 = arith.constant 0 : i32
      %dma_start3A_136 = tpu.memref_slice %arg2[%add3A_134, %dma_start3A_135] : memref<80000x128xf32, #tpu.memory_space<hbm>> -> memref<128x128xf32, #tpu.memory_space<hbm>>
      %dma_start3A_137 = arith.constant 0 : i32
      %dma_start3A_138 = tpu.memref_slice %arg2[%add3A_134, %dma_start3A_137] : memref<80000x128xf32, #tpu.memory_space<hbm>> -> memref<128x128xf32, #tpu.memory_space<hbm>>
      tpu.enqueue_dma source(%dma_start3A_138 : memref<128x128xf32, #tpu.memory_space<hbm>>) target(%arg8 : memref<128x128xf32, #tpu.memory_space<vmem>>) target_semaphore(%arg10 : memref<!tpu.dma_semaphore, #tpu.memory_space<semaphore_mem>>)
      %dma_wait3A_139 = arith.constant 0 : i32
      %dma_wait3A_140 = tpu.memref_slice %arg2[%add3A_110, %dma_wait3A_139] : memref<80000x128xf32, #tpu.memory_space<hbm>> -> memref<128x128xf32, #tpu.memory_space<hbm>>
      %dma_wait3A_141 = arith.constant 0 : i32
      %dma_wait3A_142 = tpu.memref_slice %arg2[%add3A_110, %dma_wait3A_141] : memref<80000x128xf32, #tpu.memory_space<hbm>> -> memref<128x128xf32, #tpu.memory_space<hbm>>
      tpu.wait_dma2 semaphore(%arg10 : memref<!tpu.dma_semaphore, #tpu.memory_space<semaphore_mem>>) src(%dma_wait3A_142 : memref<128x128xf32, #tpu.memory_space<hbm>>) dst(%arg7 : memref<128x128xf32, #tpu.memory_space<vmem>>)
      %dma_start3A_143 = arith.constant 4 : i32
      %dma_start3A_144 = arith.constant 0 : i32
      %dma_start3A_145 = tpu.memref_slice %arg6[%dma_start3A_143, %dma_start3A_144] : memref<8x128xi32, #tpu.memory_space<vmem>> -> memref<1x128xi32, #tpu.memory_space<vmem>>
      %dma_start3A_146 = tpu.memref_squeeze %dma_start3A_145 : memref<1x128xi32, #tpu.memory_space<vmem>> -> memref<128xi32, #tpu.memory_space<vmem>>
      %dma_start3A_147 = arith.constant 0 : i32
      %dma_start3A_148 = arith.constant 0 : i32
      %dma_start3A_149 = tpu.memref_slice %arg9[%dma_start3A_147, %dma_start3A_148] : memref<10000x128xf32, #tpu.memory_space<vmem_shared>> -> memref<10000x128xf32, #tpu.memory_space<vmem_shared>>
      tpu.enqueue_indirect_dma source(%arg7 : memref<128x128xf32, #tpu.memory_space<vmem>>) target(%dma_start3A_149 : memref<10000x128xf32, #tpu.memory_space<vmem_shared>>) offsets(%dma_start3A_146 : memref<128xi32, #tpu.memory_space<vmem>>) semaphore(%arg11 : memref<!tpu.dma_semaphore, #tpu.memory_space<semaphore_mem>>) {add = true}
      %dma_wait3A_150 = arith.constant 4 : i32
      %dma_wait3A_151 = arith.constant 0 : i32
      %dma_wait3A_152 = tpu.memref_slice %arg6[%dma_wait3A_150, %dma_wait3A_151] : memref<8x128xi32, #tpu.memory_space<vmem>> -> memref<1x128xi32, #tpu.memory_space<vmem>>
      %dma_wait3A_153 = tpu.memref_squeeze %dma_wait3A_152 : memref<1x128xi32, #tpu.memory_space<vmem>> -> memref<128xi32, #tpu.memory_space<vmem>>
      %dma_wait3A_154 = arith.constant 0 : i32
      %dma_wait3A_155 = arith.constant 0 : i32
      %dma_wait3A_156 = tpu.memref_slice %arg9[%dma_wait3A_154, %dma_wait3A_155] : memref<10000x128xf32, #tpu.memory_space<vmem_shared>> -> memref<10000x128xf32, #tpu.memory_space<vmem_shared>>
      tpu.wait_indirect_dma semaphore(%arg11 : memref<!tpu.dma_semaphore, #tpu.memory_space<semaphore_mem>>) src(%arg7 : memref<128x128xf32, #tpu.memory_space<vmem>>) dst(%dma_wait3A_156 : memref<10000x128xf32, #tpu.memory_space<vmem_shared>>)
      %add3A_157 = arith.constant 768 : i32
      %add3A_158 = arith.addi %multiple_of3A, %add3A_157 : i32
      %dma_start3A_159 = arith.constant 0 : i32
      %dma_start3A_160 = tpu.memref_slice %arg2[%add3A_158, %dma_start3A_159] : memref<80000x128xf32, #tpu.memory_space<hbm>> -> memref<128x128xf32, #tpu.memory_space<hbm>>
      %dma_start3A_161 = arith.constant 0 : i32
      %dma_start3A_162 = tpu.memref_slice %arg2[%add3A_158, %dma_start3A_161] : memref<80000x128xf32, #tpu.memory_space<hbm>> -> memref<128x128xf32, #tpu.memory_space<hbm>>
      tpu.enqueue_dma source(%dma_start3A_162 : memref<128x128xf32, #tpu.memory_space<hbm>>) target(%arg7 : memref<128x128xf32, #tpu.memory_space<vmem>>) target_semaphore(%arg10 : memref<!tpu.dma_semaphore, #tpu.memory_space<semaphore_mem>>)
      %dma_wait3A_163 = arith.constant 0 : i32
      %dma_wait3A_164 = tpu.memref_slice %arg2[%add3A_134, %dma_wait3A_163] : memref<80000x128xf32, #tpu.memory_space<hbm>> -> memref<128x128xf32, #tpu.memory_space<hbm>>
      %dma_wait3A_165 = arith.constant 0 : i32
      %dma_wait3A_166 = tpu.memref_slice %arg2[%add3A_134, %dma_wait3A_165] : memref<80000x128xf32, #tpu.memory_space<hbm>> -> memref<128x128xf32, #tpu.memory_space<hbm>>
      tpu.wait_dma2 semaphore(%arg10 : memref<!tpu.dma_semaphore, #tpu.memory_space<semaphore_mem>>) src(%dma_wait3A_166 : memref<128x128xf32, #tpu.memory_space<hbm>>) dst(%arg8 : memref<128x128xf32, #tpu.memory_space<vmem>>)
      %dma_start3A_167 = arith.constant 5 : i32
      %dma_start3A_168 = arith.constant 0 : i32
      %dma_start3A_169 = tpu.memref_slice %arg6[%dma_start3A_167, %dma_start3A_168] : memref<8x128xi32, #tpu.memory_space<vmem>> -> memref<1x128xi32, #tpu.memory_space<vmem>>
      %dma_start3A_170 = tpu.memref_squeeze %dma_start3A_169 : memref<1x128xi32, #tpu.memory_space<vmem>> -> memref<128xi32, #tpu.memory_space<vmem>>
      %dma_start3A_171 = arith.constant 0 : i32
      %dma_start3A_172 = arith.constant 0 : i32
      %dma_start3A_173 = tpu.memref_slice %arg9[%dma_start3A_171, %dma_start3A_172] : memref<10000x128xf32, #tpu.memory_space<vmem_shared>> -> memref<10000x128xf32, #tpu.memory_space<vmem_shared>>
      tpu.enqueue_indirect_dma source(%arg8 : memref<128x128xf32, #tpu.memory_space<vmem>>) target(%dma_start3A_173 : memref<10000x128xf32, #tpu.memory_space<vmem_shared>>) offsets(%dma_start3A_170 : memref<128xi32, #tpu.memory_space<vmem>>) semaphore(%arg11 : memref<!tpu.dma_semaphore, #tpu.memory_space<semaphore_mem>>) {add = true}
      %dma_wait3A_174 = arith.constant 5 : i32
      %dma_wait3A_175 = arith.constant 0 : i32
      %dma_wait3A_176 = tpu.memref_slice %arg6[%dma_wait3A_174, %dma_wait3A_175] : memref<8x128xi32, #tpu.memory_space<vmem>> -> memref<1x128xi32, #tpu.memory_space<vmem>>
      %dma_wait3A_177 = tpu.memref_squeeze %dma_wait3A_176 : memref<1x128xi32, #tpu.memory_space<vmem>> -> memref<128xi32, #tpu.memory_space<vmem>>
      %dma_wait3A_178 = arith.constant 0 : i32
      %dma_wait3A_179 = arith.constant 0 : i32
      %dma_wait3A_180 = tpu.memref_slice %arg9[%dma_wait3A_178, %dma_wait3A_179] : memref<10000x128xf32, #tpu.memory_space<vmem_shared>> -> memref<10000x128xf32, #tpu.memory_space<vmem_shared>>
      tpu.wait_indirect_dma semaphore(%arg11 : memref<!tpu.dma_semaphore, #tpu.memory_space<semaphore_mem>>) src(%arg8 : memref<128x128xf32, #tpu.memory_space<vmem>>) dst(%dma_wait3A_180 : memref<10000x128xf32, #tpu.memory_space<vmem_shared>>)
      %add3A_181 = arith.constant 896 : i32
      %add3A_182 = arith.addi %multiple_of3A, %add3A_181 : i32
      %dma_start3A_183 = arith.constant 0 : i32
      %dma_start3A_184 = tpu.memref_slice %arg2[%add3A_182, %dma_start3A_183] : memref<80000x128xf32, #tpu.memory_space<hbm>> -> memref<128x128xf32, #tpu.memory_space<hbm>>
      %dma_start3A_185 = arith.constant 0 : i32
      %dma_start3A_186 = tpu.memref_slice %arg2[%add3A_182, %dma_start3A_185] : memref<80000x128xf32, #tpu.memory_space<hbm>> -> memref<128x128xf32, #tpu.memory_space<hbm>>
      tpu.enqueue_dma source(%dma_start3A_186 : memref<128x128xf32, #tpu.memory_space<hbm>>) target(%arg8 : memref<128x128xf32, #tpu.memory_space<vmem>>) target_semaphore(%arg10 : memref<!tpu.dma_semaphore, #tpu.memory_space<semaphore_mem>>)
      %dma_wait3A_187 = arith.constant 0 : i32
      %dma_wait3A_188 = tpu.memref_slice %arg2[%add3A_158, %dma_wait3A_187] : memref<80000x128xf32, #tpu.memory_space<hbm>> -> memref<128x128xf32, #tpu.memory_space<hbm>>
      %dma_wait3A_189 = arith.constant 0 : i32
      %dma_wait3A_190 = tpu.memref_slice %arg2[%add3A_158, %dma_wait3A_189] : memref<80000x128xf32, #tpu.memory_space<hbm>> -> memref<128x128xf32, #tpu.memory_space<hbm>>
      tpu.wait_dma2 semaphore(%arg10 : memref<!tpu.dma_semaphore, #tpu.memory_space<semaphore_mem>>) src(%dma_wait3A_190 : memref<128x128xf32, #tpu.memory_space<hbm>>) dst(%arg7 : memref<128x128xf32, #tpu.memory_space<vmem>>)
      %dma_start3A_191 = arith.constant 6 : i32
      %dma_start3A_192 = arith.constant 0 : i32
      %dma_start3A_193 = tpu.memref_slice %arg6[%dma_start3A_191, %dma_start3A_192] : memref<8x128xi32, #tpu.memory_space<vmem>> -> memref<1x128xi32, #tpu.memory_space<vmem>>
      %dma_start3A_194 = tpu.memref_squeeze %dma_start3A_193 : memref<1x128xi32, #tpu.memory_space<vmem>> -> memref<128xi32, #tpu.memory_space<vmem>>
      %dma_start3A_195 = arith.constant 0 : i32
      %dma_start3A_196 = arith.constant 0 : i32
      %dma_start3A_197 = tpu.memref_slice %arg9[%dma_start3A_195, %dma_start3A_196] : memref<10000x128xf32, #tpu.memory_space<vmem_shared>> -> memref<10000x128xf32, #tpu.memory_space<vmem_shared>>
      tpu.enqueue_indirect_dma source(%arg7 : memref<128x128xf32, #tpu.memory_space<vmem>>) target(%dma_start3A_197 : memref<10000x128xf32, #tpu.memory_space<vmem_shared>>) offsets(%dma_start3A_194 : memref<128xi32, #tpu.memory_space<vmem>>) semaphore(%arg11 : memref<!tpu.dma_semaphore, #tpu.memory_space<semaphore_mem>>) {add = true}
      %dma_wait3A_198 = arith.constant 0 : i32
      %dma_wait3A_199 = tpu.memref_slice %arg2[%add3A_182, %dma_wait3A_198] : memref<80000x128xf32, #tpu.memory_space<hbm>> -> memref<128x128xf32, #tpu.memory_space<hbm>>
      %dma_wait3A_200 = arith.constant 0 : i32
      %dma_wait3A_201 = tpu.memref_slice %arg2[%add3A_182, %dma_wait3A_200] : memref<80000x128xf32, #tpu.memory_space<hbm>> -> memref<128x128xf32, #tpu.memory_space<hbm>>
      tpu.wait_dma2 semaphore(%arg10 : memref<!tpu.dma_semaphore, #tpu.memory_space<semaphore_mem>>) src(%dma_wait3A_201 : memref<128x128xf32, #tpu.memory_space<hbm>>) dst(%arg8 : memref<128x128xf32, #tpu.memory_space<vmem>>)
      %dma_start3A_202 = arith.constant 7 : i32
      %dma_start3A_203 = arith.constant 0 : i32
      %dma_start3A_204 = tpu.memref_slice %arg6[%dma_start3A_202, %dma_start3A_203] : memref<8x128xi32, #tpu.memory_space<vmem>> -> memref<1x128xi32, #tpu.memory_space<vmem>>
      %dma_start3A_205 = tpu.memref_squeeze %dma_start3A_204 : memref<1x128xi32, #tpu.memory_space<vmem>> -> memref<128xi32, #tpu.memory_space<vmem>>
      %dma_start3A_206 = arith.constant 0 : i32
      %dma_start3A_207 = arith.constant 0 : i32
      %dma_start3A_208 = tpu.memref_slice %arg9[%dma_start3A_206, %dma_start3A_207] : memref<10000x128xf32, #tpu.memory_space<vmem_shared>> -> memref<10000x128xf32, #tpu.memory_space<vmem_shared>>
      tpu.enqueue_indirect_dma source(%arg8 : memref<128x128xf32, #tpu.memory_space<vmem>>) target(%dma_start3A_208 : memref<10000x128xf32, #tpu.memory_space<vmem_shared>>) offsets(%dma_start3A_205 : memref<128xi32, #tpu.memory_space<vmem>>) semaphore(%arg11 : memref<!tpu.dma_semaphore, #tpu.memory_space<semaphore_mem>>) {add = true}
      %dma_wait3A_209 = arith.constant 6 : i32
      %dma_wait3A_210 = arith.constant 0 : i32
      %dma_wait3A_211 = tpu.memref_slice %arg6[%dma_wait3A_209, %dma_wait3A_210] : memref<8x128xi32, #tpu.memory_space<vmem>> -> memref<1x128xi32, #tpu.memory_space<vmem>>
      %dma_wait3A_212 = tpu.memref_squeeze %dma_wait3A_211 : memref<1x128xi32, #tpu.memory_space<vmem>> -> memref<128xi32, #tpu.memory_space<vmem>>
      %dma_wait3A_213 = arith.constant 0 : i32
      %dma_wait3A_214 = arith.constant 0 : i32
      %dma_wait3A_215 = tpu.memref_slice %arg9[%dma_wait3A_213, %dma_wait3A_214] : memref<10000x128xf32, #tpu.memory_space<vmem_shared>> -> memref<10000x128xf32, #tpu.memory_space<vmem_shared>>
      tpu.wait_indirect_dma semaphore(%arg11 : memref<!tpu.dma_semaphore, #tpu.memory_space<semaphore_mem>>) src(%arg7 : memref<128x128xf32, #tpu.memory_space<vmem>>) dst(%dma_wait3A_215 : memref<10000x128xf32, #tpu.memory_space<vmem_shared>>)
      %dma_wait3A_216 = arith.constant 7 : i32
      %dma_wait3A_217 = arith.constant 0 : i32
      %dma_wait3A_218 = tpu.memref_slice %arg6[%dma_wait3A_216, %dma_wait3A_217] : memref<8x128xi32, #tpu.memory_space<vmem>> -> memref<1x128xi32, #tpu.memory_space<vmem>>
      %dma_wait3A_219 = tpu.memref_squeeze %dma_wait3A_218 : memref<1x128xi32, #tpu.memory_space<vmem>> -> memref<128xi32, #tpu.memory_space<vmem>>
      %dma_wait3A_220 = arith.constant 0 : i32
      %dma_wait3A_221 = arith.constant 0 : i32
      %dma_wait3A_222 = tpu.memref_slice %arg9[%dma_wait3A_220, %dma_wait3A_221] : memref<10000x128xf32, #tpu.memory_space<vmem_shared>> -> memref<10000x128xf32, #tpu.memory_space<vmem_shared>>
      tpu.wait_indirect_dma semaphore(%arg11 : memref<!tpu.dma_semaphore, #tpu.memory_space<semaphore_mem>>) src(%arg8 : memref<128x128xf32, #tpu.memory_space<vmem>>) dst(%dma_wait3A_222 : memref<10000x128xf32, #tpu.memory_space<vmem_shared>>)
    }
    %scan3A_7 = arith.constant 2 : i32
    %lt3A = arith.constant 14 : i32
    %lt3A_8 = arith.cmpi slt, %add3A, %lt3A : i32
    %convert_element_type3A_9 = arith.extui %lt3A_8 : i1 to i32
    %cond3A_10 = arith.constant 0 : i32
    %cond3A_11 = arith.cmpi ne, %convert_element_type3A_9, %cond3A_10 : i32
    scf.if %cond3A_11 {
      %add3A_24 = arith.constant 64 : i32
      %add3A_25 = arith.addi %add3A_24, %add3A : i32
      %mul3A_26 = arith.constant 1024 : i32
      %mul3A_27 = arith.muli %add3A_25, %mul3A_26 : i32
      %multiple_of3A = tpu.assume_multiple %mul3A_27, 1024 : i32
      %mul3A_28 = arith.constant 8 : i32
      %mul3A_29 = arith.muli %add3A_25, %mul3A_28 : i32
      %multiple_of3A_30 = tpu.assume_multiple %mul3A_29, 8 : i32
      "tpu.region"() ({
        %run_scoped3A = tpu.sem_alloc : memref<!tpu.dma_semaphore, #tpu.memory_space<semaphore_mem>>
        %dma_start3A_221 = arith.constant 0 : i32
        %dma_start3A_222 = tpu.memref_slice %arg3[%multiple_of3A_30, %dma_start3A_221] : memref<632x128xi32, #tpu.memory_space<hbm>> -> memref<8x128xi32, #tpu.memory_space<hbm>>
        %dma_start3A_223 = arith.constant 0 : i32
        %dma_start3A_224 = tpu.memref_slice %arg3[%multiple_of3A_30, %dma_start3A_223] : memref<632x128xi32, #tpu.memory_space<hbm>> -> memref<8x128xi32, #tpu.memory_space<hbm>>
        tpu.enqueue_dma source(%dma_start3A_224 : memref<8x128xi32, #tpu.memory_space<hbm>>) target(%arg6 : memref<8x128xi32, #tpu.memory_space<vmem>>) target_semaphore(%run_scoped3A : memref<!tpu.dma_semaphore, #tpu.memory_space<semaphore_mem>>)
        %dma_wait3A_225 = arith.constant 0 : i32
        %dma_wait3A_226 = tpu.memref_slice %arg3[%multiple_of3A_30, %dma_wait3A_225] : memref<632x128xi32, #tpu.memory_space<hbm>> -> memref<8x128xi32, #tpu.memory_space<hbm>>
        %dma_wait3A_227 = arith.constant 0 : i32
        %dma_wait3A_228 = tpu.memref_slice %arg3[%multiple_of3A_30, %dma_wait3A_227] : memref<632x128xi32, #tpu.memory_space<hbm>> -> memref<8x128xi32, #tpu.memory_space<hbm>>
        tpu.wait_dma2 semaphore(%run_scoped3A : memref<!tpu.dma_semaphore, #tpu.memory_space<semaphore_mem>>) src(%dma_wait3A_228 : memref<8x128xi32, #tpu.memory_space<hbm>>) dst(%arg6 : memref<8x128xi32, #tpu.memory_space<vmem>>)
        tpu.yield
      }) : () -> ()
      %add3A_31 = arith.constant 0 : i32
      %add3A_32 = arith.addi %multiple_of3A, %add3A_31 : i32
      %dma_start3A = arith.constant 0 : i32
      %dma_start3A_33 = tpu.memref_slice %arg2[%add3A_32, %dma_start3A] : memref<80000x128xf32, #tpu.memory_space<hbm>> -> memref<128x128xf32, #tpu.memory_space<hbm>>
      %dma_start3A_34 = arith.constant 0 : i32
      %dma_start3A_35 = tpu.memref_slice %arg2[%add3A_32, %dma_start3A_34] : memref<80000x128xf32, #tpu.memory_space<hbm>> -> memref<128x128xf32, #tpu.memory_space<hbm>>
      tpu.enqueue_dma source(%dma_start3A_35 : memref<128x128xf32, #tpu.memory_space<hbm>>) target(%arg7 : memref<128x128xf32, #tpu.memory_space<vmem>>) target_semaphore(%arg10 : memref<!tpu.dma_semaphore, #tpu.memory_space<semaphore_mem>>)
      %add3A_36 = arith.constant 128 : i32
      %add3A_37 = arith.addi %multiple_of3A, %add3A_36 : i32
      %dma_start3A_38 = arith.constant 0 : i32
      %dma_start3A_39 = tpu.memref_slice %arg2[%add3A_37, %dma_start3A_38] : memref<80000x128xf32, #tpu.memory_space<hbm>> -> memref<128x128xf32, #tpu.memory_space<hbm>>
      %dma_start3A_40 = arith.constant 0 : i32
      %dma_start3A_41 = tpu.memref_slice %arg2[%add3A_37, %dma_start3A_40] : memref<80000x128xf32, #tpu.memory_space<hbm>> -> memref<128x128xf32, #tpu.memory_space<hbm>>
      tpu.enqueue_dma source(%dma_start3A_41 : memref<128x128xf32, #tpu.memory_space<hbm>>) target(%arg8 : memref<128x128xf32, #tpu.memory_space<vmem>>) target_semaphore(%arg10 : memref<!tpu.dma_semaphore, #tpu.memory_space<semaphore_mem>>)
      %dma_wait3A = arith.constant 0 : i32
      %dma_wait3A_42 = tpu.memref_slice %arg2[%add3A_32, %dma_wait3A] : memref<80000x128xf32, #tpu.memory_space<hbm>> -> memref<128x128xf32, #tpu.memory_space<hbm>>
      %dma_wait3A_43 = arith.constant 0 : i32
      %dma_wait3A_44 = tpu.memref_slice %arg2[%add3A_32, %dma_wait3A_43] : memref<80000x128xf32, #tpu.memory_space<hbm>> -> memref<128x128xf32, #tpu.memory_space<hbm>>
      tpu.wait_dma2 semaphore(%arg10 : memref<!tpu.dma_semaphore, #tpu.memory_space<semaphore_mem>>) src(%dma_wait3A_44 : memref<128x128xf32, #tpu.memory_space<hbm>>) dst(%arg7 : memref<128x128xf32, #tpu.memory_space<vmem>>)
      %dma_start3A_45 = arith.constant 0 : i32
      %dma_start3A_46 = arith.constant 0 : i32
      %dma_start3A_47 = tpu.memref_slice %arg6[%dma_start3A_45, %dma_start3A_46] : memref<8x128xi32, #tpu.memory_space<vmem>> -> memref<1x128xi32, #tpu.memory_space<vmem>>
      %dma_start3A_48 = tpu.memref_squeeze %dma_start3A_47 : memref<1x128xi32, #tpu.memory_space<vmem>> -> memref<128xi32, #tpu.memory_space<vmem>>
      %dma_start3A_49 = arith.constant 0 : i32
      %dma_start3A_50 = arith.constant 0 : i32
      %dma_start3A_51 = tpu.memref_slice %arg9[%dma_start3A_49, %dma_start3A_50] : memref<10000x128xf32, #tpu.memory_space<vmem_shared>> -> memref<10000x128xf32, #tpu.memory_space<vmem_shared>>
      tpu.enqueue_indirect_dma source(%arg7 : memref<128x128xf32, #tpu.memory_space<vmem>>) target(%dma_start3A_51 : memref<10000x128xf32, #tpu.memory_space<vmem_shared>>) offsets(%dma_start3A_48 : memref<128xi32, #tpu.memory_space<vmem>>) semaphore(%arg11 : memref<!tpu.dma_semaphore, #tpu.memory_space<semaphore_mem>>) {add = true}
      %dma_wait3A_52 = arith.constant 0 : i32
      %dma_wait3A_53 = arith.constant 0 : i32
      %dma_wait3A_54 = tpu.memref_slice %arg6[%dma_wait3A_52, %dma_wait3A_53] : memref<8x128xi32, #tpu.memory_space<vmem>> -> memref<1x128xi32, #tpu.memory_space<vmem>>
      %dma_wait3A_55 = tpu.memref_squeeze %dma_wait3A_54 : memref<1x128xi32, #tpu.memory_space<vmem>> -> memref<128xi32, #tpu.memory_space<vmem>>
      %dma_wait3A_56 = arith.constant 0 : i32
      %dma_wait3A_57 = arith.constant 0 : i32
      %dma_wait3A_58 = tpu.memref_slice %arg9[%dma_wait3A_56, %dma_wait3A_57] : memref<10000x128xf32, #tpu.memory_space<vmem_shared>> -> memref<10000x128xf32, #tpu.memory_space<vmem_shared>>
      tpu.wait_indirect_dma semaphore(%arg11 : memref<!tpu.dma_semaphore, #tpu.memory_space<semaphore_mem>>) src(%arg7 : memref<128x128xf32, #tpu.memory_space<vmem>>) dst(%dma_wait3A_58 : memref<10000x128xf32, #tpu.memory_space<vmem_shared>>)
      %add3A_59 = arith.constant 256 : i32
      %add3A_60 = arith.addi %multiple_of3A, %add3A_59 : i32
      %dma_start3A_61 = arith.constant 0 : i32
      %dma_start3A_62 = tpu.memref_slice %arg2[%add3A_60, %dma_start3A_61] : memref<80000x128xf32, #tpu.memory_space<hbm>> -> memref<128x128xf32, #tpu.memory_space<hbm>>
      %dma_start3A_63 = arith.constant 0 : i32
      %dma_start3A_64 = tpu.memref_slice %arg2[%add3A_60, %dma_start3A_63] : memref<80000x128xf32, #tpu.memory_space<hbm>> -> memref<128x128xf32, #tpu.memory_space<hbm>>
      tpu.enqueue_dma source(%dma_start3A_64 : memref<128x128xf32, #tpu.memory_space<hbm>>) target(%arg7 : memref<128x128xf32, #tpu.memory_space<vmem>>) target_semaphore(%arg10 : memref<!tpu.dma_semaphore, #tpu.memory_space<semaphore_mem>>)
      %dma_wait3A_65 = arith.constant 0 : i32
      %dma_wait3A_66 = tpu.memref_slice %arg2[%add3A_37, %dma_wait3A_65] : memref<80000x128xf32, #tpu.memory_space<hbm>> -> memref<128x128xf32, #tpu.memory_space<hbm>>
      %dma_wait3A_67 = arith.constant 0 : i32
      %dma_wait3A_68 = tpu.memref_slice %arg2[%add3A_37, %dma_wait3A_67] : memref<80000x128xf32, #tpu.memory_space<hbm>> -> memref<128x128xf32, #tpu.memory_space<hbm>>
      tpu.wait_dma2 semaphore(%arg10 : memref<!tpu.dma_semaphore, #tpu.memory_space<semaphore_mem>>) src(%dma_wait3A_68 : memref<128x128xf32, #tpu.memory_space<hbm>>) dst(%arg8 : memref<128x128xf32, #tpu.memory_space<vmem>>)
      %dma_start3A_69 = arith.constant 1 : i32
      %dma_start3A_70 = arith.constant 0 : i32
      %dma_start3A_71 = tpu.memref_slice %arg6[%dma_start3A_69, %dma_start3A_70] : memref<8x128xi32, #tpu.memory_space<vmem>> -> memref<1x128xi32, #tpu.memory_space<vmem>>
      %dma_start3A_72 = tpu.memref_squeeze %dma_start3A_71 : memref<1x128xi32, #tpu.memory_space<vmem>> -> memref<128xi32, #tpu.memory_space<vmem>>
      %dma_start3A_73 = arith.constant 0 : i32
      %dma_start3A_74 = arith.constant 0 : i32
      %dma_start3A_75 = tpu.memref_slice %arg9[%dma_start3A_73, %dma_start3A_74] : memref<10000x128xf32, #tpu.memory_space<vmem_shared>> -> memref<10000x128xf32, #tpu.memory_space<vmem_shared>>
      tpu.enqueue_indirect_dma source(%arg8 : memref<128x128xf32, #tpu.memory_space<vmem>>) target(%dma_start3A_75 : memref<10000x128xf32, #tpu.memory_space<vmem_shared>>) offsets(%dma_start3A_72 : memref<128xi32, #tpu.memory_space<vmem>>) semaphore(%arg11 : memref<!tpu.dma_semaphore, #tpu.memory_space<semaphore_mem>>) {add = true}
      %dma_wait3A_76 = arith.constant 1 : i32
      %dma_wait3A_77 = arith.constant 0 : i32
      %dma_wait3A_78 = tpu.memref_slice %arg6[%dma_wait3A_76, %dma_wait3A_77] : memref<8x128xi32, #tpu.memory_space<vmem>> -> memref<1x128xi32, #tpu.memory_space<vmem>>
      %dma_wait3A_79 = tpu.memref_squeeze %dma_wait3A_78 : memref<1x128xi32, #tpu.memory_space<vmem>> -> memref<128xi32, #tpu.memory_space<vmem>>
      %dma_wait3A_80 = arith.constant 0 : i32
      %dma_wait3A_81 = arith.constant 0 : i32
      %dma_wait3A_82 = tpu.memref_slice %arg9[%dma_wait3A_80, %dma_wait3A_81] : memref<10000x128xf32, #tpu.memory_space<vmem_shared>> -> memref<10000x128xf32, #tpu.memory_space<vmem_shared>>
      tpu.wait_indirect_dma semaphore(%arg11 : memref<!tpu.dma_semaphore, #tpu.memory_space<semaphore_mem>>) src(%arg8 : memref<128x128xf32, #tpu.memory_space<vmem>>) dst(%dma_wait3A_82 : memref<10000x128xf32, #tpu.memory_space<vmem_shared>>)
      %add3A_83 = arith.constant 384 : i32
      %add3A_84 = arith.addi %multiple_of3A, %add3A_83 : i32
      %dma_start3A_85 = arith.constant 0 : i32
      %dma_start3A_86 = tpu.memref_slice %arg2[%add3A_84, %dma_start3A_85] : memref<80000x128xf32, #tpu.memory_space<hbm>> -> memref<128x128xf32, #tpu.memory_space<hbm>>
      %dma_start3A_87 = arith.constant 0 : i32
      %dma_start3A_88 = tpu.memref_slice %arg2[%add3A_84, %dma_start3A_87] : memref<80000x128xf32, #tpu.memory_space<hbm>> -> memref<128x128xf32, #tpu.memory_space<hbm>>
      tpu.enqueue_dma source(%dma_start3A_88 : memref<128x128xf32, #tpu.memory_space<hbm>>) target(%arg8 : memref<128x128xf32, #tpu.memory_space<vmem>>) target_semaphore(%arg10 : memref<!tpu.dma_semaphore, #tpu.memory_space<semaphore_mem>>)
      %dma_wait3A_89 = arith.constant 0 : i32
      %dma_wait3A_90 = tpu.memref_slice %arg2[%add3A_60, %dma_wait3A_89] : memref<80000x128xf32, #tpu.memory_space<hbm>> -> memref<128x128xf32, #tpu.memory_space<hbm>>
      %dma_wait3A_91 = arith.constant 0 : i32
      %dma_wait3A_92 = tpu.memref_slice %arg2[%add3A_60, %dma_wait3A_91] : memref<80000x128xf32, #tpu.memory_space<hbm>> -> memref<128x128xf32, #tpu.memory_space<hbm>>
      tpu.wait_dma2 semaphore(%arg10 : memref<!tpu.dma_semaphore, #tpu.memory_space<semaphore_mem>>) src(%dma_wait3A_92 : memref<128x128xf32, #tpu.memory_space<hbm>>) dst(%arg7 : memref<128x128xf32, #tpu.memory_space<vmem>>)
      %dma_start3A_93 = arith.constant 2 : i32
      %dma_start3A_94 = arith.constant 0 : i32
      %dma_start3A_95 = tpu.memref_slice %arg6[%dma_start3A_93, %dma_start3A_94] : memref<8x128xi32, #tpu.memory_space<vmem>> -> memref<1x128xi32, #tpu.memory_space<vmem>>
      %dma_start3A_96 = tpu.memref_squeeze %dma_start3A_95 : memref<1x128xi32, #tpu.memory_space<vmem>> -> memref<128xi32, #tpu.memory_space<vmem>>
      %dma_start3A_97 = arith.constant 0 : i32
      %dma_start3A_98 = arith.constant 0 : i32
      %dma_start3A_99 = tpu.memref_slice %arg9[%dma_start3A_97, %dma_start3A_98] : memref<10000x128xf32, #tpu.memory_space<vmem_shared>> -> memref<10000x128xf32, #tpu.memory_space<vmem_shared>>
      tpu.enqueue_indirect_dma source(%arg7 : memref<128x128xf32, #tpu.memory_space<vmem>>) target(%dma_start3A_99 : memref<10000x128xf32, #tpu.memory_space<vmem_shared>>) offsets(%dma_start3A_96 : memref<128xi32, #tpu.memory_space<vmem>>) semaphore(%arg11 : memref<!tpu.dma_semaphore, #tpu.memory_space<semaphore_mem>>) {add = true}
      %dma_wait3A_100 = arith.constant 2 : i32
      %dma_wait3A_101 = arith.constant 0 : i32
      %dma_wait3A_102 = tpu.memref_slice %arg6[%dma_wait3A_100, %dma_wait3A_101] : memref<8x128xi32, #tpu.memory_space<vmem>> -> memref<1x128xi32, #tpu.memory_space<vmem>>
      %dma_wait3A_103 = tpu.memref_squeeze %dma_wait3A_102 : memref<1x128xi32, #tpu.memory_space<vmem>> -> memref<128xi32, #tpu.memory_space<vmem>>
      %dma_wait3A_104 = arith.constant 0 : i32
      %dma_wait3A_105 = arith.constant 0 : i32
      %dma_wait3A_106 = tpu.memref_slice %arg9[%dma_wait3A_104, %dma_wait3A_105] : memref<10000x128xf32, #tpu.memory_space<vmem_shared>> -> memref<10000x128xf32, #tpu.memory_space<vmem_shared>>
      tpu.wait_indirect_dma semaphore(%arg11 : memref<!tpu.dma_semaphore, #tpu.memory_space<semaphore_mem>>) src(%arg7 : memref<128x128xf32, #tpu.memory_space<vmem>>) dst(%dma_wait3A_106 : memref<10000x128xf32, #tpu.memory_space<vmem_shared>>)
      %add3A_107 = arith.constant 512 : i32
      %add3A_108 = arith.addi %multiple_of3A, %add3A_107 : i32
      %dma_start3A_109 = arith.constant 0 : i32
      %dma_start3A_110 = tpu.memref_slice %arg2[%add3A_108, %dma_start3A_109] : memref<80000x128xf32, #tpu.memory_space<hbm>> -> memref<128x128xf32, #tpu.memory_space<hbm>>
      %dma_start3A_111 = arith.constant 0 : i32
      %dma_start3A_112 = tpu.memref_slice %arg2[%add3A_108, %dma_start3A_111] : memref<80000x128xf32, #tpu.memory_space<hbm>> -> memref<128x128xf32, #tpu.memory_space<hbm>>
      tpu.enqueue_dma source(%dma_start3A_112 : memref<128x128xf32, #tpu.memory_space<hbm>>) target(%arg7 : memref<128x128xf32, #tpu.memory_space<vmem>>) target_semaphore(%arg10 : memref<!tpu.dma_semaphore, #tpu.memory_space<semaphore_mem>>)
      %dma_wait3A_113 = arith.constant 0 : i32
      %dma_wait3A_114 = tpu.memref_slice %arg2[%add3A_84, %dma_wait3A_113] : memref<80000x128xf32, #tpu.memory_space<hbm>> -> memref<128x128xf32, #tpu.memory_space<hbm>>
      %dma_wait3A_115 = arith.constant 0 : i32
      %dma_wait3A_116 = tpu.memref_slice %arg2[%add3A_84, %dma_wait3A_115] : memref<80000x128xf32, #tpu.memory_space<hbm>> -> memref<128x128xf32, #tpu.memory_space<hbm>>
      tpu.wait_dma2 semaphore(%arg10 : memref<!tpu.dma_semaphore, #tpu.memory_space<semaphore_mem>>) src(%dma_wait3A_116 : memref<128x128xf32, #tpu.memory_space<hbm>>) dst(%arg8 : memref<128x128xf32, #tpu.memory_space<vmem>>)
      %dma_start3A_117 = arith.constant 3 : i32
      %dma_start3A_118 = arith.constant 0 : i32
      %dma_start3A_119 = tpu.memref_slice %arg6[%dma_start3A_117, %dma_start3A_118] : memref<8x128xi32, #tpu.memory_space<vmem>> -> memref<1x128xi32, #tpu.memory_space<vmem>>
      %dma_start3A_120 = tpu.memref_squeeze %dma_start3A_119 : memref<1x128xi32, #tpu.memory_space<vmem>> -> memref<128xi32, #tpu.memory_space<vmem>>
      %dma_start3A_121 = arith.constant 0 : i32
      %dma_start3A_122 = arith.constant 0 : i32
      %dma_start3A_123 = tpu.memref_slice %arg9[%dma_start3A_121, %dma_start3A_122] : memref<10000x128xf32, #tpu.memory_space<vmem_shared>> -> memref<10000x128xf32, #tpu.memory_space<vmem_shared>>
      tpu.enqueue_indirect_dma source(%arg8 : memref<128x128xf32, #tpu.memory_space<vmem>>) target(%dma_start3A_123 : memref<10000x128xf32, #tpu.memory_space<vmem_shared>>) offsets(%dma_start3A_120 : memref<128xi32, #tpu.memory_space<vmem>>) semaphore(%arg11 : memref<!tpu.dma_semaphore, #tpu.memory_space<semaphore_mem>>) {add = true}
      %dma_wait3A_124 = arith.constant 3 : i32
      %dma_wait3A_125 = arith.constant 0 : i32
      %dma_wait3A_126 = tpu.memref_slice %arg6[%dma_wait3A_124, %dma_wait3A_125] : memref<8x128xi32, #tpu.memory_space<vmem>> -> memref<1x128xi32, #tpu.memory_space<vmem>>
      %dma_wait3A_127 = tpu.memref_squeeze %dma_wait3A_126 : memref<1x128xi32, #tpu.memory_space<vmem>> -> memref<128xi32, #tpu.memory_space<vmem>>
      %dma_wait3A_128 = arith.constant 0 : i32
      %dma_wait3A_129 = arith.constant 0 : i32
      %dma_wait3A_130 = tpu.memref_slice %arg9[%dma_wait3A_128, %dma_wait3A_129] : memref<10000x128xf32, #tpu.memory_space<vmem_shared>> -> memref<10000x128xf32, #tpu.memory_space<vmem_shared>>
      tpu.wait_indirect_dma semaphore(%arg11 : memref<!tpu.dma_semaphore, #tpu.memory_space<semaphore_mem>>) src(%arg8 : memref<128x128xf32, #tpu.memory_space<vmem>>) dst(%dma_wait3A_130 : memref<10000x128xf32, #tpu.memory_space<vmem_shared>>)
      %add3A_131 = arith.constant 640 : i32
      %add3A_132 = arith.addi %multiple_of3A, %add3A_131 : i32
      %dma_start3A_133 = arith.constant 0 : i32
      %dma_start3A_134 = tpu.memref_slice %arg2[%add3A_132, %dma_start3A_133] : memref<80000x128xf32, #tpu.memory_space<hbm>> -> memref<128x128xf32, #tpu.memory_space<hbm>>
      %dma_start3A_135 = arith.constant 0 : i32
      %dma_start3A_136 = tpu.memref_slice %arg2[%add3A_132, %dma_start3A_135] : memref<80000x128xf32, #tpu.memory_space<hbm>> -> memref<128x128xf32, #tpu.memory_space<hbm>>
      tpu.enqueue_dma source(%dma_start3A_136 : memref<128x128xf32, #tpu.memory_space<hbm>>) target(%arg8 : memref<128x128xf32, #tpu.memory_space<vmem>>) target_semaphore(%arg10 : memref<!tpu.dma_semaphore, #tpu.memory_space<semaphore_mem>>)
      %dma_wait3A_137 = arith.constant 0 : i32
      %dma_wait3A_138 = tpu.memref_slice %arg2[%add3A_108, %dma_wait3A_137] : memref<80000x128xf32, #tpu.memory_space<hbm>> -> memref<128x128xf32, #tpu.memory_space<hbm>>
      %dma_wait3A_139 = arith.constant 0 : i32
      %dma_wait3A_140 = tpu.memref_slice %arg2[%add3A_108, %dma_wait3A_139] : memref<80000x128xf32, #tpu.memory_space<hbm>> -> memref<128x128xf32, #tpu.memory_space<hbm>>
      tpu.wait_dma2 semaphore(%arg10 : memref<!tpu.dma_semaphore, #tpu.memory_space<semaphore_mem>>) src(%dma_wait3A_140 : memref<128x128xf32, #tpu.memory_space<hbm>>) dst(%arg7 : memref<128x128xf32, #tpu.memory_space<vmem>>)
      %dma_start3A_141 = arith.constant 4 : i32
      %dma_start3A_142 = arith.constant 0 : i32
      %dma_start3A_143 = tpu.memref_slice %arg6[%dma_start3A_141, %dma_start3A_142] : memref<8x128xi32, #tpu.memory_space<vmem>> -> memref<1x128xi32, #tpu.memory_space<vmem>>
      %dma_start3A_144 = tpu.memref_squeeze %dma_start3A_143 : memref<1x128xi32, #tpu.memory_space<vmem>> -> memref<128xi32, #tpu.memory_space<vmem>>
      %dma_start3A_145 = arith.constant 0 : i32
      %dma_start3A_146 = arith.constant 0 : i32
      %dma_start3A_147 = tpu.memref_slice %arg9[%dma_start3A_145, %dma_start3A_146] : memref<10000x128xf32, #tpu.memory_space<vmem_shared>> -> memref<10000x128xf32, #tpu.memory_space<vmem_shared>>
      tpu.enqueue_indirect_dma source(%arg7 : memref<128x128xf32, #tpu.memory_space<vmem>>) target(%dma_start3A_147 : memref<10000x128xf32, #tpu.memory_space<vmem_shared>>) offsets(%dma_start3A_144 : memref<128xi32, #tpu.memory_space<vmem>>) semaphore(%arg11 : memref<!tpu.dma_semaphore, #tpu.memory_space<semaphore_mem>>) {add = true}
      %dma_wait3A_148 = arith.constant 4 : i32
      %dma_wait3A_149 = arith.constant 0 : i32
      %dma_wait3A_150 = tpu.memref_slice %arg6[%dma_wait3A_148, %dma_wait3A_149] : memref<8x128xi32, #tpu.memory_space<vmem>> -> memref<1x128xi32, #tpu.memory_space<vmem>>
      %dma_wait3A_151 = tpu.memref_squeeze %dma_wait3A_150 : memref<1x128xi32, #tpu.memory_space<vmem>> -> memref<128xi32, #tpu.memory_space<vmem>>
      %dma_wait3A_152 = arith.constant 0 : i32
      %dma_wait3A_153 = arith.constant 0 : i32
      %dma_wait3A_154 = tpu.memref_slice %arg9[%dma_wait3A_152, %dma_wait3A_153] : memref<10000x128xf32, #tpu.memory_space<vmem_shared>> -> memref<10000x128xf32, #tpu.memory_space<vmem_shared>>
      tpu.wait_indirect_dma semaphore(%arg11 : memref<!tpu.dma_semaphore, #tpu.memory_space<semaphore_mem>>) src(%arg7 : memref<128x128xf32, #tpu.memory_space<vmem>>) dst(%dma_wait3A_154 : memref<10000x128xf32, #tpu.memory_space<vmem_shared>>)
      %add3A_155 = arith.constant 768 : i32
      %add3A_156 = arith.addi %multiple_of3A, %add3A_155 : i32
      %dma_start3A_157 = arith.constant 0 : i32
      %dma_start3A_158 = tpu.memref_slice %arg2[%add3A_156, %dma_start3A_157] : memref<80000x128xf32, #tpu.memory_space<hbm>> -> memref<128x128xf32, #tpu.memory_space<hbm>>
      %dma_start3A_159 = arith.constant 0 : i32
      %dma_start3A_160 = tpu.memref_slice %arg2[%add3A_156, %dma_start3A_159] : memref<80000x128xf32, #tpu.memory_space<hbm>> -> memref<128x128xf32, #tpu.memory_space<hbm>>
      tpu.enqueue_dma source(%dma_start3A_160 : memref<128x128xf32, #tpu.memory_space<hbm>>) target(%arg7 : memref<128x128xf32, #tpu.memory_space<vmem>>) target_semaphore(%arg10 : memref<!tpu.dma_semaphore, #tpu.memory_space<semaphore_mem>>)
      %dma_wait3A_161 = arith.constant 0 : i32
      %dma_wait3A_162 = tpu.memref_slice %arg2[%add3A_132, %dma_wait3A_161] : memref<80000x128xf32, #tpu.memory_space<hbm>> -> memref<128x128xf32, #tpu.memory_space<hbm>>
      %dma_wait3A_163 = arith.constant 0 : i32
      %dma_wait3A_164 = tpu.memref_slice %arg2[%add3A_132, %dma_wait3A_163] : memref<80000x128xf32, #tpu.memory_space<hbm>> -> memref<128x128xf32, #tpu.memory_space<hbm>>
      tpu.wait_dma2 semaphore(%arg10 : memref<!tpu.dma_semaphore, #tpu.memory_space<semaphore_mem>>) src(%dma_wait3A_164 : memref<128x128xf32, #tpu.memory_space<hbm>>) dst(%arg8 : memref<128x128xf32, #tpu.memory_space<vmem>>)
      %dma_start3A_165 = arith.constant 5 : i32
      %dma_start3A_166 = arith.constant 0 : i32
      %dma_start3A_167 = tpu.memref_slice %arg6[%dma_start3A_165, %dma_start3A_166] : memref<8x128xi32, #tpu.memory_space<vmem>> -> memref<1x128xi32, #tpu.memory_space<vmem>>
      %dma_start3A_168 = tpu.memref_squeeze %dma_start3A_167 : memref<1x128xi32, #tpu.memory_space<vmem>> -> memref<128xi32, #tpu.memory_space<vmem>>
      %dma_start3A_169 = arith.constant 0 : i32
      %dma_start3A_170 = arith.constant 0 : i32
      %dma_start3A_171 = tpu.memref_slice %arg9[%dma_start3A_169, %dma_start3A_170] : memref<10000x128xf32, #tpu.memory_space<vmem_shared>> -> memref<10000x128xf32, #tpu.memory_space<vmem_shared>>
      tpu.enqueue_indirect_dma source(%arg8 : memref<128x128xf32, #tpu.memory_space<vmem>>) target(%dma_start3A_171 : memref<10000x128xf32, #tpu.memory_space<vmem_shared>>) offsets(%dma_start3A_168 : memref<128xi32, #tpu.memory_space<vmem>>) semaphore(%arg11 : memref<!tpu.dma_semaphore, #tpu.memory_space<semaphore_mem>>) {add = true}
      %dma_wait3A_172 = arith.constant 5 : i32
      %dma_wait3A_173 = arith.constant 0 : i32
      %dma_wait3A_174 = tpu.memref_slice %arg6[%dma_wait3A_172, %dma_wait3A_173] : memref<8x128xi32, #tpu.memory_space<vmem>> -> memref<1x128xi32, #tpu.memory_space<vmem>>
      %dma_wait3A_175 = tpu.memref_squeeze %dma_wait3A_174 : memref<1x128xi32, #tpu.memory_space<vmem>> -> memref<128xi32, #tpu.memory_space<vmem>>
      %dma_wait3A_176 = arith.constant 0 : i32
      %dma_wait3A_177 = arith.constant 0 : i32
      %dma_wait3A_178 = tpu.memref_slice %arg9[%dma_wait3A_176, %dma_wait3A_177] : memref<10000x128xf32, #tpu.memory_space<vmem_shared>> -> memref<10000x128xf32, #tpu.memory_space<vmem_shared>>
      tpu.wait_indirect_dma semaphore(%arg11 : memref<!tpu.dma_semaphore, #tpu.memory_space<semaphore_mem>>) src(%arg8 : memref<128x128xf32, #tpu.memory_space<vmem>>) dst(%dma_wait3A_178 : memref<10000x128xf32, #tpu.memory_space<vmem_shared>>)
      %add3A_179 = arith.constant 896 : i32
      %add3A_180 = arith.addi %multiple_of3A, %add3A_179 : i32
      %dma_start3A_181 = arith.constant 0 : i32
      %dma_start3A_182 = tpu.memref_slice %arg2[%add3A_180, %dma_start3A_181] : memref<80000x128xf32, #tpu.memory_space<hbm>> -> memref<128x128xf32, #tpu.memory_space<hbm>>
      %dma_start3A_183 = arith.constant 0 : i32
      %dma_start3A_184 = tpu.memref_slice %arg2[%add3A_180, %dma_start3A_183] : memref<80000x128xf32, #tpu.memory_space<hbm>> -> memref<128x128xf32, #tpu.memory_space<hbm>>
      tpu.enqueue_dma source(%dma_start3A_184 : memref<128x128xf32, #tpu.memory_space<hbm>>) target(%arg8 : memref<128x128xf32, #tpu.memory_space<vmem>>) target_semaphore(%arg10 : memref<!tpu.dma_semaphore, #tpu.memory_space<semaphore_mem>>)
      %dma_wait3A_185 = arith.constant 0 : i32
      %dma_wait3A_186 = tpu.memref_slice %arg2[%add3A_156, %dma_wait3A_185] : memref<80000x128xf32, #tpu.memory_space<hbm>> -> memref<128x128xf32, #tpu.memory_space<hbm>>
      %dma_wait3A_187 = arith.constant 0 : i32
      %dma_wait3A_188 = tpu.memref_slice %arg2[%add3A_156, %dma_wait3A_187] : memref<80000x128xf32, #tpu.memory_space<hbm>> -> memref<128x128xf32, #tpu.memory_space<hbm>>
      tpu.wait_dma2 semaphore(%arg10 : memref<!tpu.dma_semaphore, #tpu.memory_space<semaphore_mem>>) src(%dma_wait3A_188 : memref<128x128xf32, #tpu.memory_space<hbm>>) dst(%arg7 : memref<128x128xf32, #tpu.memory_space<vmem>>)
      %dma_start3A_189 = arith.constant 6 : i32
      %dma_start3A_190 = arith.constant 0 : i32
      %dma_start3A_191 = tpu.memref_slice %arg6[%dma_start3A_189, %dma_start3A_190] : memref<8x128xi32, #tpu.memory_space<vmem>> -> memref<1x128xi32, #tpu.memory_space<vmem>>
      %dma_start3A_192 = tpu.memref_squeeze %dma_start3A_191 : memref<1x128xi32, #tpu.memory_space<vmem>> -> memref<128xi32, #tpu.memory_space<vmem>>
      %dma_start3A_193 = arith.constant 0 : i32
      %dma_start3A_194 = arith.constant 0 : i32
      %dma_start3A_195 = tpu.memref_slice %arg9[%dma_start3A_193, %dma_start3A_194] : memref<10000x128xf32, #tpu.memory_space<vmem_shared>> -> memref<10000x128xf32, #tpu.memory_space<vmem_shared>>
      tpu.enqueue_indirect_dma source(%arg7 : memref<128x128xf32, #tpu.memory_space<vmem>>) target(%dma_start3A_195 : memref<10000x128xf32, #tpu.memory_space<vmem_shared>>) offsets(%dma_start3A_192 : memref<128xi32, #tpu.memory_space<vmem>>) semaphore(%arg11 : memref<!tpu.dma_semaphore, #tpu.memory_space<semaphore_mem>>) {add = true}
      %dma_wait3A_196 = arith.constant 0 : i32
      %dma_wait3A_197 = tpu.memref_slice %arg2[%add3A_180, %dma_wait3A_196] : memref<80000x128xf32, #tpu.memory_space<hbm>> -> memref<128x128xf32, #tpu.memory_space<hbm>>
      %dma_wait3A_198 = arith.constant 0 : i32
      %dma_wait3A_199 = tpu.memref_slice %arg2[%add3A_180, %dma_wait3A_198] : memref<80000x128xf32, #tpu.memory_space<hbm>> -> memref<128x128xf32, #tpu.memory_space<hbm>>
      tpu.wait_dma2 semaphore(%arg10 : memref<!tpu.dma_semaphore, #tpu.memory_space<semaphore_mem>>) src(%dma_wait3A_199 : memref<128x128xf32, #tpu.memory_space<hbm>>) dst(%arg8 : memref<128x128xf32, #tpu.memory_space<vmem>>)
      %dma_start3A_200 = arith.constant 7 : i32
      %dma_start3A_201 = arith.constant 0 : i32
      %dma_start3A_202 = tpu.memref_slice %arg6[%dma_start3A_200, %dma_start3A_201] : memref<8x128xi32, #tpu.memory_space<vmem>> -> memref<1x128xi32, #tpu.memory_space<vmem>>
      %dma_start3A_203 = tpu.memref_squeeze %dma_start3A_202 : memref<1x128xi32, #tpu.memory_space<vmem>> -> memref<128xi32, #tpu.memory_space<vmem>>
      %dma_start3A_204 = arith.constant 0 : i32
      %dma_start3A_205 = arith.constant 0 : i32
      %dma_start3A_206 = tpu.memref_slice %arg9[%dma_start3A_204, %dma_start3A_205] : memref<10000x128xf32, #tpu.memory_space<vmem_shared>> -> memref<10000x128xf32, #tpu.memory_space<vmem_shared>>
      tpu.enqueue_indirect_dma source(%arg8 : memref<128x128xf32, #tpu.memory_space<vmem>>) target(%dma_start3A_206 : memref<10000x128xf32, #tpu.memory_space<vmem_shared>>) offsets(%dma_start3A_203 : memref<128xi32, #tpu.memory_space<vmem>>) semaphore(%arg11 : memref<!tpu.dma_semaphore, #tpu.memory_space<semaphore_mem>>) {add = true}
      %dma_wait3A_207 = arith.constant 6 : i32
      %dma_wait3A_208 = arith.constant 0 : i32
      %dma_wait3A_209 = tpu.memref_slice %arg6[%dma_wait3A_207, %dma_wait3A_208] : memref<8x128xi32, #tpu.memory_space<vmem>> -> memref<1x128xi32, #tpu.memory_space<vmem>>
      %dma_wait3A_210 = tpu.memref_squeeze %dma_wait3A_209 : memref<1x128xi32, #tpu.memory_space<vmem>> -> memref<128xi32, #tpu.memory_space<vmem>>
      %dma_wait3A_211 = arith.constant 0 : i32
      %dma_wait3A_212 = arith.constant 0 : i32
      %dma_wait3A_213 = tpu.memref_slice %arg9[%dma_wait3A_211, %dma_wait3A_212] : memref<10000x128xf32, #tpu.memory_space<vmem_shared>> -> memref<10000x128xf32, #tpu.memory_space<vmem_shared>>
      tpu.wait_indirect_dma semaphore(%arg11 : memref<!tpu.dma_semaphore, #tpu.memory_space<semaphore_mem>>) src(%arg7 : memref<128x128xf32, #tpu.memory_space<vmem>>) dst(%dma_wait3A_213 : memref<10000x128xf32, #tpu.memory_space<vmem_shared>>)
      %dma_wait3A_214 = arith.constant 7 : i32
      %dma_wait3A_215 = arith.constant 0 : i32
      %dma_wait3A_216 = tpu.memref_slice %arg6[%dma_wait3A_214, %dma_wait3A_215] : memref<8x128xi32, #tpu.memory_space<vmem>> -> memref<1x128xi32, #tpu.memory_space<vmem>>
      %dma_wait3A_217 = tpu.memref_squeeze %dma_wait3A_216 : memref<1x128xi32, #tpu.memory_space<vmem>> -> memref<128xi32, #tpu.memory_space<vmem>>
      %dma_wait3A_218 = arith.constant 0 : i32
      %dma_wait3A_219 = arith.constant 0 : i32
      %dma_wait3A_220 = tpu.memref_slice %arg9[%dma_wait3A_218, %dma_wait3A_219] : memref<10000x128xf32, #tpu.memory_space<vmem_shared>> -> memref<10000x128xf32, #tpu.memory_space<vmem_shared>>
      tpu.wait_indirect_dma semaphore(%arg11 : memref<!tpu.dma_semaphore, #tpu.memory_space<semaphore_mem>>) src(%arg8 : memref<128x128xf32, #tpu.memory_space<vmem>>) dst(%dma_wait3A_220 : memref<10000x128xf32, #tpu.memory_space<vmem_shared>>)
    } else {
    }
    %eq3A_12 = arith.constant 14 : i32
    %eq3A_13 = arith.cmpi eq, %add3A, %eq3A_12 : i32
    %convert_element_type3A_14 = arith.extui %eq3A_13 : i1 to i32
    %cond3A_15 = arith.constant 0 : i32
    %cond3A_16 = arith.cmpi ne, %convert_element_type3A_14, %cond3A_15 : i32
    scf.if %cond3A_16 {
      "tpu.region"() ({
        %run_scoped3A = tpu.sem_alloc : memref<!tpu.dma_semaphore, #tpu.memory_space<semaphore_mem>>
        %dma_start3A_36 = arith.constant 624 : i32
        %dma_start3A_37 = arith.constant 0 : i32
        %dma_start3A_38 = tpu.memref_slice %arg3[%dma_start3A_36, %dma_start3A_37] : memref<632x128xi32, #tpu.memory_space<hbm>> -> memref<8x128xi32, #tpu.memory_space<hbm>>
        %dma_start3A_39 = arith.constant 624 : i32
        %dma_start3A_40 = arith.constant 0 : i32
        %dma_start3A_41 = tpu.memref_slice %arg3[%dma_start3A_39, %dma_start3A_40] : memref<632x128xi32, #tpu.memory_space<hbm>> -> memref<8x128xi32, #tpu.memory_space<hbm>>
        tpu.enqueue_dma source(%dma_start3A_41 : memref<8x128xi32, #tpu.memory_space<hbm>>) target(%arg6 : memref<8x128xi32, #tpu.memory_space<vmem>>) target_semaphore(%run_scoped3A : memref<!tpu.dma_semaphore, #tpu.memory_space<semaphore_mem>>)
        %dma_wait3A_42 = arith.constant 624 : i32
        %dma_wait3A_43 = arith.constant 0 : i32
        %dma_wait3A_44 = tpu.memref_slice %arg3[%dma_wait3A_42, %dma_wait3A_43] : memref<632x128xi32, #tpu.memory_space<hbm>> -> memref<8x128xi32, #tpu.memory_space<hbm>>
        %dma_wait3A_45 = arith.constant 624 : i32
        %dma_wait3A_46 = arith.constant 0 : i32
        %dma_wait3A_47 = tpu.memref_slice %arg3[%dma_wait3A_45, %dma_wait3A_46] : memref<632x128xi32, #tpu.memory_space<hbm>> -> memref<8x128xi32, #tpu.memory_space<hbm>>
        tpu.wait_dma2 semaphore(%run_scoped3A : memref<!tpu.dma_semaphore, #tpu.memory_space<semaphore_mem>>) src(%dma_wait3A_47 : memref<8x128xi32, #tpu.memory_space<hbm>>) dst(%arg6 : memref<8x128xi32, #tpu.memory_space<vmem>>)
        tpu.yield
      }) : () -> ()
      "tpu.region"() ({
        %run_scoped3A = tpu.sem_alloc : memref<!tpu.dma_semaphore, #tpu.memory_space<semaphore_mem>>
        %dma_start3A_36 = arith.constant 79872 : i32
        %dma_start3A_37 = arith.constant 0 : i32
        %dma_start3A_38 = tpu.memref_slice %arg2[%dma_start3A_36, %dma_start3A_37] : memref<80000x128xf32, #tpu.memory_space<hbm>> -> memref<128x128xf32, #tpu.memory_space<hbm>>
        %dma_start3A_39 = arith.constant 79872 : i32
        %dma_start3A_40 = arith.constant 0 : i32
        %dma_start3A_41 = tpu.memref_slice %arg2[%dma_start3A_39, %dma_start3A_40] : memref<80000x128xf32, #tpu.memory_space<hbm>> -> memref<128x128xf32, #tpu.memory_space<hbm>>
        tpu.enqueue_dma source(%dma_start3A_41 : memref<128x128xf32, #tpu.memory_space<hbm>>) target(%arg7 : memref<128x128xf32, #tpu.memory_space<vmem>>) target_semaphore(%run_scoped3A : memref<!tpu.dma_semaphore, #tpu.memory_space<semaphore_mem>>)
        %dma_wait3A_42 = arith.constant 79872 : i32
        %dma_wait3A_43 = arith.constant 0 : i32
        %dma_wait3A_44 = tpu.memref_slice %arg2[%dma_wait3A_42, %dma_wait3A_43] : memref<80000x128xf32, #tpu.memory_space<hbm>> -> memref<128x128xf32, #tpu.memory_space<hbm>>
        %dma_wait3A_45 = arith.constant 79872 : i32
        %dma_wait3A_46 = arith.constant 0 : i32
        %dma_wait3A_47 = tpu.memref_slice %arg2[%dma_wait3A_45, %dma_wait3A_46] : memref<80000x128xf32, #tpu.memory_space<hbm>> -> memref<128x128xf32, #tpu.memory_space<hbm>>
        tpu.wait_dma2 semaphore(%run_scoped3A : memref<!tpu.dma_semaphore, #tpu.memory_space<semaphore_mem>>) src(%dma_wait3A_47 : memref<128x128xf32, #tpu.memory_space<hbm>>) dst(%arg7 : memref<128x128xf32, #tpu.memory_space<vmem>>)
        tpu.yield
      }) : () -> ()
      %dma_start3A = arith.constant 0 : i32
      %dma_start3A_24 = arith.constant 0 : i32
      %dma_start3A_25 = tpu.memref_slice %arg6[%dma_start3A, %dma_start3A_24] : memref<8x128xi32, #tpu.memory_space<vmem>> -> memref<1x128xi32, #tpu.memory_space<vmem>>
      %dma_start3A_26 = tpu.memref_squeeze %dma_start3A_25 : memref<1x128xi32, #tpu.memory_space<vmem>> -> memref<128xi32, #tpu.memory_space<vmem>>
      %dma_start3A_27 = arith.constant 0 : i32
      %dma_start3A_28 = arith.constant 0 : i32
      %dma_start3A_29 = tpu.memref_slice %arg9[%dma_start3A_27, %dma_start3A_28] : memref<10000x128xf32, #tpu.memory_space<vmem_shared>> -> memref<10000x128xf32, #tpu.memory_space<vmem_shared>>
      tpu.enqueue_indirect_dma source(%arg7 : memref<128x128xf32, #tpu.memory_space<vmem>>) target(%dma_start3A_29 : memref<10000x128xf32, #tpu.memory_space<vmem_shared>>) offsets(%dma_start3A_26 : memref<128xi32, #tpu.memory_space<vmem>>) semaphore(%arg11 : memref<!tpu.dma_semaphore, #tpu.memory_space<semaphore_mem>>) {add = true}
      %dma_wait3A = arith.constant 0 : i32
      %dma_wait3A_30 = arith.constant 0 : i32
      %dma_wait3A_31 = tpu.memref_slice %arg6[%dma_wait3A, %dma_wait3A_30] : memref<8x128xi32, #tpu.memory_space<vmem>> -> memref<1x128xi32, #tpu.memory_space<vmem>>
      %dma_wait3A_32 = tpu.memref_squeeze %dma_wait3A_31 : memref<1x128xi32, #tpu.memory_space<vmem>> -> memref<128xi32, #tpu.memory_space<vmem>>
      %dma_wait3A_33 = arith.constant 0 : i32
      %dma_wait3A_34 = arith.constant 0 : i32
      %dma_wait3A_35 = tpu.memref_slice %arg9[%dma_wait3A_33, %dma_wait3A_34] : memref<10000x128xf32, #tpu.memory_space<vmem_shared>> -> memref<10000x128xf32, #tpu.memory_space<vmem_shared>>
      tpu.wait_indirect_dma semaphore(%arg11 : memref<!tpu.dma_semaphore, #tpu.memory_space<semaphore_mem>>) src(%arg7 : memref<128x128xf32, #tpu.memory_space<vmem>>) dst(%dma_wait3A_35 : memref<10000x128xf32, #tpu.memory_space<vmem_shared>>)
    } else {
    }
    %barrier3A_17 = arith.constant 0 : index
    tpu.barrier barrier_id(%barrier3A_17)
    %scan3A_18 = arith.constant 0 : i32
    %scan3A_19 = arith.constant 0 : i32
    %scan3A_20 = arith.constant 5 : i32
    %scan3A_21 = arith.addi %scan3A_19, %scan3A_20 : i32
    %scan3A_22 = arith.constant 1 : i32
    scf.for %scan3A_24 = %scan3A_19 to %scan3A_21 step %scan3A_22  : i32 {
      %mul3A_25 = arith.constant 16 : i32
      %mul3A_26 = arith.muli %scan3A_24, %mul3A_25 : i32
      %add3A_27 = arith.addi %mul3A_26, %arg1 : i32
      %lt3A_28 = arith.constant 78 : i32
      %lt3A_29 = arith.cmpi slt, %add3A_27, %lt3A_28 : i32
      %convert_element_type3A_30 = arith.extui %lt3A_29 : i1 to i32
      %cond3A_31 = arith.constant 0 : i32
      %cond3A_32 = arith.cmpi ne, %convert_element_type3A_30, %cond3A_31 : i32
      scf.if %cond3A_32 {
        %mul3A_38 = arith.constant 128 : i32
        %mul3A_39 = arith.muli %add3A_27, %mul3A_38 : i32
        %multiple_of3A = tpu.assume_multiple %mul3A_39, 128 : i32
        "tpu.region"() ({
          %run_scoped3A = tpu.sem_alloc : memref<!tpu.dma_semaphore, #tpu.memory_space<semaphore_mem>>
          %dma_start3A = arith.constant 0 : i32
          %dma_start3A_40 = arith.constant 0 : i32
          %dma_start3A_41 = tpu.memref_slice %arg7[%dma_start3A, %dma_start3A_40] : memref<128x128xf32, #tpu.memory_space<vmem>> -> memref<128x128xf32, #tpu.memory_space<vmem>>
          %dma_start3A_42 = arith.constant 0 : i32
          %dma_start3A_43 = tpu.memref_slice %arg9[%multiple_of3A, %dma_start3A_42] : memref<10000x128xf32, #tpu.memory_space<vmem_shared>> -> memref<128x128xf32, #tpu.memory_space<vmem_shared>>
          %dma_start3A_44 = arith.constant 0 : i32
          %dma_start3A_45 = arith.constant 0 : i32
          %dma_start3A_46 = tpu.memref_slice %arg7[%dma_start3A_44, %dma_start3A_45] : memref<128x128xf32, #tpu.memory_space<vmem>> -> memref<128x128xf32, #tpu.memory_space<vmem>>
          %dma_start3A_47 = arith.constant 0 : i32
          %dma_start3A_48 = tpu.memref_slice %arg9[%multiple_of3A, %dma_start3A_47] : memref<10000x128xf32, #tpu.memory_space<vmem_shared>> -> memref<128x128xf32, #tpu.memory_space<vmem_shared>>
          tpu.enqueue_dma source(%dma_start3A_48 : memref<128x128xf32, #tpu.memory_space<vmem_shared>>) target(%dma_start3A_46 : memref<128x128xf32, #tpu.memory_space<vmem>>) target_semaphore(%run_scoped3A : memref<!tpu.dma_semaphore, #tpu.memory_space<semaphore_mem>>)
          %dma_wait3A = arith.constant 0 : i32
          %dma_wait3A_49 = arith.constant 0 : i32
          %dma_wait3A_50 = tpu.memref_slice %arg7[%dma_wait3A, %dma_wait3A_49] : memref<128x128xf32, #tpu.memory_space<vmem>> -> memref<128x128xf32, #tpu.memory_space<vmem>>
          %dma_wait3A_51 = arith.constant 0 : i32
          %dma_wait3A_52 = tpu.memref_slice %arg9[%multiple_of3A, %dma_wait3A_51] : memref<10000x128xf32, #tpu.memory_space<vmem_shared>> -> memref<128x128xf32, #tpu.memory_space<vmem_shared>>
          %dma_wait3A_53 = arith.constant 0 : i32
          %dma_wait3A_54 = arith.constant 0 : i32
          %dma_wait3A_55 = tpu.memref_slice %arg7[%dma_wait3A_53, %dma_wait3A_54] : memref<128x128xf32, #tpu.memory_space<vmem>> -> memref<128x128xf32, #tpu.memory_space<vmem>>
          %dma_wait3A_56 = arith.constant 0 : i32
          %dma_wait3A_57 = tpu.memref_slice %arg9[%multiple_of3A, %dma_wait3A_56] : memref<10000x128xf32, #tpu.memory_space<vmem_shared>> -> memref<128x128xf32, #tpu.memory_space<vmem_shared>>
          tpu.wait_dma2 semaphore(%run_scoped3A : memref<!tpu.dma_semaphore, #tpu.memory_space<semaphore_mem>>) src(%dma_wait3A_57 : memref<128x128xf32, #tpu.memory_space<vmem_shared>>) dst(%dma_wait3A_55 : memref<128x128xf32, #tpu.memory_space<vmem>>)
          tpu.yield
        }) : () -> ()
        "tpu.region"() ({
          %run_scoped3A = tpu.sem_alloc : memref<!tpu.dma_semaphore, #tpu.memory_space<semaphore_mem>>
          %dma_start3A = arith.constant 0 : i32
          %dma_start3A_40 = arith.constant 0 : i32
          %dma_start3A_41 = tpu.memref_slice %arg7[%dma_start3A, %dma_start3A_40] : memref<128x128xf32, #tpu.memory_space<vmem>> -> memref<128x128xf32, #tpu.memory_space<vmem>>
          %dma_start3A_42 = arith.constant 0 : i32
          %dma_start3A_43 = tpu.memref_slice %arg5[%arg0, %multiple_of3A, %dma_start3A_42] : memref<2x10000x128xf32, #tpu.memory_space<hbm>> -> memref<1x128x128xf32, #tpu.memory_space<hbm>>
          %dma_start3A_44 = tpu.memref_squeeze %dma_start3A_43 : memref<1x128x128xf32, #tpu.memory_space<hbm>> -> memref<128x128xf32, #tpu.memory_space<hbm>>
          %dma_start3A_45 = arith.constant 0 : i32
          %dma_start3A_46 = tpu.memref_slice %arg5[%arg0, %multiple_of3A, %dma_start3A_45] : memref<2x10000x128xf32, #tpu.memory_space<hbm>> -> memref<1x128x128xf32, #tpu.memory_space<hbm>>
          %dma_start3A_47 = tpu.memref_squeeze %dma_start3A_46 : memref<1x128x128xf32, #tpu.memory_space<hbm>> -> memref<128x128xf32, #tpu.memory_space<hbm>>
          %dma_start3A_48 = arith.constant 0 : i32
          %dma_start3A_49 = arith.constant 0 : i32
          %dma_start3A_50 = tpu.memref_slice %arg7[%dma_start3A_48, %dma_start3A_49] : memref<128x128xf32, #tpu.memory_space<vmem>> -> memref<128x128xf32, #tpu.memory_space<vmem>>
          tpu.enqueue_dma source(%dma_start3A_50 : memref<128x128xf32, #tpu.memory_space<vmem>>) target(%dma_start3A_47 : memref<128x128xf32, #tpu.memory_space<hbm>>) target_semaphore(%run_scoped3A : memref<!tpu.dma_semaphore, #tpu.memory_space<semaphore_mem>>)
          %dma_wait3A = arith.constant 0 : i32
          %dma_wait3A_51 = arith.constant 0 : i32
          %dma_wait3A_52 = tpu.memref_slice %arg7[%dma_wait3A, %dma_wait3A_51] : memref<128x128xf32, #tpu.memory_space<vmem>> -> memref<128x128xf32, #tpu.memory_space<vmem>>
          %dma_wait3A_53 = arith.constant 0 : i32
          %dma_wait3A_54 = tpu.memref_slice %arg5[%arg0, %multiple_of3A, %dma_wait3A_53] : memref<2x10000x128xf32, #tpu.memory_space<hbm>> -> memref<1x128x128xf32, #tpu.memory_space<hbm>>
          %dma_wait3A_55 = tpu.memref_squeeze %dma_wait3A_54 : memref<1x128x128xf32, #tpu.memory_space<hbm>> -> memref<128x128xf32, #tpu.memory_space<hbm>>
          %dma_wait3A_56 = arith.constant 0 : i32
          %dma_wait3A_57 = tpu.memref_slice %arg5[%arg0, %multiple_of3A, %dma_wait3A_56] : memref<2x10000x128xf32, #tpu.memory_space<hbm>> -> memref<1x128x128xf32, #tpu.memory_space<hbm>>
          %dma_wait3A_58 = tpu.memref_squeeze %dma_wait3A_57 : memref<1x128x128xf32, #tpu.memory_space<hbm>> -> memref<128x128xf32, #tpu.memory_space<hbm>>
          %dma_wait3A_59 = arith.constant 0 : i32
          %dma_wait3A_60 = arith.constant 0 : i32
          %dma_wait3A_61 = tpu.memref_slice %arg7[%dma_wait3A_59, %dma_wait3A_60] : memref<128x128xf32, #tpu.memory_space<vmem>> -> memref<128x128xf32, #tpu.memory_space<vmem>>
          tpu.wait_dma2 semaphore(%run_scoped3A : memref<!tpu.dma_semaphore, #tpu.memory_space<semaphore_mem>>) src(%dma_wait3A_61 : memref<128x128xf32, #tpu.memory_space<vmem>>) dst(%dma_wait3A_58 : memref<128x128xf32, #tpu.memory_space<hbm>>)
          tpu.yield
        }) : () -> ()
      } else {
      }
      %eq3A_33 = arith.constant 78 : i32
      %eq3A_34 = arith.cmpi eq, %add3A_27, %eq3A_33 : i32
      %convert_element_type3A_35 = arith.extui %eq3A_34 : i1 to i32
      %cond3A_36 = arith.constant 0 : i32
      %cond3A_37 = arith.cmpi ne, %convert_element_type3A_35, %cond3A_36 : i32
      scf.if %cond3A_37 {
        "tpu.region"() ({
          %run_scoped3A = tpu.sem_alloc : memref<!tpu.dma_semaphore, #tpu.memory_space<semaphore_mem>>
          %dma_start3A = arith.constant 0 : i32
          %dma_start3A_38 = arith.constant 0 : i32
          %dma_start3A_39 = tpu.memref_slice %arg7[%dma_start3A, %dma_start3A_38] : memref<128x128xf32, #tpu.memory_space<vmem>> -> memref<16x128xf32, #tpu.memory_space<vmem>>
          %dma_start3A_40 = arith.constant 9984 : i32
          %dma_start3A_41 = arith.constant 0 : i32
          %dma_start3A_42 = tpu.memref_slice %arg9[%dma_start3A_40, %dma_start3A_41] : memref<10000x128xf32, #tpu.memory_space<vmem_shared>> -> memref<16x128xf32, #tpu.memory_space<vmem_shared>>
          %dma_start3A_43 = arith.constant 0 : i32
          %dma_start3A_44 = arith.constant 0 : i32
          %dma_start3A_45 = tpu.memref_slice %arg7[%dma_start3A_43, %dma_start3A_44] : memref<128x128xf32, #tpu.memory_space<vmem>> -> memref<16x128xf32, #tpu.memory_space<vmem>>
          %dma_start3A_46 = arith.constant 9984 : i32
          %dma_start3A_47 = arith.constant 0 : i32
          %dma_start3A_48 = tpu.memref_slice %arg9[%dma_start3A_46, %dma_start3A_47] : memref<10000x128xf32, #tpu.memory_space<vmem_shared>> -> memref<16x128xf32, #tpu.memory_space<vmem_shared>>
          tpu.enqueue_dma source(%dma_start3A_48 : memref<16x128xf32, #tpu.memory_space<vmem_shared>>) target(%dma_start3A_45 : memref<16x128xf32, #tpu.memory_space<vmem>>) target_semaphore(%run_scoped3A : memref<!tpu.dma_semaphore, #tpu.memory_space<semaphore_mem>>)
          %dma_wait3A = arith.constant 0 : i32
          %dma_wait3A_49 = arith.constant 0 : i32
          %dma_wait3A_50 = tpu.memref_slice %arg7[%dma_wait3A, %dma_wait3A_49] : memref<128x128xf32, #tpu.memory_space<vmem>> -> memref<16x128xf32, #tpu.memory_space<vmem>>
          %dma_wait3A_51 = arith.constant 9984 : i32
          %dma_wait3A_52 = arith.constant 0 : i32
          %dma_wait3A_53 = tpu.memref_slice %arg9[%dma_wait3A_51, %dma_wait3A_52] : memref<10000x128xf32, #tpu.memory_space<vmem_shared>> -> memref<16x128xf32, #tpu.memory_space<vmem_shared>>
          %dma_wait3A_54 = arith.constant 0 : i32
          %dma_wait3A_55 = arith.constant 0 : i32
          %dma_wait3A_56 = tpu.memref_slice %arg7[%dma_wait3A_54, %dma_wait3A_55] : memref<128x128xf32, #tpu.memory_space<vmem>> -> memref<16x128xf32, #tpu.memory_space<vmem>>
          %dma_wait3A_57 = arith.constant 9984 : i32
          %dma_wait3A_58 = arith.constant 0 : i32
          %dma_wait3A_59 = tpu.memref_slice %arg9[%dma_wait3A_57, %dma_wait3A_58] : memref<10000x128xf32, #tpu.memory_space<vmem_shared>> -> memref<16x128xf32, #tpu.memory_space<vmem_shared>>
          tpu.wait_dma2 semaphore(%run_scoped3A : memref<!tpu.dma_semaphore, #tpu.memory_space<semaphore_mem>>) src(%dma_wait3A_59 : memref<16x128xf32, #tpu.memory_space<vmem_shared>>) dst(%dma_wait3A_56 : memref<16x128xf32, #tpu.memory_space<vmem>>)
          tpu.yield
        }) : () -> ()
        "tpu.region"() ({
          %run_scoped3A = tpu.sem_alloc : memref<!tpu.dma_semaphore, #tpu.memory_space<semaphore_mem>>
          %dma_start3A = arith.constant 0 : i32
          %dma_start3A_38 = arith.constant 0 : i32
          %dma_start3A_39 = tpu.memref_slice %arg7[%dma_start3A, %dma_start3A_38] : memref<128x128xf32, #tpu.memory_space<vmem>> -> memref<16x128xf32, #tpu.memory_space<vmem>>
          %dma_start3A_40 = arith.constant 9984 : i32
          %dma_start3A_41 = arith.constant 0 : i32
          %dma_start3A_42 = tpu.memref_slice %arg5[%arg0, %dma_start3A_40, %dma_start3A_41] : memref<2x10000x128xf32, #tpu.memory_space<hbm>> -> memref<1x16x128xf32, #tpu.memory_space<hbm>>
          %dma_start3A_43 = tpu.memref_squeeze %dma_start3A_42 : memref<1x16x128xf32, #tpu.memory_space<hbm>> -> memref<16x128xf32, #tpu.memory_space<hbm>>
          %dma_start3A_44 = arith.constant 9984 : i32
          %dma_start3A_45 = arith.constant 0 : i32
          %dma_start3A_46 = tpu.memref_slice %arg5[%arg0, %dma_start3A_44, %dma_start3A_45] : memref<2x10000x128xf32, #tpu.memory_space<hbm>> -> memref<1x16x128xf32, #tpu.memory_space<hbm>>
          %dma_start3A_47 = tpu.memref_squeeze %dma_start3A_46 : memref<1x16x128xf32, #tpu.memory_space<hbm>> -> memref<16x128xf32, #tpu.memory_space<hbm>>
          %dma_start3A_48 = arith.constant 0 : i32
          %dma_start3A_49 = arith.constant 0 : i32
          %dma_start3A_50 = tpu.memref_slice %arg7[%dma_start3A_48, %dma_start3A_49] : memref<128x128xf32, #tpu.memory_space<vmem>> -> memref<16x128xf32, #tpu.memory_space<vmem>>
          tpu.enqueue_dma source(%dma_start3A_50 : memref<16x128xf32, #tpu.memory_space<vmem>>) target(%dma_start3A_47 : memref<16x128xf32, #tpu.memory_space<hbm>>) target_semaphore(%run_scoped3A : memref<!tpu.dma_semaphore, #tpu.memory_space<semaphore_mem>>)
          %dma_wait3A = arith.constant 0 : i32
          %dma_wait3A_51 = arith.constant 0 : i32
          %dma_wait3A_52 = tpu.memref_slice %arg7[%dma_wait3A, %dma_wait3A_51] : memref<128x128xf32, #tpu.memory_space<vmem>> -> memref<16x128xf32, #tpu.memory_space<vmem>>
          %dma_wait3A_53 = arith.constant 9984 : i32
          %dma_wait3A_54 = arith.constant 0 : i32
          %dma_wait3A_55 = tpu.memref_slice %arg5[%arg0, %dma_wait3A_53, %dma_wait3A_54] : memref<2x10000x128xf32, #tpu.memory_space<hbm>> -> memref<1x16x128xf32, #tpu.memory_space<hbm>>
          %dma_wait3A_56 = tpu.memref_squeeze %dma_wait3A_55 : memref<1x16x128xf32, #tpu.memory_space<hbm>> -> memref<16x128xf32, #tpu.memory_space<hbm>>
          %dma_wait3A_57 = arith.constant 9984 : i32
          %dma_wait3A_58 = arith.constant 0 : i32
          %dma_wait3A_59 = tpu.memref_slice %arg5[%arg0, %dma_wait3A_57, %dma_wait3A_58] : memref<2x10000x128xf32, #tpu.memory_space<hbm>> -> memref<1x16x128xf32, #tpu.memory_space<hbm>>
          %dma_wait3A_60 = tpu.memref_squeeze %dma_wait3A_59 : memref<1x16x128xf32, #tpu.memory_space<hbm>> -> memref<16x128xf32, #tpu.memory_space<hbm>>
          %dma_wait3A_61 = arith.constant 0 : i32
          %dma_wait3A_62 = arith.constant 0 : i32
          %dma_wait3A_63 = tpu.memref_slice %arg7[%dma_wait3A_61, %dma_wait3A_62] : memref<128x128xf32, #tpu.memory_space<vmem>> -> memref<16x128xf32, #tpu.memory_space<vmem>>
          tpu.wait_dma2 semaphore(%run_scoped3A : memref<!tpu.dma_semaphore, #tpu.memory_space<semaphore_mem>>) src(%dma_wait3A_63 : memref<16x128xf32, #tpu.memory_space<vmem>>) dst(%dma_wait3A_60 : memref<16x128xf32, #tpu.memory_space<hbm>>)
          tpu.yield
        }) : () -> ()
      } else {
      }
    }
    %scan3A_23 = arith.constant 5 : i32
    return
  }
}

#map = affine_map<(d0, d1) -> (0, 0)>
#map1 = affine_map<(d0, d1) -> (0, 0, 0)>
module attributes {stable_mosaic.version = 14 : i64} {
  func.func @sk(%arg0: i32, %arg1: i32, %arg2: memref<80000x128xf32, #tpu.memory_space<hbm>>, %arg3: memref<632x128xi32, #tpu.memory_space<hbm>>, %arg4: memref<10000x128xf32, #tpu.memory_space<hbm>>, %arg5: memref<2x10000x128xf32, #tpu.memory_space<hbm>>, %arg6: memref<8x128xi32, #tpu.memory_space<vmem>>, %arg7: memref<128x128xf32, #tpu.memory_space<vmem>>, %arg8: memref<128x128xf32, #tpu.memory_space<vmem>>, %arg9: memref<10000x128xf32, #tpu.memory_space<vmem_shared>>, %arg10: memref<!tpu.dma_semaphore, #tpu.memory_space<semaphore_mem>>, %arg11: memref<!tpu.dma_semaphore, #tpu.memory_space<semaphore_mem>>) attributes {dimension_semantics = [#tpu.dimension_semantics<core_parallel>, #tpu.dimension_semantics<subcore_parallel>], iteration_bounds = array<i64: 2, 16>, scalar_prefetch = 0 : i64, scratch_operands = 6 : i64, tpu.core_type = #tpu.core_type<sc_vector_subcore>, window_params = [{transform_indices = #map}, {transform_indices = #map}, {transform_indices = #map}, {transform_indices = #map1}]} {
    %mul3A = arith.constant 2 : i32
    %mul3A_0 = arith.muli %arg1, %mul3A : i32
    %add3A = arith.addi %mul3A_0, %arg0 : i32
    %eq3A = arith.constant 0 : i32
    %eq3A_1 = arith.cmpi eq, %arg1, %eq3A : i32
    %convert_element_type3A = arith.extui %eq3A_1 : i1 to i32
    %cond3A = arith.constant 0 : i32
    %cond3A_2 = arith.cmpi ne, %convert_element_type3A, %cond3A : i32
    scf.if %cond3A_2 {
      "tpu.region"() ({
        %run_scoped3A = tpu.sem_alloc : memref<!tpu.dma_semaphore, #tpu.memory_space<semaphore_mem>>
        tpu.enqueue_dma source(%arg4 : memref<10000x128xf32, #tpu.memory_space<hbm>>) target(%arg9 : memref<10000x128xf32, #tpu.memory_space<vmem_shared>>) target_semaphore(%run_scoped3A : memref<!tpu.dma_semaphore, #tpu.memory_space<semaphore_mem>>)
        tpu.wait_dma2 semaphore(%run_scoped3A : memref<!tpu.dma_semaphore, #tpu.memory_space<semaphore_mem>>) src(%arg4 : memref<10000x128xf32, #tpu.memory_space<hbm>>) dst(%arg9 : memref<10000x128xf32, #tpu.memory_space<vmem_shared>>)
        tpu.yield
      }) : () -> ()
    } else {
    }
    %barrier3A = arith.constant 0 : index
    tpu.barrier barrier_id(%barrier3A)
    %scan3A = arith.constant 0 : i32
    %scan3A_3 = arith.constant 0 : i32
    %scan3A_4 = arith.constant 2 : i32
    %scan3A_5 = arith.addi %scan3A_3, %scan3A_4 : i32
    %scan3A_6 = arith.constant 1 : i32
    scf.for %scan3A_24 = %scan3A_3 to %scan3A_5 step %scan3A_6  : i32 {
      %mul3A_25 = arith.constant 32 : i32
      %mul3A_26 = arith.muli %scan3A_24, %mul3A_25 : i32
      %add3A_27 = arith.addi %mul3A_26, %add3A : i32
      %mul3A_28 = arith.constant 1024 : i32
      %mul3A_29 = arith.muli %add3A_27, %mul3A_28 : i32
      %multiple_of3A = tpu.assume_multiple %mul3A_29, 1024 : i32
      %mul3A_30 = arith.constant 8 : i32
      %mul3A_31 = arith.muli %add3A_27, %mul3A_30 : i32
      %multiple_of3A_32 = tpu.assume_multiple %mul3A_31, 8 : i32
      "tpu.region"() ({
        %run_scoped3A = tpu.sem_alloc : memref<!tpu.dma_semaphore, #tpu.memory_space<semaphore_mem>>
        %dma_start3A_223 = arith.constant 0 : i32
        %dma_start3A_224 = tpu.memref_slice %arg3[%multiple_of3A_32, %dma_start3A_223] : memref<632x128xi32, #tpu.memory_space<hbm>> -> memref<8x128xi32, #tpu.memory_space<hbm>>
        %dma_start3A_225 = arith.constant 0 : i32
        %dma_start3A_226 = tpu.memref_slice %arg3[%multiple_of3A_32, %dma_start3A_225] : memref<632x128xi32, #tpu.memory_space<hbm>> -> memref<8x128xi32, #tpu.memory_space<hbm>>
        tpu.enqueue_dma source(%dma_start3A_226 : memref<8x128xi32, #tpu.memory_space<hbm>>) target(%arg6 : memref<8x128xi32, #tpu.memory_space<vmem>>) target_semaphore(%run_scoped3A : memref<!tpu.dma_semaphore, #tpu.memory_space<semaphore_mem>>)
        %dma_wait3A_227 = arith.constant 0 : i32
        %dma_wait3A_228 = tpu.memref_slice %arg3[%multiple_of3A_32, %dma_wait3A_227] : memref<632x128xi32, #tpu.memory_space<hbm>> -> memref<8x128xi32, #tpu.memory_space<hbm>>
        %dma_wait3A_229 = arith.constant 0 : i32
        %dma_wait3A_230 = tpu.memref_slice %arg3[%multiple_of3A_32, %dma_wait3A_229] : memref<632x128xi32, #tpu.memory_space<hbm>> -> memref<8x128xi32, #tpu.memory_space<hbm>>
        tpu.wait_dma2 semaphore(%run_scoped3A : memref<!tpu.dma_semaphore, #tpu.memory_space<semaphore_mem>>) src(%dma_wait3A_230 : memref<8x128xi32, #tpu.memory_space<hbm>>) dst(%arg6 : memref<8x128xi32, #tpu.memory_space<vmem>>)
        tpu.yield
      }) : () -> ()
      %add3A_33 = arith.constant 0 : i32
      %add3A_34 = arith.addi %multiple_of3A, %add3A_33 : i32
      %dma_start3A = arith.constant 0 : i32
      %dma_start3A_35 = tpu.memref_slice %arg2[%add3A_34, %dma_start3A] : memref<80000x128xf32, #tpu.memory_space<hbm>> -> memref<128x128xf32, #tpu.memory_space<hbm>>
      %dma_start3A_36 = arith.constant 0 : i32
      %dma_start3A_37 = tpu.memref_slice %arg2[%add3A_34, %dma_start3A_36] : memref<80000x128xf32, #tpu.memory_space<hbm>> -> memref<128x128xf32, #tpu.memory_space<hbm>>
      tpu.enqueue_dma source(%dma_start3A_37 : memref<128x128xf32, #tpu.memory_space<hbm>>) target(%arg7 : memref<128x128xf32, #tpu.memory_space<vmem>>) target_semaphore(%arg10 : memref<!tpu.dma_semaphore, #tpu.memory_space<semaphore_mem>>)
      %add3A_38 = arith.constant 128 : i32
      %add3A_39 = arith.addi %multiple_of3A, %add3A_38 : i32
      %dma_start3A_40 = arith.constant 0 : i32
      %dma_start3A_41 = tpu.memref_slice %arg2[%add3A_39, %dma_start3A_40] : memref<80000x128xf32, #tpu.memory_space<hbm>> -> memref<128x128xf32, #tpu.memory_space<hbm>>
      %dma_start3A_42 = arith.constant 0 : i32
      %dma_start3A_43 = tpu.memref_slice %arg2[%add3A_39, %dma_start3A_42] : memref<80000x128xf32, #tpu.memory_space<hbm>> -> memref<128x128xf32, #tpu.memory_space<hbm>>
      tpu.enqueue_dma source(%dma_start3A_43 : memref<128x128xf32, #tpu.memory_space<hbm>>) target(%arg8 : memref<128x128xf32, #tpu.memory_space<vmem>>) target_semaphore(%arg10 : memref<!tpu.dma_semaphore, #tpu.memory_space<semaphore_mem>>)
      %dma_wait3A = arith.constant 0 : i32
      %dma_wait3A_44 = tpu.memref_slice %arg2[%add3A_34, %dma_wait3A] : memref<80000x128xf32, #tpu.memory_space<hbm>> -> memref<128x128xf32, #tpu.memory_space<hbm>>
      %dma_wait3A_45 = arith.constant 0 : i32
      %dma_wait3A_46 = tpu.memref_slice %arg2[%add3A_34, %dma_wait3A_45] : memref<80000x128xf32, #tpu.memory_space<hbm>> -> memref<128x128xf32, #tpu.memory_space<hbm>>
      tpu.wait_dma2 semaphore(%arg10 : memref<!tpu.dma_semaphore, #tpu.memory_space<semaphore_mem>>) src(%dma_wait3A_46 : memref<128x128xf32, #tpu.memory_space<hbm>>) dst(%arg7 : memref<128x128xf32, #tpu.memory_space<vmem>>)
      %dma_start3A_47 = arith.constant 0 : i32
      %dma_start3A_48 = arith.constant 0 : i32
      %dma_start3A_49 = tpu.memref_slice %arg6[%dma_start3A_47, %dma_start3A_48] : memref<8x128xi32, #tpu.memory_space<vmem>> -> memref<1x128xi32, #tpu.memory_space<vmem>>
      %dma_start3A_50 = tpu.memref_squeeze %dma_start3A_49 : memref<1x128xi32, #tpu.memory_space<vmem>> -> memref<128xi32, #tpu.memory_space<vmem>>
      %dma_start3A_51 = arith.constant 0 : i32
      %dma_start3A_52 = arith.constant 0 : i32
      %dma_start3A_53 = tpu.memref_slice %arg9[%dma_start3A_51, %dma_start3A_52] : memref<10000x128xf32, #tpu.memory_space<vmem_shared>> -> memref<10000x128xf32, #tpu.memory_space<vmem_shared>>
      tpu.enqueue_indirect_dma source(%arg7 : memref<128x128xf32, #tpu.memory_space<vmem>>) target(%dma_start3A_53 : memref<10000x128xf32, #tpu.memory_space<vmem_shared>>) offsets(%dma_start3A_50 : memref<128xi32, #tpu.memory_space<vmem>>) semaphore(%arg11 : memref<!tpu.dma_semaphore, #tpu.memory_space<semaphore_mem>>) {add = true}
      %dma_wait3A_54 = arith.constant 0 : i32
      %dma_wait3A_55 = arith.constant 0 : i32
      %dma_wait3A_56 = tpu.memref_slice %arg6[%dma_wait3A_54, %dma_wait3A_55] : memref<8x128xi32, #tpu.memory_space<vmem>> -> memref<1x128xi32, #tpu.memory_space<vmem>>
      %dma_wait3A_57 = tpu.memref_squeeze %dma_wait3A_56 : memref<1x128xi32, #tpu.memory_space<vmem>> -> memref<128xi32, #tpu.memory_space<vmem>>
      %dma_wait3A_58 = arith.constant 0 : i32
      %dma_wait3A_59 = arith.constant 0 : i32
      %dma_wait3A_60 = tpu.memref_slice %arg9[%dma_wait3A_58, %dma_wait3A_59] : memref<10000x128xf32, #tpu.memory_space<vmem_shared>> -> memref<10000x128xf32, #tpu.memory_space<vmem_shared>>
      tpu.wait_indirect_dma semaphore(%arg11 : memref<!tpu.dma_semaphore, #tpu.memory_space<semaphore_mem>>) src(%arg7 : memref<128x128xf32, #tpu.memory_space<vmem>>) dst(%dma_wait3A_60 : memref<10000x128xf32, #tpu.memory_space<vmem_shared>>)
      %add3A_61 = arith.constant 256 : i32
      %add3A_62 = arith.addi %multiple_of3A, %add3A_61 : i32
      %dma_start3A_63 = arith.constant 0 : i32
      %dma_start3A_64 = tpu.memref_slice %arg2[%add3A_62, %dma_start3A_63] : memref<80000x128xf32, #tpu.memory_space<hbm>> -> memref<128x128xf32, #tpu.memory_space<hbm>>
      %dma_start3A_65 = arith.constant 0 : i32
      %dma_start3A_66 = tpu.memref_slice %arg2[%add3A_62, %dma_start3A_65] : memref<80000x128xf32, #tpu.memory_space<hbm>> -> memref<128x128xf32, #tpu.memory_space<hbm>>
      tpu.enqueue_dma source(%dma_start3A_66 : memref<128x128xf32, #tpu.memory_space<hbm>>) target(%arg7 : memref<128x128xf32, #tpu.memory_space<vmem>>) target_semaphore(%arg10 : memref<!tpu.dma_semaphore, #tpu.memory_space<semaphore_mem>>)
      %dma_wait3A_67 = arith.constant 0 : i32
      %dma_wait3A_68 = tpu.memref_slice %arg2[%add3A_39, %dma_wait3A_67] : memref<80000x128xf32, #tpu.memory_space<hbm>> -> memref<128x128xf32, #tpu.memory_space<hbm>>
      %dma_wait3A_69 = arith.constant 0 : i32
      %dma_wait3A_70 = tpu.memref_slice %arg2[%add3A_39, %dma_wait3A_69] : memref<80000x128xf32, #tpu.memory_space<hbm>> -> memref<128x128xf32, #tpu.memory_space<hbm>>
      tpu.wait_dma2 semaphore(%arg10 : memref<!tpu.dma_semaphore, #tpu.memory_space<semaphore_mem>>) src(%dma_wait3A_70 : memref<128x128xf32, #tpu.memory_space<hbm>>) dst(%arg8 : memref<128x128xf32, #tpu.memory_space<vmem>>)
      %dma_start3A_71 = arith.constant 1 : i32
      %dma_start3A_72 = arith.constant 0 : i32
      %dma_start3A_73 = tpu.memref_slice %arg6[%dma_start3A_71, %dma_start3A_72] : memref<8x128xi32, #tpu.memory_space<vmem>> -> memref<1x128xi32, #tpu.memory_space<vmem>>
      %dma_start3A_74 = tpu.memref_squeeze %dma_start3A_73 : memref<1x128xi32, #tpu.memory_space<vmem>> -> memref<128xi32, #tpu.memory_space<vmem>>
      %dma_start3A_75 = arith.constant 0 : i32
      %dma_start3A_76 = arith.constant 0 : i32
      %dma_start3A_77 = tpu.memref_slice %arg9[%dma_start3A_75, %dma_start3A_76] : memref<10000x128xf32, #tpu.memory_space<vmem_shared>> -> memref<10000x128xf32, #tpu.memory_space<vmem_shared>>
      tpu.enqueue_indirect_dma source(%arg8 : memref<128x128xf32, #tpu.memory_space<vmem>>) target(%dma_start3A_77 : memref<10000x128xf32, #tpu.memory_space<vmem_shared>>) offsets(%dma_start3A_74 : memref<128xi32, #tpu.memory_space<vmem>>) semaphore(%arg11 : memref<!tpu.dma_semaphore, #tpu.memory_space<semaphore_mem>>) {add = true}
      %dma_wait3A_78 = arith.constant 1 : i32
      %dma_wait3A_79 = arith.constant 0 : i32
      %dma_wait3A_80 = tpu.memref_slice %arg6[%dma_wait3A_78, %dma_wait3A_79] : memref<8x128xi32, #tpu.memory_space<vmem>> -> memref<1x128xi32, #tpu.memory_space<vmem>>
      %dma_wait3A_81 = tpu.memref_squeeze %dma_wait3A_80 : memref<1x128xi32, #tpu.memory_space<vmem>> -> memref<128xi32, #tpu.memory_space<vmem>>
      %dma_wait3A_82 = arith.constant 0 : i32
      %dma_wait3A_83 = arith.constant 0 : i32
      %dma_wait3A_84 = tpu.memref_slice %arg9[%dma_wait3A_82, %dma_wait3A_83] : memref<10000x128xf32, #tpu.memory_space<vmem_shared>> -> memref<10000x128xf32, #tpu.memory_space<vmem_shared>>
      tpu.wait_indirect_dma semaphore(%arg11 : memref<!tpu.dma_semaphore, #tpu.memory_space<semaphore_mem>>) src(%arg8 : memref<128x128xf32, #tpu.memory_space<vmem>>) dst(%dma_wait3A_84 : memref<10000x128xf32, #tpu.memory_space<vmem_shared>>)
      %add3A_85 = arith.constant 384 : i32
      %add3A_86 = arith.addi %multiple_of3A, %add3A_85 : i32
      %dma_start3A_87 = arith.constant 0 : i32
      %dma_start3A_88 = tpu.memref_slice %arg2[%add3A_86, %dma_start3A_87] : memref<80000x128xf32, #tpu.memory_space<hbm>> -> memref<128x128xf32, #tpu.memory_space<hbm>>
      %dma_start3A_89 = arith.constant 0 : i32
      %dma_start3A_90 = tpu.memref_slice %arg2[%add3A_86, %dma_start3A_89] : memref<80000x128xf32, #tpu.memory_space<hbm>> -> memref<128x128xf32, #tpu.memory_space<hbm>>
      tpu.enqueue_dma source(%dma_start3A_90 : memref<128x128xf32, #tpu.memory_space<hbm>>) target(%arg8 : memref<128x128xf32, #tpu.memory_space<vmem>>) target_semaphore(%arg10 : memref<!tpu.dma_semaphore, #tpu.memory_space<semaphore_mem>>)
      %dma_wait3A_91 = arith.constant 0 : i32
      %dma_wait3A_92 = tpu.memref_slice %arg2[%add3A_62, %dma_wait3A_91] : memref<80000x128xf32, #tpu.memory_space<hbm>> -> memref<128x128xf32, #tpu.memory_space<hbm>>
      %dma_wait3A_93 = arith.constant 0 : i32
      %dma_wait3A_94 = tpu.memref_slice %arg2[%add3A_62, %dma_wait3A_93] : memref<80000x128xf32, #tpu.memory_space<hbm>> -> memref<128x128xf32, #tpu.memory_space<hbm>>
      tpu.wait_dma2 semaphore(%arg10 : memref<!tpu.dma_semaphore, #tpu.memory_space<semaphore_mem>>) src(%dma_wait3A_94 : memref<128x128xf32, #tpu.memory_space<hbm>>) dst(%arg7 : memref<128x128xf32, #tpu.memory_space<vmem>>)
      %dma_start3A_95 = arith.constant 2 : i32
      %dma_start3A_96 = arith.constant 0 : i32
      %dma_start3A_97 = tpu.memref_slice %arg6[%dma_start3A_95, %dma_start3A_96] : memref<8x128xi32, #tpu.memory_space<vmem>> -> memref<1x128xi32, #tpu.memory_space<vmem>>
      %dma_start3A_98 = tpu.memref_squeeze %dma_start3A_97 : memref<1x128xi32, #tpu.memory_space<vmem>> -> memref<128xi32, #tpu.memory_space<vmem>>
      %dma_start3A_99 = arith.constant 0 : i32
      %dma_start3A_100 = arith.constant 0 : i32
      %dma_start3A_101 = tpu.memref_slice %arg9[%dma_start3A_99, %dma_start3A_100] : memref<10000x128xf32, #tpu.memory_space<vmem_shared>> -> memref<10000x128xf32, #tpu.memory_space<vmem_shared>>
      tpu.enqueue_indirect_dma source(%arg7 : memref<128x128xf32, #tpu.memory_space<vmem>>) target(%dma_start3A_101 : memref<10000x128xf32, #tpu.memory_space<vmem_shared>>) offsets(%dma_start3A_98 : memref<128xi32, #tpu.memory_space<vmem>>) semaphore(%arg11 : memref<!tpu.dma_semaphore, #tpu.memory_space<semaphore_mem>>) {add = true}
      %dma_wait3A_102 = arith.constant 2 : i32
      %dma_wait3A_103 = arith.constant 0 : i32
      %dma_wait3A_104 = tpu.memref_slice %arg6[%dma_wait3A_102, %dma_wait3A_103] : memref<8x128xi32, #tpu.memory_space<vmem>> -> memref<1x128xi32, #tpu.memory_space<vmem>>
      %dma_wait3A_105 = tpu.memref_squeeze %dma_wait3A_104 : memref<1x128xi32, #tpu.memory_space<vmem>> -> memref<128xi32, #tpu.memory_space<vmem>>
      %dma_wait3A_106 = arith.constant 0 : i32
      %dma_wait3A_107 = arith.constant 0 : i32
      %dma_wait3A_108 = tpu.memref_slice %arg9[%dma_wait3A_106, %dma_wait3A_107] : memref<10000x128xf32, #tpu.memory_space<vmem_shared>> -> memref<10000x128xf32, #tpu.memory_space<vmem_shared>>
      tpu.wait_indirect_dma semaphore(%arg11 : memref<!tpu.dma_semaphore, #tpu.memory_space<semaphore_mem>>) src(%arg7 : memref<128x128xf32, #tpu.memory_space<vmem>>) dst(%dma_wait3A_108 : memref<10000x128xf32, #tpu.memory_space<vmem_shared>>)
      %add3A_109 = arith.constant 512 : i32
      %add3A_110 = arith.addi %multiple_of3A, %add3A_109 : i32
      %dma_start3A_111 = arith.constant 0 : i32
      %dma_start3A_112 = tpu.memref_slice %arg2[%add3A_110, %dma_start3A_111] : memref<80000x128xf32, #tpu.memory_space<hbm>> -> memref<128x128xf32, #tpu.memory_space<hbm>>
      %dma_start3A_113 = arith.constant 0 : i32
      %dma_start3A_114 = tpu.memref_slice %arg2[%add3A_110, %dma_start3A_113] : memref<80000x128xf32, #tpu.memory_space<hbm>> -> memref<128x128xf32, #tpu.memory_space<hbm>>
      tpu.enqueue_dma source(%dma_start3A_114 : memref<128x128xf32, #tpu.memory_space<hbm>>) target(%arg7 : memref<128x128xf32, #tpu.memory_space<vmem>>) target_semaphore(%arg10 : memref<!tpu.dma_semaphore, #tpu.memory_space<semaphore_mem>>)
      %dma_wait3A_115 = arith.constant 0 : i32
      %dma_wait3A_116 = tpu.memref_slice %arg2[%add3A_86, %dma_wait3A_115] : memref<80000x128xf32, #tpu.memory_space<hbm>> -> memref<128x128xf32, #tpu.memory_space<hbm>>
      %dma_wait3A_117 = arith.constant 0 : i32
      %dma_wait3A_118 = tpu.memref_slice %arg2[%add3A_86, %dma_wait3A_117] : memref<80000x128xf32, #tpu.memory_space<hbm>> -> memref<128x128xf32, #tpu.memory_space<hbm>>
      tpu.wait_dma2 semaphore(%arg10 : memref<!tpu.dma_semaphore, #tpu.memory_space<semaphore_mem>>) src(%dma_wait3A_118 : memref<128x128xf32, #tpu.memory_space<hbm>>) dst(%arg8 : memref<128x128xf32, #tpu.memory_space<vmem>>)
      %dma_start3A_119 = arith.constant 3 : i32
      %dma_start3A_120 = arith.constant 0 : i32
      %dma_start3A_121 = tpu.memref_slice %arg6[%dma_start3A_119, %dma_start3A_120] : memref<8x128xi32, #tpu.memory_space<vmem>> -> memref<1x128xi32, #tpu.memory_space<vmem>>
      %dma_start3A_122 = tpu.memref_squeeze %dma_start3A_121 : memref<1x128xi32, #tpu.memory_space<vmem>> -> memref<128xi32, #tpu.memory_space<vmem>>
      %dma_start3A_123 = arith.constant 0 : i32
      %dma_start3A_124 = arith.constant 0 : i32
      %dma_start3A_125 = tpu.memref_slice %arg9[%dma_start3A_123, %dma_start3A_124] : memref<10000x128xf32, #tpu.memory_space<vmem_shared>> -> memref<10000x128xf32, #tpu.memory_space<vmem_shared>>
      tpu.enqueue_indirect_dma source(%arg8 : memref<128x128xf32, #tpu.memory_space<vmem>>) target(%dma_start3A_125 : memref<10000x128xf32, #tpu.memory_space<vmem_shared>>) offsets(%dma_start3A_122 : memref<128xi32, #tpu.memory_space<vmem>>) semaphore(%arg11 : memref<!tpu.dma_semaphore, #tpu.memory_space<semaphore_mem>>) {add = true}
      %dma_wait3A_126 = arith.constant 3 : i32
      %dma_wait3A_127 = arith.constant 0 : i32
      %dma_wait3A_128 = tpu.memref_slice %arg6[%dma_wait3A_126, %dma_wait3A_127] : memref<8x128xi32, #tpu.memory_space<vmem>> -> memref<1x128xi32, #tpu.memory_space<vmem>>
      %dma_wait3A_129 = tpu.memref_squeeze %dma_wait3A_128 : memref<1x128xi32, #tpu.memory_space<vmem>> -> memref<128xi32, #tpu.memory_space<vmem>>
      %dma_wait3A_130 = arith.constant 0 : i32
      %dma_wait3A_131 = arith.constant 0 : i32
      %dma_wait3A_132 = tpu.memref_slice %arg9[%dma_wait3A_130, %dma_wait3A_131] : memref<10000x128xf32, #tpu.memory_space<vmem_shared>> -> memref<10000x128xf32, #tpu.memory_space<vmem_shared>>
      tpu.wait_indirect_dma semaphore(%arg11 : memref<!tpu.dma_semaphore, #tpu.memory_space<semaphore_mem>>) src(%arg8 : memref<128x128xf32, #tpu.memory_space<vmem>>) dst(%dma_wait3A_132 : memref<10000x128xf32, #tpu.memory_space<vmem_shared>>)
      %add3A_133 = arith.constant 640 : i32
      %add3A_134 = arith.addi %multiple_of3A, %add3A_133 : i32
      %dma_start3A_135 = arith.constant 0 : i32
      %dma_start3A_136 = tpu.memref_slice %arg2[%add3A_134, %dma_start3A_135] : memref<80000x128xf32, #tpu.memory_space<hbm>> -> memref<128x128xf32, #tpu.memory_space<hbm>>
      %dma_start3A_137 = arith.constant 0 : i32
      %dma_start3A_138 = tpu.memref_slice %arg2[%add3A_134, %dma_start3A_137] : memref<80000x128xf32, #tpu.memory_space<hbm>> -> memref<128x128xf32, #tpu.memory_space<hbm>>
      tpu.enqueue_dma source(%dma_start3A_138 : memref<128x128xf32, #tpu.memory_space<hbm>>) target(%arg8 : memref<128x128xf32, #tpu.memory_space<vmem>>) target_semaphore(%arg10 : memref<!tpu.dma_semaphore, #tpu.memory_space<semaphore_mem>>)
      %dma_wait3A_139 = arith.constant 0 : i32
      %dma_wait3A_140 = tpu.memref_slice %arg2[%add3A_110, %dma_wait3A_139] : memref<80000x128xf32, #tpu.memory_space<hbm>> -> memref<128x128xf32, #tpu.memory_space<hbm>>
      %dma_wait3A_141 = arith.constant 0 : i32
      %dma_wait3A_142 = tpu.memref_slice %arg2[%add3A_110, %dma_wait3A_141] : memref<80000x128xf32, #tpu.memory_space<hbm>> -> memref<128x128xf32, #tpu.memory_space<hbm>>
      tpu.wait_dma2 semaphore(%arg10 : memref<!tpu.dma_semaphore, #tpu.memory_space<semaphore_mem>>) src(%dma_wait3A_142 : memref<128x128xf32, #tpu.memory_space<hbm>>) dst(%arg7 : memref<128x128xf32, #tpu.memory_space<vmem>>)
      %dma_start3A_143 = arith.constant 4 : i32
      %dma_start3A_144 = arith.constant 0 : i32
      %dma_start3A_145 = tpu.memref_slice %arg6[%dma_start3A_143, %dma_start3A_144] : memref<8x128xi32, #tpu.memory_space<vmem>> -> memref<1x128xi32, #tpu.memory_space<vmem>>
      %dma_start3A_146 = tpu.memref_squeeze %dma_start3A_145 : memref<1x128xi32, #tpu.memory_space<vmem>> -> memref<128xi32, #tpu.memory_space<vmem>>
      %dma_start3A_147 = arith.constant 0 : i32
      %dma_start3A_148 = arith.constant 0 : i32
      %dma_start3A_149 = tpu.memref_slice %arg9[%dma_start3A_147, %dma_start3A_148] : memref<10000x128xf32, #tpu.memory_space<vmem_shared>> -> memref<10000x128xf32, #tpu.memory_space<vmem_shared>>
      tpu.enqueue_indirect_dma source(%arg7 : memref<128x128xf32, #tpu.memory_space<vmem>>) target(%dma_start3A_149 : memref<10000x128xf32, #tpu.memory_space<vmem_shared>>) offsets(%dma_start3A_146 : memref<128xi32, #tpu.memory_space<vmem>>) semaphore(%arg11 : memref<!tpu.dma_semaphore, #tpu.memory_space<semaphore_mem>>) {add = true}
      %dma_wait3A_150 = arith.constant 4 : i32
      %dma_wait3A_151 = arith.constant 0 : i32
      %dma_wait3A_152 = tpu.memref_slice %arg6[%dma_wait3A_150, %dma_wait3A_151] : memref<8x128xi32, #tpu.memory_space<vmem>> -> memref<1x128xi32, #tpu.memory_space<vmem>>
      %dma_wait3A_153 = tpu.memref_squeeze %dma_wait3A_152 : memref<1x128xi32, #tpu.memory_space<vmem>> -> memref<128xi32, #tpu.memory_space<vmem>>
      %dma_wait3A_154 = arith.constant 0 : i32
      %dma_wait3A_155 = arith.constant 0 : i32
      %dma_wait3A_156 = tpu.memref_slice %arg9[%dma_wait3A_154, %dma_wait3A_155] : memref<10000x128xf32, #tpu.memory_space<vmem_shared>> -> memref<10000x128xf32, #tpu.memory_space<vmem_shared>>
      tpu.wait_indirect_dma semaphore(%arg11 : memref<!tpu.dma_semaphore, #tpu.memory_space<semaphore_mem>>) src(%arg7 : memref<128x128xf32, #tpu.memory_space<vmem>>) dst(%dma_wait3A_156 : memref<10000x128xf32, #tpu.memory_space<vmem_shared>>)
      %add3A_157 = arith.constant 768 : i32
      %add3A_158 = arith.addi %multiple_of3A, %add3A_157 : i32
      %dma_start3A_159 = arith.constant 0 : i32
      %dma_start3A_160 = tpu.memref_slice %arg2[%add3A_158, %dma_start3A_159] : memref<80000x128xf32, #tpu.memory_space<hbm>> -> memref<128x128xf32, #tpu.memory_space<hbm>>
      %dma_start3A_161 = arith.constant 0 : i32
      %dma_start3A_162 = tpu.memref_slice %arg2[%add3A_158, %dma_start3A_161] : memref<80000x128xf32, #tpu.memory_space<hbm>> -> memref<128x128xf32, #tpu.memory_space<hbm>>
      tpu.enqueue_dma source(%dma_start3A_162 : memref<128x128xf32, #tpu.memory_space<hbm>>) target(%arg7 : memref<128x128xf32, #tpu.memory_space<vmem>>) target_semaphore(%arg10 : memref<!tpu.dma_semaphore, #tpu.memory_space<semaphore_mem>>)
      %dma_wait3A_163 = arith.constant 0 : i32
      %dma_wait3A_164 = tpu.memref_slice %arg2[%add3A_134, %dma_wait3A_163] : memref<80000x128xf32, #tpu.memory_space<hbm>> -> memref<128x128xf32, #tpu.memory_space<hbm>>
      %dma_wait3A_165 = arith.constant 0 : i32
      %dma_wait3A_166 = tpu.memref_slice %arg2[%add3A_134, %dma_wait3A_165] : memref<80000x128xf32, #tpu.memory_space<hbm>> -> memref<128x128xf32, #tpu.memory_space<hbm>>
      tpu.wait_dma2 semaphore(%arg10 : memref<!tpu.dma_semaphore, #tpu.memory_space<semaphore_mem>>) src(%dma_wait3A_166 : memref<128x128xf32, #tpu.memory_space<hbm>>) dst(%arg8 : memref<128x128xf32, #tpu.memory_space<vmem>>)
      %dma_start3A_167 = arith.constant 5 : i32
      %dma_start3A_168 = arith.constant 0 : i32
      %dma_start3A_169 = tpu.memref_slice %arg6[%dma_start3A_167, %dma_start3A_168] : memref<8x128xi32, #tpu.memory_space<vmem>> -> memref<1x128xi32, #tpu.memory_space<vmem>>
      %dma_start3A_170 = tpu.memref_squeeze %dma_start3A_169 : memref<1x128xi32, #tpu.memory_space<vmem>> -> memref<128xi32, #tpu.memory_space<vmem>>
      %dma_start3A_171 = arith.constant 0 : i32
      %dma_start3A_172 = arith.constant 0 : i32
      %dma_start3A_173 = tpu.memref_slice %arg9[%dma_start3A_171, %dma_start3A_172] : memref<10000x128xf32, #tpu.memory_space<vmem_shared>> -> memref<10000x128xf32, #tpu.memory_space<vmem_shared>>
      tpu.enqueue_indirect_dma source(%arg8 : memref<128x128xf32, #tpu.memory_space<vmem>>) target(%dma_start3A_173 : memref<10000x128xf32, #tpu.memory_space<vmem_shared>>) offsets(%dma_start3A_170 : memref<128xi32, #tpu.memory_space<vmem>>) semaphore(%arg11 : memref<!tpu.dma_semaphore, #tpu.memory_space<semaphore_mem>>) {add = true}
      %dma_wait3A_174 = arith.constant 5 : i32
      %dma_wait3A_175 = arith.constant 0 : i32
      %dma_wait3A_176 = tpu.memref_slice %arg6[%dma_wait3A_174, %dma_wait3A_175] : memref<8x128xi32, #tpu.memory_space<vmem>> -> memref<1x128xi32, #tpu.memory_space<vmem>>
      %dma_wait3A_177 = tpu.memref_squeeze %dma_wait3A_176 : memref<1x128xi32, #tpu.memory_space<vmem>> -> memref<128xi32, #tpu.memory_space<vmem>>
      %dma_wait3A_178 = arith.constant 0 : i32
      %dma_wait3A_179 = arith.constant 0 : i32
      %dma_wait3A_180 = tpu.memref_slice %arg9[%dma_wait3A_178, %dma_wait3A_179] : memref<10000x128xf32, #tpu.memory_space<vmem_shared>> -> memref<10000x128xf32, #tpu.memory_space<vmem_shared>>
      tpu.wait_indirect_dma semaphore(%arg11 : memref<!tpu.dma_semaphore, #tpu.memory_space<semaphore_mem>>) src(%arg8 : memref<128x128xf32, #tpu.memory_space<vmem>>) dst(%dma_wait3A_180 : memref<10000x128xf32, #tpu.memory_space<vmem_shared>>)
      %add3A_181 = arith.constant 896 : i32
      %add3A_182 = arith.addi %multiple_of3A, %add3A_181 : i32
      %dma_start3A_183 = arith.constant 0 : i32
      %dma_start3A_184 = tpu.memref_slice %arg2[%add3A_182, %dma_start3A_183] : memref<80000x128xf32, #tpu.memory_space<hbm>> -> memref<128x128xf32, #tpu.memory_space<hbm>>
      %dma_start3A_185 = arith.constant 0 : i32
      %dma_start3A_186 = tpu.memref_slice %arg2[%add3A_182, %dma_start3A_185] : memref<80000x128xf32, #tpu.memory_space<hbm>> -> memref<128x128xf32, #tpu.memory_space<hbm>>
      tpu.enqueue_dma source(%dma_start3A_186 : memref<128x128xf32, #tpu.memory_space<hbm>>) target(%arg8 : memref<128x128xf32, #tpu.memory_space<vmem>>) target_semaphore(%arg10 : memref<!tpu.dma_semaphore, #tpu.memory_space<semaphore_mem>>)
      %dma_wait3A_187 = arith.constant 0 : i32
      %dma_wait3A_188 = tpu.memref_slice %arg2[%add3A_158, %dma_wait3A_187] : memref<80000x128xf32, #tpu.memory_space<hbm>> -> memref<128x128xf32, #tpu.memory_space<hbm>>
      %dma_wait3A_189 = arith.constant 0 : i32
      %dma_wait3A_190 = tpu.memref_slice %arg2[%add3A_158, %dma_wait3A_189] : memref<80000x128xf32, #tpu.memory_space<hbm>> -> memref<128x128xf32, #tpu.memory_space<hbm>>
      tpu.wait_dma2 semaphore(%arg10 : memref<!tpu.dma_semaphore, #tpu.memory_space<semaphore_mem>>) src(%dma_wait3A_190 : memref<128x128xf32, #tpu.memory_space<hbm>>) dst(%arg7 : memref<128x128xf32, #tpu.memory_space<vmem>>)
      %dma_start3A_191 = arith.constant 6 : i32
      %dma_start3A_192 = arith.constant 0 : i32
      %dma_start3A_193 = tpu.memref_slice %arg6[%dma_start3A_191, %dma_start3A_192] : memref<8x128xi32, #tpu.memory_space<vmem>> -> memref<1x128xi32, #tpu.memory_space<vmem>>
      %dma_start3A_194 = tpu.memref_squeeze %dma_start3A_193 : memref<1x128xi32, #tpu.memory_space<vmem>> -> memref<128xi32, #tpu.memory_space<vmem>>
      %dma_start3A_195 = arith.constant 0 : i32
      %dma_start3A_196 = arith.constant 0 : i32
      %dma_start3A_197 = tpu.memref_slice %arg9[%dma_start3A_195, %dma_start3A_196] : memref<10000x128xf32, #tpu.memory_space<vmem_shared>> -> memref<10000x128xf32, #tpu.memory_space<vmem_shared>>
      tpu.enqueue_indirect_dma source(%arg7 : memref<128x128xf32, #tpu.memory_space<vmem>>) target(%dma_start3A_197 : memref<10000x128xf32, #tpu.memory_space<vmem_shared>>) offsets(%dma_start3A_194 : memref<128xi32, #tpu.memory_space<vmem>>) semaphore(%arg11 : memref<!tpu.dma_semaphore, #tpu.memory_space<semaphore_mem>>) {add = true}
      %dma_wait3A_198 = arith.constant 0 : i32
      %dma_wait3A_199 = tpu.memref_slice %arg2[%add3A_182, %dma_wait3A_198] : memref<80000x128xf32, #tpu.memory_space<hbm>> -> memref<128x128xf32, #tpu.memory_space<hbm>>
      %dma_wait3A_200 = arith.constant 0 : i32
      %dma_wait3A_201 = tpu.memref_slice %arg2[%add3A_182, %dma_wait3A_200] : memref<80000x128xf32, #tpu.memory_space<hbm>> -> memref<128x128xf32, #tpu.memory_space<hbm>>
      tpu.wait_dma2 semaphore(%arg10 : memref<!tpu.dma_semaphore, #tpu.memory_space<semaphore_mem>>) src(%dma_wait3A_201 : memref<128x128xf32, #tpu.memory_space<hbm>>) dst(%arg8 : memref<128x128xf32, #tpu.memory_space<vmem>>)
      %dma_start3A_202 = arith.constant 7 : i32
      %dma_start3A_203 = arith.constant 0 : i32
      %dma_start3A_204 = tpu.memref_slice %arg6[%dma_start3A_202, %dma_start3A_203] : memref<8x128xi32, #tpu.memory_space<vmem>> -> memref<1x128xi32, #tpu.memory_space<vmem>>
      %dma_start3A_205 = tpu.memref_squeeze %dma_start3A_204 : memref<1x128xi32, #tpu.memory_space<vmem>> -> memref<128xi32, #tpu.memory_space<vmem>>
      %dma_start3A_206 = arith.constant 0 : i32
      %dma_start3A_207 = arith.constant 0 : i32
      %dma_start3A_208 = tpu.memref_slice %arg9[%dma_start3A_206, %dma_start3A_207] : memref<10000x128xf32, #tpu.memory_space<vmem_shared>> -> memref<10000x128xf32, #tpu.memory_space<vmem_shared>>
      tpu.enqueue_indirect_dma source(%arg8 : memref<128x128xf32, #tpu.memory_space<vmem>>) target(%dma_start3A_208 : memref<10000x128xf32, #tpu.memory_space<vmem_shared>>) offsets(%dma_start3A_205 : memref<128xi32, #tpu.memory_space<vmem>>) semaphore(%arg11 : memref<!tpu.dma_semaphore, #tpu.memory_space<semaphore_mem>>) {add = true}
      %dma_wait3A_209 = arith.constant 6 : i32
      %dma_wait3A_210 = arith.constant 0 : i32
      %dma_wait3A_211 = tpu.memref_slice %arg6[%dma_wait3A_209, %dma_wait3A_210] : memref<8x128xi32, #tpu.memory_space<vmem>> -> memref<1x128xi32, #tpu.memory_space<vmem>>
      %dma_wait3A_212 = tpu.memref_squeeze %dma_wait3A_211 : memref<1x128xi32, #tpu.memory_space<vmem>> -> memref<128xi32, #tpu.memory_space<vmem>>
      %dma_wait3A_213 = arith.constant 0 : i32
      %dma_wait3A_214 = arith.constant 0 : i32
      %dma_wait3A_215 = tpu.memref_slice %arg9[%dma_wait3A_213, %dma_wait3A_214] : memref<10000x128xf32, #tpu.memory_space<vmem_shared>> -> memref<10000x128xf32, #tpu.memory_space<vmem_shared>>
      tpu.wait_indirect_dma semaphore(%arg11 : memref<!tpu.dma_semaphore, #tpu.memory_space<semaphore_mem>>) src(%arg7 : memref<128x128xf32, #tpu.memory_space<vmem>>) dst(%dma_wait3A_215 : memref<10000x128xf32, #tpu.memory_space<vmem_shared>>)
      %dma_wait3A_216 = arith.constant 7 : i32
      %dma_wait3A_217 = arith.constant 0 : i32
      %dma_wait3A_218 = tpu.memref_slice %arg6[%dma_wait3A_216, %dma_wait3A_217] : memref<8x128xi32, #tpu.memory_space<vmem>> -> memref<1x128xi32, #tpu.memory_space<vmem>>
      %dma_wait3A_219 = tpu.memref_squeeze %dma_wait3A_218 : memref<1x128xi32, #tpu.memory_space<vmem>> -> memref<128xi32, #tpu.memory_space<vmem>>
      %dma_wait3A_220 = arith.constant 0 : i32
      %dma_wait3A_221 = arith.constant 0 : i32
      %dma_wait3A_222 = tpu.memref_slice %arg9[%dma_wait3A_220, %dma_wait3A_221] : memref<10000x128xf32, #tpu.memory_space<vmem_shared>> -> memref<10000x128xf32, #tpu.memory_space<vmem_shared>>
      tpu.wait_indirect_dma semaphore(%arg11 : memref<!tpu.dma_semaphore, #tpu.memory_space<semaphore_mem>>) src(%arg8 : memref<128x128xf32, #tpu.memory_space<vmem>>) dst(%dma_wait3A_222 : memref<10000x128xf32, #tpu.memory_space<vmem_shared>>)
    }
    %scan3A_7 = arith.constant 2 : i32
    %lt3A = arith.constant 14 : i32
    %lt3A_8 = arith.cmpi slt, %add3A, %lt3A : i32
    %convert_element_type3A_9 = arith.extui %lt3A_8 : i1 to i32
    %cond3A_10 = arith.constant 0 : i32
    %cond3A_11 = arith.cmpi ne, %convert_element_type3A_9, %cond3A_10 : i32
    scf.if %cond3A_11 {
      %add3A_24 = arith.constant 64 : i32
      %add3A_25 = arith.addi %add3A_24, %add3A : i32
      %mul3A_26 = arith.constant 1024 : i32
      %mul3A_27 = arith.muli %add3A_25, %mul3A_26 : i32
      %multiple_of3A = tpu.assume_multiple %mul3A_27, 1024 : i32
      %mul3A_28 = arith.constant 8 : i32
      %mul3A_29 = arith.muli %add3A_25, %mul3A_28 : i32
      %multiple_of3A_30 = tpu.assume_multiple %mul3A_29, 8 : i32
      "tpu.region"() ({
        %run_scoped3A = tpu.sem_alloc : memref<!tpu.dma_semaphore, #tpu.memory_space<semaphore_mem>>
        %dma_start3A_221 = arith.constant 0 : i32
        %dma_start3A_222 = tpu.memref_slice %arg3[%multiple_of3A_30, %dma_start3A_221] : memref<632x128xi32, #tpu.memory_space<hbm>> -> memref<8x128xi32, #tpu.memory_space<hbm>>
        %dma_start3A_223 = arith.constant 0 : i32
        %dma_start3A_224 = tpu.memref_slice %arg3[%multiple_of3A_30, %dma_start3A_223] : memref<632x128xi32, #tpu.memory_space<hbm>> -> memref<8x128xi32, #tpu.memory_space<hbm>>
        tpu.enqueue_dma source(%dma_start3A_224 : memref<8x128xi32, #tpu.memory_space<hbm>>) target(%arg6 : memref<8x128xi32, #tpu.memory_space<vmem>>) target_semaphore(%run_scoped3A : memref<!tpu.dma_semaphore, #tpu.memory_space<semaphore_mem>>)
        %dma_wait3A_225 = arith.constant 0 : i32
        %dma_wait3A_226 = tpu.memref_slice %arg3[%multiple_of3A_30, %dma_wait3A_225] : memref<632x128xi32, #tpu.memory_space<hbm>> -> memref<8x128xi32, #tpu.memory_space<hbm>>
        %dma_wait3A_227 = arith.constant 0 : i32
        %dma_wait3A_228 = tpu.memref_slice %arg3[%multiple_of3A_30, %dma_wait3A_227] : memref<632x128xi32, #tpu.memory_space<hbm>> -> memref<8x128xi32, #tpu.memory_space<hbm>>
        tpu.wait_dma2 semaphore(%run_scoped3A : memref<!tpu.dma_semaphore, #tpu.memory_space<semaphore_mem>>) src(%dma_wait3A_228 : memref<8x128xi32, #tpu.memory_space<hbm>>) dst(%arg6 : memref<8x128xi32, #tpu.memory_space<vmem>>)
        tpu.yield
      }) : () -> ()
      %add3A_31 = arith.constant 0 : i32
      %add3A_32 = arith.addi %multiple_of3A, %add3A_31 : i32
      %dma_start3A = arith.constant 0 : i32
      %dma_start3A_33 = tpu.memref_slice %arg2[%add3A_32, %dma_start3A] : memref<80000x128xf32, #tpu.memory_space<hbm>> -> memref<128x128xf32, #tpu.memory_space<hbm>>
      %dma_start3A_34 = arith.constant 0 : i32
      %dma_start3A_35 = tpu.memref_slice %arg2[%add3A_32, %dma_start3A_34] : memref<80000x128xf32, #tpu.memory_space<hbm>> -> memref<128x128xf32, #tpu.memory_space<hbm>>
      tpu.enqueue_dma source(%dma_start3A_35 : memref<128x128xf32, #tpu.memory_space<hbm>>) target(%arg7 : memref<128x128xf32, #tpu.memory_space<vmem>>) target_semaphore(%arg10 : memref<!tpu.dma_semaphore, #tpu.memory_space<semaphore_mem>>)
      %add3A_36 = arith.constant 128 : i32
      %add3A_37 = arith.addi %multiple_of3A, %add3A_36 : i32
      %dma_start3A_38 = arith.constant 0 : i32
      %dma_start3A_39 = tpu.memref_slice %arg2[%add3A_37, %dma_start3A_38] : memref<80000x128xf32, #tpu.memory_space<hbm>> -> memref<128x128xf32, #tpu.memory_space<hbm>>
      %dma_start3A_40 = arith.constant 0 : i32
      %dma_start3A_41 = tpu.memref_slice %arg2[%add3A_37, %dma_start3A_40] : memref<80000x128xf32, #tpu.memory_space<hbm>> -> memref<128x128xf32, #tpu.memory_space<hbm>>
      tpu.enqueue_dma source(%dma_start3A_41 : memref<128x128xf32, #tpu.memory_space<hbm>>) target(%arg8 : memref<128x128xf32, #tpu.memory_space<vmem>>) target_semaphore(%arg10 : memref<!tpu.dma_semaphore, #tpu.memory_space<semaphore_mem>>)
      %dma_wait3A = arith.constant 0 : i32
      %dma_wait3A_42 = tpu.memref_slice %arg2[%add3A_32, %dma_wait3A] : memref<80000x128xf32, #tpu.memory_space<hbm>> -> memref<128x128xf32, #tpu.memory_space<hbm>>
      %dma_wait3A_43 = arith.constant 0 : i32
      %dma_wait3A_44 = tpu.memref_slice %arg2[%add3A_32, %dma_wait3A_43] : memref<80000x128xf32, #tpu.memory_space<hbm>> -> memref<128x128xf32, #tpu.memory_space<hbm>>
      tpu.wait_dma2 semaphore(%arg10 : memref<!tpu.dma_semaphore, #tpu.memory_space<semaphore_mem>>) src(%dma_wait3A_44 : memref<128x128xf32, #tpu.memory_space<hbm>>) dst(%arg7 : memref<128x128xf32, #tpu.memory_space<vmem>>)
      %dma_start3A_45 = arith.constant 0 : i32
      %dma_start3A_46 = arith.constant 0 : i32
      %dma_start3A_47 = tpu.memref_slice %arg6[%dma_start3A_45, %dma_start3A_46] : memref<8x128xi32, #tpu.memory_space<vmem>> -> memref<1x128xi32, #tpu.memory_space<vmem>>
      %dma_start3A_48 = tpu.memref_squeeze %dma_start3A_47 : memref<1x128xi32, #tpu.memory_space<vmem>> -> memref<128xi32, #tpu.memory_space<vmem>>
      %dma_start3A_49 = arith.constant 0 : i32
      %dma_start3A_50 = arith.constant 0 : i32
      %dma_start3A_51 = tpu.memref_slice %arg9[%dma_start3A_49, %dma_start3A_50] : memref<10000x128xf32, #tpu.memory_space<vmem_shared>> -> memref<10000x128xf32, #tpu.memory_space<vmem_shared>>
      tpu.enqueue_indirect_dma source(%arg7 : memref<128x128xf32, #tpu.memory_space<vmem>>) target(%dma_start3A_51 : memref<10000x128xf32, #tpu.memory_space<vmem_shared>>) offsets(%dma_start3A_48 : memref<128xi32, #tpu.memory_space<vmem>>) semaphore(%arg11 : memref<!tpu.dma_semaphore, #tpu.memory_space<semaphore_mem>>) {add = true}
      %dma_wait3A_52 = arith.constant 0 : i32
      %dma_wait3A_53 = arith.constant 0 : i32
      %dma_wait3A_54 = tpu.memref_slice %arg6[%dma_wait3A_52, %dma_wait3A_53] : memref<8x128xi32, #tpu.memory_space<vmem>> -> memref<1x128xi32, #tpu.memory_space<vmem>>
      %dma_wait3A_55 = tpu.memref_squeeze %dma_wait3A_54 : memref<1x128xi32, #tpu.memory_space<vmem>> -> memref<128xi32, #tpu.memory_space<vmem>>
      %dma_wait3A_56 = arith.constant 0 : i32
      %dma_wait3A_57 = arith.constant 0 : i32
      %dma_wait3A_58 = tpu.memref_slice %arg9[%dma_wait3A_56, %dma_wait3A_57] : memref<10000x128xf32, #tpu.memory_space<vmem_shared>> -> memref<10000x128xf32, #tpu.memory_space<vmem_shared>>
      tpu.wait_indirect_dma semaphore(%arg11 : memref<!tpu.dma_semaphore, #tpu.memory_space<semaphore_mem>>) src(%arg7 : memref<128x128xf32, #tpu.memory_space<vmem>>) dst(%dma_wait3A_58 : memref<10000x128xf32, #tpu.memory_space<vmem_shared>>)
      %add3A_59 = arith.constant 256 : i32
      %add3A_60 = arith.addi %multiple_of3A, %add3A_59 : i32
      %dma_start3A_61 = arith.constant 0 : i32
      %dma_start3A_62 = tpu.memref_slice %arg2[%add3A_60, %dma_start3A_61] : memref<80000x128xf32, #tpu.memory_space<hbm>> -> memref<128x128xf32, #tpu.memory_space<hbm>>
      %dma_start3A_63 = arith.constant 0 : i32
      %dma_start3A_64 = tpu.memref_slice %arg2[%add3A_60, %dma_start3A_63] : memref<80000x128xf32, #tpu.memory_space<hbm>> -> memref<128x128xf32, #tpu.memory_space<hbm>>
      tpu.enqueue_dma source(%dma_start3A_64 : memref<128x128xf32, #tpu.memory_space<hbm>>) target(%arg7 : memref<128x128xf32, #tpu.memory_space<vmem>>) target_semaphore(%arg10 : memref<!tpu.dma_semaphore, #tpu.memory_space<semaphore_mem>>)
      %dma_wait3A_65 = arith.constant 0 : i32
      %dma_wait3A_66 = tpu.memref_slice %arg2[%add3A_37, %dma_wait3A_65] : memref<80000x128xf32, #tpu.memory_space<hbm>> -> memref<128x128xf32, #tpu.memory_space<hbm>>
      %dma_wait3A_67 = arith.constant 0 : i32
      %dma_wait3A_68 = tpu.memref_slice %arg2[%add3A_37, %dma_wait3A_67] : memref<80000x128xf32, #tpu.memory_space<hbm>> -> memref<128x128xf32, #tpu.memory_space<hbm>>
      tpu.wait_dma2 semaphore(%arg10 : memref<!tpu.dma_semaphore, #tpu.memory_space<semaphore_mem>>) src(%dma_wait3A_68 : memref<128x128xf32, #tpu.memory_space<hbm>>) dst(%arg8 : memref<128x128xf32, #tpu.memory_space<vmem>>)
      %dma_start3A_69 = arith.constant 1 : i32
      %dma_start3A_70 = arith.constant 0 : i32
      %dma_start3A_71 = tpu.memref_slice %arg6[%dma_start3A_69, %dma_start3A_70] : memref<8x128xi32, #tpu.memory_space<vmem>> -> memref<1x128xi32, #tpu.memory_space<vmem>>
      %dma_start3A_72 = tpu.memref_squeeze %dma_start3A_71 : memref<1x128xi32, #tpu.memory_space<vmem>> -> memref<128xi32, #tpu.memory_space<vmem>>
      %dma_start3A_73 = arith.constant 0 : i32
      %dma_start3A_74 = arith.constant 0 : i32
      %dma_start3A_75 = tpu.memref_slice %arg9[%dma_start3A_73, %dma_start3A_74] : memref<10000x128xf32, #tpu.memory_space<vmem_shared>> -> memref<10000x128xf32, #tpu.memory_space<vmem_shared>>
      tpu.enqueue_indirect_dma source(%arg8 : memref<128x128xf32, #tpu.memory_space<vmem>>) target(%dma_start3A_75 : memref<10000x128xf32, #tpu.memory_space<vmem_shared>>) offsets(%dma_start3A_72 : memref<128xi32, #tpu.memory_space<vmem>>) semaphore(%arg11 : memref<!tpu.dma_semaphore, #tpu.memory_space<semaphore_mem>>) {add = true}
      %dma_wait3A_76 = arith.constant 1 : i32
      %dma_wait3A_77 = arith.constant 0 : i32
      %dma_wait3A_78 = tpu.memref_slice %arg6[%dma_wait3A_76, %dma_wait3A_77] : memref<8x128xi32, #tpu.memory_space<vmem>> -> memref<1x128xi32, #tpu.memory_space<vmem>>
      %dma_wait3A_79 = tpu.memref_squeeze %dma_wait3A_78 : memref<1x128xi32, #tpu.memory_space<vmem>> -> memref<128xi32, #tpu.memory_space<vmem>>
      %dma_wait3A_80 = arith.constant 0 : i32
      %dma_wait3A_81 = arith.constant 0 : i32
      %dma_wait3A_82 = tpu.memref_slice %arg9[%dma_wait3A_80, %dma_wait3A_81] : memref<10000x128xf32, #tpu.memory_space<vmem_shared>> -> memref<10000x128xf32, #tpu.memory_space<vmem_shared>>
      tpu.wait_indirect_dma semaphore(%arg11 : memref<!tpu.dma_semaphore, #tpu.memory_space<semaphore_mem>>) src(%arg8 : memref<128x128xf32, #tpu.memory_space<vmem>>) dst(%dma_wait3A_82 : memref<10000x128xf32, #tpu.memory_space<vmem_shared>>)
      %add3A_83 = arith.constant 384 : i32
      %add3A_84 = arith.addi %multiple_of3A, %add3A_83 : i32
      %dma_start3A_85 = arith.constant 0 : i32
      %dma_start3A_86 = tpu.memref_slice %arg2[%add3A_84, %dma_start3A_85] : memref<80000x128xf32, #tpu.memory_space<hbm>> -> memref<128x128xf32, #tpu.memory_space<hbm>>
      %dma_start3A_87 = arith.constant 0 : i32
      %dma_start3A_88 = tpu.memref_slice %arg2[%add3A_84, %dma_start3A_87] : memref<80000x128xf32, #tpu.memory_space<hbm>> -> memref<128x128xf32, #tpu.memory_space<hbm>>
      tpu.enqueue_dma source(%dma_start3A_88 : memref<128x128xf32, #tpu.memory_space<hbm>>) target(%arg8 : memref<128x128xf32, #tpu.memory_space<vmem>>) target_semaphore(%arg10 : memref<!tpu.dma_semaphore, #tpu.memory_space<semaphore_mem>>)
      %dma_wait3A_89 = arith.constant 0 : i32
      %dma_wait3A_90 = tpu.memref_slice %arg2[%add3A_60, %dma_wait3A_89] : memref<80000x128xf32, #tpu.memory_space<hbm>> -> memref<128x128xf32, #tpu.memory_space<hbm>>
      %dma_wait3A_91 = arith.constant 0 : i32
      %dma_wait3A_92 = tpu.memref_slice %arg2[%add3A_60, %dma_wait3A_91] : memref<80000x128xf32, #tpu.memory_space<hbm>> -> memref<128x128xf32, #tpu.memory_space<hbm>>
      tpu.wait_dma2 semaphore(%arg10 : memref<!tpu.dma_semaphore, #tpu.memory_space<semaphore_mem>>) src(%dma_wait3A_92 : memref<128x128xf32, #tpu.memory_space<hbm>>) dst(%arg7 : memref<128x128xf32, #tpu.memory_space<vmem>>)
      %dma_start3A_93 = arith.constant 2 : i32
      %dma_start3A_94 = arith.constant 0 : i32
      %dma_start3A_95 = tpu.memref_slice %arg6[%dma_start3A_93, %dma_start3A_94] : memref<8x128xi32, #tpu.memory_space<vmem>> -> memref<1x128xi32, #tpu.memory_space<vmem>>
      %dma_start3A_96 = tpu.memref_squeeze %dma_start3A_95 : memref<1x128xi32, #tpu.memory_space<vmem>> -> memref<128xi32, #tpu.memory_space<vmem>>
      %dma_start3A_97 = arith.constant 0 : i32
      %dma_start3A_98 = arith.constant 0 : i32
      %dma_start3A_99 = tpu.memref_slice %arg9[%dma_start3A_97, %dma_start3A_98] : memref<10000x128xf32, #tpu.memory_space<vmem_shared>> -> memref<10000x128xf32, #tpu.memory_space<vmem_shared>>
      tpu.enqueue_indirect_dma source(%arg7 : memref<128x128xf32, #tpu.memory_space<vmem>>) target(%dma_start3A_99 : memref<10000x128xf32, #tpu.memory_space<vmem_shared>>) offsets(%dma_start3A_96 : memref<128xi32, #tpu.memory_space<vmem>>) semaphore(%arg11 : memref<!tpu.dma_semaphore, #tpu.memory_space<semaphore_mem>>) {add = true}
      %dma_wait3A_100 = arith.constant 2 : i32
      %dma_wait3A_101 = arith.constant 0 : i32
      %dma_wait3A_102 = tpu.memref_slice %arg6[%dma_wait3A_100, %dma_wait3A_101] : memref<8x128xi32, #tpu.memory_space<vmem>> -> memref<1x128xi32, #tpu.memory_space<vmem>>
      %dma_wait3A_103 = tpu.memref_squeeze %dma_wait3A_102 : memref<1x128xi32, #tpu.memory_space<vmem>> -> memref<128xi32, #tpu.memory_space<vmem>>
      %dma_wait3A_104 = arith.constant 0 : i32
      %dma_wait3A_105 = arith.constant 0 : i32
      %dma_wait3A_106 = tpu.memref_slice %arg9[%dma_wait3A_104, %dma_wait3A_105] : memref<10000x128xf32, #tpu.memory_space<vmem_shared>> -> memref<10000x128xf32, #tpu.memory_space<vmem_shared>>
      tpu.wait_indirect_dma semaphore(%arg11 : memref<!tpu.dma_semaphore, #tpu.memory_space<semaphore_mem>>) src(%arg7 : memref<128x128xf32, #tpu.memory_space<vmem>>) dst(%dma_wait3A_106 : memref<10000x128xf32, #tpu.memory_space<vmem_shared>>)
      %add3A_107 = arith.constant 512 : i32
      %add3A_108 = arith.addi %multiple_of3A, %add3A_107 : i32
      %dma_start3A_109 = arith.constant 0 : i32
      %dma_start3A_110 = tpu.memref_slice %arg2[%add3A_108, %dma_start3A_109] : memref<80000x128xf32, #tpu.memory_space<hbm>> -> memref<128x128xf32, #tpu.memory_space<hbm>>
      %dma_start3A_111 = arith.constant 0 : i32
      %dma_start3A_112 = tpu.memref_slice %arg2[%add3A_108, %dma_start3A_111] : memref<80000x128xf32, #tpu.memory_space<hbm>> -> memref<128x128xf32, #tpu.memory_space<hbm>>
      tpu.enqueue_dma source(%dma_start3A_112 : memref<128x128xf32, #tpu.memory_space<hbm>>) target(%arg7 : memref<128x128xf32, #tpu.memory_space<vmem>>) target_semaphore(%arg10 : memref<!tpu.dma_semaphore, #tpu.memory_space<semaphore_mem>>)
      %dma_wait3A_113 = arith.constant 0 : i32
      %dma_wait3A_114 = tpu.memref_slice %arg2[%add3A_84, %dma_wait3A_113] : memref<80000x128xf32, #tpu.memory_space<hbm>> -> memref<128x128xf32, #tpu.memory_space<hbm>>
      %dma_wait3A_115 = arith.constant 0 : i32
      %dma_wait3A_116 = tpu.memref_slice %arg2[%add3A_84, %dma_wait3A_115] : memref<80000x128xf32, #tpu.memory_space<hbm>> -> memref<128x128xf32, #tpu.memory_space<hbm>>
      tpu.wait_dma2 semaphore(%arg10 : memref<!tpu.dma_semaphore, #tpu.memory_space<semaphore_mem>>) src(%dma_wait3A_116 : memref<128x128xf32, #tpu.memory_space<hbm>>) dst(%arg8 : memref<128x128xf32, #tpu.memory_space<vmem>>)
      %dma_start3A_117 = arith.constant 3 : i32
      %dma_start3A_118 = arith.constant 0 : i32
      %dma_start3A_119 = tpu.memref_slice %arg6[%dma_start3A_117, %dma_start3A_118] : memref<8x128xi32, #tpu.memory_space<vmem>> -> memref<1x128xi32, #tpu.memory_space<vmem>>
      %dma_start3A_120 = tpu.memref_squeeze %dma_start3A_119 : memref<1x128xi32, #tpu.memory_space<vmem>> -> memref<128xi32, #tpu.memory_space<vmem>>
      %dma_start3A_121 = arith.constant 0 : i32
      %dma_start3A_122 = arith.constant 0 : i32
      %dma_start3A_123 = tpu.memref_slice %arg9[%dma_start3A_121, %dma_start3A_122] : memref<10000x128xf32, #tpu.memory_space<vmem_shared>> -> memref<10000x128xf32, #tpu.memory_space<vmem_shared>>
      tpu.enqueue_indirect_dma source(%arg8 : memref<128x128xf32, #tpu.memory_space<vmem>>) target(%dma_start3A_123 : memref<10000x128xf32, #tpu.memory_space<vmem_shared>>) offsets(%dma_start3A_120 : memref<128xi32, #tpu.memory_space<vmem>>) semaphore(%arg11 : memref<!tpu.dma_semaphore, #tpu.memory_space<semaphore_mem>>) {add = true}
      %dma_wait3A_124 = arith.constant 3 : i32
      %dma_wait3A_125 = arith.constant 0 : i32
      %dma_wait3A_126 = tpu.memref_slice %arg6[%dma_wait3A_124, %dma_wait3A_125] : memref<8x128xi32, #tpu.memory_space<vmem>> -> memref<1x128xi32, #tpu.memory_space<vmem>>
      %dma_wait3A_127 = tpu.memref_squeeze %dma_wait3A_126 : memref<1x128xi32, #tpu.memory_space<vmem>> -> memref<128xi32, #tpu.memory_space<vmem>>
      %dma_wait3A_128 = arith.constant 0 : i32
      %dma_wait3A_129 = arith.constant 0 : i32
      %dma_wait3A_130 = tpu.memref_slice %arg9[%dma_wait3A_128, %dma_wait3A_129] : memref<10000x128xf32, #tpu.memory_space<vmem_shared>> -> memref<10000x128xf32, #tpu.memory_space<vmem_shared>>
      tpu.wait_indirect_dma semaphore(%arg11 : memref<!tpu.dma_semaphore, #tpu.memory_space<semaphore_mem>>) src(%arg8 : memref<128x128xf32, #tpu.memory_space<vmem>>) dst(%dma_wait3A_130 : memref<10000x128xf32, #tpu.memory_space<vmem_shared>>)
      %add3A_131 = arith.constant 640 : i32
      %add3A_132 = arith.addi %multiple_of3A, %add3A_131 : i32
      %dma_start3A_133 = arith.constant 0 : i32
      %dma_start3A_134 = tpu.memref_slice %arg2[%add3A_132, %dma_start3A_133] : memref<80000x128xf32, #tpu.memory_space<hbm>> -> memref<128x128xf32, #tpu.memory_space<hbm>>
      %dma_start3A_135 = arith.constant 0 : i32
      %dma_start3A_136 = tpu.memref_slice %arg2[%add3A_132, %dma_start3A_135] : memref<80000x128xf32, #tpu.memory_space<hbm>> -> memref<128x128xf32, #tpu.memory_space<hbm>>
      tpu.enqueue_dma source(%dma_start3A_136 : memref<128x128xf32, #tpu.memory_space<hbm>>) target(%arg8 : memref<128x128xf32, #tpu.memory_space<vmem>>) target_semaphore(%arg10 : memref<!tpu.dma_semaphore, #tpu.memory_space<semaphore_mem>>)
      %dma_wait3A_137 = arith.constant 0 : i32
      %dma_wait3A_138 = tpu.memref_slice %arg2[%add3A_108, %dma_wait3A_137] : memref<80000x128xf32, #tpu.memory_space<hbm>> -> memref<128x128xf32, #tpu.memory_space<hbm>>
      %dma_wait3A_139 = arith.constant 0 : i32
      %dma_wait3A_140 = tpu.memref_slice %arg2[%add3A_108, %dma_wait3A_139] : memref<80000x128xf32, #tpu.memory_space<hbm>> -> memref<128x128xf32, #tpu.memory_space<hbm>>
      tpu.wait_dma2 semaphore(%arg10 : memref<!tpu.dma_semaphore, #tpu.memory_space<semaphore_mem>>) src(%dma_wait3A_140 : memref<128x128xf32, #tpu.memory_space<hbm>>) dst(%arg7 : memref<128x128xf32, #tpu.memory_space<vmem>>)
      %dma_start3A_141 = arith.constant 4 : i32
      %dma_start3A_142 = arith.constant 0 : i32
      %dma_start3A_143 = tpu.memref_slice %arg6[%dma_start3A_141, %dma_start3A_142] : memref<8x128xi32, #tpu.memory_space<vmem>> -> memref<1x128xi32, #tpu.memory_space<vmem>>
      %dma_start3A_144 = tpu.memref_squeeze %dma_start3A_143 : memref<1x128xi32, #tpu.memory_space<vmem>> -> memref<128xi32, #tpu.memory_space<vmem>>
      %dma_start3A_145 = arith.constant 0 : i32
      %dma_start3A_146 = arith.constant 0 : i32
      %dma_start3A_147 = tpu.memref_slice %arg9[%dma_start3A_145, %dma_start3A_146] : memref<10000x128xf32, #tpu.memory_space<vmem_shared>> -> memref<10000x128xf32, #tpu.memory_space<vmem_shared>>
      tpu.enqueue_indirect_dma source(%arg7 : memref<128x128xf32, #tpu.memory_space<vmem>>) target(%dma_start3A_147 : memref<10000x128xf32, #tpu.memory_space<vmem_shared>>) offsets(%dma_start3A_144 : memref<128xi32, #tpu.memory_space<vmem>>) semaphore(%arg11 : memref<!tpu.dma_semaphore, #tpu.memory_space<semaphore_mem>>) {add = true}
      %dma_wait3A_148 = arith.constant 4 : i32
      %dma_wait3A_149 = arith.constant 0 : i32
      %dma_wait3A_150 = tpu.memref_slice %arg6[%dma_wait3A_148, %dma_wait3A_149] : memref<8x128xi32, #tpu.memory_space<vmem>> -> memref<1x128xi32, #tpu.memory_space<vmem>>
      %dma_wait3A_151 = tpu.memref_squeeze %dma_wait3A_150 : memref<1x128xi32, #tpu.memory_space<vmem>> -> memref<128xi32, #tpu.memory_space<vmem>>
      %dma_wait3A_152 = arith.constant 0 : i32
      %dma_wait3A_153 = arith.constant 0 : i32
      %dma_wait3A_154 = tpu.memref_slice %arg9[%dma_wait3A_152, %dma_wait3A_153] : memref<10000x128xf32, #tpu.memory_space<vmem_shared>> -> memref<10000x128xf32, #tpu.memory_space<vmem_shared>>
      tpu.wait_indirect_dma semaphore(%arg11 : memref<!tpu.dma_semaphore, #tpu.memory_space<semaphore_mem>>) src(%arg7 : memref<128x128xf32, #tpu.memory_space<vmem>>) dst(%dma_wait3A_154 : memref<10000x128xf32, #tpu.memory_space<vmem_shared>>)
      %add3A_155 = arith.constant 768 : i32
      %add3A_156 = arith.addi %multiple_of3A, %add3A_155 : i32
      %dma_start3A_157 = arith.constant 0 : i32
      %dma_start3A_158 = tpu.memref_slice %arg2[%add3A_156, %dma_start3A_157] : memref<80000x128xf32, #tpu.memory_space<hbm>> -> memref<128x128xf32, #tpu.memory_space<hbm>>
      %dma_start3A_159 = arith.constant 0 : i32
      %dma_start3A_160 = tpu.memref_slice %arg2[%add3A_156, %dma_start3A_159] : memref<80000x128xf32, #tpu.memory_space<hbm>> -> memref<128x128xf32, #tpu.memory_space<hbm>>
      tpu.enqueue_dma source(%dma_start3A_160 : memref<128x128xf32, #tpu.memory_space<hbm>>) target(%arg7 : memref<128x128xf32, #tpu.memory_space<vmem>>) target_semaphore(%arg10 : memref<!tpu.dma_semaphore, #tpu.memory_space<semaphore_mem>>)
      %dma_wait3A_161 = arith.constant 0 : i32
      %dma_wait3A_162 = tpu.memref_slice %arg2[%add3A_132, %dma_wait3A_161] : memref<80000x128xf32, #tpu.memory_space<hbm>> -> memref<128x128xf32, #tpu.memory_space<hbm>>
      %dma_wait3A_163 = arith.constant 0 : i32
      %dma_wait3A_164 = tpu.memref_slice %arg2[%add3A_132, %dma_wait3A_163] : memref<80000x128xf32, #tpu.memory_space<hbm>> -> memref<128x128xf32, #tpu.memory_space<hbm>>
      tpu.wait_dma2 semaphore(%arg10 : memref<!tpu.dma_semaphore, #tpu.memory_space<semaphore_mem>>) src(%dma_wait3A_164 : memref<128x128xf32, #tpu.memory_space<hbm>>) dst(%arg8 : memref<128x128xf32, #tpu.memory_space<vmem>>)
      %dma_start3A_165 = arith.constant 5 : i32
      %dma_start3A_166 = arith.constant 0 : i32
      %dma_start3A_167 = tpu.memref_slice %arg6[%dma_start3A_165, %dma_start3A_166] : memref<8x128xi32, #tpu.memory_space<vmem>> -> memref<1x128xi32, #tpu.memory_space<vmem>>
      %dma_start3A_168 = tpu.memref_squeeze %dma_start3A_167 : memref<1x128xi32, #tpu.memory_space<vmem>> -> memref<128xi32, #tpu.memory_space<vmem>>
      %dma_start3A_169 = arith.constant 0 : i32
      %dma_start3A_170 = arith.constant 0 : i32
      %dma_start3A_171 = tpu.memref_slice %arg9[%dma_start3A_169, %dma_start3A_170] : memref<10000x128xf32, #tpu.memory_space<vmem_shared>> -> memref<10000x128xf32, #tpu.memory_space<vmem_shared>>
      tpu.enqueue_indirect_dma source(%arg8 : memref<128x128xf32, #tpu.memory_space<vmem>>) target(%dma_start3A_171 : memref<10000x128xf32, #tpu.memory_space<vmem_shared>>) offsets(%dma_start3A_168 : memref<128xi32, #tpu.memory_space<vmem>>) semaphore(%arg11 : memref<!tpu.dma_semaphore, #tpu.memory_space<semaphore_mem>>) {add = true}
      %dma_wait3A_172 = arith.constant 5 : i32
      %dma_wait3A_173 = arith.constant 0 : i32
      %dma_wait3A_174 = tpu.memref_slice %arg6[%dma_wait3A_172, %dma_wait3A_173] : memref<8x128xi32, #tpu.memory_space<vmem>> -> memref<1x128xi32, #tpu.memory_space<vmem>>
      %dma_wait3A_175 = tpu.memref_squeeze %dma_wait3A_174 : memref<1x128xi32, #tpu.memory_space<vmem>> -> memref<128xi32, #tpu.memory_space<vmem>>
      %dma_wait3A_176 = arith.constant 0 : i32
      %dma_wait3A_177 = arith.constant 0 : i32
      %dma_wait3A_178 = tpu.memref_slice %arg9[%dma_wait3A_176, %dma_wait3A_177] : memref<10000x128xf32, #tpu.memory_space<vmem_shared>> -> memref<10000x128xf32, #tpu.memory_space<vmem_shared>>
      tpu.wait_indirect_dma semaphore(%arg11 : memref<!tpu.dma_semaphore, #tpu.memory_space<semaphore_mem>>) src(%arg8 : memref<128x128xf32, #tpu.memory_space<vmem>>) dst(%dma_wait3A_178 : memref<10000x128xf32, #tpu.memory_space<vmem_shared>>)
      %add3A_179 = arith.constant 896 : i32
      %add3A_180 = arith.addi %multiple_of3A, %add3A_179 : i32
      %dma_start3A_181 = arith.constant 0 : i32
      %dma_start3A_182 = tpu.memref_slice %arg2[%add3A_180, %dma_start3A_181] : memref<80000x128xf32, #tpu.memory_space<hbm>> -> memref<128x128xf32, #tpu.memory_space<hbm>>
      %dma_start3A_183 = arith.constant 0 : i32
      %dma_start3A_184 = tpu.memref_slice %arg2[%add3A_180, %dma_start3A_183] : memref<80000x128xf32, #tpu.memory_space<hbm>> -> memref<128x128xf32, #tpu.memory_space<hbm>>
      tpu.enqueue_dma source(%dma_start3A_184 : memref<128x128xf32, #tpu.memory_space<hbm>>) target(%arg8 : memref<128x128xf32, #tpu.memory_space<vmem>>) target_semaphore(%arg10 : memref<!tpu.dma_semaphore, #tpu.memory_space<semaphore_mem>>)
      %dma_wait3A_185 = arith.constant 0 : i32
      %dma_wait3A_186 = tpu.memref_slice %arg2[%add3A_156, %dma_wait3A_185] : memref<80000x128xf32, #tpu.memory_space<hbm>> -> memref<128x128xf32, #tpu.memory_space<hbm>>
      %dma_wait3A_187 = arith.constant 0 : i32
      %dma_wait3A_188 = tpu.memref_slice %arg2[%add3A_156, %dma_wait3A_187] : memref<80000x128xf32, #tpu.memory_space<hbm>> -> memref<128x128xf32, #tpu.memory_space<hbm>>
      tpu.wait_dma2 semaphore(%arg10 : memref<!tpu.dma_semaphore, #tpu.memory_space<semaphore_mem>>) src(%dma_wait3A_188 : memref<128x128xf32, #tpu.memory_space<hbm>>) dst(%arg7 : memref<128x128xf32, #tpu.memory_space<vmem>>)
      %dma_start3A_189 = arith.constant 6 : i32
      %dma_start3A_190 = arith.constant 0 : i32
      %dma_start3A_191 = tpu.memref_slice %arg6[%dma_start3A_189, %dma_start3A_190] : memref<8x128xi32, #tpu.memory_space<vmem>> -> memref<1x128xi32, #tpu.memory_space<vmem>>
      %dma_start3A_192 = tpu.memref_squeeze %dma_start3A_191 : memref<1x128xi32, #tpu.memory_space<vmem>> -> memref<128xi32, #tpu.memory_space<vmem>>
      %dma_start3A_193 = arith.constant 0 : i32
      %dma_start3A_194 = arith.constant 0 : i32
      %dma_start3A_195 = tpu.memref_slice %arg9[%dma_start3A_193, %dma_start3A_194] : memref<10000x128xf32, #tpu.memory_space<vmem_shared>> -> memref<10000x128xf32, #tpu.memory_space<vmem_shared>>
      tpu.enqueue_indirect_dma source(%arg7 : memref<128x128xf32, #tpu.memory_space<vmem>>) target(%dma_start3A_195 : memref<10000x128xf32, #tpu.memory_space<vmem_shared>>) offsets(%dma_start3A_192 : memref<128xi32, #tpu.memory_space<vmem>>) semaphore(%arg11 : memref<!tpu.dma_semaphore, #tpu.memory_space<semaphore_mem>>) {add = true}
      %dma_wait3A_196 = arith.constant 0 : i32
      %dma_wait3A_197 = tpu.memref_slice %arg2[%add3A_180, %dma_wait3A_196] : memref<80000x128xf32, #tpu.memory_space<hbm>> -> memref<128x128xf32, #tpu.memory_space<hbm>>
      %dma_wait3A_198 = arith.constant 0 : i32
      %dma_wait3A_199 = tpu.memref_slice %arg2[%add3A_180, %dma_wait3A_198] : memref<80000x128xf32, #tpu.memory_space<hbm>> -> memref<128x128xf32, #tpu.memory_space<hbm>>
      tpu.wait_dma2 semaphore(%arg10 : memref<!tpu.dma_semaphore, #tpu.memory_space<semaphore_mem>>) src(%dma_wait3A_199 : memref<128x128xf32, #tpu.memory_space<hbm>>) dst(%arg8 : memref<128x128xf32, #tpu.memory_space<vmem>>)
      %dma_start3A_200 = arith.constant 7 : i32
      %dma_start3A_201 = arith.constant 0 : i32
      %dma_start3A_202 = tpu.memref_slice %arg6[%dma_start3A_200, %dma_start3A_201] : memref<8x128xi32, #tpu.memory_space<vmem>> -> memref<1x128xi32, #tpu.memory_space<vmem>>
      %dma_start3A_203 = tpu.memref_squeeze %dma_start3A_202 : memref<1x128xi32, #tpu.memory_space<vmem>> -> memref<128xi32, #tpu.memory_space<vmem>>
      %dma_start3A_204 = arith.constant 0 : i32
      %dma_start3A_205 = arith.constant 0 : i32
      %dma_start3A_206 = tpu.memref_slice %arg9[%dma_start3A_204, %dma_start3A_205] : memref<10000x128xf32, #tpu.memory_space<vmem_shared>> -> memref<10000x128xf32, #tpu.memory_space<vmem_shared>>
      tpu.enqueue_indirect_dma source(%arg8 : memref<128x128xf32, #tpu.memory_space<vmem>>) target(%dma_start3A_206 : memref<10000x128xf32, #tpu.memory_space<vmem_shared>>) offsets(%dma_start3A_203 : memref<128xi32, #tpu.memory_space<vmem>>) semaphore(%arg11 : memref<!tpu.dma_semaphore, #tpu.memory_space<semaphore_mem>>) {add = true}
      %dma_wait3A_207 = arith.constant 6 : i32
      %dma_wait3A_208 = arith.constant 0 : i32
      %dma_wait3A_209 = tpu.memref_slice %arg6[%dma_wait3A_207, %dma_wait3A_208] : memref<8x128xi32, #tpu.memory_space<vmem>> -> memref<1x128xi32, #tpu.memory_space<vmem>>
      %dma_wait3A_210 = tpu.memref_squeeze %dma_wait3A_209 : memref<1x128xi32, #tpu.memory_space<vmem>> -> memref<128xi32, #tpu.memory_space<vmem>>
      %dma_wait3A_211 = arith.constant 0 : i32
      %dma_wait3A_212 = arith.constant 0 : i32
      %dma_wait3A_213 = tpu.memref_slice %arg9[%dma_wait3A_211, %dma_wait3A_212] : memref<10000x128xf32, #tpu.memory_space<vmem_shared>> -> memref<10000x128xf32, #tpu.memory_space<vmem_shared>>
      tpu.wait_indirect_dma semaphore(%arg11 : memref<!tpu.dma_semaphore, #tpu.memory_space<semaphore_mem>>) src(%arg7 : memref<128x128xf32, #tpu.memory_space<vmem>>) dst(%dma_wait3A_213 : memref<10000x128xf32, #tpu.memory_space<vmem_shared>>)
      %dma_wait3A_214 = arith.constant 7 : i32
      %dma_wait3A_215 = arith.constant 0 : i32
      %dma_wait3A_216 = tpu.memref_slice %arg6[%dma_wait3A_214, %dma_wait3A_215] : memref<8x128xi32, #tpu.memory_space<vmem>> -> memref<1x128xi32, #tpu.memory_space<vmem>>
      %dma_wait3A_217 = tpu.memref_squeeze %dma_wait3A_216 : memref<1x128xi32, #tpu.memory_space<vmem>> -> memref<128xi32, #tpu.memory_space<vmem>>
      %dma_wait3A_218 = arith.constant 0 : i32
      %dma_wait3A_219 = arith.constant 0 : i32
      %dma_wait3A_220 = tpu.memref_slice %arg9[%dma_wait3A_218, %dma_wait3A_219] : memref<10000x128xf32, #tpu.memory_space<vmem_shared>> -> memref<10000x128xf32, #tpu.memory_space<vmem_shared>>
      tpu.wait_indirect_dma semaphore(%arg11 : memref<!tpu.dma_semaphore, #tpu.memory_space<semaphore_mem>>) src(%arg8 : memref<128x128xf32, #tpu.memory_space<vmem>>) dst(%dma_wait3A_220 : memref<10000x128xf32, #tpu.memory_space<vmem_shared>>)
    } else {
    }
    %eq3A_12 = arith.constant 14 : i32
    %eq3A_13 = arith.cmpi eq, %add3A, %eq3A_12 : i32
    %convert_element_type3A_14 = arith.extui %eq3A_13 : i1 to i32
    %cond3A_15 = arith.constant 0 : i32
    %cond3A_16 = arith.cmpi ne, %convert_element_type3A_14, %cond3A_15 : i32
    scf.if %cond3A_16 {
      "tpu.region"() ({
        %run_scoped3A = tpu.sem_alloc : memref<!tpu.dma_semaphore, #tpu.memory_space<semaphore_mem>>
        %dma_start3A_36 = arith.constant 624 : i32
        %dma_start3A_37 = arith.constant 0 : i32
        %dma_start3A_38 = tpu.memref_slice %arg3[%dma_start3A_36, %dma_start3A_37] : memref<632x128xi32, #tpu.memory_space<hbm>> -> memref<8x128xi32, #tpu.memory_space<hbm>>
        %dma_start3A_39 = arith.constant 624 : i32
        %dma_start3A_40 = arith.constant 0 : i32
        %dma_start3A_41 = tpu.memref_slice %arg3[%dma_start3A_39, %dma_start3A_40] : memref<632x128xi32, #tpu.memory_space<hbm>> -> memref<8x128xi32, #tpu.memory_space<hbm>>
        tpu.enqueue_dma source(%dma_start3A_41 : memref<8x128xi32, #tpu.memory_space<hbm>>) target(%arg6 : memref<8x128xi32, #tpu.memory_space<vmem>>) target_semaphore(%run_scoped3A : memref<!tpu.dma_semaphore, #tpu.memory_space<semaphore_mem>>)
        %dma_wait3A_42 = arith.constant 624 : i32
        %dma_wait3A_43 = arith.constant 0 : i32
        %dma_wait3A_44 = tpu.memref_slice %arg3[%dma_wait3A_42, %dma_wait3A_43] : memref<632x128xi32, #tpu.memory_space<hbm>> -> memref<8x128xi32, #tpu.memory_space<hbm>>
        %dma_wait3A_45 = arith.constant 624 : i32
        %dma_wait3A_46 = arith.constant 0 : i32
        %dma_wait3A_47 = tpu.memref_slice %arg3[%dma_wait3A_45, %dma_wait3A_46] : memref<632x128xi32, #tpu.memory_space<hbm>> -> memref<8x128xi32, #tpu.memory_space<hbm>>
        tpu.wait_dma2 semaphore(%run_scoped3A : memref<!tpu.dma_semaphore, #tpu.memory_space<semaphore_mem>>) src(%dma_wait3A_47 : memref<8x128xi32, #tpu.memory_space<hbm>>) dst(%arg6 : memref<8x128xi32, #tpu.memory_space<vmem>>)
        tpu.yield
      }) : () -> ()
      "tpu.region"() ({
        %run_scoped3A = tpu.sem_alloc : memref<!tpu.dma_semaphore, #tpu.memory_space<semaphore_mem>>
        %dma_start3A_36 = arith.constant 79872 : i32
        %dma_start3A_37 = arith.constant 0 : i32
        %dma_start3A_38 = tpu.memref_slice %arg2[%dma_start3A_36, %dma_start3A_37] : memref<80000x128xf32, #tpu.memory_space<hbm>> -> memref<128x128xf32, #tpu.memory_space<hbm>>
        %dma_start3A_39 = arith.constant 79872 : i32
        %dma_start3A_40 = arith.constant 0 : i32
        %dma_start3A_41 = tpu.memref_slice %arg2[%dma_start3A_39, %dma_start3A_40] : memref<80000x128xf32, #tpu.memory_space<hbm>> -> memref<128x128xf32, #tpu.memory_space<hbm>>
        tpu.enqueue_dma source(%dma_start3A_41 : memref<128x128xf32, #tpu.memory_space<hbm>>) target(%arg7 : memref<128x128xf32, #tpu.memory_space<vmem>>) target_semaphore(%run_scoped3A : memref<!tpu.dma_semaphore, #tpu.memory_space<semaphore_mem>>)
        %dma_wait3A_42 = arith.constant 79872 : i32
        %dma_wait3A_43 = arith.constant 0 : i32
        %dma_wait3A_44 = tpu.memref_slice %arg2[%dma_wait3A_42, %dma_wait3A_43] : memref<80000x128xf32, #tpu.memory_space<hbm>> -> memref<128x128xf32, #tpu.memory_space<hbm>>
        %dma_wait3A_45 = arith.constant 79872 : i32
        %dma_wait3A_46 = arith.constant 0 : i32
        %dma_wait3A_47 = tpu.memref_slice %arg2[%dma_wait3A_45, %dma_wait3A_46] : memref<80000x128xf32, #tpu.memory_space<hbm>> -> memref<128x128xf32, #tpu.memory_space<hbm>>
        tpu.wait_dma2 semaphore(%run_scoped3A : memref<!tpu.dma_semaphore, #tpu.memory_space<semaphore_mem>>) src(%dma_wait3A_47 : memref<128x128xf32, #tpu.memory_space<hbm>>) dst(%arg7 : memref<128x128xf32, #tpu.memory_space<vmem>>)
        tpu.yield
      }) : () -> ()
      %dma_start3A = arith.constant 0 : i32
      %dma_start3A_24 = arith.constant 0 : i32
      %dma_start3A_25 = tpu.memref_slice %arg6[%dma_start3A, %dma_start3A_24] : memref<8x128xi32, #tpu.memory_space<vmem>> -> memref<1x128xi32, #tpu.memory_space<vmem>>
      %dma_start3A_26 = tpu.memref_squeeze %dma_start3A_25 : memref<1x128xi32, #tpu.memory_space<vmem>> -> memref<128xi32, #tpu.memory_space<vmem>>
      %dma_start3A_27 = arith.constant 0 : i32
      %dma_start3A_28 = arith.constant 0 : i32
      %dma_start3A_29 = tpu.memref_slice %arg9[%dma_start3A_27, %dma_start3A_28] : memref<10000x128xf32, #tpu.memory_space<vmem_shared>> -> memref<10000x128xf32, #tpu.memory_space<vmem_shared>>
      tpu.enqueue_indirect_dma source(%arg7 : memref<128x128xf32, #tpu.memory_space<vmem>>) target(%dma_start3A_29 : memref<10000x128xf32, #tpu.memory_space<vmem_shared>>) offsets(%dma_start3A_26 : memref<128xi32, #tpu.memory_space<vmem>>) semaphore(%arg11 : memref<!tpu.dma_semaphore, #tpu.memory_space<semaphore_mem>>) {add = true}
      %dma_wait3A = arith.constant 0 : i32
      %dma_wait3A_30 = arith.constant 0 : i32
      %dma_wait3A_31 = tpu.memref_slice %arg6[%dma_wait3A, %dma_wait3A_30] : memref<8x128xi32, #tpu.memory_space<vmem>> -> memref<1x128xi32, #tpu.memory_space<vmem>>
      %dma_wait3A_32 = tpu.memref_squeeze %dma_wait3A_31 : memref<1x128xi32, #tpu.memory_space<vmem>> -> memref<128xi32, #tpu.memory_space<vmem>>
      %dma_wait3A_33 = arith.constant 0 : i32
      %dma_wait3A_34 = arith.constant 0 : i32
      %dma_wait3A_35 = tpu.memref_slice %arg9[%dma_wait3A_33, %dma_wait3A_34] : memref<10000x128xf32, #tpu.memory_space<vmem_shared>> -> memref<10000x128xf32, #tpu.memory_space<vmem_shared>>
      tpu.wait_indirect_dma semaphore(%arg11 : memref<!tpu.dma_semaphore, #tpu.memory_space<semaphore_mem>>) src(%arg7 : memref<128x128xf32, #tpu.memory_space<vmem>>) dst(%dma_wait3A_35 : memref<10000x128xf32, #tpu.memory_space<vmem_shared>>)
    } else {
    }
    %barrier3A_17 = arith.constant 0 : index
    tpu.barrier barrier_id(%barrier3A_17)
    %scan3A_18 = arith.constant 0 : i32
    %scan3A_19 = arith.constant 0 : i32
    %scan3A_20 = arith.constant 5 : i32
    %scan3A_21 = arith.addi %scan3A_19, %scan3A_20 : i32
    %scan3A_22 = arith.constant 1 : i32
    scf.for %scan3A_24 = %scan3A_19 to %scan3A_21 step %scan3A_22  : i32 {
      %mul3A_25 = arith.constant 16 : i32
      %mul3A_26 = arith.muli %scan3A_24, %mul3A_25 : i32
      %add3A_27 = arith.addi %mul3A_26, %arg1 : i32
      %lt3A_28 = arith.constant 78 : i32
      %lt3A_29 = arith.cmpi slt, %add3A_27, %lt3A_28 : i32
      %convert_element_type3A_30 = arith.extui %lt3A_29 : i1 to i32
      %cond3A_31 = arith.constant 0 : i32
      %cond3A_32 = arith.cmpi ne, %convert_element_type3A_30, %cond3A_31 : i32
      scf.if %cond3A_32 {
        %mul3A_38 = arith.constant 128 : i32
        %mul3A_39 = arith.muli %add3A_27, %mul3A_38 : i32
        %multiple_of3A = tpu.assume_multiple %mul3A_39, 128 : i32
        "tpu.region"() ({
          %run_scoped3A = tpu.sem_alloc : memref<!tpu.dma_semaphore, #tpu.memory_space<semaphore_mem>>
          %dma_start3A = arith.constant 0 : i32
          %dma_start3A_40 = arith.constant 0 : i32
          %dma_start3A_41 = tpu.memref_slice %arg7[%dma_start3A, %dma_start3A_40] : memref<128x128xf32, #tpu.memory_space<vmem>> -> memref<128x128xf32, #tpu.memory_space<vmem>>
          %dma_start3A_42 = arith.constant 0 : i32
          %dma_start3A_43 = tpu.memref_slice %arg9[%multiple_of3A, %dma_start3A_42] : memref<10000x128xf32, #tpu.memory_space<vmem_shared>> -> memref<128x128xf32, #tpu.memory_space<vmem_shared>>
          %dma_start3A_44 = arith.constant 0 : i32
          %dma_start3A_45 = arith.constant 0 : i32
          %dma_start3A_46 = tpu.memref_slice %arg7[%dma_start3A_44, %dma_start3A_45] : memref<128x128xf32, #tpu.memory_space<vmem>> -> memref<128x128xf32, #tpu.memory_space<vmem>>
          %dma_start3A_47 = arith.constant 0 : i32
          %dma_start3A_48 = tpu.memref_slice %arg9[%multiple_of3A, %dma_start3A_47] : memref<10000x128xf32, #tpu.memory_space<vmem_shared>> -> memref<128x128xf32, #tpu.memory_space<vmem_shared>>
          tpu.enqueue_dma source(%dma_start3A_48 : memref<128x128xf32, #tpu.memory_space<vmem_shared>>) target(%dma_start3A_46 : memref<128x128xf32, #tpu.memory_space<vmem>>) target_semaphore(%run_scoped3A : memref<!tpu.dma_semaphore, #tpu.memory_space<semaphore_mem>>)
          %dma_wait3A = arith.constant 0 : i32
          %dma_wait3A_49 = arith.constant 0 : i32
          %dma_wait3A_50 = tpu.memref_slice %arg7[%dma_wait3A, %dma_wait3A_49] : memref<128x128xf32, #tpu.memory_space<vmem>> -> memref<128x128xf32, #tpu.memory_space<vmem>>
          %dma_wait3A_51 = arith.constant 0 : i32
          %dma_wait3A_52 = tpu.memref_slice %arg9[%multiple_of3A, %dma_wait3A_51] : memref<10000x128xf32, #tpu.memory_space<vmem_shared>> -> memref<128x128xf32, #tpu.memory_space<vmem_shared>>
          %dma_wait3A_53 = arith.constant 0 : i32
          %dma_wait3A_54 = arith.constant 0 : i32
          %dma_wait3A_55 = tpu.memref_slice %arg7[%dma_wait3A_53, %dma_wait3A_54] : memref<128x128xf32, #tpu.memory_space<vmem>> -> memref<128x128xf32, #tpu.memory_space<vmem>>
          %dma_wait3A_56 = arith.constant 0 : i32
          %dma_wait3A_57 = tpu.memref_slice %arg9[%multiple_of3A, %dma_wait3A_56] : memref<10000x128xf32, #tpu.memory_space<vmem_shared>> -> memref<128x128xf32, #tpu.memory_space<vmem_shared>>
          tpu.wait_dma2 semaphore(%run_scoped3A : memref<!tpu.dma_semaphore, #tpu.memory_space<semaphore_mem>>) src(%dma_wait3A_57 : memref<128x128xf32, #tpu.memory_space<vmem_shared>>) dst(%dma_wait3A_55 : memref<128x128xf32, #tpu.memory_space<vmem>>)
          tpu.yield
        }) : () -> ()
        "tpu.region"() ({
          %run_scoped3A = tpu.sem_alloc : memref<!tpu.dma_semaphore, #tpu.memory_space<semaphore_mem>>
          %dma_start3A = arith.constant 0 : i32
          %dma_start3A_40 = arith.constant 0 : i32
          %dma_start3A_41 = tpu.memref_slice %arg7[%dma_start3A, %dma_start3A_40] : memref<128x128xf32, #tpu.memory_space<vmem>> -> memref<128x128xf32, #tpu.memory_space<vmem>>
          %dma_start3A_42 = arith.constant 0 : i32
          %dma_start3A_43 = tpu.memref_slice %arg5[%arg0, %multiple_of3A, %dma_start3A_42] : memref<2x10000x128xf32, #tpu.memory_space<hbm>> -> memref<1x128x128xf32, #tpu.memory_space<hbm>>
          %dma_start3A_44 = tpu.memref_squeeze %dma_start3A_43 : memref<1x128x128xf32, #tpu.memory_space<hbm>> -> memref<128x128xf32, #tpu.memory_space<hbm>>
          %dma_start3A_45 = arith.constant 0 : i32
          %dma_start3A_46 = tpu.memref_slice %arg5[%arg0, %multiple_of3A, %dma_start3A_45] : memref<2x10000x128xf32, #tpu.memory_space<hbm>> -> memref<1x128x128xf32, #tpu.memory_space<hbm>>
          %dma_start3A_47 = tpu.memref_squeeze %dma_start3A_46 : memref<1x128x128xf32, #tpu.memory_space<hbm>> -> memref<128x128xf32, #tpu.memory_space<hbm>>
          %dma_start3A_48 = arith.constant 0 : i32
          %dma_start3A_49 = arith.constant 0 : i32
          %dma_start3A_50 = tpu.memref_slice %arg7[%dma_start3A_48, %dma_start3A_49] : memref<128x128xf32, #tpu.memory_space<vmem>> -> memref<128x128xf32, #tpu.memory_space<vmem>>
          tpu.enqueue_dma source(%dma_start3A_50 : memref<128x128xf32, #tpu.memory_space<vmem>>) target(%dma_start3A_47 : memref<128x128xf32, #tpu.memory_space<hbm>>) target_semaphore(%run_scoped3A : memref<!tpu.dma_semaphore, #tpu.memory_space<semaphore_mem>>)
          %dma_wait3A = arith.constant 0 : i32
          %dma_wait3A_51 = arith.constant 0 : i32
          %dma_wait3A_52 = tpu.memref_slice %arg7[%dma_wait3A, %dma_wait3A_51] : memref<128x128xf32, #tpu.memory_space<vmem>> -> memref<128x128xf32, #tpu.memory_space<vmem>>
          %dma_wait3A_53 = arith.constant 0 : i32
          %dma_wait3A_54 = tpu.memref_slice %arg5[%arg0, %multiple_of3A, %dma_wait3A_53] : memref<2x10000x128xf32, #tpu.memory_space<hbm>> -> memref<1x128x128xf32, #tpu.memory_space<hbm>>
          %dma_wait3A_55 = tpu.memref_squeeze %dma_wait3A_54 : memref<1x128x128xf32, #tpu.memory_space<hbm>> -> memref<128x128xf32, #tpu.memory_space<hbm>>
          %dma_wait3A_56 = arith.constant 0 : i32
          %dma_wait3A_57 = tpu.memref_slice %arg5[%arg0, %multiple_of3A, %dma_wait3A_56] : memref<2x10000x128xf32, #tpu.memory_space<hbm>> -> memref<1x128x128xf32, #tpu.memory_space<hbm>>
          %dma_wait3A_58 = tpu.memref_squeeze %dma_wait3A_57 : memref<1x128x128xf32, #tpu.memory_space<hbm>> -> memref<128x128xf32, #tpu.memory_space<hbm>>
          %dma_wait3A_59 = arith.constant 0 : i32
          %dma_wait3A_60 = arith.constant 0 : i32
          %dma_wait3A_61 = tpu.memref_slice %arg7[%dma_wait3A_59, %dma_wait3A_60] : memref<128x128xf32, #tpu.memory_space<vmem>> -> memref<128x128xf32, #tpu.memory_space<vmem>>
          tpu.wait_dma2 semaphore(%run_scoped3A : memref<!tpu.dma_semaphore, #tpu.memory_space<semaphore_mem>>) src(%dma_wait3A_61 : memref<128x128xf32, #tpu.memory_space<vmem>>) dst(%dma_wait3A_58 : memref<128x128xf32, #tpu.memory_space<hbm>>)
          tpu.yield
        }) : () -> ()
      } else {
      }
      %eq3A_33 = arith.constant 78 : i32
      %eq3A_34 = arith.cmpi eq, %add3A_27, %eq3A_33 : i32
      %convert_element_type3A_35 = arith.extui %eq3A_34 : i1 to i32
      %cond3A_36 = arith.constant 0 : i32
      %cond3A_37 = arith.cmpi ne, %convert_element_type3A_35, %cond3A_36 : i32
      scf.if %cond3A_37 {
        "tpu.region"() ({
          %run_scoped3A = tpu.sem_alloc : memref<!tpu.dma_semaphore, #tpu.memory_space<semaphore_mem>>
          %dma_start3A = arith.constant 0 : i32
          %dma_start3A_38 = arith.constant 0 : i32
          %dma_start3A_39 = tpu.memref_slice %arg7[%dma_start3A, %dma_start3A_38] : memref<128x128xf32, #tpu.memory_space<vmem>> -> memref<16x128xf32, #tpu.memory_space<vmem>>
          %dma_start3A_40 = arith.constant 9984 : i32
          %dma_start3A_41 = arith.constant 0 : i32
          %dma_start3A_42 = tpu.memref_slice %arg9[%dma_start3A_40, %dma_start3A_41] : memref<10000x128xf32, #tpu.memory_space<vmem_shared>> -> memref<16x128xf32, #tpu.memory_space<vmem_shared>>
          %dma_start3A_43 = arith.constant 0 : i32
          %dma_start3A_44 = arith.constant 0 : i32
          %dma_start3A_45 = tpu.memref_slice %arg7[%dma_start3A_43, %dma_start3A_44] : memref<128x128xf32, #tpu.memory_space<vmem>> -> memref<16x128xf32, #tpu.memory_space<vmem>>
          %dma_start3A_46 = arith.constant 9984 : i32
          %dma_start3A_47 = arith.constant 0 : i32
          %dma_start3A_48 = tpu.memref_slice %arg9[%dma_start3A_46, %dma_start3A_47] : memref<10000x128xf32, #tpu.memory_space<vmem_shared>> -> memref<16x128xf32, #tpu.memory_space<vmem_shared>>
          tpu.enqueue_dma source(%dma_start3A_48 : memref<16x128xf32, #tpu.memory_space<vmem_shared>>) target(%dma_start3A_45 : memref<16x128xf32, #tpu.memory_space<vmem>>) target_semaphore(%run_scoped3A : memref<!tpu.dma_semaphore, #tpu.memory_space<semaphore_mem>>)
          %dma_wait3A = arith.constant 0 : i32
          %dma_wait3A_49 = arith.constant 0 : i32
          %dma_wait3A_50 = tpu.memref_slice %arg7[%dma_wait3A, %dma_wait3A_49] : memref<128x128xf32, #tpu.memory_space<vmem>> -> memref<16x128xf32, #tpu.memory_space<vmem>>
          %dma_wait3A_51 = arith.constant 9984 : i32
          %dma_wait3A_52 = arith.constant 0 : i32
          %dma_wait3A_53 = tpu.memref_slice %arg9[%dma_wait3A_51, %dma_wait3A_52] : memref<10000x128xf32, #tpu.memory_space<vmem_shared>> -> memref<16x128xf32, #tpu.memory_space<vmem_shared>>
          %dma_wait3A_54 = arith.constant 0 : i32
          %dma_wait3A_55 = arith.constant 0 : i32
          %dma_wait3A_56 = tpu.memref_slice %arg7[%dma_wait3A_54, %dma_wait3A_55] : memref<128x128xf32, #tpu.memory_space<vmem>> -> memref<16x128xf32, #tpu.memory_space<vmem>>
          %dma_wait3A_57 = arith.constant 9984 : i32
          %dma_wait3A_58 = arith.constant 0 : i32
          %dma_wait3A_59 = tpu.memref_slice %arg9[%dma_wait3A_57, %dma_wait3A_58] : memref<10000x128xf32, #tpu.memory_space<vmem_shared>> -> memref<16x128xf32, #tpu.memory_space<vmem_shared>>
          tpu.wait_dma2 semaphore(%run_scoped3A : memref<!tpu.dma_semaphore, #tpu.memory_space<semaphore_mem>>) src(%dma_wait3A_59 : memref<16x128xf32, #tpu.memory_space<vmem_shared>>) dst(%dma_wait3A_56 : memref<16x128xf32, #tpu.memory_space<vmem>>)
          tpu.yield
        }) : () -> ()
        "tpu.region"() ({
          %run_scoped3A = tpu.sem_alloc : memref<!tpu.dma_semaphore, #tpu.memory_space<semaphore_mem>>
          %dma_start3A = arith.constant 0 : i32
          %dma_start3A_38 = arith.constant 0 : i32
          %dma_start3A_39 = tpu.memref_slice %arg7[%dma_start3A, %dma_start3A_38] : memref<128x128xf32, #tpu.memory_space<vmem>> -> memref<16x128xf32, #tpu.memory_space<vmem>>
          %dma_start3A_40 = arith.constant 9984 : i32
          %dma_start3A_41 = arith.constant 0 : i32
          %dma_start3A_42 = tpu.memref_slice %arg5[%arg0, %dma_start3A_40, %dma_start3A_41] : memref<2x10000x128xf32, #tpu.memory_space<hbm>> -> memref<1x16x128xf32, #tpu.memory_space<hbm>>
          %dma_start3A_43 = tpu.memref_squeeze %dma_start3A_42 : memref<1x16x128xf32, #tpu.memory_space<hbm>> -> memref<16x128xf32, #tpu.memory_space<hbm>>
          %dma_start3A_44 = arith.constant 9984 : i32
          %dma_start3A_45 = arith.constant 0 : i32
          %dma_start3A_46 = tpu.memref_slice %arg5[%arg0, %dma_start3A_44, %dma_start3A_45] : memref<2x10000x128xf32, #tpu.memory_space<hbm>> -> memref<1x16x128xf32, #tpu.memory_space<hbm>>
          %dma_start3A_47 = tpu.memref_squeeze %dma_start3A_46 : memref<1x16x128xf32, #tpu.memory_space<hbm>> -> memref<16x128xf32, #tpu.memory_space<hbm>>
          %dma_start3A_48 = arith.constant 0 : i32
          %dma_start3A_49 = arith.constant 0 : i32
          %dma_start3A_50 = tpu.memref_slice %arg7[%dma_start3A_48, %dma_start3A_49] : memref<128x128xf32, #tpu.memory_space<vmem>> -> memref<16x128xf32, #tpu.memory_space<vmem>>
          tpu.enqueue_dma source(%dma_start3A_50 : memref<16x128xf32, #tpu.memory_space<vmem>>) target(%dma_start3A_47 : memref<16x128xf32, #tpu.memory_space<hbm>>) target_semaphore(%run_scoped3A : memref<!tpu.dma_semaphore, #tpu.memory_space<semaphore_mem>>)
          %dma_wait3A = arith.constant 0 : i32
          %dma_wait3A_51 = arith.constant 0 : i32
          %dma_wait3A_52 = tpu.memref_slice %arg7[%dma_wait3A, %dma_wait3A_51] : memref<128x128xf32, #tpu.memory_space<vmem>> -> memref<16x128xf32, #tpu.memory_space<vmem>>
          %dma_wait3A_53 = arith.constant 9984 : i32
          %dma_wait3A_54 = arith.constant 0 : i32
          %dma_wait3A_55 = tpu.memref_slice %arg5[%arg0, %dma_wait3A_53, %dma_wait3A_54] : memref<2x10000x128xf32, #tpu.memory_space<hbm>> -> memref<1x16x128xf32, #tpu.memory_space<hbm>>
          %dma_wait3A_56 = tpu.memref_squeeze %dma_wait3A_55 : memref<1x16x128xf32, #tpu.memory_space<hbm>> -> memref<16x128xf32, #tpu.memory_space<hbm>>
          %dma_wait3A_57 = arith.constant 9984 : i32
          %dma_wait3A_58 = arith.constant 0 : i32
          %dma_wait3A_59 = tpu.memref_slice %arg5[%arg0, %dma_wait3A_57, %dma_wait3A_58] : memref<2x10000x128xf32, #tpu.memory_space<hbm>> -> memref<1x16x128xf32, #tpu.memory_space<hbm>>
          %dma_wait3A_60 = tpu.memref_squeeze %dma_wait3A_59 : memref<1x16x128xf32, #tpu.memory_space<hbm>> -> memref<16x128xf32, #tpu.memory_space<hbm>>
          %dma_wait3A_61 = arith.constant 0 : i32
          %dma_wait3A_62 = arith.constant 0 : i32
          %dma_wait3A_63 = tpu.memref_slice %arg7[%dma_wait3A_61, %dma_wait3A_62] : memref<128x128xf32, #tpu.memory_space<vmem>> -> memref<16x128xf32, #tpu.memory_space<vmem>>
          tpu.wait_dma2 semaphore(%run_scoped3A : memref<!tpu.dma_semaphore, #tpu.memory_space<semaphore_mem>>) src(%dma_wait3A_63 : memref<16x128xf32, #tpu.memory_space<vmem>>) dst(%dma_wait3A_60 : memref<16x128xf32, #tpu.memory_space<hbm>>)
          tpu.yield
        }) : () -> ()
      } else {
      }
    }
    %scan3A_23 = arith.constant 5 : i32
    return
  }
}

#map = affine_map<(d0, d1) -> (0, 0)>
#map1 = affine_map<(d0, d1) -> (0)>
module attributes {stable_mosaic.version = 14 : i64} {
  func.func @gk(%arg0: i32, %arg1: i32, %arg2: memref<10000x128xf32, #tpu.memory_space<hbm>>, %arg3: memref<80000xi32, #tpu.memory_space<hbm>>, %arg4: memref<80000x128xf32, #tpu.memory_space<hbm>>, %arg5: memref<1024xi32, #tpu.memory_space<vmem>>, %arg6: memref<512x128xf32, #tpu.memory_space<vmem>>, %arg7: memref<!tpu.dma_semaphore, #tpu.memory_space<semaphore_mem>>) attributes {dimension_semantics = [#tpu.dimension_semantics<core_parallel>, #tpu.dimension_semantics<subcore_parallel>], iteration_bounds = array<i64: 2, 16>, scalar_prefetch = 0 : i64, scratch_operands = 3 : i64, tpu.core_type = #tpu.core_type<sc_vector_subcore>, window_params = [{transform_indices = #map}, {transform_indices = #map1}, {transform_indices = #map}]} {
    %mul3A = arith.constant 2 : i32
    %mul3A_0 = arith.muli %arg1, %mul3A : i32
    %add3A = arith.addi %mul3A_0, %arg0 : i32
    %scan3A = arith.constant 0 : i32
    %scan3A_1 = arith.constant 0 : i32
    %scan3A_2 = arith.constant 2 : i32
    %scan3A_3 = arith.addi %scan3A_1, %scan3A_2 : i32
    %scan3A_4 = arith.constant 1 : i32
    scf.for %scan3A_12 = %scan3A_1 to %scan3A_3 step %scan3A_4  : i32 {
      %mul3A_13 = arith.constant 32 : i32
      %mul3A_14 = arith.muli %scan3A_12, %mul3A_13 : i32
      %add3A_15 = arith.addi %mul3A_14, %add3A : i32
      %mul3A_16 = arith.constant 1024 : i32
      %mul3A_17 = arith.muli %add3A_15, %mul3A_16 : i32
      %multiple_of3A = tpu.assume_multiple %mul3A_17, 1024 : i32
      "tpu.region"() ({
        %run_scoped3A = tpu.sem_alloc : memref<!tpu.dma_semaphore, #tpu.memory_space<semaphore_mem>>
        %dma_start3A_148 = tpu.memref_slice %arg3[%multiple_of3A] : memref<80000xi32, #tpu.memory_space<hbm>> -> memref<1024xi32, #tpu.memory_space<hbm>>
        %dma_start3A_149 = tpu.memref_slice %arg3[%multiple_of3A] : memref<80000xi32, #tpu.memory_space<hbm>> -> memref<1024xi32, #tpu.memory_space<hbm>>
        tpu.enqueue_dma source(%dma_start3A_149 : memref<1024xi32, #tpu.memory_space<hbm>>) target(%arg5 : memref<1024xi32, #tpu.memory_space<vmem>>) target_semaphore(%run_scoped3A : memref<!tpu.dma_semaphore, #tpu.memory_space<semaphore_mem>>)
        %dma_wait3A_150 = tpu.memref_slice %arg3[%multiple_of3A] : memref<80000xi32, #tpu.memory_space<hbm>> -> memref<1024xi32, #tpu.memory_space<hbm>>
        %dma_wait3A_151 = tpu.memref_slice %arg3[%multiple_of3A] : memref<80000xi32, #tpu.memory_space<hbm>> -> memref<1024xi32, #tpu.memory_space<hbm>>
        tpu.wait_dma2 semaphore(%run_scoped3A : memref<!tpu.dma_semaphore, #tpu.memory_space<semaphore_mem>>) src(%dma_wait3A_151 : memref<1024xi32, #tpu.memory_space<hbm>>) dst(%arg5 : memref<1024xi32, #tpu.memory_space<vmem>>)
        tpu.yield
      }) : () -> ()
      %dma_start3A = arith.constant 0 : i32
      %dma_start3A_18 = arith.constant 0 : i32
      %dma_start3A_19 = tpu.memref_slice %arg6[%dma_start3A, %dma_start3A_18] : memref<512x128xf32, #tpu.memory_space<vmem>> -> memref<128x128xf32, #tpu.memory_space<vmem>>
      %dma_start3A_20 = arith.constant 0 : i32
      %dma_start3A_21 = tpu.memref_slice %arg5[%dma_start3A_20] : memref<1024xi32, #tpu.memory_space<vmem>> -> memref<128xi32, #tpu.memory_space<vmem>>
      %dma_start3A_22 = arith.constant 0 : i32
      %dma_start3A_23 = arith.constant 0 : i32
      %dma_start3A_24 = tpu.memref_slice %arg2[%dma_start3A_22, %dma_start3A_23] : memref<10000x128xf32, #tpu.memory_space<hbm>> -> memref<10000x128xf32, #tpu.memory_space<hbm>>
      tpu.enqueue_indirect_dma source(%dma_start3A_24 : memref<10000x128xf32, #tpu.memory_space<hbm>>) target(%dma_start3A_19 : memref<128x128xf32, #tpu.memory_space<vmem>>) offsets(%dma_start3A_21 : memref<128xi32, #tpu.memory_space<vmem>>) semaphore(%arg7 : memref<!tpu.dma_semaphore, #tpu.memory_space<semaphore_mem>>)
      %dma_start3A_25 = arith.constant 128 : i32
      %dma_start3A_26 = arith.constant 0 : i32
      %dma_start3A_27 = tpu.memref_slice %arg6[%dma_start3A_25, %dma_start3A_26] : memref<512x128xf32, #tpu.memory_space<vmem>> -> memref<128x128xf32, #tpu.memory_space<vmem>>
      %dma_start3A_28 = arith.constant 128 : i32
      %dma_start3A_29 = tpu.memref_slice %arg5[%dma_start3A_28] : memref<1024xi32, #tpu.memory_space<vmem>> -> memref<128xi32, #tpu.memory_space<vmem>>
      %dma_start3A_30 = arith.constant 0 : i32
      %dma_start3A_31 = arith.constant 0 : i32
      %dma_start3A_32 = tpu.memref_slice %arg2[%dma_start3A_30, %dma_start3A_31] : memref<10000x128xf32, #tpu.memory_space<hbm>> -> memref<10000x128xf32, #tpu.memory_space<hbm>>
      tpu.enqueue_indirect_dma source(%dma_start3A_32 : memref<10000x128xf32, #tpu.memory_space<hbm>>) target(%dma_start3A_27 : memref<128x128xf32, #tpu.memory_space<vmem>>) offsets(%dma_start3A_29 : memref<128xi32, #tpu.memory_space<vmem>>) semaphore(%arg7 : memref<!tpu.dma_semaphore, #tpu.memory_space<semaphore_mem>>)
      %dma_start3A_33 = arith.constant 256 : i32
      %dma_start3A_34 = arith.constant 0 : i32
      %dma_start3A_35 = tpu.memref_slice %arg6[%dma_start3A_33, %dma_start3A_34] : memref<512x128xf32, #tpu.memory_space<vmem>> -> memref<128x128xf32, #tpu.memory_space<vmem>>
      %dma_start3A_36 = arith.constant 256 : i32
      %dma_start3A_37 = tpu.memref_slice %arg5[%dma_start3A_36] : memref<1024xi32, #tpu.memory_space<vmem>> -> memref<128xi32, #tpu.memory_space<vmem>>
      %dma_start3A_38 = arith.constant 0 : i32
      %dma_start3A_39 = arith.constant 0 : i32
      %dma_start3A_40 = tpu.memref_slice %arg2[%dma_start3A_38, %dma_start3A_39] : memref<10000x128xf32, #tpu.memory_space<hbm>> -> memref<10000x128xf32, #tpu.memory_space<hbm>>
      tpu.enqueue_indirect_dma source(%dma_start3A_40 : memref<10000x128xf32, #tpu.memory_space<hbm>>) target(%dma_start3A_35 : memref<128x128xf32, #tpu.memory_space<vmem>>) offsets(%dma_start3A_37 : memref<128xi32, #tpu.memory_space<vmem>>) semaphore(%arg7 : memref<!tpu.dma_semaphore, #tpu.memory_space<semaphore_mem>>)
      %dma_start3A_41 = arith.constant 384 : i32
      %dma_start3A_42 = arith.constant 0 : i32
      %dma_start3A_43 = tpu.memref_slice %arg6[%dma_start3A_41, %dma_start3A_42] : memref<512x128xf32, #tpu.memory_space<vmem>> -> memref<128x128xf32, #tpu.memory_space<vmem>>
      %dma_start3A_44 = arith.constant 384 : i32
      %dma_start3A_45 = tpu.memref_slice %arg5[%dma_start3A_44] : memref<1024xi32, #tpu.memory_space<vmem>> -> memref<128xi32, #tpu.memory_space<vmem>>
      %dma_start3A_46 = arith.constant 0 : i32
      %dma_start3A_47 = arith.constant 0 : i32
      %dma_start3A_48 = tpu.memref_slice %arg2[%dma_start3A_46, %dma_start3A_47] : memref<10000x128xf32, #tpu.memory_space<hbm>> -> memref<10000x128xf32, #tpu.memory_space<hbm>>
      tpu.enqueue_indirect_dma source(%dma_start3A_48 : memref<10000x128xf32, #tpu.memory_space<hbm>>) target(%dma_start3A_43 : memref<128x128xf32, #tpu.memory_space<vmem>>) offsets(%dma_start3A_45 : memref<128xi32, #tpu.memory_space<vmem>>) semaphore(%arg7 : memref<!tpu.dma_semaphore, #tpu.memory_space<semaphore_mem>>)
      %dma_wait3A = arith.constant 0 : i32
      %dma_wait3A_49 = arith.constant 0 : i32
      %dma_wait3A_50 = tpu.memref_slice %arg6[%dma_wait3A, %dma_wait3A_49] : memref<512x128xf32, #tpu.memory_space<vmem>> -> memref<128x128xf32, #tpu.memory_space<vmem>>
      %dma_wait3A_51 = arith.constant 0 : i32
      %dma_wait3A_52 = tpu.memref_slice %arg5[%dma_wait3A_51] : memref<1024xi32, #tpu.memory_space<vmem>> -> memref<128xi32, #tpu.memory_space<vmem>>
      %dma_wait3A_53 = arith.constant 0 : i32
      %dma_wait3A_54 = arith.constant 0 : i32
      %dma_wait3A_55 = tpu.memref_slice %arg2[%dma_wait3A_53, %dma_wait3A_54] : memref<10000x128xf32, #tpu.memory_space<hbm>> -> memref<10000x128xf32, #tpu.memory_space<hbm>>
      tpu.wait_indirect_dma semaphore(%arg7 : memref<!tpu.dma_semaphore, #tpu.memory_space<semaphore_mem>>) src(%dma_wait3A_55 : memref<10000x128xf32, #tpu.memory_space<hbm>>) dst(%dma_wait3A_50 : memref<128x128xf32, #tpu.memory_space<vmem>>)
      %dma_wait3A_56 = arith.constant 128 : i32
      %dma_wait3A_57 = arith.constant 0 : i32
      %dma_wait3A_58 = tpu.memref_slice %arg6[%dma_wait3A_56, %dma_wait3A_57] : memref<512x128xf32, #tpu.memory_space<vmem>> -> memref<128x128xf32, #tpu.memory_space<vmem>>
      %dma_wait3A_59 = arith.constant 128 : i32
      %dma_wait3A_60 = tpu.memref_slice %arg5[%dma_wait3A_59] : memref<1024xi32, #tpu.memory_space<vmem>> -> memref<128xi32, #tpu.memory_space<vmem>>
      %dma_wait3A_61 = arith.constant 0 : i32
      %dma_wait3A_62 = arith.constant 0 : i32
      %dma_wait3A_63 = tpu.memref_slice %arg2[%dma_wait3A_61, %dma_wait3A_62] : memref<10000x128xf32, #tpu.memory_space<hbm>> -> memref<10000x128xf32, #tpu.memory_space<hbm>>
      tpu.wait_indirect_dma semaphore(%arg7 : memref<!tpu.dma_semaphore, #tpu.memory_space<semaphore_mem>>) src(%dma_wait3A_63 : memref<10000x128xf32, #tpu.memory_space<hbm>>) dst(%dma_wait3A_58 : memref<128x128xf32, #tpu.memory_space<vmem>>)
      %dma_wait3A_64 = arith.constant 256 : i32
      %dma_wait3A_65 = arith.constant 0 : i32
      %dma_wait3A_66 = tpu.memref_slice %arg6[%dma_wait3A_64, %dma_wait3A_65] : memref<512x128xf32, #tpu.memory_space<vmem>> -> memref<128x128xf32, #tpu.memory_space<vmem>>
      %dma_wait3A_67 = arith.constant 256 : i32
      %dma_wait3A_68 = tpu.memref_slice %arg5[%dma_wait3A_67] : memref<1024xi32, #tpu.memory_space<vmem>> -> memref<128xi32, #tpu.memory_space<vmem>>
      %dma_wait3A_69 = arith.constant 0 : i32
      %dma_wait3A_70 = arith.constant 0 : i32
      %dma_wait3A_71 = tpu.memref_slice %arg2[%dma_wait3A_69, %dma_wait3A_70] : memref<10000x128xf32, #tpu.memory_space<hbm>> -> memref<10000x128xf32, #tpu.memory_space<hbm>>
      tpu.wait_indirect_dma semaphore(%arg7 : memref<!tpu.dma_semaphore, #tpu.memory_space<semaphore_mem>>) src(%dma_wait3A_71 : memref<10000x128xf32, #tpu.memory_space<hbm>>) dst(%dma_wait3A_66 : memref<128x128xf32, #tpu.memory_space<vmem>>)
      %dma_wait3A_72 = arith.constant 384 : i32
      %dma_wait3A_73 = arith.constant 0 : i32
      %dma_wait3A_74 = tpu.memref_slice %arg6[%dma_wait3A_72, %dma_wait3A_73] : memref<512x128xf32, #tpu.memory_space<vmem>> -> memref<128x128xf32, #tpu.memory_space<vmem>>
      %dma_wait3A_75 = arith.constant 384 : i32
      %dma_wait3A_76 = tpu.memref_slice %arg5[%dma_wait3A_75] : memref<1024xi32, #tpu.memory_space<vmem>> -> memref<128xi32, #tpu.memory_space<vmem>>
      %dma_wait3A_77 = arith.constant 0 : i32
      %dma_wait3A_78 = arith.constant 0 : i32
      %dma_wait3A_79 = tpu.memref_slice %arg2[%dma_wait3A_77, %dma_wait3A_78] : memref<10000x128xf32, #tpu.memory_space<hbm>> -> memref<10000x128xf32, #tpu.memory_space<hbm>>
      tpu.wait_indirect_dma semaphore(%arg7 : memref<!tpu.dma_semaphore, #tpu.memory_space<semaphore_mem>>) src(%dma_wait3A_79 : memref<10000x128xf32, #tpu.memory_space<hbm>>) dst(%dma_wait3A_74 : memref<128x128xf32, #tpu.memory_space<vmem>>)
      %add3A_80 = arith.constant 0 : i32
      %add3A_81 = arith.addi %multiple_of3A, %add3A_80 : i32
      "tpu.region"() ({
        %run_scoped3A = tpu.sem_alloc : memref<!tpu.dma_semaphore, #tpu.memory_space<semaphore_mem>>
        %dma_start3A_148 = arith.constant 0 : i32
        %dma_start3A_149 = tpu.memref_slice %arg4[%add3A_81, %dma_start3A_148] : memref<80000x128xf32, #tpu.memory_space<hbm>> -> memref<512x128xf32, #tpu.memory_space<hbm>>
        %dma_start3A_150 = arith.constant 0 : i32
        %dma_start3A_151 = tpu.memref_slice %arg4[%add3A_81, %dma_start3A_150] : memref<80000x128xf32, #tpu.memory_space<hbm>> -> memref<512x128xf32, #tpu.memory_space<hbm>>
        tpu.enqueue_dma source(%arg6 : memref<512x128xf32, #tpu.memory_space<vmem>>) target(%dma_start3A_151 : memref<512x128xf32, #tpu.memory_space<hbm>>) target_semaphore(%run_scoped3A : memref<!tpu.dma_semaphore, #tpu.memory_space<semaphore_mem>>)
        %dma_wait3A_152 = arith.constant 0 : i32
        %dma_wait3A_153 = tpu.memref_slice %arg4[%add3A_81, %dma_wait3A_152] : memref<80000x128xf32, #tpu.memory_space<hbm>> -> memref<512x128xf32, #tpu.memory_space<hbm>>
        %dma_wait3A_154 = arith.constant 0 : i32
        %dma_wait3A_155 = tpu.memref_slice %arg4[%add3A_81, %dma_wait3A_154] : memref<80000x128xf32, #tpu.memory_space<hbm>> -> memref<512x128xf32, #tpu.memory_space<hbm>>
        tpu.wait_dma2 semaphore(%run_scoped3A : memref<!tpu.dma_semaphore, #tpu.memory_space<semaphore_mem>>) src(%arg6 : memref<512x128xf32, #tpu.memory_space<vmem>>) dst(%dma_wait3A_155 : memref<512x128xf32, #tpu.memory_space<hbm>>)
        tpu.yield
      }) : () -> ()
      %dma_start3A_82 = arith.constant 0 : i32
      %dma_start3A_83 = arith.constant 0 : i32
      %dma_start3A_84 = tpu.memref_slice %arg6[%dma_start3A_82, %dma_start3A_83] : memref<512x128xf32, #tpu.memory_space<vmem>> -> memref<128x128xf32, #tpu.memory_space<vmem>>
      %dma_start3A_85 = arith.constant 512 : i32
      %dma_start3A_86 = tpu.memref_slice %arg5[%dma_start3A_85] : memref<1024xi32, #tpu.memory_space<vmem>> -> memref<128xi32, #tpu.memory_space<vmem>>
      %dma_start3A_87 = arith.constant 0 : i32
      %dma_start3A_88 = arith.constant 0 : i32
      %dma_start3A_89 = tpu.memref_slice %arg2[%dma_start3A_87, %dma_start3A_88] : memref<10000x128xf32, #tpu.memory_space<hbm>> -> memref<10000x128xf32, #tpu.memory_space<hbm>>
      tpu.enqueue_indirect_dma source(%dma_start3A_89 : memref<10000x128xf32, #tpu.memory_space<hbm>>) target(%dma_start3A_84 : memref<128x128xf32, #tpu.memory_space<vmem>>) offsets(%dma_start3A_86 : memref<128xi32, #tpu.memory_space<vmem>>) semaphore(%arg7 : memref<!tpu.dma_semaphore, #tpu.memory_space<semaphore_mem>>)
      %dma_start3A_90 = arith.constant 128 : i32
      %dma_start3A_91 = arith.constant 0 : i32
      %dma_start3A_92 = tpu.memref_slice %arg6[%dma_start3A_90, %dma_start3A_91] : memref<512x128xf32, #tpu.memory_space<vmem>> -> memref<128x128xf32, #tpu.memory_space<vmem>>
      %dma_start3A_93 = arith.constant 640 : i32
      %dma_start3A_94 = tpu.memref_slice %arg5[%dma_start3A_93] : memref<1024xi32, #tpu.memory_space<vmem>> -> memref<128xi32, #tpu.memory_space<vmem>>
      %dma_start3A_95 = arith.constant 0 : i32
      %dma_start3A_96 = arith.constant 0 : i32
      %dma_start3A_97 = tpu.memref_slice %arg2[%dma_start3A_95, %dma_start3A_96] : memref<10000x128xf32, #tpu.memory_space<hbm>> -> memref<10000x128xf32, #tpu.memory_space<hbm>>
      tpu.enqueue_indirect_dma source(%dma_start3A_97 : memref<10000x128xf32, #tpu.memory_space<hbm>>) target(%dma_start3A_92 : memref<128x128xf32, #tpu.memory_space<vmem>>) offsets(%dma_start3A_94 : memref<128xi32, #tpu.memory_space<vmem>>) semaphore(%arg7 : memref<!tpu.dma_semaphore, #tpu.memory_space<semaphore_mem>>)
      %dma_start3A_98 = arith.constant 256 : i32
      %dma_start3A_99 = arith.constant 0 : i32
      %dma_start3A_100 = tpu.memref_slice %arg6[%dma_start3A_98, %dma_start3A_99] : memref<512x128xf32, #tpu.memory_space<vmem>> -> memref<128x128xf32, #tpu.memory_space<vmem>>
      %dma_start3A_101 = arith.constant 768 : i32
      %dma_start3A_102 = tpu.memref_slice %arg5[%dma_start3A_101] : memref<1024xi32, #tpu.memory_space<vmem>> -> memref<128xi32, #tpu.memory_space<vmem>>
      %dma_start3A_103 = arith.constant 0 : i32
      %dma_start3A_104 = arith.constant 0 : i32
      %dma_start3A_105 = tpu.memref_slice %arg2[%dma_start3A_103, %dma_start3A_104] : memref<10000x128xf32, #tpu.memory_space<hbm>> -> memref<10000x128xf32, #tpu.memory_space<hbm>>
      tpu.enqueue_indirect_dma source(%dma_start3A_105 : memref<10000x128xf32, #tpu.memory_space<hbm>>) target(%dma_start3A_100 : memref<128x128xf32, #tpu.memory_space<vmem>>) offsets(%dma_start3A_102 : memref<128xi32, #tpu.memory_space<vmem>>) semaphore(%arg7 : memref<!tpu.dma_semaphore, #tpu.memory_space<semaphore_mem>>)
      %dma_start3A_106 = arith.constant 384 : i32
      %dma_start3A_107 = arith.constant 0 : i32
      %dma_start3A_108 = tpu.memref_slice %arg6[%dma_start3A_106, %dma_start3A_107] : memref<512x128xf32, #tpu.memory_space<vmem>> -> memref<128x128xf32, #tpu.memory_space<vmem>>
      %dma_start3A_109 = arith.constant 896 : i32
      %dma_start3A_110 = tpu.memref_slice %arg5[%dma_start3A_109] : memref<1024xi32, #tpu.memory_space<vmem>> -> memref<128xi32, #tpu.memory_space<vmem>>
      %dma_start3A_111 = arith.constant 0 : i32
      %dma_start3A_112 = arith.constant 0 : i32
      %dma_start3A_113 = tpu.memref_slice %arg2[%dma_start3A_111, %dma_start3A_112] : memref<10000x128xf32, #tpu.memory_space<hbm>> -> memref<10000x128xf32, #tpu.memory_space<hbm>>
      tpu.enqueue_indirect_dma source(%dma_start3A_113 : memref<10000x128xf32, #tpu.memory_space<hbm>>) target(%dma_start3A_108 : memref<128x128xf32, #tpu.memory_space<vmem>>) offsets(%dma_start3A_110 : memref<128xi32, #tpu.memory_space<vmem>>) semaphore(%arg7 : memref<!tpu.dma_semaphore, #tpu.memory_space<semaphore_mem>>)
      %dma_wait3A_114 = arith.constant 0 : i32
      %dma_wait3A_115 = arith.constant 0 : i32
      %dma_wait3A_116 = tpu.memref_slice %arg6[%dma_wait3A_114, %dma_wait3A_115] : memref<512x128xf32, #tpu.memory_space<vmem>> -> memref<128x128xf32, #tpu.memory_space<vmem>>
      %dma_wait3A_117 = arith.constant 512 : i32
      %dma_wait3A_118 = tpu.memref_slice %arg5[%dma_wait3A_117] : memref<1024xi32, #tpu.memory_space<vmem>> -> memref<128xi32, #tpu.memory_space<vmem>>
      %dma_wait3A_119 = arith.constant 0 : i32
      %dma_wait3A_120 = arith.constant 0 : i32
      %dma_wait3A_121 = tpu.memref_slice %arg2[%dma_wait3A_119, %dma_wait3A_120] : memref<10000x128xf32, #tpu.memory_space<hbm>> -> memref<10000x128xf32, #tpu.memory_space<hbm>>
      tpu.wait_indirect_dma semaphore(%arg7 : memref<!tpu.dma_semaphore, #tpu.memory_space<semaphore_mem>>) src(%dma_wait3A_121 : memref<10000x128xf32, #tpu.memory_space<hbm>>) dst(%dma_wait3A_116 : memref<128x128xf32, #tpu.memory_space<vmem>>)
      %dma_wait3A_122 = arith.constant 128 : i32
      %dma_wait3A_123 = arith.constant 0 : i32
      %dma_wait3A_124 = tpu.memref_slice %arg6[%dma_wait3A_122, %dma_wait3A_123] : memref<512x128xf32, #tpu.memory_space<vmem>> -> memref<128x128xf32, #tpu.memory_space<vmem>>
      %dma_wait3A_125 = arith.constant 640 : i32
      %dma_wait3A_126 = tpu.memref_slice %arg5[%dma_wait3A_125] : memref<1024xi32, #tpu.memory_space<vmem>> -> memref<128xi32, #tpu.memory_space<vmem>>
      %dma_wait3A_127 = arith.constant 0 : i32
      %dma_wait3A_128 = arith.constant 0 : i32
      %dma_wait3A_129 = tpu.memref_slice %arg2[%dma_wait3A_127, %dma_wait3A_128] : memref<10000x128xf32, #tpu.memory_space<hbm>> -> memref<10000x128xf32, #tpu.memory_space<hbm>>
      tpu.wait_indirect_dma semaphore(%arg7 : memref<!tpu.dma_semaphore, #tpu.memory_space<semaphore_mem>>) src(%dma_wait3A_129 : memref<10000x128xf32, #tpu.memory_space<hbm>>) dst(%dma_wait3A_124 : memref<128x128xf32, #tpu.memory_space<vmem>>)
      %dma_wait3A_130 = arith.constant 256 : i32
      %dma_wait3A_131 = arith.constant 0 : i32
      %dma_wait3A_132 = tpu.memref_slice %arg6[%dma_wait3A_130, %dma_wait3A_131] : memref<512x128xf32, #tpu.memory_space<vmem>> -> memref<128x128xf32, #tpu.memory_space<vmem>>
      %dma_wait3A_133 = arith.constant 768 : i32
      %dma_wait3A_134 = tpu.memref_slice %arg5[%dma_wait3A_133] : memref<1024xi32, #tpu.memory_space<vmem>> -> memref<128xi32, #tpu.memory_space<vmem>>
      %dma_wait3A_135 = arith.constant 0 : i32
      %dma_wait3A_136 = arith.constant 0 : i32
      %dma_wait3A_137 = tpu.memref_slice %arg2[%dma_wait3A_135, %dma_wait3A_136] : memref<10000x128xf32, #tpu.memory_space<hbm>> -> memref<10000x128xf32, #tpu.memory_space<hbm>>
      tpu.wait_indirect_dma semaphore(%arg7 : memref<!tpu.dma_semaphore, #tpu.memory_space<semaphore_mem>>) src(%dma_wait3A_137 : memref<10000x128xf32, #tpu.memory_space<hbm>>) dst(%dma_wait3A_132 : memref<128x128xf32, #tpu.memory_space<vmem>>)
      %dma_wait3A_138 = arith.constant 384 : i32
      %dma_wait3A_139 = arith.constant 0 : i32
      %dma_wait3A_140 = tpu.memref_slice %arg6[%dma_wait3A_138, %dma_wait3A_139] : memref<512x128xf32, #tpu.memory_space<vmem>> -> memref<128x128xf32, #tpu.memory_space<vmem>>
      %dma_wait3A_141 = arith.constant 896 : i32
      %dma_wait3A_142 = tpu.memref_slice %arg5[%dma_wait3A_141] : memref<1024xi32, #tpu.memory_space<vmem>> -> memref<128xi32, #tpu.memory_space<vmem>>
      %dma_wait3A_143 = arith.constant 0 : i32
      %dma_wait3A_144 = arith.constant 0 : i32
      %dma_wait3A_145 = tpu.memref_slice %arg2[%dma_wait3A_143, %dma_wait3A_144] : memref<10000x128xf32, #tpu.memory_space<hbm>> -> memref<10000x128xf32, #tpu.memory_space<hbm>>
      tpu.wait_indirect_dma semaphore(%arg7 : memref<!tpu.dma_semaphore, #tpu.memory_space<semaphore_mem>>) src(%dma_wait3A_145 : memref<10000x128xf32, #tpu.memory_space<hbm>>) dst(%dma_wait3A_140 : memref<128x128xf32, #tpu.memory_space<vmem>>)
      %add3A_146 = arith.constant 512 : i32
      %add3A_147 = arith.addi %multiple_of3A, %add3A_146 : i32
      "tpu.region"() ({
        %run_scoped3A = tpu.sem_alloc : memref<!tpu.dma_semaphore, #tpu.memory_space<semaphore_mem>>
        %dma_start3A_148 = arith.constant 0 : i32
        %dma_start3A_149 = tpu.memref_slice %arg4[%add3A_147, %dma_start3A_148] : memref<80000x128xf32, #tpu.memory_space<hbm>> -> memref<512x128xf32, #tpu.memory_space<hbm>>
        %dma_start3A_150 = arith.constant 0 : i32
        %dma_start3A_151 = tpu.memref_slice %arg4[%add3A_147, %dma_start3A_150] : memref<80000x128xf32, #tpu.memory_space<hbm>> -> memref<512x128xf32, #tpu.memory_space<hbm>>
        tpu.enqueue_dma source(%arg6 : memref<512x128xf32, #tpu.memory_space<vmem>>) target(%dma_start3A_151 : memref<512x128xf32, #tpu.memory_space<hbm>>) target_semaphore(%run_scoped3A : memref<!tpu.dma_semaphore, #tpu.memory_space<semaphore_mem>>)
        %dma_wait3A_152 = arith.constant 0 : i32
        %dma_wait3A_153 = tpu.memref_slice %arg4[%add3A_147, %dma_wait3A_152] : memref<80000x128xf32, #tpu.memory_space<hbm>> -> memref<512x128xf32, #tpu.memory_space<hbm>>
        %dma_wait3A_154 = arith.constant 0 : i32
        %dma_wait3A_155 = tpu.memref_slice %arg4[%add3A_147, %dma_wait3A_154] : memref<80000x128xf32, #tpu.memory_space<hbm>> -> memref<512x128xf32, #tpu.memory_space<hbm>>
        tpu.wait_dma2 semaphore(%run_scoped3A : memref<!tpu.dma_semaphore, #tpu.memory_space<semaphore_mem>>) src(%arg6 : memref<512x128xf32, #tpu.memory_space<vmem>>) dst(%dma_wait3A_155 : memref<512x128xf32, #tpu.memory_space<hbm>>)
        tpu.yield
      }) : () -> ()
    }
    %scan3A_5 = arith.constant 2 : i32
    %lt3A = arith.constant 14 : i32
    %lt3A_6 = arith.cmpi slt, %add3A, %lt3A : i32
    %convert_element_type3A = arith.extui %lt3A_6 : i1 to i32
    %cond3A = arith.constant 0 : i32
    %cond3A_7 = arith.cmpi ne, %convert_element_type3A, %cond3A : i32
    scf.if %cond3A_7 {
      %add3A_12 = arith.constant 64 : i32
      %add3A_13 = arith.addi %add3A_12, %add3A : i32
      %mul3A_14 = arith.constant 1024 : i32
      %mul3A_15 = arith.muli %add3A_13, %mul3A_14 : i32
      %multiple_of3A = tpu.assume_multiple %mul3A_15, 1024 : i32
      "tpu.region"() ({
        %run_scoped3A = tpu.sem_alloc : memref<!tpu.dma_semaphore, #tpu.memory_space<semaphore_mem>>
        %dma_start3A_146 = tpu.memref_slice %arg3[%multiple_of3A] : memref<80000xi32, #tpu.memory_space<hbm>> -> memref<1024xi32, #tpu.memory_space<hbm>>
        %dma_start3A_147 = tpu.memref_slice %arg3[%multiple_of3A] : memref<80000xi32, #tpu.memory_space<hbm>> -> memref<1024xi32, #tpu.memory_space<hbm>>
        tpu.enqueue_dma source(%dma_start3A_147 : memref<1024xi32, #tpu.memory_space<hbm>>) target(%arg5 : memref<1024xi32, #tpu.memory_space<vmem>>) target_semaphore(%run_scoped3A : memref<!tpu.dma_semaphore, #tpu.memory_space<semaphore_mem>>)
        %dma_wait3A_148 = tpu.memref_slice %arg3[%multiple_of3A] : memref<80000xi32, #tpu.memory_space<hbm>> -> memref<1024xi32, #tpu.memory_space<hbm>>
        %dma_wait3A_149 = tpu.memref_slice %arg3[%multiple_of3A] : memref<80000xi32, #tpu.memory_space<hbm>> -> memref<1024xi32, #tpu.memory_space<hbm>>
        tpu.wait_dma2 semaphore(%run_scoped3A : memref<!tpu.dma_semaphore, #tpu.memory_space<semaphore_mem>>) src(%dma_wait3A_149 : memref<1024xi32, #tpu.memory_space<hbm>>) dst(%arg5 : memref<1024xi32, #tpu.memory_space<vmem>>)
        tpu.yield
      }) : () -> ()
      %dma_start3A = arith.constant 0 : i32
      %dma_start3A_16 = arith.constant 0 : i32
      %dma_start3A_17 = tpu.memref_slice %arg6[%dma_start3A, %dma_start3A_16] : memref<512x128xf32, #tpu.memory_space<vmem>> -> memref<128x128xf32, #tpu.memory_space<vmem>>
      %dma_start3A_18 = arith.constant 0 : i32
      %dma_start3A_19 = tpu.memref_slice %arg5[%dma_start3A_18] : memref<1024xi32, #tpu.memory_space<vmem>> -> memref<128xi32, #tpu.memory_space<vmem>>
      %dma_start3A_20 = arith.constant 0 : i32
      %dma_start3A_21 = arith.constant 0 : i32
      %dma_start3A_22 = tpu.memref_slice %arg2[%dma_start3A_20, %dma_start3A_21] : memref<10000x128xf32, #tpu.memory_space<hbm>> -> memref<10000x128xf32, #tpu.memory_space<hbm>>
      tpu.enqueue_indirect_dma source(%dma_start3A_22 : memref<10000x128xf32, #tpu.memory_space<hbm>>) target(%dma_start3A_17 : memref<128x128xf32, #tpu.memory_space<vmem>>) offsets(%dma_start3A_19 : memref<128xi32, #tpu.memory_space<vmem>>) semaphore(%arg7 : memref<!tpu.dma_semaphore, #tpu.memory_space<semaphore_mem>>)
      %dma_start3A_23 = arith.constant 128 : i32
      %dma_start3A_24 = arith.constant 0 : i32
      %dma_start3A_25 = tpu.memref_slice %arg6[%dma_start3A_23, %dma_start3A_24] : memref<512x128xf32, #tpu.memory_space<vmem>> -> memref<128x128xf32, #tpu.memory_space<vmem>>
      %dma_start3A_26 = arith.constant 128 : i32
      %dma_start3A_27 = tpu.memref_slice %arg5[%dma_start3A_26] : memref<1024xi32, #tpu.memory_space<vmem>> -> memref<128xi32, #tpu.memory_space<vmem>>
      %dma_start3A_28 = arith.constant 0 : i32
      %dma_start3A_29 = arith.constant 0 : i32
      %dma_start3A_30 = tpu.memref_slice %arg2[%dma_start3A_28, %dma_start3A_29] : memref<10000x128xf32, #tpu.memory_space<hbm>> -> memref<10000x128xf32, #tpu.memory_space<hbm>>
      tpu.enqueue_indirect_dma source(%dma_start3A_30 : memref<10000x128xf32, #tpu.memory_space<hbm>>) target(%dma_start3A_25 : memref<128x128xf32, #tpu.memory_space<vmem>>) offsets(%dma_start3A_27 : memref<128xi32, #tpu.memory_space<vmem>>) semaphore(%arg7 : memref<!tpu.dma_semaphore, #tpu.memory_space<semaphore_mem>>)
      %dma_start3A_31 = arith.constant 256 : i32
      %dma_start3A_32 = arith.constant 0 : i32
      %dma_start3A_33 = tpu.memref_slice %arg6[%dma_start3A_31, %dma_start3A_32] : memref<512x128xf32, #tpu.memory_space<vmem>> -> memref<128x128xf32, #tpu.memory_space<vmem>>
      %dma_start3A_34 = arith.constant 256 : i32
      %dma_start3A_35 = tpu.memref_slice %arg5[%dma_start3A_34] : memref<1024xi32, #tpu.memory_space<vmem>> -> memref<128xi32, #tpu.memory_space<vmem>>
      %dma_start3A_36 = arith.constant 0 : i32
      %dma_start3A_37 = arith.constant 0 : i32
      %dma_start3A_38 = tpu.memref_slice %arg2[%dma_start3A_36, %dma_start3A_37] : memref<10000x128xf32, #tpu.memory_space<hbm>> -> memref<10000x128xf32, #tpu.memory_space<hbm>>
      tpu.enqueue_indirect_dma source(%dma_start3A_38 : memref<10000x128xf32, #tpu.memory_space<hbm>>) target(%dma_start3A_33 : memref<128x128xf32, #tpu.memory_space<vmem>>) offsets(%dma_start3A_35 : memref<128xi32, #tpu.memory_space<vmem>>) semaphore(%arg7 : memref<!tpu.dma_semaphore, #tpu.memory_space<semaphore_mem>>)
      %dma_start3A_39 = arith.constant 384 : i32
      %dma_start3A_40 = arith.constant 0 : i32
      %dma_start3A_41 = tpu.memref_slice %arg6[%dma_start3A_39, %dma_start3A_40] : memref<512x128xf32, #tpu.memory_space<vmem>> -> memref<128x128xf32, #tpu.memory_space<vmem>>
      %dma_start3A_42 = arith.constant 384 : i32
      %dma_start3A_43 = tpu.memref_slice %arg5[%dma_start3A_42] : memref<1024xi32, #tpu.memory_space<vmem>> -> memref<128xi32, #tpu.memory_space<vmem>>
      %dma_start3A_44 = arith.constant 0 : i32
      %dma_start3A_45 = arith.constant 0 : i32
      %dma_start3A_46 = tpu.memref_slice %arg2[%dma_start3A_44, %dma_start3A_45] : memref<10000x128xf32, #tpu.memory_space<hbm>> -> memref<10000x128xf32, #tpu.memory_space<hbm>>
      tpu.enqueue_indirect_dma source(%dma_start3A_46 : memref<10000x128xf32, #tpu.memory_space<hbm>>) target(%dma_start3A_41 : memref<128x128xf32, #tpu.memory_space<vmem>>) offsets(%dma_start3A_43 : memref<128xi32, #tpu.memory_space<vmem>>) semaphore(%arg7 : memref<!tpu.dma_semaphore, #tpu.memory_space<semaphore_mem>>)
      %dma_wait3A = arith.constant 0 : i32
      %dma_wait3A_47 = arith.constant 0 : i32
      %dma_wait3A_48 = tpu.memref_slice %arg6[%dma_wait3A, %dma_wait3A_47] : memref<512x128xf32, #tpu.memory_space<vmem>> -> memref<128x128xf32, #tpu.memory_space<vmem>>
      %dma_wait3A_49 = arith.constant 0 : i32
      %dma_wait3A_50 = tpu.memref_slice %arg5[%dma_wait3A_49] : memref<1024xi32, #tpu.memory_space<vmem>> -> memref<128xi32, #tpu.memory_space<vmem>>
      %dma_wait3A_51 = arith.constant 0 : i32
      %dma_wait3A_52 = arith.constant 0 : i32
      %dma_wait3A_53 = tpu.memref_slice %arg2[%dma_wait3A_51, %dma_wait3A_52] : memref<10000x128xf32, #tpu.memory_space<hbm>> -> memref<10000x128xf32, #tpu.memory_space<hbm>>
      tpu.wait_indirect_dma semaphore(%arg7 : memref<!tpu.dma_semaphore, #tpu.memory_space<semaphore_mem>>) src(%dma_wait3A_53 : memref<10000x128xf32, #tpu.memory_space<hbm>>) dst(%dma_wait3A_48 : memref<128x128xf32, #tpu.memory_space<vmem>>)
      %dma_wait3A_54 = arith.constant 128 : i32
      %dma_wait3A_55 = arith.constant 0 : i32
      %dma_wait3A_56 = tpu.memref_slice %arg6[%dma_wait3A_54, %dma_wait3A_55] : memref<512x128xf32, #tpu.memory_space<vmem>> -> memref<128x128xf32, #tpu.memory_space<vmem>>
      %dma_wait3A_57 = arith.constant 128 : i32
      %dma_wait3A_58 = tpu.memref_slice %arg5[%dma_wait3A_57] : memref<1024xi32, #tpu.memory_space<vmem>> -> memref<128xi32, #tpu.memory_space<vmem>>
      %dma_wait3A_59 = arith.constant 0 : i32
      %dma_wait3A_60 = arith.constant 0 : i32
      %dma_wait3A_61 = tpu.memref_slice %arg2[%dma_wait3A_59, %dma_wait3A_60] : memref<10000x128xf32, #tpu.memory_space<hbm>> -> memref<10000x128xf32, #tpu.memory_space<hbm>>
      tpu.wait_indirect_dma semaphore(%arg7 : memref<!tpu.dma_semaphore, #tpu.memory_space<semaphore_mem>>) src(%dma_wait3A_61 : memref<10000x128xf32, #tpu.memory_space<hbm>>) dst(%dma_wait3A_56 : memref<128x128xf32, #tpu.memory_space<vmem>>)
      %dma_wait3A_62 = arith.constant 256 : i32
      %dma_wait3A_63 = arith.constant 0 : i32
      %dma_wait3A_64 = tpu.memref_slice %arg6[%dma_wait3A_62, %dma_wait3A_63] : memref<512x128xf32, #tpu.memory_space<vmem>> -> memref<128x128xf32, #tpu.memory_space<vmem>>
      %dma_wait3A_65 = arith.constant 256 : i32
      %dma_wait3A_66 = tpu.memref_slice %arg5[%dma_wait3A_65] : memref<1024xi32, #tpu.memory_space<vmem>> -> memref<128xi32, #tpu.memory_space<vmem>>
      %dma_wait3A_67 = arith.constant 0 : i32
      %dma_wait3A_68 = arith.constant 0 : i32
      %dma_wait3A_69 = tpu.memref_slice %arg2[%dma_wait3A_67, %dma_wait3A_68] : memref<10000x128xf32, #tpu.memory_space<hbm>> -> memref<10000x128xf32, #tpu.memory_space<hbm>>
      tpu.wait_indirect_dma semaphore(%arg7 : memref<!tpu.dma_semaphore, #tpu.memory_space<semaphore_mem>>) src(%dma_wait3A_69 : memref<10000x128xf32, #tpu.memory_space<hbm>>) dst(%dma_wait3A_64 : memref<128x128xf32, #tpu.memory_space<vmem>>)
      %dma_wait3A_70 = arith.constant 384 : i32
      %dma_wait3A_71 = arith.constant 0 : i32
      %dma_wait3A_72 = tpu.memref_slice %arg6[%dma_wait3A_70, %dma_wait3A_71] : memref<512x128xf32, #tpu.memory_space<vmem>> -> memref<128x128xf32, #tpu.memory_space<vmem>>
      %dma_wait3A_73 = arith.constant 384 : i32
      %dma_wait3A_74 = tpu.memref_slice %arg5[%dma_wait3A_73] : memref<1024xi32, #tpu.memory_space<vmem>> -> memref<128xi32, #tpu.memory_space<vmem>>
      %dma_wait3A_75 = arith.constant 0 : i32
      %dma_wait3A_76 = arith.constant 0 : i32
      %dma_wait3A_77 = tpu.memref_slice %arg2[%dma_wait3A_75, %dma_wait3A_76] : memref<10000x128xf32, #tpu.memory_space<hbm>> -> memref<10000x128xf32, #tpu.memory_space<hbm>>
      tpu.wait_indirect_dma semaphore(%arg7 : memref<!tpu.dma_semaphore, #tpu.memory_space<semaphore_mem>>) src(%dma_wait3A_77 : memref<10000x128xf32, #tpu.memory_space<hbm>>) dst(%dma_wait3A_72 : memref<128x128xf32, #tpu.memory_space<vmem>>)
      %add3A_78 = arith.constant 0 : i32
      %add3A_79 = arith.addi %multiple_of3A, %add3A_78 : i32
      "tpu.region"() ({
        %run_scoped3A = tpu.sem_alloc : memref<!tpu.dma_semaphore, #tpu.memory_space<semaphore_mem>>
        %dma_start3A_146 = arith.constant 0 : i32
        %dma_start3A_147 = tpu.memref_slice %arg4[%add3A_79, %dma_start3A_146] : memref<80000x128xf32, #tpu.memory_space<hbm>> -> memref<512x128xf32, #tpu.memory_space<hbm>>
        %dma_start3A_148 = arith.constant 0 : i32
        %dma_start3A_149 = tpu.memref_slice %arg4[%add3A_79, %dma_start3A_148] : memref<80000x128xf32, #tpu.memory_space<hbm>> -> memref<512x128xf32, #tpu.memory_space<hbm>>
        tpu.enqueue_dma source(%arg6 : memref<512x128xf32, #tpu.memory_space<vmem>>) target(%dma_start3A_149 : memref<512x128xf32, #tpu.memory_space<hbm>>) target_semaphore(%run_scoped3A : memref<!tpu.dma_semaphore, #tpu.memory_space<semaphore_mem>>)
        %dma_wait3A_150 = arith.constant 0 : i32
        %dma_wait3A_151 = tpu.memref_slice %arg4[%add3A_79, %dma_wait3A_150] : memref<80000x128xf32, #tpu.memory_space<hbm>> -> memref<512x128xf32, #tpu.memory_space<hbm>>
        %dma_wait3A_152 = arith.constant 0 : i32
        %dma_wait3A_153 = tpu.memref_slice %arg4[%add3A_79, %dma_wait3A_152] : memref<80000x128xf32, #tpu.memory_space<hbm>> -> memref<512x128xf32, #tpu.memory_space<hbm>>
        tpu.wait_dma2 semaphore(%run_scoped3A : memref<!tpu.dma_semaphore, #tpu.memory_space<semaphore_mem>>) src(%arg6 : memref<512x128xf32, #tpu.memory_space<vmem>>) dst(%dma_wait3A_153 : memref<512x128xf32, #tpu.memory_space<hbm>>)
        tpu.yield
      }) : () -> ()
      %dma_start3A_80 = arith.constant 0 : i32
      %dma_start3A_81 = arith.constant 0 : i32
      %dma_start3A_82 = tpu.memref_slice %arg6[%dma_start3A_80, %dma_start3A_81] : memref<512x128xf32, #tpu.memory_space<vmem>> -> memref<128x128xf32, #tpu.memory_space<vmem>>
      %dma_start3A_83 = arith.constant 512 : i32
      %dma_start3A_84 = tpu.memref_slice %arg5[%dma_start3A_83] : memref<1024xi32, #tpu.memory_space<vmem>> -> memref<128xi32, #tpu.memory_space<vmem>>
      %dma_start3A_85 = arith.constant 0 : i32
      %dma_start3A_86 = arith.constant 0 : i32
      %dma_start3A_87 = tpu.memref_slice %arg2[%dma_start3A_85, %dma_start3A_86] : memref<10000x128xf32, #tpu.memory_space<hbm>> -> memref<10000x128xf32, #tpu.memory_space<hbm>>
      tpu.enqueue_indirect_dma source(%dma_start3A_87 : memref<10000x128xf32, #tpu.memory_space<hbm>>) target(%dma_start3A_82 : memref<128x128xf32, #tpu.memory_space<vmem>>) offsets(%dma_start3A_84 : memref<128xi32, #tpu.memory_space<vmem>>) semaphore(%arg7 : memref<!tpu.dma_semaphore, #tpu.memory_space<semaphore_mem>>)
      %dma_start3A_88 = arith.constant 128 : i32
      %dma_start3A_89 = arith.constant 0 : i32
      %dma_start3A_90 = tpu.memref_slice %arg6[%dma_start3A_88, %dma_start3A_89] : memref<512x128xf32, #tpu.memory_space<vmem>> -> memref<128x128xf32, #tpu.memory_space<vmem>>
      %dma_start3A_91 = arith.constant 640 : i32
      %dma_start3A_92 = tpu.memref_slice %arg5[%dma_start3A_91] : memref<1024xi32, #tpu.memory_space<vmem>> -> memref<128xi32, #tpu.memory_space<vmem>>
      %dma_start3A_93 = arith.constant 0 : i32
      %dma_start3A_94 = arith.constant 0 : i32
      %dma_start3A_95 = tpu.memref_slice %arg2[%dma_start3A_93, %dma_start3A_94] : memref<10000x128xf32, #tpu.memory_space<hbm>> -> memref<10000x128xf32, #tpu.memory_space<hbm>>
      tpu.enqueue_indirect_dma source(%dma_start3A_95 : memref<10000x128xf32, #tpu.memory_space<hbm>>) target(%dma_start3A_90 : memref<128x128xf32, #tpu.memory_space<vmem>>) offsets(%dma_start3A_92 : memref<128xi32, #tpu.memory_space<vmem>>) semaphore(%arg7 : memref<!tpu.dma_semaphore, #tpu.memory_space<semaphore_mem>>)
      %dma_start3A_96 = arith.constant 256 : i32
      %dma_start3A_97 = arith.constant 0 : i32
      %dma_start3A_98 = tpu.memref_slice %arg6[%dma_start3A_96, %dma_start3A_97] : memref<512x128xf32, #tpu.memory_space<vmem>> -> memref<128x128xf32, #tpu.memory_space<vmem>>
      %dma_start3A_99 = arith.constant 768 : i32
      %dma_start3A_100 = tpu.memref_slice %arg5[%dma_start3A_99] : memref<1024xi32, #tpu.memory_space<vmem>> -> memref<128xi32, #tpu.memory_space<vmem>>
      %dma_start3A_101 = arith.constant 0 : i32
      %dma_start3A_102 = arith.constant 0 : i32
      %dma_start3A_103 = tpu.memref_slice %arg2[%dma_start3A_101, %dma_start3A_102] : memref<10000x128xf32, #tpu.memory_space<hbm>> -> memref<10000x128xf32, #tpu.memory_space<hbm>>
      tpu.enqueue_indirect_dma source(%dma_start3A_103 : memref<10000x128xf32, #tpu.memory_space<hbm>>) target(%dma_start3A_98 : memref<128x128xf32, #tpu.memory_space<vmem>>) offsets(%dma_start3A_100 : memref<128xi32, #tpu.memory_space<vmem>>) semaphore(%arg7 : memref<!tpu.dma_semaphore, #tpu.memory_space<semaphore_mem>>)
      %dma_start3A_104 = arith.constant 384 : i32
      %dma_start3A_105 = arith.constant 0 : i32
      %dma_start3A_106 = tpu.memref_slice %arg6[%dma_start3A_104, %dma_start3A_105] : memref<512x128xf32, #tpu.memory_space<vmem>> -> memref<128x128xf32, #tpu.memory_space<vmem>>
      %dma_start3A_107 = arith.constant 896 : i32
      %dma_start3A_108 = tpu.memref_slice %arg5[%dma_start3A_107] : memref<1024xi32, #tpu.memory_space<vmem>> -> memref<128xi32, #tpu.memory_space<vmem>>
      %dma_start3A_109 = arith.constant 0 : i32
      %dma_start3A_110 = arith.constant 0 : i32
      %dma_start3A_111 = tpu.memref_slice %arg2[%dma_start3A_109, %dma_start3A_110] : memref<10000x128xf32, #tpu.memory_space<hbm>> -> memref<10000x128xf32, #tpu.memory_space<hbm>>
      tpu.enqueue_indirect_dma source(%dma_start3A_111 : memref<10000x128xf32, #tpu.memory_space<hbm>>) target(%dma_start3A_106 : memref<128x128xf32, #tpu.memory_space<vmem>>) offsets(%dma_start3A_108 : memref<128xi32, #tpu.memory_space<vmem>>) semaphore(%arg7 : memref<!tpu.dma_semaphore, #tpu.memory_space<semaphore_mem>>)
      %dma_wait3A_112 = arith.constant 0 : i32
      %dma_wait3A_113 = arith.constant 0 : i32
      %dma_wait3A_114 = tpu.memref_slice %arg6[%dma_wait3A_112, %dma_wait3A_113] : memref<512x128xf32, #tpu.memory_space<vmem>> -> memref<128x128xf32, #tpu.memory_space<vmem>>
      %dma_wait3A_115 = arith.constant 512 : i32
      %dma_wait3A_116 = tpu.memref_slice %arg5[%dma_wait3A_115] : memref<1024xi32, #tpu.memory_space<vmem>> -> memref<128xi32, #tpu.memory_space<vmem>>
      %dma_wait3A_117 = arith.constant 0 : i32
      %dma_wait3A_118 = arith.constant 0 : i32
      %dma_wait3A_119 = tpu.memref_slice %arg2[%dma_wait3A_117, %dma_wait3A_118] : memref<10000x128xf32, #tpu.memory_space<hbm>> -> memref<10000x128xf32, #tpu.memory_space<hbm>>
      tpu.wait_indirect_dma semaphore(%arg7 : memref<!tpu.dma_semaphore, #tpu.memory_space<semaphore_mem>>) src(%dma_wait3A_119 : memref<10000x128xf32, #tpu.memory_space<hbm>>) dst(%dma_wait3A_114 : memref<128x128xf32, #tpu.memory_space<vmem>>)
      %dma_wait3A_120 = arith.constant 128 : i32
      %dma_wait3A_121 = arith.constant 0 : i32
      %dma_wait3A_122 = tpu.memref_slice %arg6[%dma_wait3A_120, %dma_wait3A_121] : memref<512x128xf32, #tpu.memory_space<vmem>> -> memref<128x128xf32, #tpu.memory_space<vmem>>
      %dma_wait3A_123 = arith.constant 640 : i32
      %dma_wait3A_124 = tpu.memref_slice %arg5[%dma_wait3A_123] : memref<1024xi32, #tpu.memory_space<vmem>> -> memref<128xi32, #tpu.memory_space<vmem>>
      %dma_wait3A_125 = arith.constant 0 : i32
      %dma_wait3A_126 = arith.constant 0 : i32
      %dma_wait3A_127 = tpu.memref_slice %arg2[%dma_wait3A_125, %dma_wait3A_126] : memref<10000x128xf32, #tpu.memory_space<hbm>> -> memref<10000x128xf32, #tpu.memory_space<hbm>>
      tpu.wait_indirect_dma semaphore(%arg7 : memref<!tpu.dma_semaphore, #tpu.memory_space<semaphore_mem>>) src(%dma_wait3A_127 : memref<10000x128xf32, #tpu.memory_space<hbm>>) dst(%dma_wait3A_122 : memref<128x128xf32, #tpu.memory_space<vmem>>)
      %dma_wait3A_128 = arith.constant 256 : i32
      %dma_wait3A_129 = arith.constant 0 : i32
      %dma_wait3A_130 = tpu.memref_slice %arg6[%dma_wait3A_128, %dma_wait3A_129] : memref<512x128xf32, #tpu.memory_space<vmem>> -> memref<128x128xf32, #tpu.memory_space<vmem>>
      %dma_wait3A_131 = arith.constant 768 : i32
      %dma_wait3A_132 = tpu.memref_slice %arg5[%dma_wait3A_131] : memref<1024xi32, #tpu.memory_space<vmem>> -> memref<128xi32, #tpu.memory_space<vmem>>
      %dma_wait3A_133 = arith.constant 0 : i32
      %dma_wait3A_134 = arith.constant 0 : i32
      %dma_wait3A_135 = tpu.memref_slice %arg2[%dma_wait3A_133, %dma_wait3A_134] : memref<10000x128xf32, #tpu.memory_space<hbm>> -> memref<10000x128xf32, #tpu.memory_space<hbm>>
      tpu.wait_indirect_dma semaphore(%arg7 : memref<!tpu.dma_semaphore, #tpu.memory_space<semaphore_mem>>) src(%dma_wait3A_135 : memref<10000x128xf32, #tpu.memory_space<hbm>>) dst(%dma_wait3A_130 : memref<128x128xf32, #tpu.memory_space<vmem>>)
      %dma_wait3A_136 = arith.constant 384 : i32
      %dma_wait3A_137 = arith.constant 0 : i32
      %dma_wait3A_138 = tpu.memref_slice %arg6[%dma_wait3A_136, %dma_wait3A_137] : memref<512x128xf32, #tpu.memory_space<vmem>> -> memref<128x128xf32, #tpu.memory_space<vmem>>
      %dma_wait3A_139 = arith.constant 896 : i32
      %dma_wait3A_140 = tpu.memref_slice %arg5[%dma_wait3A_139] : memref<1024xi32, #tpu.memory_space<vmem>> -> memref<128xi32, #tpu.memory_space<vmem>>
      %dma_wait3A_141 = arith.constant 0 : i32
      %dma_wait3A_142 = arith.constant 0 : i32
      %dma_wait3A_143 = tpu.memref_slice %arg2[%dma_wait3A_141, %dma_wait3A_142] : memref<10000x128xf32, #tpu.memory_space<hbm>> -> memref<10000x128xf32, #tpu.memory_space<hbm>>
      tpu.wait_indirect_dma semaphore(%arg7 : memref<!tpu.dma_semaphore, #tpu.memory_space<semaphore_mem>>) src(%dma_wait3A_143 : memref<10000x128xf32, #tpu.memory_space<hbm>>) dst(%dma_wait3A_138 : memref<128x128xf32, #tpu.memory_space<vmem>>)
      %add3A_144 = arith.constant 512 : i32
      %add3A_145 = arith.addi %multiple_of3A, %add3A_144 : i32
      "tpu.region"() ({
        %run_scoped3A = tpu.sem_alloc : memref<!tpu.dma_semaphore, #tpu.memory_space<semaphore_mem>>
        %dma_start3A_146 = arith.constant 0 : i32
        %dma_start3A_147 = tpu.memref_slice %arg4[%add3A_145, %dma_start3A_146] : memref<80000x128xf32, #tpu.memory_space<hbm>> -> memref<512x128xf32, #tpu.memory_space<hbm>>
        %dma_start3A_148 = arith.constant 0 : i32
        %dma_start3A_149 = tpu.memref_slice %arg4[%add3A_145, %dma_start3A_148] : memref<80000x128xf32, #tpu.memory_space<hbm>> -> memref<512x128xf32, #tpu.memory_space<hbm>>
        tpu.enqueue_dma source(%arg6 : memref<512x128xf32, #tpu.memory_space<vmem>>) target(%dma_start3A_149 : memref<512x128xf32, #tpu.memory_space<hbm>>) target_semaphore(%run_scoped3A : memref<!tpu.dma_semaphore, #tpu.memory_space<semaphore_mem>>)
        %dma_wait3A_150 = arith.constant 0 : i32
        %dma_wait3A_151 = tpu.memref_slice %arg4[%add3A_145, %dma_wait3A_150] : memref<80000x128xf32, #tpu.memory_space<hbm>> -> memref<512x128xf32, #tpu.memory_space<hbm>>
        %dma_wait3A_152 = arith.constant 0 : i32
        %dma_wait3A_153 = tpu.memref_slice %arg4[%add3A_145, %dma_wait3A_152] : memref<80000x128xf32, #tpu.memory_space<hbm>> -> memref<512x128xf32, #tpu.memory_space<hbm>>
        tpu.wait_dma2 semaphore(%run_scoped3A : memref<!tpu.dma_semaphore, #tpu.memory_space<semaphore_mem>>) src(%arg6 : memref<512x128xf32, #tpu.memory_space<vmem>>) dst(%dma_wait3A_153 : memref<512x128xf32, #tpu.memory_space<hbm>>)
        tpu.yield
      }) : () -> ()
    } else {
    }
    %eq3A = arith.constant 14 : i32
    %eq3A_8 = arith.cmpi eq, %add3A, %eq3A : i32
    %convert_element_type3A_9 = arith.extui %eq3A_8 : i1 to i32
    %cond3A_10 = arith.constant 0 : i32
    %cond3A_11 = arith.cmpi ne, %convert_element_type3A_9, %cond3A_10 : i32
    scf.if %cond3A_11 {
      "tpu.region"() ({
        %run_scoped3A = tpu.sem_alloc : memref<!tpu.dma_semaphore, #tpu.memory_space<semaphore_mem>>
        %dma_start3A_26 = arith.constant 0 : i32
        %dma_start3A_27 = tpu.memref_slice %arg5[%dma_start3A_26] : memref<1024xi32, #tpu.memory_space<vmem>> -> memref<128xi32, #tpu.memory_space<vmem>>
        %dma_start3A_28 = arith.constant 79872 : i32
        %dma_start3A_29 = tpu.memref_slice %arg3[%dma_start3A_28] : memref<80000xi32, #tpu.memory_space<hbm>> -> memref<128xi32, #tpu.memory_space<hbm>>
        %dma_start3A_30 = arith.constant 0 : i32
        %dma_start3A_31 = tpu.memref_slice %arg5[%dma_start3A_30] : memref<1024xi32, #tpu.memory_space<vmem>> -> memref<128xi32, #tpu.memory_space<vmem>>
        %dma_start3A_32 = arith.constant 79872 : i32
        %dma_start3A_33 = tpu.memref_slice %arg3[%dma_start3A_32] : memref<80000xi32, #tpu.memory_space<hbm>> -> memref<128xi32, #tpu.memory_space<hbm>>
        tpu.enqueue_dma source(%dma_start3A_33 : memref<128xi32, #tpu.memory_space<hbm>>) target(%dma_start3A_31 : memref<128xi32, #tpu.memory_space<vmem>>) target_semaphore(%run_scoped3A : memref<!tpu.dma_semaphore, #tpu.memory_space<semaphore_mem>>)
        %dma_wait3A_34 = arith.constant 0 : i32
        %dma_wait3A_35 = tpu.memref_slice %arg5[%dma_wait3A_34] : memref<1024xi32, #tpu.memory_space<vmem>> -> memref<128xi32, #tpu.memory_space<vmem>>
        %dma_wait3A_36 = arith.constant 79872 : i32
        %dma_wait3A_37 = tpu.memref_slice %arg3[%dma_wait3A_36] : memref<80000xi32, #tpu.memory_space<hbm>> -> memref<128xi32, #tpu.memory_space<hbm>>
        %dma_wait3A_38 = arith.constant 0 : i32
        %dma_wait3A_39 = tpu.memref_slice %arg5[%dma_wait3A_38] : memref<1024xi32, #tpu.memory_space<vmem>> -> memref<128xi32, #tpu.memory_space<vmem>>
        %dma_wait3A_40 = arith.constant 79872 : i32
        %dma_wait3A_41 = tpu.memref_slice %arg3[%dma_wait3A_40] : memref<80000xi32, #tpu.memory_space<hbm>> -> memref<128xi32, #tpu.memory_space<hbm>>
        tpu.wait_dma2 semaphore(%run_scoped3A : memref<!tpu.dma_semaphore, #tpu.memory_space<semaphore_mem>>) src(%dma_wait3A_41 : memref<128xi32, #tpu.memory_space<hbm>>) dst(%dma_wait3A_39 : memref<128xi32, #tpu.memory_space<vmem>>)
        tpu.yield
      }) : () -> ()
      %dma_start3A = arith.constant 0 : i32
      %dma_start3A_12 = arith.constant 0 : i32
      %dma_start3A_13 = tpu.memref_slice %arg6[%dma_start3A, %dma_start3A_12] : memref<512x128xf32, #tpu.memory_space<vmem>> -> memref<128x128xf32, #tpu.memory_space<vmem>>
      %dma_start3A_14 = arith.constant 0 : i32
      %dma_start3A_15 = tpu.memref_slice %arg5[%dma_start3A_14] : memref<1024xi32, #tpu.memory_space<vmem>> -> memref<128xi32, #tpu.memory_space<vmem>>
      %dma_start3A_16 = arith.constant 0 : i32
      %dma_start3A_17 = arith.constant 0 : i32
      %dma_start3A_18 = tpu.memref_slice %arg2[%dma_start3A_16, %dma_start3A_17] : memref<10000x128xf32, #tpu.memory_space<hbm>> -> memref<10000x128xf32, #tpu.memory_space<hbm>>
      tpu.enqueue_indirect_dma source(%dma_start3A_18 : memref<10000x128xf32, #tpu.memory_space<hbm>>) target(%dma_start3A_13 : memref<128x128xf32, #tpu.memory_space<vmem>>) offsets(%dma_start3A_15 : memref<128xi32, #tpu.memory_space<vmem>>) semaphore(%arg7 : memref<!tpu.dma_semaphore, #tpu.memory_space<semaphore_mem>>)
      %dma_wait3A = arith.constant 0 : i32
      %dma_wait3A_19 = arith.constant 0 : i32
      %dma_wait3A_20 = tpu.memref_slice %arg6[%dma_wait3A, %dma_wait3A_19] : memref<512x128xf32, #tpu.memory_space<vmem>> -> memref<128x128xf32, #tpu.memory_space<vmem>>
      %dma_wait3A_21 = arith.constant 0 : i32
      %dma_wait3A_22 = tpu.memref_slice %arg5[%dma_wait3A_21] : memref<1024xi32, #tpu.memory_space<vmem>> -> memref<128xi32, #tpu.memory_space<vmem>>
      %dma_wait3A_23 = arith.constant 0 : i32
      %dma_wait3A_24 = arith.constant 0 : i32
      %dma_wait3A_25 = tpu.memref_slice %arg2[%dma_wait3A_23, %dma_wait3A_24] : memref<10000x128xf32, #tpu.memory_space<hbm>> -> memref<10000x128xf32, #tpu.memory_space<hbm>>
      tpu.wait_indirect_dma semaphore(%arg7 : memref<!tpu.dma_semaphore, #tpu.memory_space<semaphore_mem>>) src(%dma_wait3A_25 : memref<10000x128xf32, #tpu.memory_space<hbm>>) dst(%dma_wait3A_20 : memref<128x128xf32, #tpu.memory_space<vmem>>)
      "tpu.region"() ({
        %run_scoped3A = tpu.sem_alloc : memref<!tpu.dma_semaphore, #tpu.memory_space<semaphore_mem>>
        %dma_start3A_26 = arith.constant 0 : i32
        %dma_start3A_27 = arith.constant 0 : i32
        %dma_start3A_28 = tpu.memref_slice %arg6[%dma_start3A_26, %dma_start3A_27] : memref<512x128xf32, #tpu.memory_space<vmem>> -> memref<128x128xf32, #tpu.memory_space<vmem>>
        %dma_start3A_29 = arith.constant 79872 : i32
        %dma_start3A_30 = arith.constant 0 : i32
        %dma_start3A_31 = tpu.memref_slice %arg4[%dma_start3A_29, %dma_start3A_30] : memref<80000x128xf32, #tpu.memory_space<hbm>> -> memref<128x128xf32, #tpu.memory_space<hbm>>
        %dma_start3A_32 = arith.constant 79872 : i32
        %dma_start3A_33 = arith.constant 0 : i32
        %dma_start3A_34 = tpu.memref_slice %arg4[%dma_start3A_32, %dma_start3A_33] : memref<80000x128xf32, #tpu.memory_space<hbm>> -> memref<128x128xf32, #tpu.memory_space<hbm>>
        %dma_start3A_35 = arith.constant 0 : i32
        %dma_start3A_36 = arith.constant 0 : i32
        %dma_start3A_37 = tpu.memref_slice %arg6[%dma_start3A_35, %dma_start3A_36] : memref<512x128xf32, #tpu.memory_space<vmem>> -> memref<128x128xf32, #tpu.memory_space<vmem>>
        tpu.enqueue_dma source(%dma_start3A_37 : memref<128x128xf32, #tpu.memory_space<vmem>>) target(%dma_start3A_34 : memref<128x128xf32, #tpu.memory_space<hbm>>) target_semaphore(%run_scoped3A : memref<!tpu.dma_semaphore, #tpu.memory_space<semaphore_mem>>)
        %dma_wait3A_38 = arith.constant 0 : i32
        %dma_wait3A_39 = arith.constant 0 : i32
        %dma_wait3A_40 = tpu.memref_slice %arg6[%dma_wait3A_38, %dma_wait3A_39] : memref<512x128xf32, #tpu.memory_space<vmem>> -> memref<128x128xf32, #tpu.memory_space<vmem>>
        %dma_wait3A_41 = arith.constant 79872 : i32
        %dma_wait3A_42 = arith.constant 0 : i32
        %dma_wait3A_43 = tpu.memref_slice %arg4[%dma_wait3A_41, %dma_wait3A_42] : memref<80000x128xf32, #tpu.memory_space<hbm>> -> memref<128x128xf32, #tpu.memory_space<hbm>>
        %dma_wait3A_44 = arith.constant 79872 : i32
        %dma_wait3A_45 = arith.constant 0 : i32
        %dma_wait3A_46 = tpu.memref_slice %arg4[%dma_wait3A_44, %dma_wait3A_45] : memref<80000x128xf32, #tpu.memory_space<hbm>> -> memref<128x128xf32, #tpu.memory_space<hbm>>
        %dma_wait3A_47 = arith.constant 0 : i32
        %dma_wait3A_48 = arith.constant 0 : i32
        %dma_wait3A_49 = tpu.memref_slice %arg6[%dma_wait3A_47, %dma_wait3A_48] : memref<512x128xf32, #tpu.memory_space<vmem>> -> memref<128x128xf32, #tpu.memory_space<vmem>>
        tpu.wait_dma2 semaphore(%run_scoped3A : memref<!tpu.dma_semaphore, #tpu.memory_space<semaphore_mem>>) src(%dma_wait3A_49 : memref<128x128xf32, #tpu.memory_space<vmem>>) dst(%dma_wait3A_46 : memref<128x128xf32, #tpu.memory_space<hbm>>)
        tpu.yield
      }) : () -> ()
    } else {
    }
    return
  }
}

#map = affine_map<(d0, d1) -> (0, 0)>
#map1 = affine_map<(d0, d1) -> (0)>
module attributes {stable_mosaic.version = 14 : i64} {
  func.func @gk(%arg0: i32, %arg1: i32, %arg2: memref<10000x128xf32, #tpu.memory_space<hbm>>, %arg3: memref<80000xi32, #tpu.memory_space<hbm>>, %arg4: memref<80000x128xf32, #tpu.memory_space<hbm>>, %arg5: memref<1024xi32, #tpu.memory_space<vmem>>, %arg6: memref<512x128xf32, #tpu.memory_space<vmem>>, %arg7: memref<!tpu.dma_semaphore, #tpu.memory_space<semaphore_mem>>) attributes {dimension_semantics = [#tpu.dimension_semantics<core_parallel>, #tpu.dimension_semantics<subcore_parallel>], iteration_bounds = array<i64: 2, 16>, scalar_prefetch = 0 : i64, scratch_operands = 3 : i64, tpu.core_type = #tpu.core_type<sc_vector_subcore>, window_params = [{transform_indices = #map}, {transform_indices = #map1}, {transform_indices = #map}]} {
    %mul3A = arith.constant 2 : i32
    %mul3A_0 = arith.muli %arg1, %mul3A : i32
    %add3A = arith.addi %mul3A_0, %arg0 : i32
    %scan3A = arith.constant 0 : i32
    %scan3A_1 = arith.constant 0 : i32
    %scan3A_2 = arith.constant 2 : i32
    %scan3A_3 = arith.addi %scan3A_1, %scan3A_2 : i32
    %scan3A_4 = arith.constant 1 : i32
    scf.for %scan3A_12 = %scan3A_1 to %scan3A_3 step %scan3A_4  : i32 {
      %mul3A_13 = arith.constant 32 : i32
      %mul3A_14 = arith.muli %scan3A_12, %mul3A_13 : i32
      %add3A_15 = arith.addi %mul3A_14, %add3A : i32
      %mul3A_16 = arith.constant 1024 : i32
      %mul3A_17 = arith.muli %add3A_15, %mul3A_16 : i32
      %multiple_of3A = tpu.assume_multiple %mul3A_17, 1024 : i32
      "tpu.region"() ({
        %run_scoped3A = tpu.sem_alloc : memref<!tpu.dma_semaphore, #tpu.memory_space<semaphore_mem>>
        %dma_start3A_148 = tpu.memref_slice %arg3[%multiple_of3A] : memref<80000xi32, #tpu.memory_space<hbm>> -> memref<1024xi32, #tpu.memory_space<hbm>>
        %dma_start3A_149 = tpu.memref_slice %arg3[%multiple_of3A] : memref<80000xi32, #tpu.memory_space<hbm>> -> memref<1024xi32, #tpu.memory_space<hbm>>
        tpu.enqueue_dma source(%dma_start3A_149 : memref<1024xi32, #tpu.memory_space<hbm>>) target(%arg5 : memref<1024xi32, #tpu.memory_space<vmem>>) target_semaphore(%run_scoped3A : memref<!tpu.dma_semaphore, #tpu.memory_space<semaphore_mem>>)
        %dma_wait3A_150 = tpu.memref_slice %arg3[%multiple_of3A] : memref<80000xi32, #tpu.memory_space<hbm>> -> memref<1024xi32, #tpu.memory_space<hbm>>
        %dma_wait3A_151 = tpu.memref_slice %arg3[%multiple_of3A] : memref<80000xi32, #tpu.memory_space<hbm>> -> memref<1024xi32, #tpu.memory_space<hbm>>
        tpu.wait_dma2 semaphore(%run_scoped3A : memref<!tpu.dma_semaphore, #tpu.memory_space<semaphore_mem>>) src(%dma_wait3A_151 : memref<1024xi32, #tpu.memory_space<hbm>>) dst(%arg5 : memref<1024xi32, #tpu.memory_space<vmem>>)
        tpu.yield
      }) : () -> ()
      %dma_start3A = arith.constant 0 : i32
      %dma_start3A_18 = arith.constant 0 : i32
      %dma_start3A_19 = tpu.memref_slice %arg6[%dma_start3A, %dma_start3A_18] : memref<512x128xf32, #tpu.memory_space<vmem>> -> memref<128x128xf32, #tpu.memory_space<vmem>>
      %dma_start3A_20 = arith.constant 0 : i32
      %dma_start3A_21 = tpu.memref_slice %arg5[%dma_start3A_20] : memref<1024xi32, #tpu.memory_space<vmem>> -> memref<128xi32, #tpu.memory_space<vmem>>
      %dma_start3A_22 = arith.constant 0 : i32
      %dma_start3A_23 = arith.constant 0 : i32
      %dma_start3A_24 = tpu.memref_slice %arg2[%dma_start3A_22, %dma_start3A_23] : memref<10000x128xf32, #tpu.memory_space<hbm>> -> memref<10000x128xf32, #tpu.memory_space<hbm>>
      tpu.enqueue_indirect_dma source(%dma_start3A_24 : memref<10000x128xf32, #tpu.memory_space<hbm>>) target(%dma_start3A_19 : memref<128x128xf32, #tpu.memory_space<vmem>>) offsets(%dma_start3A_21 : memref<128xi32, #tpu.memory_space<vmem>>) semaphore(%arg7 : memref<!tpu.dma_semaphore, #tpu.memory_space<semaphore_mem>>)
      %dma_start3A_25 = arith.constant 128 : i32
      %dma_start3A_26 = arith.constant 0 : i32
      %dma_start3A_27 = tpu.memref_slice %arg6[%dma_start3A_25, %dma_start3A_26] : memref<512x128xf32, #tpu.memory_space<vmem>> -> memref<128x128xf32, #tpu.memory_space<vmem>>
      %dma_start3A_28 = arith.constant 128 : i32
      %dma_start3A_29 = tpu.memref_slice %arg5[%dma_start3A_28] : memref<1024xi32, #tpu.memory_space<vmem>> -> memref<128xi32, #tpu.memory_space<vmem>>
      %dma_start3A_30 = arith.constant 0 : i32
      %dma_start3A_31 = arith.constant 0 : i32
      %dma_start3A_32 = tpu.memref_slice %arg2[%dma_start3A_30, %dma_start3A_31] : memref<10000x128xf32, #tpu.memory_space<hbm>> -> memref<10000x128xf32, #tpu.memory_space<hbm>>
      tpu.enqueue_indirect_dma source(%dma_start3A_32 : memref<10000x128xf32, #tpu.memory_space<hbm>>) target(%dma_start3A_27 : memref<128x128xf32, #tpu.memory_space<vmem>>) offsets(%dma_start3A_29 : memref<128xi32, #tpu.memory_space<vmem>>) semaphore(%arg7 : memref<!tpu.dma_semaphore, #tpu.memory_space<semaphore_mem>>)
      %dma_start3A_33 = arith.constant 256 : i32
      %dma_start3A_34 = arith.constant 0 : i32
      %dma_start3A_35 = tpu.memref_slice %arg6[%dma_start3A_33, %dma_start3A_34] : memref<512x128xf32, #tpu.memory_space<vmem>> -> memref<128x128xf32, #tpu.memory_space<vmem>>
      %dma_start3A_36 = arith.constant 256 : i32
      %dma_start3A_37 = tpu.memref_slice %arg5[%dma_start3A_36] : memref<1024xi32, #tpu.memory_space<vmem>> -> memref<128xi32, #tpu.memory_space<vmem>>
      %dma_start3A_38 = arith.constant 0 : i32
      %dma_start3A_39 = arith.constant 0 : i32
      %dma_start3A_40 = tpu.memref_slice %arg2[%dma_start3A_38, %dma_start3A_39] : memref<10000x128xf32, #tpu.memory_space<hbm>> -> memref<10000x128xf32, #tpu.memory_space<hbm>>
      tpu.enqueue_indirect_dma source(%dma_start3A_40 : memref<10000x128xf32, #tpu.memory_space<hbm>>) target(%dma_start3A_35 : memref<128x128xf32, #tpu.memory_space<vmem>>) offsets(%dma_start3A_37 : memref<128xi32, #tpu.memory_space<vmem>>) semaphore(%arg7 : memref<!tpu.dma_semaphore, #tpu.memory_space<semaphore_mem>>)
      %dma_start3A_41 = arith.constant 384 : i32
      %dma_start3A_42 = arith.constant 0 : i32
      %dma_start3A_43 = tpu.memref_slice %arg6[%dma_start3A_41, %dma_start3A_42] : memref<512x128xf32, #tpu.memory_space<vmem>> -> memref<128x128xf32, #tpu.memory_space<vmem>>
      %dma_start3A_44 = arith.constant 384 : i32
      %dma_start3A_45 = tpu.memref_slice %arg5[%dma_start3A_44] : memref<1024xi32, #tpu.memory_space<vmem>> -> memref<128xi32, #tpu.memory_space<vmem>>
      %dma_start3A_46 = arith.constant 0 : i32
      %dma_start3A_47 = arith.constant 0 : i32
      %dma_start3A_48 = tpu.memref_slice %arg2[%dma_start3A_46, %dma_start3A_47] : memref<10000x128xf32, #tpu.memory_space<hbm>> -> memref<10000x128xf32, #tpu.memory_space<hbm>>
      tpu.enqueue_indirect_dma source(%dma_start3A_48 : memref<10000x128xf32, #tpu.memory_space<hbm>>) target(%dma_start3A_43 : memref<128x128xf32, #tpu.memory_space<vmem>>) offsets(%dma_start3A_45 : memref<128xi32, #tpu.memory_space<vmem>>) semaphore(%arg7 : memref<!tpu.dma_semaphore, #tpu.memory_space<semaphore_mem>>)
      %dma_wait3A = arith.constant 0 : i32
      %dma_wait3A_49 = arith.constant 0 : i32
      %dma_wait3A_50 = tpu.memref_slice %arg6[%dma_wait3A, %dma_wait3A_49] : memref<512x128xf32, #tpu.memory_space<vmem>> -> memref<128x128xf32, #tpu.memory_space<vmem>>
      %dma_wait3A_51 = arith.constant 0 : i32
      %dma_wait3A_52 = tpu.memref_slice %arg5[%dma_wait3A_51] : memref<1024xi32, #tpu.memory_space<vmem>> -> memref<128xi32, #tpu.memory_space<vmem>>
      %dma_wait3A_53 = arith.constant 0 : i32
      %dma_wait3A_54 = arith.constant 0 : i32
      %dma_wait3A_55 = tpu.memref_slice %arg2[%dma_wait3A_53, %dma_wait3A_54] : memref<10000x128xf32, #tpu.memory_space<hbm>> -> memref<10000x128xf32, #tpu.memory_space<hbm>>
      tpu.wait_indirect_dma semaphore(%arg7 : memref<!tpu.dma_semaphore, #tpu.memory_space<semaphore_mem>>) src(%dma_wait3A_55 : memref<10000x128xf32, #tpu.memory_space<hbm>>) dst(%dma_wait3A_50 : memref<128x128xf32, #tpu.memory_space<vmem>>)
      %dma_wait3A_56 = arith.constant 128 : i32
      %dma_wait3A_57 = arith.constant 0 : i32
      %dma_wait3A_58 = tpu.memref_slice %arg6[%dma_wait3A_56, %dma_wait3A_57] : memref<512x128xf32, #tpu.memory_space<vmem>> -> memref<128x128xf32, #tpu.memory_space<vmem>>
      %dma_wait3A_59 = arith.constant 128 : i32
      %dma_wait3A_60 = tpu.memref_slice %arg5[%dma_wait3A_59] : memref<1024xi32, #tpu.memory_space<vmem>> -> memref<128xi32, #tpu.memory_space<vmem>>
      %dma_wait3A_61 = arith.constant 0 : i32
      %dma_wait3A_62 = arith.constant 0 : i32
      %dma_wait3A_63 = tpu.memref_slice %arg2[%dma_wait3A_61, %dma_wait3A_62] : memref<10000x128xf32, #tpu.memory_space<hbm>> -> memref<10000x128xf32, #tpu.memory_space<hbm>>
      tpu.wait_indirect_dma semaphore(%arg7 : memref<!tpu.dma_semaphore, #tpu.memory_space<semaphore_mem>>) src(%dma_wait3A_63 : memref<10000x128xf32, #tpu.memory_space<hbm>>) dst(%dma_wait3A_58 : memref<128x128xf32, #tpu.memory_space<vmem>>)
      %dma_wait3A_64 = arith.constant 256 : i32
      %dma_wait3A_65 = arith.constant 0 : i32
      %dma_wait3A_66 = tpu.memref_slice %arg6[%dma_wait3A_64, %dma_wait3A_65] : memref<512x128xf32, #tpu.memory_space<vmem>> -> memref<128x128xf32, #tpu.memory_space<vmem>>
      %dma_wait3A_67 = arith.constant 256 : i32
      %dma_wait3A_68 = tpu.memref_slice %arg5[%dma_wait3A_67] : memref<1024xi32, #tpu.memory_space<vmem>> -> memref<128xi32, #tpu.memory_space<vmem>>
      %dma_wait3A_69 = arith.constant 0 : i32
      %dma_wait3A_70 = arith.constant 0 : i32
      %dma_wait3A_71 = tpu.memref_slice %arg2[%dma_wait3A_69, %dma_wait3A_70] : memref<10000x128xf32, #tpu.memory_space<hbm>> -> memref<10000x128xf32, #tpu.memory_space<hbm>>
      tpu.wait_indirect_dma semaphore(%arg7 : memref<!tpu.dma_semaphore, #tpu.memory_space<semaphore_mem>>) src(%dma_wait3A_71 : memref<10000x128xf32, #tpu.memory_space<hbm>>) dst(%dma_wait3A_66 : memref<128x128xf32, #tpu.memory_space<vmem>>)
      %dma_wait3A_72 = arith.constant 384 : i32
      %dma_wait3A_73 = arith.constant 0 : i32
      %dma_wait3A_74 = tpu.memref_slice %arg6[%dma_wait3A_72, %dma_wait3A_73] : memref<512x128xf32, #tpu.memory_space<vmem>> -> memref<128x128xf32, #tpu.memory_space<vmem>>
      %dma_wait3A_75 = arith.constant 384 : i32
      %dma_wait3A_76 = tpu.memref_slice %arg5[%dma_wait3A_75] : memref<1024xi32, #tpu.memory_space<vmem>> -> memref<128xi32, #tpu.memory_space<vmem>>
      %dma_wait3A_77 = arith.constant 0 : i32
      %dma_wait3A_78 = arith.constant 0 : i32
      %dma_wait3A_79 = tpu.memref_slice %arg2[%dma_wait3A_77, %dma_wait3A_78] : memref<10000x128xf32, #tpu.memory_space<hbm>> -> memref<10000x128xf32, #tpu.memory_space<hbm>>
      tpu.wait_indirect_dma semaphore(%arg7 : memref<!tpu.dma_semaphore, #tpu.memory_space<semaphore_mem>>) src(%dma_wait3A_79 : memref<10000x128xf32, #tpu.memory_space<hbm>>) dst(%dma_wait3A_74 : memref<128x128xf32, #tpu.memory_space<vmem>>)
      %add3A_80 = arith.constant 0 : i32
      %add3A_81 = arith.addi %multiple_of3A, %add3A_80 : i32
      "tpu.region"() ({
        %run_scoped3A = tpu.sem_alloc : memref<!tpu.dma_semaphore, #tpu.memory_space<semaphore_mem>>
        %dma_start3A_148 = arith.constant 0 : i32
        %dma_start3A_149 = tpu.memref_slice %arg4[%add3A_81, %dma_start3A_148] : memref<80000x128xf32, #tpu.memory_space<hbm>> -> memref<512x128xf32, #tpu.memory_space<hbm>>
        %dma_start3A_150 = arith.constant 0 : i32
        %dma_start3A_151 = tpu.memref_slice %arg4[%add3A_81, %dma_start3A_150] : memref<80000x128xf32, #tpu.memory_space<hbm>> -> memref<512x128xf32, #tpu.memory_space<hbm>>
        tpu.enqueue_dma source(%arg6 : memref<512x128xf32, #tpu.memory_space<vmem>>) target(%dma_start3A_151 : memref<512x128xf32, #tpu.memory_space<hbm>>) target_semaphore(%run_scoped3A : memref<!tpu.dma_semaphore, #tpu.memory_space<semaphore_mem>>)
        %dma_wait3A_152 = arith.constant 0 : i32
        %dma_wait3A_153 = tpu.memref_slice %arg4[%add3A_81, %dma_wait3A_152] : memref<80000x128xf32, #tpu.memory_space<hbm>> -> memref<512x128xf32, #tpu.memory_space<hbm>>
        %dma_wait3A_154 = arith.constant 0 : i32
        %dma_wait3A_155 = tpu.memref_slice %arg4[%add3A_81, %dma_wait3A_154] : memref<80000x128xf32, #tpu.memory_space<hbm>> -> memref<512x128xf32, #tpu.memory_space<hbm>>
        tpu.wait_dma2 semaphore(%run_scoped3A : memref<!tpu.dma_semaphore, #tpu.memory_space<semaphore_mem>>) src(%arg6 : memref<512x128xf32, #tpu.memory_space<vmem>>) dst(%dma_wait3A_155 : memref<512x128xf32, #tpu.memory_space<hbm>>)
        tpu.yield
      }) : () -> ()
      %dma_start3A_82 = arith.constant 0 : i32
      %dma_start3A_83 = arith.constant 0 : i32
      %dma_start3A_84 = tpu.memref_slice %arg6[%dma_start3A_82, %dma_start3A_83] : memref<512x128xf32, #tpu.memory_space<vmem>> -> memref<128x128xf32, #tpu.memory_space<vmem>>
      %dma_start3A_85 = arith.constant 512 : i32
      %dma_start3A_86 = tpu.memref_slice %arg5[%dma_start3A_85] : memref<1024xi32, #tpu.memory_space<vmem>> -> memref<128xi32, #tpu.memory_space<vmem>>
      %dma_start3A_87 = arith.constant 0 : i32
      %dma_start3A_88 = arith.constant 0 : i32
      %dma_start3A_89 = tpu.memref_slice %arg2[%dma_start3A_87, %dma_start3A_88] : memref<10000x128xf32, #tpu.memory_space<hbm>> -> memref<10000x128xf32, #tpu.memory_space<hbm>>
      tpu.enqueue_indirect_dma source(%dma_start3A_89 : memref<10000x128xf32, #tpu.memory_space<hbm>>) target(%dma_start3A_84 : memref<128x128xf32, #tpu.memory_space<vmem>>) offsets(%dma_start3A_86 : memref<128xi32, #tpu.memory_space<vmem>>) semaphore(%arg7 : memref<!tpu.dma_semaphore, #tpu.memory_space<semaphore_mem>>)
      %dma_start3A_90 = arith.constant 128 : i32
      %dma_start3A_91 = arith.constant 0 : i32
      %dma_start3A_92 = tpu.memref_slice %arg6[%dma_start3A_90, %dma_start3A_91] : memref<512x128xf32, #tpu.memory_space<vmem>> -> memref<128x128xf32, #tpu.memory_space<vmem>>
      %dma_start3A_93 = arith.constant 640 : i32
      %dma_start3A_94 = tpu.memref_slice %arg5[%dma_start3A_93] : memref<1024xi32, #tpu.memory_space<vmem>> -> memref<128xi32, #tpu.memory_space<vmem>>
      %dma_start3A_95 = arith.constant 0 : i32
      %dma_start3A_96 = arith.constant 0 : i32
      %dma_start3A_97 = tpu.memref_slice %arg2[%dma_start3A_95, %dma_start3A_96] : memref<10000x128xf32, #tpu.memory_space<hbm>> -> memref<10000x128xf32, #tpu.memory_space<hbm>>
      tpu.enqueue_indirect_dma source(%dma_start3A_97 : memref<10000x128xf32, #tpu.memory_space<hbm>>) target(%dma_start3A_92 : memref<128x128xf32, #tpu.memory_space<vmem>>) offsets(%dma_start3A_94 : memref<128xi32, #tpu.memory_space<vmem>>) semaphore(%arg7 : memref<!tpu.dma_semaphore, #tpu.memory_space<semaphore_mem>>)
      %dma_start3A_98 = arith.constant 256 : i32
      %dma_start3A_99 = arith.constant 0 : i32
      %dma_start3A_100 = tpu.memref_slice %arg6[%dma_start3A_98, %dma_start3A_99] : memref<512x128xf32, #tpu.memory_space<vmem>> -> memref<128x128xf32, #tpu.memory_space<vmem>>
      %dma_start3A_101 = arith.constant 768 : i32
      %dma_start3A_102 = tpu.memref_slice %arg5[%dma_start3A_101] : memref<1024xi32, #tpu.memory_space<vmem>> -> memref<128xi32, #tpu.memory_space<vmem>>
      %dma_start3A_103 = arith.constant 0 : i32
      %dma_start3A_104 = arith.constant 0 : i32
      %dma_start3A_105 = tpu.memref_slice %arg2[%dma_start3A_103, %dma_start3A_104] : memref<10000x128xf32, #tpu.memory_space<hbm>> -> memref<10000x128xf32, #tpu.memory_space<hbm>>
      tpu.enqueue_indirect_dma source(%dma_start3A_105 : memref<10000x128xf32, #tpu.memory_space<hbm>>) target(%dma_start3A_100 : memref<128x128xf32, #tpu.memory_space<vmem>>) offsets(%dma_start3A_102 : memref<128xi32, #tpu.memory_space<vmem>>) semaphore(%arg7 : memref<!tpu.dma_semaphore, #tpu.memory_space<semaphore_mem>>)
      %dma_start3A_106 = arith.constant 384 : i32
      %dma_start3A_107 = arith.constant 0 : i32
      %dma_start3A_108 = tpu.memref_slice %arg6[%dma_start3A_106, %dma_start3A_107] : memref<512x128xf32, #tpu.memory_space<vmem>> -> memref<128x128xf32, #tpu.memory_space<vmem>>
      %dma_start3A_109 = arith.constant 896 : i32
      %dma_start3A_110 = tpu.memref_slice %arg5[%dma_start3A_109] : memref<1024xi32, #tpu.memory_space<vmem>> -> memref<128xi32, #tpu.memory_space<vmem>>
      %dma_start3A_111 = arith.constant 0 : i32
      %dma_start3A_112 = arith.constant 0 : i32
      %dma_start3A_113 = tpu.memref_slice %arg2[%dma_start3A_111, %dma_start3A_112] : memref<10000x128xf32, #tpu.memory_space<hbm>> -> memref<10000x128xf32, #tpu.memory_space<hbm>>
      tpu.enqueue_indirect_dma source(%dma_start3A_113 : memref<10000x128xf32, #tpu.memory_space<hbm>>) target(%dma_start3A_108 : memref<128x128xf32, #tpu.memory_space<vmem>>) offsets(%dma_start3A_110 : memref<128xi32, #tpu.memory_space<vmem>>) semaphore(%arg7 : memref<!tpu.dma_semaphore, #tpu.memory_space<semaphore_mem>>)
      %dma_wait3A_114 = arith.constant 0 : i32
      %dma_wait3A_115 = arith.constant 0 : i32
      %dma_wait3A_116 = tpu.memref_slice %arg6[%dma_wait3A_114, %dma_wait3A_115] : memref<512x128xf32, #tpu.memory_space<vmem>> -> memref<128x128xf32, #tpu.memory_space<vmem>>
      %dma_wait3A_117 = arith.constant 512 : i32
      %dma_wait3A_118 = tpu.memref_slice %arg5[%dma_wait3A_117] : memref<1024xi32, #tpu.memory_space<vmem>> -> memref<128xi32, #tpu.memory_space<vmem>>
      %dma_wait3A_119 = arith.constant 0 : i32
      %dma_wait3A_120 = arith.constant 0 : i32
      %dma_wait3A_121 = tpu.memref_slice %arg2[%dma_wait3A_119, %dma_wait3A_120] : memref<10000x128xf32, #tpu.memory_space<hbm>> -> memref<10000x128xf32, #tpu.memory_space<hbm>>
      tpu.wait_indirect_dma semaphore(%arg7 : memref<!tpu.dma_semaphore, #tpu.memory_space<semaphore_mem>>) src(%dma_wait3A_121 : memref<10000x128xf32, #tpu.memory_space<hbm>>) dst(%dma_wait3A_116 : memref<128x128xf32, #tpu.memory_space<vmem>>)
      %dma_wait3A_122 = arith.constant 128 : i32
      %dma_wait3A_123 = arith.constant 0 : i32
      %dma_wait3A_124 = tpu.memref_slice %arg6[%dma_wait3A_122, %dma_wait3A_123] : memref<512x128xf32, #tpu.memory_space<vmem>> -> memref<128x128xf32, #tpu.memory_space<vmem>>
      %dma_wait3A_125 = arith.constant 640 : i32
      %dma_wait3A_126 = tpu.memref_slice %arg5[%dma_wait3A_125] : memref<1024xi32, #tpu.memory_space<vmem>> -> memref<128xi32, #tpu.memory_space<vmem>>
      %dma_wait3A_127 = arith.constant 0 : i32
      %dma_wait3A_128 = arith.constant 0 : i32
      %dma_wait3A_129 = tpu.memref_slice %arg2[%dma_wait3A_127, %dma_wait3A_128] : memref<10000x128xf32, #tpu.memory_space<hbm>> -> memref<10000x128xf32, #tpu.memory_space<hbm>>
      tpu.wait_indirect_dma semaphore(%arg7 : memref<!tpu.dma_semaphore, #tpu.memory_space<semaphore_mem>>) src(%dma_wait3A_129 : memref<10000x128xf32, #tpu.memory_space<hbm>>) dst(%dma_wait3A_124 : memref<128x128xf32, #tpu.memory_space<vmem>>)
      %dma_wait3A_130 = arith.constant 256 : i32
      %dma_wait3A_131 = arith.constant 0 : i32
      %dma_wait3A_132 = tpu.memref_slice %arg6[%dma_wait3A_130, %dma_wait3A_131] : memref<512x128xf32, #tpu.memory_space<vmem>> -> memref<128x128xf32, #tpu.memory_space<vmem>>
      %dma_wait3A_133 = arith.constant 768 : i32
      %dma_wait3A_134 = tpu.memref_slice %arg5[%dma_wait3A_133] : memref<1024xi32, #tpu.memory_space<vmem>> -> memref<128xi32, #tpu.memory_space<vmem>>
      %dma_wait3A_135 = arith.constant 0 : i32
      %dma_wait3A_136 = arith.constant 0 : i32
      %dma_wait3A_137 = tpu.memref_slice %arg2[%dma_wait3A_135, %dma_wait3A_136] : memref<10000x128xf32, #tpu.memory_space<hbm>> -> memref<10000x128xf32, #tpu.memory_space<hbm>>
      tpu.wait_indirect_dma semaphore(%arg7 : memref<!tpu.dma_semaphore, #tpu.memory_space<semaphore_mem>>) src(%dma_wait3A_137 : memref<10000x128xf32, #tpu.memory_space<hbm>>) dst(%dma_wait3A_132 : memref<128x128xf32, #tpu.memory_space<vmem>>)
      %dma_wait3A_138 = arith.constant 384 : i32
      %dma_wait3A_139 = arith.constant 0 : i32
      %dma_wait3A_140 = tpu.memref_slice %arg6[%dma_wait3A_138, %dma_wait3A_139] : memref<512x128xf32, #tpu.memory_space<vmem>> -> memref<128x128xf32, #tpu.memory_space<vmem>>
      %dma_wait3A_141 = arith.constant 896 : i32
      %dma_wait3A_142 = tpu.memref_slice %arg5[%dma_wait3A_141] : memref<1024xi32, #tpu.memory_space<vmem>> -> memref<128xi32, #tpu.memory_space<vmem>>
      %dma_wait3A_143 = arith.constant 0 : i32
      %dma_wait3A_144 = arith.constant 0 : i32
      %dma_wait3A_145 = tpu.memref_slice %arg2[%dma_wait3A_143, %dma_wait3A_144] : memref<10000x128xf32, #tpu.memory_space<hbm>> -> memref<10000x128xf32, #tpu.memory_space<hbm>>
      tpu.wait_indirect_dma semaphore(%arg7 : memref<!tpu.dma_semaphore, #tpu.memory_space<semaphore_mem>>) src(%dma_wait3A_145 : memref<10000x128xf32, #tpu.memory_space<hbm>>) dst(%dma_wait3A_140 : memref<128x128xf32, #tpu.memory_space<vmem>>)
      %add3A_146 = arith.constant 512 : i32
      %add3A_147 = arith.addi %multiple_of3A, %add3A_146 : i32
      "tpu.region"() ({
        %run_scoped3A = tpu.sem_alloc : memref<!tpu.dma_semaphore, #tpu.memory_space<semaphore_mem>>
        %dma_start3A_148 = arith.constant 0 : i32
        %dma_start3A_149 = tpu.memref_slice %arg4[%add3A_147, %dma_start3A_148] : memref<80000x128xf32, #tpu.memory_space<hbm>> -> memref<512x128xf32, #tpu.memory_space<hbm>>
        %dma_start3A_150 = arith.constant 0 : i32
        %dma_start3A_151 = tpu.memref_slice %arg4[%add3A_147, %dma_start3A_150] : memref<80000x128xf32, #tpu.memory_space<hbm>> -> memref<512x128xf32, #tpu.memory_space<hbm>>
        tpu.enqueue_dma source(%arg6 : memref<512x128xf32, #tpu.memory_space<vmem>>) target(%dma_start3A_151 : memref<512x128xf32, #tpu.memory_space<hbm>>) target_semaphore(%run_scoped3A : memref<!tpu.dma_semaphore, #tpu.memory_space<semaphore_mem>>)
        %dma_wait3A_152 = arith.constant 0 : i32
        %dma_wait3A_153 = tpu.memref_slice %arg4[%add3A_147, %dma_wait3A_152] : memref<80000x128xf32, #tpu.memory_space<hbm>> -> memref<512x128xf32, #tpu.memory_space<hbm>>
        %dma_wait3A_154 = arith.constant 0 : i32
        %dma_wait3A_155 = tpu.memref_slice %arg4[%add3A_147, %dma_wait3A_154] : memref<80000x128xf32, #tpu.memory_space<hbm>> -> memref<512x128xf32, #tpu.memory_space<hbm>>
        tpu.wait_dma2 semaphore(%run_scoped3A : memref<!tpu.dma_semaphore, #tpu.memory_space<semaphore_mem>>) src(%arg6 : memref<512x128xf32, #tpu.memory_space<vmem>>) dst(%dma_wait3A_155 : memref<512x128xf32, #tpu.memory_space<hbm>>)
        tpu.yield
      }) : () -> ()
    }
    %scan3A_5 = arith.constant 2 : i32
    %lt3A = arith.constant 14 : i32
    %lt3A_6 = arith.cmpi slt, %add3A, %lt3A : i32
    %convert_element_type3A = arith.extui %lt3A_6 : i1 to i32
    %cond3A = arith.constant 0 : i32
    %cond3A_7 = arith.cmpi ne, %convert_element_type3A, %cond3A : i32
    scf.if %cond3A_7 {
      %add3A_12 = arith.constant 64 : i32
      %add3A_13 = arith.addi %add3A_12, %add3A : i32
      %mul3A_14 = arith.constant 1024 : i32
      %mul3A_15 = arith.muli %add3A_13, %mul3A_14 : i32
      %multiple_of3A = tpu.assume_multiple %mul3A_15, 1024 : i32
      "tpu.region"() ({
        %run_scoped3A = tpu.sem_alloc : memref<!tpu.dma_semaphore, #tpu.memory_space<semaphore_mem>>
        %dma_start3A_146 = tpu.memref_slice %arg3[%multiple_of3A] : memref<80000xi32, #tpu.memory_space<hbm>> -> memref<1024xi32, #tpu.memory_space<hbm>>
        %dma_start3A_147 = tpu.memref_slice %arg3[%multiple_of3A] : memref<80000xi32, #tpu.memory_space<hbm>> -> memref<1024xi32, #tpu.memory_space<hbm>>
        tpu.enqueue_dma source(%dma_start3A_147 : memref<1024xi32, #tpu.memory_space<hbm>>) target(%arg5 : memref<1024xi32, #tpu.memory_space<vmem>>) target_semaphore(%run_scoped3A : memref<!tpu.dma_semaphore, #tpu.memory_space<semaphore_mem>>)
        %dma_wait3A_148 = tpu.memref_slice %arg3[%multiple_of3A] : memref<80000xi32, #tpu.memory_space<hbm>> -> memref<1024xi32, #tpu.memory_space<hbm>>
        %dma_wait3A_149 = tpu.memref_slice %arg3[%multiple_of3A] : memref<80000xi32, #tpu.memory_space<hbm>> -> memref<1024xi32, #tpu.memory_space<hbm>>
        tpu.wait_dma2 semaphore(%run_scoped3A : memref<!tpu.dma_semaphore, #tpu.memory_space<semaphore_mem>>) src(%dma_wait3A_149 : memref<1024xi32, #tpu.memory_space<hbm>>) dst(%arg5 : memref<1024xi32, #tpu.memory_space<vmem>>)
        tpu.yield
      }) : () -> ()
      %dma_start3A = arith.constant 0 : i32
      %dma_start3A_16 = arith.constant 0 : i32
      %dma_start3A_17 = tpu.memref_slice %arg6[%dma_start3A, %dma_start3A_16] : memref<512x128xf32, #tpu.memory_space<vmem>> -> memref<128x128xf32, #tpu.memory_space<vmem>>
      %dma_start3A_18 = arith.constant 0 : i32
      %dma_start3A_19 = tpu.memref_slice %arg5[%dma_start3A_18] : memref<1024xi32, #tpu.memory_space<vmem>> -> memref<128xi32, #tpu.memory_space<vmem>>
      %dma_start3A_20 = arith.constant 0 : i32
      %dma_start3A_21 = arith.constant 0 : i32
      %dma_start3A_22 = tpu.memref_slice %arg2[%dma_start3A_20, %dma_start3A_21] : memref<10000x128xf32, #tpu.memory_space<hbm>> -> memref<10000x128xf32, #tpu.memory_space<hbm>>
      tpu.enqueue_indirect_dma source(%dma_start3A_22 : memref<10000x128xf32, #tpu.memory_space<hbm>>) target(%dma_start3A_17 : memref<128x128xf32, #tpu.memory_space<vmem>>) offsets(%dma_start3A_19 : memref<128xi32, #tpu.memory_space<vmem>>) semaphore(%arg7 : memref<!tpu.dma_semaphore, #tpu.memory_space<semaphore_mem>>)
      %dma_start3A_23 = arith.constant 128 : i32
      %dma_start3A_24 = arith.constant 0 : i32
      %dma_start3A_25 = tpu.memref_slice %arg6[%dma_start3A_23, %dma_start3A_24] : memref<512x128xf32, #tpu.memory_space<vmem>> -> memref<128x128xf32, #tpu.memory_space<vmem>>
      %dma_start3A_26 = arith.constant 128 : i32
      %dma_start3A_27 = tpu.memref_slice %arg5[%dma_start3A_26] : memref<1024xi32, #tpu.memory_space<vmem>> -> memref<128xi32, #tpu.memory_space<vmem>>
      %dma_start3A_28 = arith.constant 0 : i32
      %dma_start3A_29 = arith.constant 0 : i32
      %dma_start3A_30 = tpu.memref_slice %arg2[%dma_start3A_28, %dma_start3A_29] : memref<10000x128xf32, #tpu.memory_space<hbm>> -> memref<10000x128xf32, #tpu.memory_space<hbm>>
      tpu.enqueue_indirect_dma source(%dma_start3A_30 : memref<10000x128xf32, #tpu.memory_space<hbm>>) target(%dma_start3A_25 : memref<128x128xf32, #tpu.memory_space<vmem>>) offsets(%dma_start3A_27 : memref<128xi32, #tpu.memory_space<vmem>>) semaphore(%arg7 : memref<!tpu.dma_semaphore, #tpu.memory_space<semaphore_mem>>)
      %dma_start3A_31 = arith.constant 256 : i32
      %dma_start3A_32 = arith.constant 0 : i32
      %dma_start3A_33 = tpu.memref_slice %arg6[%dma_start3A_31, %dma_start3A_32] : memref<512x128xf32, #tpu.memory_space<vmem>> -> memref<128x128xf32, #tpu.memory_space<vmem>>
      %dma_start3A_34 = arith.constant 256 : i32
      %dma_start3A_35 = tpu.memref_slice %arg5[%dma_start3A_34] : memref<1024xi32, #tpu.memory_space<vmem>> -> memref<128xi32, #tpu.memory_space<vmem>>
      %dma_start3A_36 = arith.constant 0 : i32
      %dma_start3A_37 = arith.constant 0 : i32
      %dma_start3A_38 = tpu.memref_slice %arg2[%dma_start3A_36, %dma_start3A_37] : memref<10000x128xf32, #tpu.memory_space<hbm>> -> memref<10000x128xf32, #tpu.memory_space<hbm>>
      tpu.enqueue_indirect_dma source(%dma_start3A_38 : memref<10000x128xf32, #tpu.memory_space<hbm>>) target(%dma_start3A_33 : memref<128x128xf32, #tpu.memory_space<vmem>>) offsets(%dma_start3A_35 : memref<128xi32, #tpu.memory_space<vmem>>) semaphore(%arg7 : memref<!tpu.dma_semaphore, #tpu.memory_space<semaphore_mem>>)
      %dma_start3A_39 = arith.constant 384 : i32
      %dma_start3A_40 = arith.constant 0 : i32
      %dma_start3A_41 = tpu.memref_slice %arg6[%dma_start3A_39, %dma_start3A_40] : memref<512x128xf32, #tpu.memory_space<vmem>> -> memref<128x128xf32, #tpu.memory_space<vmem>>
      %dma_start3A_42 = arith.constant 384 : i32
      %dma_start3A_43 = tpu.memref_slice %arg5[%dma_start3A_42] : memref<1024xi32, #tpu.memory_space<vmem>> -> memref<128xi32, #tpu.memory_space<vmem>>
      %dma_start3A_44 = arith.constant 0 : i32
      %dma_start3A_45 = arith.constant 0 : i32
      %dma_start3A_46 = tpu.memref_slice %arg2[%dma_start3A_44, %dma_start3A_45] : memref<10000x128xf32, #tpu.memory_space<hbm>> -> memref<10000x128xf32, #tpu.memory_space<hbm>>
      tpu.enqueue_indirect_dma source(%dma_start3A_46 : memref<10000x128xf32, #tpu.memory_space<hbm>>) target(%dma_start3A_41 : memref<128x128xf32, #tpu.memory_space<vmem>>) offsets(%dma_start3A_43 : memref<128xi32, #tpu.memory_space<vmem>>) semaphore(%arg7 : memref<!tpu.dma_semaphore, #tpu.memory_space<semaphore_mem>>)
      %dma_wait3A = arith.constant 0 : i32
      %dma_wait3A_47 = arith.constant 0 : i32
      %dma_wait3A_48 = tpu.memref_slice %arg6[%dma_wait3A, %dma_wait3A_47] : memref<512x128xf32, #tpu.memory_space<vmem>> -> memref<128x128xf32, #tpu.memory_space<vmem>>
      %dma_wait3A_49 = arith.constant 0 : i32
      %dma_wait3A_50 = tpu.memref_slice %arg5[%dma_wait3A_49] : memref<1024xi32, #tpu.memory_space<vmem>> -> memref<128xi32, #tpu.memory_space<vmem>>
      %dma_wait3A_51 = arith.constant 0 : i32
      %dma_wait3A_52 = arith.constant 0 : i32
      %dma_wait3A_53 = tpu.memref_slice %arg2[%dma_wait3A_51, %dma_wait3A_52] : memref<10000x128xf32, #tpu.memory_space<hbm>> -> memref<10000x128xf32, #tpu.memory_space<hbm>>
      tpu.wait_indirect_dma semaphore(%arg7 : memref<!tpu.dma_semaphore, #tpu.memory_space<semaphore_mem>>) src(%dma_wait3A_53 : memref<10000x128xf32, #tpu.memory_space<hbm>>) dst(%dma_wait3A_48 : memref<128x128xf32, #tpu.memory_space<vmem>>)
      %dma_wait3A_54 = arith.constant 128 : i32
      %dma_wait3A_55 = arith.constant 0 : i32
      %dma_wait3A_56 = tpu.memref_slice %arg6[%dma_wait3A_54, %dma_wait3A_55] : memref<512x128xf32, #tpu.memory_space<vmem>> -> memref<128x128xf32, #tpu.memory_space<vmem>>
      %dma_wait3A_57 = arith.constant 128 : i32
      %dma_wait3A_58 = tpu.memref_slice %arg5[%dma_wait3A_57] : memref<1024xi32, #tpu.memory_space<vmem>> -> memref<128xi32, #tpu.memory_space<vmem>>
      %dma_wait3A_59 = arith.constant 0 : i32
      %dma_wait3A_60 = arith.constant 0 : i32
      %dma_wait3A_61 = tpu.memref_slice %arg2[%dma_wait3A_59, %dma_wait3A_60] : memref<10000x128xf32, #tpu.memory_space<hbm>> -> memref<10000x128xf32, #tpu.memory_space<hbm>>
      tpu.wait_indirect_dma semaphore(%arg7 : memref<!tpu.dma_semaphore, #tpu.memory_space<semaphore_mem>>) src(%dma_wait3A_61 : memref<10000x128xf32, #tpu.memory_space<hbm>>) dst(%dma_wait3A_56 : memref<128x128xf32, #tpu.memory_space<vmem>>)
      %dma_wait3A_62 = arith.constant 256 : i32
      %dma_wait3A_63 = arith.constant 0 : i32
      %dma_wait3A_64 = tpu.memref_slice %arg6[%dma_wait3A_62, %dma_wait3A_63] : memref<512x128xf32, #tpu.memory_space<vmem>> -> memref<128x128xf32, #tpu.memory_space<vmem>>
      %dma_wait3A_65 = arith.constant 256 : i32
      %dma_wait3A_66 = tpu.memref_slice %arg5[%dma_wait3A_65] : memref<1024xi32, #tpu.memory_space<vmem>> -> memref<128xi32, #tpu.memory_space<vmem>>
      %dma_wait3A_67 = arith.constant 0 : i32
      %dma_wait3A_68 = arith.constant 0 : i32
      %dma_wait3A_69 = tpu.memref_slice %arg2[%dma_wait3A_67, %dma_wait3A_68] : memref<10000x128xf32, #tpu.memory_space<hbm>> -> memref<10000x128xf32, #tpu.memory_space<hbm>>
      tpu.wait_indirect_dma semaphore(%arg7 : memref<!tpu.dma_semaphore, #tpu.memory_space<semaphore_mem>>) src(%dma_wait3A_69 : memref<10000x128xf32, #tpu.memory_space<hbm>>) dst(%dma_wait3A_64 : memref<128x128xf32, #tpu.memory_space<vmem>>)
      %dma_wait3A_70 = arith.constant 384 : i32
      %dma_wait3A_71 = arith.constant 0 : i32
      %dma_wait3A_72 = tpu.memref_slice %arg6[%dma_wait3A_70, %dma_wait3A_71] : memref<512x128xf32, #tpu.memory_space<vmem>> -> memref<128x128xf32, #tpu.memory_space<vmem>>
      %dma_wait3A_73 = arith.constant 384 : i32
      %dma_wait3A_74 = tpu.memref_slice %arg5[%dma_wait3A_73] : memref<1024xi32, #tpu.memory_space<vmem>> -> memref<128xi32, #tpu.memory_space<vmem>>
      %dma_wait3A_75 = arith.constant 0 : i32
      %dma_wait3A_76 = arith.constant 0 : i32
      %dma_wait3A_77 = tpu.memref_slice %arg2[%dma_wait3A_75, %dma_wait3A_76] : memref<10000x128xf32, #tpu.memory_space<hbm>> -> memref<10000x128xf32, #tpu.memory_space<hbm>>
      tpu.wait_indirect_dma semaphore(%arg7 : memref<!tpu.dma_semaphore, #tpu.memory_space<semaphore_mem>>) src(%dma_wait3A_77 : memref<10000x128xf32, #tpu.memory_space<hbm>>) dst(%dma_wait3A_72 : memref<128x128xf32, #tpu.memory_space<vmem>>)
      %add3A_78 = arith.constant 0 : i32
      %add3A_79 = arith.addi %multiple_of3A, %add3A_78 : i32
      "tpu.region"() ({
        %run_scoped3A = tpu.sem_alloc : memref<!tpu.dma_semaphore, #tpu.memory_space<semaphore_mem>>
        %dma_start3A_146 = arith.constant 0 : i32
        %dma_start3A_147 = tpu.memref_slice %arg4[%add3A_79, %dma_start3A_146] : memref<80000x128xf32, #tpu.memory_space<hbm>> -> memref<512x128xf32, #tpu.memory_space<hbm>>
        %dma_start3A_148 = arith.constant 0 : i32
        %dma_start3A_149 = tpu.memref_slice %arg4[%add3A_79, %dma_start3A_148] : memref<80000x128xf32, #tpu.memory_space<hbm>> -> memref<512x128xf32, #tpu.memory_space<hbm>>
        tpu.enqueue_dma source(%arg6 : memref<512x128xf32, #tpu.memory_space<vmem>>) target(%dma_start3A_149 : memref<512x128xf32, #tpu.memory_space<hbm>>) target_semaphore(%run_scoped3A : memref<!tpu.dma_semaphore, #tpu.memory_space<semaphore_mem>>)
        %dma_wait3A_150 = arith.constant 0 : i32
        %dma_wait3A_151 = tpu.memref_slice %arg4[%add3A_79, %dma_wait3A_150] : memref<80000x128xf32, #tpu.memory_space<hbm>> -> memref<512x128xf32, #tpu.memory_space<hbm>>
        %dma_wait3A_152 = arith.constant 0 : i32
        %dma_wait3A_153 = tpu.memref_slice %arg4[%add3A_79, %dma_wait3A_152] : memref<80000x128xf32, #tpu.memory_space<hbm>> -> memref<512x128xf32, #tpu.memory_space<hbm>>
        tpu.wait_dma2 semaphore(%run_scoped3A : memref<!tpu.dma_semaphore, #tpu.memory_space<semaphore_mem>>) src(%arg6 : memref<512x128xf32, #tpu.memory_space<vmem>>) dst(%dma_wait3A_153 : memref<512x128xf32, #tpu.memory_space<hbm>>)
        tpu.yield
      }) : () -> ()
      %dma_start3A_80 = arith.constant 0 : i32
      %dma_start3A_81 = arith.constant 0 : i32
      %dma_start3A_82 = tpu.memref_slice %arg6[%dma_start3A_80, %dma_start3A_81] : memref<512x128xf32, #tpu.memory_space<vmem>> -> memref<128x128xf32, #tpu.memory_space<vmem>>
      %dma_start3A_83 = arith.constant 512 : i32
      %dma_start3A_84 = tpu.memref_slice %arg5[%dma_start3A_83] : memref<1024xi32, #tpu.memory_space<vmem>> -> memref<128xi32, #tpu.memory_space<vmem>>
      %dma_start3A_85 = arith.constant 0 : i32
      %dma_start3A_86 = arith.constant 0 : i32
      %dma_start3A_87 = tpu.memref_slice %arg2[%dma_start3A_85, %dma_start3A_86] : memref<10000x128xf32, #tpu.memory_space<hbm>> -> memref<10000x128xf32, #tpu.memory_space<hbm>>
      tpu.enqueue_indirect_dma source(%dma_start3A_87 : memref<10000x128xf32, #tpu.memory_space<hbm>>) target(%dma_start3A_82 : memref<128x128xf32, #tpu.memory_space<vmem>>) offsets(%dma_start3A_84 : memref<128xi32, #tpu.memory_space<vmem>>) semaphore(%arg7 : memref<!tpu.dma_semaphore, #tpu.memory_space<semaphore_mem>>)
      %dma_start3A_88 = arith.constant 128 : i32
      %dma_start3A_89 = arith.constant 0 : i32
      %dma_start3A_90 = tpu.memref_slice %arg6[%dma_start3A_88, %dma_start3A_89] : memref<512x128xf32, #tpu.memory_space<vmem>> -> memref<128x128xf32, #tpu.memory_space<vmem>>
      %dma_start3A_91 = arith.constant 640 : i32
      %dma_start3A_92 = tpu.memref_slice %arg5[%dma_start3A_91] : memref<1024xi32, #tpu.memory_space<vmem>> -> memref<128xi32, #tpu.memory_space<vmem>>
      %dma_start3A_93 = arith.constant 0 : i32
      %dma_start3A_94 = arith.constant 0 : i32
      %dma_start3A_95 = tpu.memref_slice %arg2[%dma_start3A_93, %dma_start3A_94] : memref<10000x128xf32, #tpu.memory_space<hbm>> -> memref<10000x128xf32, #tpu.memory_space<hbm>>
      tpu.enqueue_indirect_dma source(%dma_start3A_95 : memref<10000x128xf32, #tpu.memory_space<hbm>>) target(%dma_start3A_90 : memref<128x128xf32, #tpu.memory_space<vmem>>) offsets(%dma_start3A_92 : memref<128xi32, #tpu.memory_space<vmem>>) semaphore(%arg7 : memref<!tpu.dma_semaphore, #tpu.memory_space<semaphore_mem>>)
      %dma_start3A_96 = arith.constant 256 : i32
      %dma_start3A_97 = arith.constant 0 : i32
      %dma_start3A_98 = tpu.memref_slice %arg6[%dma_start3A_96, %dma_start3A_97] : memref<512x128xf32, #tpu.memory_space<vmem>> -> memref<128x128xf32, #tpu.memory_space<vmem>>
      %dma_start3A_99 = arith.constant 768 : i32
      %dma_start3A_100 = tpu.memref_slice %arg5[%dma_start3A_99] : memref<1024xi32, #tpu.memory_space<vmem>> -> memref<128xi32, #tpu.memory_space<vmem>>
      %dma_start3A_101 = arith.constant 0 : i32
      %dma_start3A_102 = arith.constant 0 : i32
      %dma_start3A_103 = tpu.memref_slice %arg2[%dma_start3A_101, %dma_start3A_102] : memref<10000x128xf32, #tpu.memory_space<hbm>> -> memref<10000x128xf32, #tpu.memory_space<hbm>>
      tpu.enqueue_indirect_dma source(%dma_start3A_103 : memref<10000x128xf32, #tpu.memory_space<hbm>>) target(%dma_start3A_98 : memref<128x128xf32, #tpu.memory_space<vmem>>) offsets(%dma_start3A_100 : memref<128xi32, #tpu.memory_space<vmem>>) semaphore(%arg7 : memref<!tpu.dma_semaphore, #tpu.memory_space<semaphore_mem>>)
      %dma_start3A_104 = arith.constant 384 : i32
      %dma_start3A_105 = arith.constant 0 : i32
      %dma_start3A_106 = tpu.memref_slice %arg6[%dma_start3A_104, %dma_start3A_105] : memref<512x128xf32, #tpu.memory_space<vmem>> -> memref<128x128xf32, #tpu.memory_space<vmem>>
      %dma_start3A_107 = arith.constant 896 : i32
      %dma_start3A_108 = tpu.memref_slice %arg5[%dma_start3A_107] : memref<1024xi32, #tpu.memory_space<vmem>> -> memref<128xi32, #tpu.memory_space<vmem>>
      %dma_start3A_109 = arith.constant 0 : i32
      %dma_start3A_110 = arith.constant 0 : i32
      %dma_start3A_111 = tpu.memref_slice %arg2[%dma_start3A_109, %dma_start3A_110] : memref<10000x128xf32, #tpu.memory_space<hbm>> -> memref<10000x128xf32, #tpu.memory_space<hbm>>
      tpu.enqueue_indirect_dma source(%dma_start3A_111 : memref<10000x128xf32, #tpu.memory_space<hbm>>) target(%dma_start3A_106 : memref<128x128xf32, #tpu.memory_space<vmem>>) offsets(%dma_start3A_108 : memref<128xi32, #tpu.memory_space<vmem>>) semaphore(%arg7 : memref<!tpu.dma_semaphore, #tpu.memory_space<semaphore_mem>>)
      %dma_wait3A_112 = arith.constant 0 : i32
      %dma_wait3A_113 = arith.constant 0 : i32
      %dma_wait3A_114 = tpu.memref_slice %arg6[%dma_wait3A_112, %dma_wait3A_113] : memref<512x128xf32, #tpu.memory_space<vmem>> -> memref<128x128xf32, #tpu.memory_space<vmem>>
      %dma_wait3A_115 = arith.constant 512 : i32
      %dma_wait3A_116 = tpu.memref_slice %arg5[%dma_wait3A_115] : memref<1024xi32, #tpu.memory_space<vmem>> -> memref<128xi32, #tpu.memory_space<vmem>>
      %dma_wait3A_117 = arith.constant 0 : i32
      %dma_wait3A_118 = arith.constant 0 : i32
      %dma_wait3A_119 = tpu.memref_slice %arg2[%dma_wait3A_117, %dma_wait3A_118] : memref<10000x128xf32, #tpu.memory_space<hbm>> -> memref<10000x128xf32, #tpu.memory_space<hbm>>
      tpu.wait_indirect_dma semaphore(%arg7 : memref<!tpu.dma_semaphore, #tpu.memory_space<semaphore_mem>>) src(%dma_wait3A_119 : memref<10000x128xf32, #tpu.memory_space<hbm>>) dst(%dma_wait3A_114 : memref<128x128xf32, #tpu.memory_space<vmem>>)
      %dma_wait3A_120 = arith.constant 128 : i32
      %dma_wait3A_121 = arith.constant 0 : i32
      %dma_wait3A_122 = tpu.memref_slice %arg6[%dma_wait3A_120, %dma_wait3A_121] : memref<512x128xf32, #tpu.memory_space<vmem>> -> memref<128x128xf32, #tpu.memory_space<vmem>>
      %dma_wait3A_123 = arith.constant 640 : i32
      %dma_wait3A_124 = tpu.memref_slice %arg5[%dma_wait3A_123] : memref<1024xi32, #tpu.memory_space<vmem>> -> memref<128xi32, #tpu.memory_space<vmem>>
      %dma_wait3A_125 = arith.constant 0 : i32
      %dma_wait3A_126 = arith.constant 0 : i32
      %dma_wait3A_127 = tpu.memref_slice %arg2[%dma_wait3A_125, %dma_wait3A_126] : memref<10000x128xf32, #tpu.memory_space<hbm>> -> memref<10000x128xf32, #tpu.memory_space<hbm>>
      tpu.wait_indirect_dma semaphore(%arg7 : memref<!tpu.dma_semaphore, #tpu.memory_space<semaphore_mem>>) src(%dma_wait3A_127 : memref<10000x128xf32, #tpu.memory_space<hbm>>) dst(%dma_wait3A_122 : memref<128x128xf32, #tpu.memory_space<vmem>>)
      %dma_wait3A_128 = arith.constant 256 : i32
      %dma_wait3A_129 = arith.constant 0 : i32
      %dma_wait3A_130 = tpu.memref_slice %arg6[%dma_wait3A_128, %dma_wait3A_129] : memref<512x128xf32, #tpu.memory_space<vmem>> -> memref<128x128xf32, #tpu.memory_space<vmem>>
      %dma_wait3A_131 = arith.constant 768 : i32
      %dma_wait3A_132 = tpu.memref_slice %arg5[%dma_wait3A_131] : memref<1024xi32, #tpu.memory_space<vmem>> -> memref<128xi32, #tpu.memory_space<vmem>>
      %dma_wait3A_133 = arith.constant 0 : i32
      %dma_wait3A_134 = arith.constant 0 : i32
      %dma_wait3A_135 = tpu.memref_slice %arg2[%dma_wait3A_133, %dma_wait3A_134] : memref<10000x128xf32, #tpu.memory_space<hbm>> -> memref<10000x128xf32, #tpu.memory_space<hbm>>
      tpu.wait_indirect_dma semaphore(%arg7 : memref<!tpu.dma_semaphore, #tpu.memory_space<semaphore_mem>>) src(%dma_wait3A_135 : memref<10000x128xf32, #tpu.memory_space<hbm>>) dst(%dma_wait3A_130 : memref<128x128xf32, #tpu.memory_space<vmem>>)
      %dma_wait3A_136 = arith.constant 384 : i32
      %dma_wait3A_137 = arith.constant 0 : i32
      %dma_wait3A_138 = tpu.memref_slice %arg6[%dma_wait3A_136, %dma_wait3A_137] : memref<512x128xf32, #tpu.memory_space<vmem>> -> memref<128x128xf32, #tpu.memory_space<vmem>>
      %dma_wait3A_139 = arith.constant 896 : i32
      %dma_wait3A_140 = tpu.memref_slice %arg5[%dma_wait3A_139] : memref<1024xi32, #tpu.memory_space<vmem>> -> memref<128xi32, #tpu.memory_space<vmem>>
      %dma_wait3A_141 = arith.constant 0 : i32
      %dma_wait3A_142 = arith.constant 0 : i32
      %dma_wait3A_143 = tpu.memref_slice %arg2[%dma_wait3A_141, %dma_wait3A_142] : memref<10000x128xf32, #tpu.memory_space<hbm>> -> memref<10000x128xf32, #tpu.memory_space<hbm>>
      tpu.wait_indirect_dma semaphore(%arg7 : memref<!tpu.dma_semaphore, #tpu.memory_space<semaphore_mem>>) src(%dma_wait3A_143 : memref<10000x128xf32, #tpu.memory_space<hbm>>) dst(%dma_wait3A_138 : memref<128x128xf32, #tpu.memory_space<vmem>>)
      %add3A_144 = arith.constant 512 : i32
      %add3A_145 = arith.addi %multiple_of3A, %add3A_144 : i32
      "tpu.region"() ({
        %run_scoped3A = tpu.sem_alloc : memref<!tpu.dma_semaphore, #tpu.memory_space<semaphore_mem>>
        %dma_start3A_146 = arith.constant 0 : i32
        %dma_start3A_147 = tpu.memref_slice %arg4[%add3A_145, %dma_start3A_146] : memref<80000x128xf32, #tpu.memory_space<hbm>> -> memref<512x128xf32, #tpu.memory_space<hbm>>
        %dma_start3A_148 = arith.constant 0 : i32
        %dma_start3A_149 = tpu.memref_slice %arg4[%add3A_145, %dma_start3A_148] : memref<80000x128xf32, #tpu.memory_space<hbm>> -> memref<512x128xf32, #tpu.memory_space<hbm>>
        tpu.enqueue_dma source(%arg6 : memref<512x128xf32, #tpu.memory_space<vmem>>) target(%dma_start3A_149 : memref<512x128xf32, #tpu.memory_space<hbm>>) target_semaphore(%run_scoped3A : memref<!tpu.dma_semaphore, #tpu.memory_space<semaphore_mem>>)
        %dma_wait3A_150 = arith.constant 0 : i32
        %dma_wait3A_151 = tpu.memref_slice %arg4[%add3A_145, %dma_wait3A_150] : memref<80000x128xf32, #tpu.memory_space<hbm>> -> memref<512x128xf32, #tpu.memory_space<hbm>>
        %dma_wait3A_152 = arith.constant 0 : i32
        %dma_wait3A_153 = tpu.memref_slice %arg4[%add3A_145, %dma_wait3A_152] : memref<80000x128xf32, #tpu.memory_space<hbm>> -> memref<512x128xf32, #tpu.memory_space<hbm>>
        tpu.wait_dma2 semaphore(%run_scoped3A : memref<!tpu.dma_semaphore, #tpu.memory_space<semaphore_mem>>) src(%arg6 : memref<512x128xf32, #tpu.memory_space<vmem>>) dst(%dma_wait3A_153 : memref<512x128xf32, #tpu.memory_space<hbm>>)
        tpu.yield
      }) : () -> ()
    } else {
    }
    %eq3A = arith.constant 14 : i32
    %eq3A_8 = arith.cmpi eq, %add3A, %eq3A : i32
    %convert_element_type3A_9 = arith.extui %eq3A_8 : i1 to i32
    %cond3A_10 = arith.constant 0 : i32
    %cond3A_11 = arith.cmpi ne, %convert_element_type3A_9, %cond3A_10 : i32
    scf.if %cond3A_11 {
      "tpu.region"() ({
        %run_scoped3A = tpu.sem_alloc : memref<!tpu.dma_semaphore, #tpu.memory_space<semaphore_mem>>
        %dma_start3A_26 = arith.constant 0 : i32
        %dma_start3A_27 = tpu.memref_slice %arg5[%dma_start3A_26] : memref<1024xi32, #tpu.memory_space<vmem>> -> memref<128xi32, #tpu.memory_space<vmem>>
        %dma_start3A_28 = arith.constant 79872 : i32
        %dma_start3A_29 = tpu.memref_slice %arg3[%dma_start3A_28] : memref<80000xi32, #tpu.memory_space<hbm>> -> memref<128xi32, #tpu.memory_space<hbm>>
        %dma_start3A_30 = arith.constant 0 : i32
        %dma_start3A_31 = tpu.memref_slice %arg5[%dma_start3A_30] : memref<1024xi32, #tpu.memory_space<vmem>> -> memref<128xi32, #tpu.memory_space<vmem>>
        %dma_start3A_32 = arith.constant 79872 : i32
        %dma_start3A_33 = tpu.memref_slice %arg3[%dma_start3A_32] : memref<80000xi32, #tpu.memory_space<hbm>> -> memref<128xi32, #tpu.memory_space<hbm>>
        tpu.enqueue_dma source(%dma_start3A_33 : memref<128xi32, #tpu.memory_space<hbm>>) target(%dma_start3A_31 : memref<128xi32, #tpu.memory_space<vmem>>) target_semaphore(%run_scoped3A : memref<!tpu.dma_semaphore, #tpu.memory_space<semaphore_mem>>)
        %dma_wait3A_34 = arith.constant 0 : i32
        %dma_wait3A_35 = tpu.memref_slice %arg5[%dma_wait3A_34] : memref<1024xi32, #tpu.memory_space<vmem>> -> memref<128xi32, #tpu.memory_space<vmem>>
        %dma_wait3A_36 = arith.constant 79872 : i32
        %dma_wait3A_37 = tpu.memref_slice %arg3[%dma_wait3A_36] : memref<80000xi32, #tpu.memory_space<hbm>> -> memref<128xi32, #tpu.memory_space<hbm>>
        %dma_wait3A_38 = arith.constant 0 : i32
        %dma_wait3A_39 = tpu.memref_slice %arg5[%dma_wait3A_38] : memref<1024xi32, #tpu.memory_space<vmem>> -> memref<128xi32, #tpu.memory_space<vmem>>
        %dma_wait3A_40 = arith.constant 79872 : i32
        %dma_wait3A_41 = tpu.memref_slice %arg3[%dma_wait3A_40] : memref<80000xi32, #tpu.memory_space<hbm>> -> memref<128xi32, #tpu.memory_space<hbm>>
        tpu.wait_dma2 semaphore(%run_scoped3A : memref<!tpu.dma_semaphore, #tpu.memory_space<semaphore_mem>>) src(%dma_wait3A_41 : memref<128xi32, #tpu.memory_space<hbm>>) dst(%dma_wait3A_39 : memref<128xi32, #tpu.memory_space<vmem>>)
        tpu.yield
      }) : () -> ()
      %dma_start3A = arith.constant 0 : i32
      %dma_start3A_12 = arith.constant 0 : i32
      %dma_start3A_13 = tpu.memref_slice %arg6[%dma_start3A, %dma_start3A_12] : memref<512x128xf32, #tpu.memory_space<vmem>> -> memref<128x128xf32, #tpu.memory_space<vmem>>
      %dma_start3A_14 = arith.constant 0 : i32
      %dma_start3A_15 = tpu.memref_slice %arg5[%dma_start3A_14] : memref<1024xi32, #tpu.memory_space<vmem>> -> memref<128xi32, #tpu.memory_space<vmem>>
      %dma_start3A_16 = arith.constant 0 : i32
      %dma_start3A_17 = arith.constant 0 : i32
      %dma_start3A_18 = tpu.memref_slice %arg2[%dma_start3A_16, %dma_start3A_17] : memref<10000x128xf32, #tpu.memory_space<hbm>> -> memref<10000x128xf32, #tpu.memory_space<hbm>>
      tpu.enqueue_indirect_dma source(%dma_start3A_18 : memref<10000x128xf32, #tpu.memory_space<hbm>>) target(%dma_start3A_13 : memref<128x128xf32, #tpu.memory_space<vmem>>) offsets(%dma_start3A_15 : memref<128xi32, #tpu.memory_space<vmem>>) semaphore(%arg7 : memref<!tpu.dma_semaphore, #tpu.memory_space<semaphore_mem>>)
      %dma_wait3A = arith.constant 0 : i32
      %dma_wait3A_19 = arith.constant 0 : i32
      %dma_wait3A_20 = tpu.memref_slice %arg6[%dma_wait3A, %dma_wait3A_19] : memref<512x128xf32, #tpu.memory_space<vmem>> -> memref<128x128xf32, #tpu.memory_space<vmem>>
      %dma_wait3A_21 = arith.constant 0 : i32
      %dma_wait3A_22 = tpu.memref_slice %arg5[%dma_wait3A_21] : memref<1024xi32, #tpu.memory_space<vmem>> -> memref<128xi32, #tpu.memory_space<vmem>>
      %dma_wait3A_23 = arith.constant 0 : i32
      %dma_wait3A_24 = arith.constant 0 : i32
      %dma_wait3A_25 = tpu.memref_slice %arg2[%dma_wait3A_23, %dma_wait3A_24] : memref<10000x128xf32, #tpu.memory_space<hbm>> -> memref<10000x128xf32, #tpu.memory_space<hbm>>
      tpu.wait_indirect_dma semaphore(%arg7 : memref<!tpu.dma_semaphore, #tpu.memory_space<semaphore_mem>>) src(%dma_wait3A_25 : memref<10000x128xf32, #tpu.memory_space<hbm>>) dst(%dma_wait3A_20 : memref<128x128xf32, #tpu.memory_space<vmem>>)
      "tpu.region"() ({
        %run_scoped3A = tpu.sem_alloc : memref<!tpu.dma_semaphore, #tpu.memory_space<semaphore_mem>>
        %dma_start3A_26 = arith.constant 0 : i32
        %dma_start3A_27 = arith.constant 0 : i32
        %dma_start3A_28 = tpu.memref_slice %arg6[%dma_start3A_26, %dma_start3A_27] : memref<512x128xf32, #tpu.memory_space<vmem>> -> memref<128x128xf32, #tpu.memory_space<vmem>>
        %dma_start3A_29 = arith.constant 79872 : i32
        %dma_start3A_30 = arith.constant 0 : i32
        %dma_start3A_31 = tpu.memref_slice %arg4[%dma_start3A_29, %dma_start3A_30] : memref<80000x128xf32, #tpu.memory_space<hbm>> -> memref<128x128xf32, #tpu.memory_space<hbm>>
        %dma_start3A_32 = arith.constant 79872 : i32
        %dma_start3A_33 = arith.constant 0 : i32
        %dma_start3A_34 = tpu.memref_slice %arg4[%dma_start3A_32, %dma_start3A_33] : memref<80000x128xf32, #tpu.memory_space<hbm>> -> memref<128x128xf32, #tpu.memory_space<hbm>>
        %dma_start3A_35 = arith.constant 0 : i32
        %dma_start3A_36 = arith.constant 0 : i32
        %dma_start3A_37 = tpu.memref_slice %arg6[%dma_start3A_35, %dma_start3A_36] : memref<512x128xf32, #tpu.memory_space<vmem>> -> memref<128x128xf32, #tpu.memory_space<vmem>>
        tpu.enqueue_dma source(%dma_start3A_37 : memref<128x128xf32, #tpu.memory_space<vmem>>) target(%dma_start3A_34 : memref<128x128xf32, #tpu.memory_space<hbm>>) target_semaphore(%run_scoped3A : memref<!tpu.dma_semaphore, #tpu.memory_space<semaphore_mem>>)
        %dma_wait3A_38 = arith.constant 0 : i32
        %dma_wait3A_39 = arith.constant 0 : i32
        %dma_wait3A_40 = tpu.memref_slice %arg6[%dma_wait3A_38, %dma_wait3A_39] : memref<512x128xf32, #tpu.memory_space<vmem>> -> memref<128x128xf32, #tpu.memory_space<vmem>>
        %dma_wait3A_41 = arith.constant 79872 : i32
        %dma_wait3A_42 = arith.constant 0 : i32
        %dma_wait3A_43 = tpu.memref_slice %arg4[%dma_wait3A_41, %dma_wait3A_42] : memref<80000x128xf32, #tpu.memory_space<hbm>> -> memref<128x128xf32, #tpu.memory_space<hbm>>
        %dma_wait3A_44 = arith.constant 79872 : i32
        %dma_wait3A_45 = arith.constant 0 : i32
        %dma_wait3A_46 = tpu.memref_slice %arg4[%dma_wait3A_44, %dma_wait3A_45] : memref<80000x128xf32, #tpu.memory_space<hbm>> -> memref<128x128xf32, #tpu.memory_space<hbm>>
        %dma_wait3A_47 = arith.constant 0 : i32
        %dma_wait3A_48 = arith.constant 0 : i32
        %dma_wait3A_49 = tpu.memref_slice %arg6[%dma_wait3A_47, %dma_wait3A_48] : memref<512x128xf32, #tpu.memory_space<vmem>> -> memref<128x128xf32, #tpu.memory_space<vmem>>
        tpu.wait_dma2 semaphore(%run_scoped3A : memref<!tpu.dma_semaphore, #tpu.memory_space<semaphore_mem>>) src(%dma_wait3A_49 : memref<128x128xf32, #tpu.memory_space<vmem>>) dst(%dma_wait3A_46 : memref<128x128xf32, #tpu.memory_space<hbm>>)
        tpu.yield
      }) : () -> ()
    } else {
    }
    return
  }
}

module attributes {stable_mosaic.version = 14 : i64} {
  func.func @body(%arg0: i32, %arg1: memref<1600x128xf32, #tpu.memory_space<vmem>>, %arg2: memref<1600x20xf32, #tpu.memory_space<vmem>>, %arg3: memref<16x16xf32, #tpu.memory_space<vmem>>, %arg4: memref<1x16xf32, #tpu.memory_space<vmem>>, %arg5: memref<128x2176xbf16, #tpu.memory_space<vmem>>, %arg6: memref<16x2048xbf16, #tpu.memory_space<vmem>>, %arg7: memref<4x64xf32, #tpu.memory_space<vmem>>, %arg8: memref<1600x128xf32, #tpu.memory_space<vmem>>) attributes {dimension_semantics = [#tpu.dimension_semantics<arbitrary>], iteration_bounds = array<i64: 50>, scalar_prefetch = 0 : i64, scratch_operands = 0 : i64, tpu.core_type = #tpu.core_type<tc>, window_params = [{transform_indices = @transform_0, window_bounds = array<i64: 1600, 128>}, {transform_indices = @transform_1, window_bounds = array<i64: 1600, 20>}, {pipeline_mode = #tpu.pipeline_mode<synchronous>, transform_indices = @transform_2, window_bounds = array<i64: 16, 16>}, {pipeline_mode = #tpu.pipeline_mode<synchronous>, transform_indices = @transform_3, window_bounds = array<i64: 1, 16>}, {pipeline_mode = #tpu.pipeline_mode<synchronous>, transform_indices = @transform_4, window_bounds = array<i64: 128, 2176>}, {pipeline_mode = #tpu.pipeline_mode<synchronous>, transform_indices = @transform_5, window_bounds = array<i64: 16, 2048>}, {pipeline_mode = #tpu.pipeline_mode<synchronous>, transform_indices = @transform_6, window_bounds = array<i64: 4, 64>}, {transform_indices = @transform_7, window_bounds = array<i64: 1600, 128>}]} {
    %get3A = arith.constant 0 : index
    %get3A_0 = arith.constant 0 : index
    %get3A_1 = vector.load %arg1[%get3A, %get3A_0] : memref<1600x128xf32, #tpu.memory_space<vmem>>, vector<1600x128xf32>
    %get3A_2 = arith.constant 0 : index
    %get3A_3 = arith.constant 0 : index
    %get3A_4 = vector.load %arg2[%get3A_2, %get3A_3] : memref<1600x20xf32, #tpu.memory_space<vmem>>, vector<1600x20xf32>
    %slice3A = vector.extract_strided_slice %get3A_4 {offsets = [0, 0], sizes = [1600, 16], strides = [1, 1]} : vector<1600x20xf32> to vector<1600x16xf32>
    %get3A_5 = arith.constant 0 : index
    %get3A_6 = arith.constant 0 : index
    %get3A_7 = vector.load %arg3[%get3A_5, %get3A_6] : memref<16x16xf32, #tpu.memory_space<vmem>>, vector<16x16xf32>
    %dot_general3A = arith.constant dense<0.000000e+00> : vector<1600x16xf32>
    %dot_general3A_8 = tpu.matmul %slice3A, %get3A_7, %dot_general3A {dimension_numbers = #tpu.dot_dimension_numbers<[1], [0], [0], [1], [0, 0, 1, 1], [], []>, transpose_lhs_hint = false} : vector<1600x16xf32>, vector<16x16xf32>, vector<1600x16xf32> -> vector<1600x16xf32>
    %get3A_9 = arith.constant 0 : index
    %get3A_10 = arith.constant 0 : index
    %get3A_11 = vector.load %arg4[%get3A_9, %get3A_10] : memref<1x16xf32, #tpu.memory_space<vmem>>, vector<1x16xf32>
    %add3A = vector.broadcast %get3A_11 : vector<1x16xf32> to vector<1600x16xf32>
    %add3A_12 = arith.addf %dot_general3A_8, %add3A : vector<1600x16xf32>
    %neg3A = arith.constant 0.000000e+00 : f32
    %neg3A_13 = vector.broadcast %neg3A : f32 to vector<1600x16xf32>
    %neg3A_14 = arith.subf %neg3A_13, %add3A_12 : vector<1600x16xf32>
    %exp3A = math.exp %neg3A_14 : vector<1600x16xf32>
    %add3A_15 = arith.constant 1.000000e+00 : f32
    %add3A_16 = vector.broadcast %add3A_15 : f32 to vector<1600x16xf32>
    %add3A_17 = arith.addf %add3A_16, %exp3A : vector<1600x16xf32>
    %div3A = arith.constant 1.000000e+00 : f32
    %div3A_18 = vector.broadcast %div3A : f32 to vector<1600x16xf32>
    %div3A_19 = arith.divf %div3A_18, %add3A_17 : vector<1600x16xf32>
    %mul3A = arith.mulf %add3A_12, %div3A_19 : vector<1600x16xf32>
    %slice3A_20 = vector.extract_strided_slice %get3A_4 {offsets = [0, 16], sizes = [1600, 4], strides = [1, 1]} : vector<1600x20xf32> to vector<1600x4xf32>
    %get3A_21 = arith.constant 0 : index
    %get3A_22 = arith.constant 0 : index
    %get3A_23 = vector.load %arg7[%get3A_21, %get3A_22] : memref<4x64xf32, #tpu.memory_space<vmem>>, vector<4x64xf32>
    %dot_general3A_24 = arith.constant dense<0.000000e+00> : vector<1600x64xf32>
    %dot_general3A_25 = tpu.matmul %slice3A_20, %get3A_23, %dot_general3A_24 {dimension_numbers = #tpu.dot_dimension_numbers<[1], [0], [0], [1], [0, 0, 1, 1], [], []>, transpose_lhs_hint = false} : vector<1600x4xf32>, vector<4x64xf32>, vector<1600x64xf32> -> vector<1600x64xf32>
    %slice3A_26 = vector.extract_strided_slice %dot_general3A_25 {offsets = [0, 0], sizes = [1600, 16], strides = [1, 1]} : vector<1600x64xf32> to vector<1600x16xf32>
    %slice3A_27 = vector.extract_strided_slice %dot_general3A_25 {offsets = [0, 16], sizes = [1600, 16], strides = [1, 1]} : vector<1600x64xf32> to vector<1600x16xf32>
    %slice3A_28 = vector.extract_strided_slice %dot_general3A_25 {offsets = [0, 32], sizes = [1600, 16], strides = [1, 1]} : vector<1600x64xf32> to vector<1600x16xf32>
    %slice3A_29 = vector.extract_strided_slice %dot_general3A_25 {offsets = [0, 48], sizes = [1600, 16], strides = [1, 1]} : vector<1600x64xf32> to vector<1600x16xf32>
    %slice3A_30 = vector.extract_strided_slice %get3A_1 {offsets = [0, 0], sizes = [1600, 16], strides = [1, 1]} : vector<1600x128xf32> to vector<1600x16xf32>
    %slice3A_31 = vector.extract_strided_slice %get3A_1 {offsets = [0, 16], sizes = [1600, 16], strides = [1, 1]} : vector<1600x128xf32> to vector<1600x16xf32>
    %slice3A_32 = vector.extract_strided_slice %get3A_1 {offsets = [0, 32], sizes = [1600, 16], strides = [1, 1]} : vector<1600x128xf32> to vector<1600x16xf32>
    %slice3A_33 = vector.extract_strided_slice %get3A_1 {offsets = [0, 48], sizes = [1600, 16], strides = [1, 1]} : vector<1600x128xf32> to vector<1600x16xf32>
    %mul3A_34 = arith.mulf %slice3A_30, %slice3A_26 : vector<1600x16xf32>
    %mul3A_35 = arith.mulf %slice3A_31, %slice3A_27 : vector<1600x16xf32>
    %mul3A_36 = arith.mulf %slice3A_32, %slice3A_28 : vector<1600x16xf32>
    %add3A_37 = arith.addf %mul3A_35, %mul3A_36 : vector<1600x16xf32>
    %mul3A_38 = arith.mulf %slice3A_33, %slice3A_29 : vector<1600x16xf32>
    %add3A_39 = arith.addf %add3A_37, %mul3A_38 : vector<1600x16xf32>
    %broadcast_in_dim3A = arith.constant 0.000000e+00 : f32
    %broadcast_in_dim3A_40 = vector.broadcast %broadcast_in_dim3A : f32 to vector<1600x32xf32>
    %concatenate3A = tpu.concatenate %mul3A_34, %add3A_39, %slice3A_30, %slice3A_31, %slice3A_32, %slice3A_33, %broadcast_in_dim3A_40 in 1 : vector<1600x16xf32>, vector<1600x16xf32>, vector<1600x16xf32>, vector<1600x16xf32>, vector<1600x16xf32>, vector<1600x16xf32>, vector<1600x32xf32> -> vector<1600x128xf32>
    %convert_element_type3A = arith.truncf %concatenate3A : vector<1600x128xf32> to vector<1600x128xbf16>
    %get3A_41 = arith.constant 0 : index
    %get3A_42 = arith.constant 0 : index
    %get3A_43 = vector.load %arg5[%get3A_41, %get3A_42] : memref<128x2176xbf16, #tpu.memory_space<vmem>>, vector<128x2176xbf16>
    %dot_general3A_44 = arith.constant dense<0.000000e+00> : vector<1600x2176xf32>
    %dot_general3A_45 = tpu.matmul %convert_element_type3A, %get3A_43, %dot_general3A_44 {dimension_numbers = #tpu.dot_dimension_numbers<[1], [0], [0], [1], [0, 0, 1, 1], [], []>, transpose_lhs_hint = false} : vector<1600x128xbf16>, vector<128x2176xbf16>, vector<1600x2176xf32> -> vector<1600x2176xf32>
    %convert_element_type3A_46 = arith.truncf %mul3A : vector<1600x16xf32> to vector<1600x16xbf16>
    %get3A_47 = arith.constant 0 : index
    %get3A_48 = arith.constant 0 : index
    %get3A_49 = vector.load %arg6[%get3A_47, %get3A_48] : memref<16x2048xbf16, #tpu.memory_space<vmem>>, vector<16x2048xbf16>
    %dot_general3A_50 = arith.constant dense<0.000000e+00> : vector<1600x2048xf32>
    %dot_general3A_51 = tpu.matmul %convert_element_type3A_46, %get3A_49, %dot_general3A_50 {dimension_numbers = #tpu.dot_dimension_numbers<[1], [0], [0], [1], [0, 0, 1, 1], [], []>, transpose_lhs_hint = false} : vector<1600x16xbf16>, vector<16x2048xbf16>, vector<1600x2048xf32> -> vector<1600x2048xf32>
    %slice3A_52 = vector.extract_strided_slice %dot_general3A_45 {offsets = [0, 2048], sizes = [1600, 128], strides = [1, 1]} : vector<1600x2176xf32> to vector<1600x128xf32>
    %slice3A_53 = vector.extract_strided_slice %dot_general3A_51 {offsets = [0, 0], sizes = [1600, 128], strides = [1, 1]} : vector<1600x2048xf32> to vector<1600x128xf32>
    %slice3A_54 = vector.extract_strided_slice %dot_general3A_45 {offsets = [0, 0], sizes = [1600, 128], strides = [1, 1]} : vector<1600x2176xf32> to vector<1600x128xf32>
    %mul3A_55 = arith.mulf %slice3A_53, %slice3A_54 : vector<1600x128xf32>
    %add3A_56 = arith.addf %slice3A_52, %mul3A_55 : vector<1600x128xf32>
    %slice3A_57 = vector.extract_strided_slice %dot_general3A_51 {offsets = [0, 128], sizes = [1600, 128], strides = [1, 1]} : vector<1600x2048xf32> to vector<1600x128xf32>
    %slice3A_58 = vector.extract_strided_slice %dot_general3A_45 {offsets = [0, 128], sizes = [1600, 128], strides = [1, 1]} : vector<1600x2176xf32> to vector<1600x128xf32>
    %mul3A_59 = arith.mulf %slice3A_57, %slice3A_58 : vector<1600x128xf32>
    %add3A_60 = arith.addf %add3A_56, %mul3A_59 : vector<1600x128xf32>
    %slice3A_61 = vector.extract_strided_slice %dot_general3A_51 {offsets = [0, 256], sizes = [1600, 128], strides = [1, 1]} : vector<1600x2048xf32> to vector<1600x128xf32>
    %slice3A_62 = vector.extract_strided_slice %dot_general3A_45 {offsets = [0, 256], sizes = [1600, 128], strides = [1, 1]} : vector<1600x2176xf32> to vector<1600x128xf32>
    %mul3A_63 = arith.mulf %slice3A_61, %slice3A_62 : vector<1600x128xf32>
    %add3A_64 = arith.addf %add3A_60, %mul3A_63 : vector<1600x128xf32>
    %slice3A_65 = vector.extract_strided_slice %dot_general3A_51 {offsets = [0, 384], sizes = [1600, 128], strides = [1, 1]} : vector<1600x2048xf32> to vector<1600x128xf32>
    %slice3A_66 = vector.extract_strided_slice %dot_general3A_45 {offsets = [0, 384], sizes = [1600, 128], strides = [1, 1]} : vector<1600x2176xf32> to vector<1600x128xf32>
    %mul3A_67 = arith.mulf %slice3A_65, %slice3A_66 : vector<1600x128xf32>
    %add3A_68 = arith.addf %add3A_64, %mul3A_67 : vector<1600x128xf32>
    %slice3A_69 = vector.extract_strided_slice %dot_general3A_51 {offsets = [0, 512], sizes = [1600, 128], strides = [1, 1]} : vector<1600x2048xf32> to vector<1600x128xf32>
    %slice3A_70 = vector.extract_strided_slice %dot_general3A_45 {offsets = [0, 512], sizes = [1600, 128], strides = [1, 1]} : vector<1600x2176xf32> to vector<1600x128xf32>
    %mul3A_71 = arith.mulf %slice3A_69, %slice3A_70 : vector<1600x128xf32>
    %add3A_72 = arith.addf %add3A_68, %mul3A_71 : vector<1600x128xf32>
    %slice3A_73 = vector.extract_strided_slice %dot_general3A_51 {offsets = [0, 640], sizes = [1600, 128], strides = [1, 1]} : vector<1600x2048xf32> to vector<1600x128xf32>
    %slice3A_74 = vector.extract_strided_slice %dot_general3A_45 {offsets = [0, 640], sizes = [1600, 128], strides = [1, 1]} : vector<1600x2176xf32> to vector<1600x128xf32>
    %mul3A_75 = arith.mulf %slice3A_73, %slice3A_74 : vector<1600x128xf32>
    %add3A_76 = arith.addf %add3A_72, %mul3A_75 : vector<1600x128xf32>
    %slice3A_77 = vector.extract_strided_slice %dot_general3A_51 {offsets = [0, 768], sizes = [1600, 128], strides = [1, 1]} : vector<1600x2048xf32> to vector<1600x128xf32>
    %slice3A_78 = vector.extract_strided_slice %dot_general3A_45 {offsets = [0, 768], sizes = [1600, 128], strides = [1, 1]} : vector<1600x2176xf32> to vector<1600x128xf32>
    %mul3A_79 = arith.mulf %slice3A_77, %slice3A_78 : vector<1600x128xf32>
    %add3A_80 = arith.addf %add3A_76, %mul3A_79 : vector<1600x128xf32>
    %slice3A_81 = vector.extract_strided_slice %dot_general3A_51 {offsets = [0, 896], sizes = [1600, 128], strides = [1, 1]} : vector<1600x2048xf32> to vector<1600x128xf32>
    %slice3A_82 = vector.extract_strided_slice %dot_general3A_45 {offsets = [0, 896], sizes = [1600, 128], strides = [1, 1]} : vector<1600x2176xf32> to vector<1600x128xf32>
    %mul3A_83 = arith.mulf %slice3A_81, %slice3A_82 : vector<1600x128xf32>
    %add3A_84 = arith.addf %add3A_80, %mul3A_83 : vector<1600x128xf32>
    %slice3A_85 = vector.extract_strided_slice %dot_general3A_51 {offsets = [0, 1024], sizes = [1600, 128], strides = [1, 1]} : vector<1600x2048xf32> to vector<1600x128xf32>
    %slice3A_86 = vector.extract_strided_slice %dot_general3A_45 {offsets = [0, 1024], sizes = [1600, 128], strides = [1, 1]} : vector<1600x2176xf32> to vector<1600x128xf32>
    %mul3A_87 = arith.mulf %slice3A_85, %slice3A_86 : vector<1600x128xf32>
    %add3A_88 = arith.addf %add3A_84, %mul3A_87 : vector<1600x128xf32>
    %slice3A_89 = vector.extract_strided_slice %dot_general3A_51 {offsets = [0, 1152], sizes = [1600, 128], strides = [1, 1]} : vector<1600x2048xf32> to vector<1600x128xf32>
    %slice3A_90 = vector.extract_strided_slice %dot_general3A_45 {offsets = [0, 1152], sizes = [1600, 128], strides = [1, 1]} : vector<1600x2176xf32> to vector<1600x128xf32>
    %mul3A_91 = arith.mulf %slice3A_89, %slice3A_90 : vector<1600x128xf32>
    %add3A_92 = arith.addf %add3A_88, %mul3A_91 : vector<1600x128xf32>
    %slice3A_93 = vector.extract_strided_slice %dot_general3A_51 {offsets = [0, 1280], sizes = [1600, 128], strides = [1, 1]} : vector<1600x2048xf32> to vector<1600x128xf32>
    %slice3A_94 = vector.extract_strided_slice %dot_general3A_45 {offsets = [0, 1280], sizes = [1600, 128], strides = [1, 1]} : vector<1600x2176xf32> to vector<1600x128xf32>
    %mul3A_95 = arith.mulf %slice3A_93, %slice3A_94 : vector<1600x128xf32>
    %add3A_96 = arith.addf %add3A_92, %mul3A_95 : vector<1600x128xf32>
    %slice3A_97 = vector.extract_strided_slice %dot_general3A_51 {offsets = [0, 1408], sizes = [1600, 128], strides = [1, 1]} : vector<1600x2048xf32> to vector<1600x128xf32>
    %slice3A_98 = vector.extract_strided_slice %dot_general3A_45 {offsets = [0, 1408], sizes = [1600, 128], strides = [1, 1]} : vector<1600x2176xf32> to vector<1600x128xf32>
    %mul3A_99 = arith.mulf %slice3A_97, %slice3A_98 : vector<1600x128xf32>
    %add3A_100 = arith.addf %add3A_96, %mul3A_99 : vector<1600x128xf32>
    %slice3A_101 = vector.extract_strided_slice %dot_general3A_51 {offsets = [0, 1536], sizes = [1600, 128], strides = [1, 1]} : vector<1600x2048xf32> to vector<1600x128xf32>
    %slice3A_102 = vector.extract_strided_slice %dot_general3A_45 {offsets = [0, 1536], sizes = [1600, 128], strides = [1, 1]} : vector<1600x2176xf32> to vector<1600x128xf32>
    %mul3A_103 = arith.mulf %slice3A_101, %slice3A_102 : vector<1600x128xf32>
    %add3A_104 = arith.addf %add3A_100, %mul3A_103 : vector<1600x128xf32>
    %slice3A_105 = vector.extract_strided_slice %dot_general3A_51 {offsets = [0, 1664], sizes = [1600, 128], strides = [1, 1]} : vector<1600x2048xf32> to vector<1600x128xf32>
    %slice3A_106 = vector.extract_strided_slice %dot_general3A_45 {offsets = [0, 1664], sizes = [1600, 128], strides = [1, 1]} : vector<1600x2176xf32> to vector<1600x128xf32>
    %mul3A_107 = arith.mulf %slice3A_105, %slice3A_106 : vector<1600x128xf32>
    %add3A_108 = arith.addf %add3A_104, %mul3A_107 : vector<1600x128xf32>
    %slice3A_109 = vector.extract_strided_slice %dot_general3A_51 {offsets = [0, 1792], sizes = [1600, 128], strides = [1, 1]} : vector<1600x2048xf32> to vector<1600x128xf32>
    %slice3A_110 = vector.extract_strided_slice %dot_general3A_45 {offsets = [0, 1792], sizes = [1600, 128], strides = [1, 1]} : vector<1600x2176xf32> to vector<1600x128xf32>
    %mul3A_111 = arith.mulf %slice3A_109, %slice3A_110 : vector<1600x128xf32>
    %add3A_112 = arith.addf %add3A_108, %mul3A_111 : vector<1600x128xf32>
    %slice3A_113 = vector.extract_strided_slice %dot_general3A_51 {offsets = [0, 1920], sizes = [1600, 128], strides = [1, 1]} : vector<1600x2048xf32> to vector<1600x128xf32>
    %slice3A_114 = vector.extract_strided_slice %dot_general3A_45 {offsets = [0, 1920], sizes = [1600, 128], strides = [1, 1]} : vector<1600x2176xf32> to vector<1600x128xf32>
    %mul3A_115 = arith.mulf %slice3A_113, %slice3A_114 : vector<1600x128xf32>
    %add3A_116 = arith.addf %add3A_112, %mul3A_115 : vector<1600x128xf32>
    %slice3A_117 = vector.extract_strided_slice %add3A_116 {offsets = [0, 0], sizes = [1600, 16], strides = [1, 1]} : vector<1600x128xf32> to vector<1600x16xf32>
    %mul3A_118 = arith.constant 0.176776692 : f32
    %mul3A_119 = vector.broadcast %mul3A_118 : f32 to vector<1600x16xf32>
    %mul3A_120 = arith.mulf %mul3A_119, %slice3A_117 : vector<1600x16xf32>
    %slice3A_121 = vector.extract_strided_slice %add3A_116 {offsets = [0, 16], sizes = [1600, 16], strides = [1, 1]} : vector<1600x128xf32> to vector<1600x16xf32>
    %slice3A_122 = vector.extract_strided_slice %dot_general3A_25 {offsets = [0, 16], sizes = [1600, 16], strides = [1, 1]} : vector<1600x64xf32> to vector<1600x16xf32>
    %mul3A_123 = arith.mulf %slice3A_121, %slice3A_122 : vector<1600x16xf32>
    %slice3A_124 = vector.extract_strided_slice %add3A_116 {offsets = [0, 32], sizes = [1600, 16], strides = [1, 1]} : vector<1600x128xf32> to vector<1600x16xf32>
    %mul3A_125 = arith.mulf %slice3A_26, %slice3A_124 : vector<1600x16xf32>
    %add3A_126 = arith.addf %mul3A_123, %mul3A_125 : vector<1600x16xf32>
    %mul3A_127 = arith.constant 0.176776692 : f32
    %mul3A_128 = vector.broadcast %mul3A_127 : f32 to vector<1600x16xf32>
    %mul3A_129 = arith.mulf %mul3A_128, %add3A_126 : vector<1600x16xf32>
    %slice3A_130 = vector.extract_strided_slice %dot_general3A_25 {offsets = [0, 32], sizes = [1600, 16], strides = [1, 1]} : vector<1600x64xf32> to vector<1600x16xf32>
    %mul3A_131 = arith.mulf %slice3A_121, %slice3A_130 : vector<1600x16xf32>
    %slice3A_132 = vector.extract_strided_slice %add3A_116 {offsets = [0, 48], sizes = [1600, 16], strides = [1, 1]} : vector<1600x128xf32> to vector<1600x16xf32>
    %mul3A_133 = arith.mulf %slice3A_26, %slice3A_132 : vector<1600x16xf32>
    %add3A_134 = arith.addf %mul3A_131, %mul3A_133 : vector<1600x16xf32>
    %mul3A_135 = arith.constant 0.176776692 : f32
    %mul3A_136 = vector.broadcast %mul3A_135 : f32 to vector<1600x16xf32>
    %mul3A_137 = arith.mulf %mul3A_136, %add3A_134 : vector<1600x16xf32>
    %slice3A_138 = vector.extract_strided_slice %dot_general3A_25 {offsets = [0, 48], sizes = [1600, 16], strides = [1, 1]} : vector<1600x64xf32> to vector<1600x16xf32>
    %mul3A_139 = arith.mulf %slice3A_121, %slice3A_138 : vector<1600x16xf32>
    %slice3A_140 = vector.extract_strided_slice %add3A_116 {offsets = [0, 64], sizes = [1600, 16], strides = [1, 1]} : vector<1600x128xf32> to vector<1600x16xf32>
    %mul3A_141 = arith.mulf %slice3A_26, %slice3A_140 : vector<1600x16xf32>
    %add3A_142 = arith.addf %mul3A_139, %mul3A_141 : vector<1600x16xf32>
    %mul3A_143 = arith.constant 0.176776692 : f32
    %mul3A_144 = vector.broadcast %mul3A_143 : f32 to vector<1600x16xf32>
    %mul3A_145 = arith.mulf %mul3A_144, %add3A_142 : vector<1600x16xf32>
    %broadcast_in_dim3A_146 = arith.constant 1.000000e+00 : f32
    %broadcast_in_dim3A_147 = vector.broadcast %broadcast_in_dim3A_146 : f32 to vector<1600x16xf32>
    %broadcast_in_dim3A_148 = arith.constant 0.000000e+00 : f32
    %broadcast_in_dim3A_149 = vector.broadcast %broadcast_in_dim3A_148 : f32 to vector<1600x48xf32>
    %concatenate3A_150 = tpu.concatenate %mul3A_120, %mul3A_129, %mul3A_137, %mul3A_145, %broadcast_in_dim3A_147, %broadcast_in_dim3A_149 in 1 : vector<1600x16xf32>, vector<1600x16xf32>, vector<1600x16xf32>, vector<1600x16xf32>, vector<1600x16xf32>, vector<1600x48xf32> -> vector<1600x128xf32>
    %swap3A = arith.constant 0 : index
    %swap3A_151 = arith.constant 0 : index
    %swap3A_152 = vector.load %arg8[%swap3A, %swap3A_151] : memref<1600x128xf32, #tpu.memory_space<vmem>>, vector<1600x128xf32>
    tpu.vector_store %arg8[%swap3A, %swap3A_151], %concatenate3A_150 {strides = array<i32>} : memref<1600x128xf32, #tpu.memory_space<vmem>>, vector<1600x128xf32>,
    return
  }
  func.func @transform_0(%arg0: i32) -> (i32, i32) {
    %c0_i32 = arith.constant 0 : i32
    %c0_i32_0 = arith.constant 0 : i32
    return %arg0, %c0_i32 : i32, i32
  }
  func.func @transform_1(%arg0: i32) -> (i32, i32) {
    %c0_i32 = arith.constant 0 : i32
    %c0_i32_0 = arith.constant 0 : i32
    return %arg0, %c0_i32 : i32, i32
  }
  func.func @transform_2(%arg0: i32) -> (i32, i32) {
    %c0_i32 = arith.constant 0 : i32
    %c0_i32_0 = arith.constant 0 : i32
    %c0_i32_1 = arith.constant 0 : i32
    return %c0_i32, %c0_i32_0 : i32, i32
  }
  func.func @transform_3(%arg0: i32) -> (i32, i32) {
    %c0_i32 = arith.constant 0 : i32
    %c0_i32_0 = arith.constant 0 : i32
    %c0_i32_1 = arith.constant 0 : i32
    return %c0_i32, %c0_i32_0 : i32, i32
  }
  func.func @transform_4(%arg0: i32) -> (i32, i32) {
    %c0_i32 = arith.constant 0 : i32
    %c0_i32_0 = arith.constant 0 : i32
    %c0_i32_1 = arith.constant 0 : i32
    return %c0_i32, %c0_i32_0 : i32, i32
  }
  func.func @transform_5(%arg0: i32) -> (i32, i32) {
    %c0_i32 = arith.constant 0 : i32
    %c0_i32_0 = arith.constant 0 : i32
    %c0_i32_1 = arith.constant 0 : i32
    return %c0_i32, %c0_i32_0 : i32, i32
  }
  func.func @transform_6(%arg0: i32) -> (i32, i32) {
    %c0_i32 = arith.constant 0 : i32
    %c0_i32_0 = arith.constant 0 : i32
    %c0_i32_1 = arith.constant 0 : i32
    return %c0_i32, %c0_i32_0 : i32, i32
  }
  func.func @transform_7(%arg0: i32) -> (i32, i32) {
    %c0_i32 = arith.constant 0 : i32
    %c0_i32_0 = arith.constant 0 : i32
    return %arg0, %c0_i32 : i32, i32
  }
}

module attributes {stable_mosaic.version = 14 : i64} {
  func.func @body(%arg0: memref<2x10000x128xf32, #tpu.memory_space<vmem>>, %arg1: memref<2x10000x128xf32, #tpu.memory_space<vmem>>, %arg2: memref<64x64xf32, #tpu.memory_space<vmem>>, %arg3: memref<10000x64xf32, #tpu.memory_space<vmem>>) attributes {dimension_semantics = [], scalar_prefetch = 0 : i64, scratch_operands = 0 : i64, tpu.core_type = #tpu.core_type<tc>} {
    %get3A = arith.constant 0 : index
    %get3A_0 = arith.constant 0 : index
    %get3A_1 = arith.constant 0 : index
    %get3A_2 = vector.load %arg0[%get3A, %get3A_0, %get3A_1] : memref<2x10000x128xf32, #tpu.memory_space<vmem>>, vector<1x10000x64xf32>
    %get3A_3 = vector.shape_cast %get3A_2 : vector<1x10000x64xf32> to vector<10000x64xf32>
    %get3A_4 = arith.constant 1 : index
    %get3A_5 = arith.constant 0 : index
    %get3A_6 = arith.constant 0 : index
    %get3A_7 = vector.load %arg0[%get3A_4, %get3A_5, %get3A_6] : memref<2x10000x128xf32, #tpu.memory_space<vmem>>, vector<1x10000x64xf32>
    %get3A_8 = vector.shape_cast %get3A_7 : vector<1x10000x64xf32> to vector<10000x64xf32>
    %add3A = arith.addf %get3A_3, %get3A_8 : vector<10000x64xf32>
    %get3A_9 = arith.constant 0 : index
    %get3A_10 = arith.constant 0 : index
    %get3A_11 = arith.constant 0 : index
    %get3A_12 = vector.load %arg1[%get3A_9, %get3A_10, %get3A_11] : memref<2x10000x128xf32, #tpu.memory_space<vmem>>, vector<1x10000x64xf32>
    %get3A_13 = vector.shape_cast %get3A_12 : vector<1x10000x64xf32> to vector<10000x64xf32>
    %add3A_14 = arith.addf %add3A, %get3A_13 : vector<10000x64xf32>
    %get3A_15 = arith.constant 1 : index
    %get3A_16 = arith.constant 0 : index
    %get3A_17 = arith.constant 0 : index
    %get3A_18 = vector.load %arg1[%get3A_15, %get3A_16, %get3A_17] : memref<2x10000x128xf32, #tpu.memory_space<vmem>>, vector<1x10000x64xf32>
    %get3A_19 = vector.shape_cast %get3A_18 : vector<1x10000x64xf32> to vector<10000x64xf32>
    %add3A_20 = arith.addf %add3A_14, %get3A_19 : vector<10000x64xf32>
    %get3A_21 = arith.constant 0 : index
    %get3A_22 = arith.constant 0 : index
    %get3A_23 = arith.constant 64 : index
    %get3A_24 = vector.load %arg0[%get3A_21, %get3A_22, %get3A_23] : memref<2x10000x128xf32, #tpu.memory_space<vmem>>, vector<1x10000x1xf32>
    %get3A_25 = vector.shape_cast %get3A_24 : vector<1x10000x1xf32> to vector<10000x1xf32>
    %get3A_26 = arith.constant 1 : index
    %get3A_27 = arith.constant 0 : index
    %get3A_28 = arith.constant 64 : index
    %get3A_29 = vector.load %arg0[%get3A_26, %get3A_27, %get3A_28] : memref<2x10000x128xf32, #tpu.memory_space<vmem>>, vector<1x10000x1xf32>
    %get3A_30 = vector.shape_cast %get3A_29 : vector<1x10000x1xf32> to vector<10000x1xf32>
    %add3A_31 = arith.addf %get3A_25, %get3A_30 : vector<10000x1xf32>
    %get3A_32 = arith.constant 0 : index
    %get3A_33 = arith.constant 0 : index
    %get3A_34 = arith.constant 64 : index
    %get3A_35 = vector.load %arg1[%get3A_32, %get3A_33, %get3A_34] : memref<2x10000x128xf32, #tpu.memory_space<vmem>>, vector<1x10000x1xf32>
    %get3A_36 = vector.shape_cast %get3A_35 : vector<1x10000x1xf32> to vector<10000x1xf32>
    %add3A_37 = arith.addf %add3A_31, %get3A_36 : vector<10000x1xf32>
    %get3A_38 = arith.constant 1 : index
    %get3A_39 = arith.constant 0 : index
    %get3A_40 = arith.constant 64 : index
    %get3A_41 = vector.load %arg1[%get3A_38, %get3A_39, %get3A_40] : memref<2x10000x128xf32, #tpu.memory_space<vmem>>, vector<1x10000x1xf32>
    %get3A_42 = vector.shape_cast %get3A_41 : vector<1x10000x1xf32> to vector<10000x1xf32>
    %add3A_43 = arith.addf %add3A_37, %get3A_42 : vector<10000x1xf32>
    %max3A = arith.constant 1.000000e+00 : f32
    %max3A_44 = vector.broadcast %max3A : f32 to vector<10000x1xf32>
    %max3A_45 = arith.maximumf %add3A_43, %max3A_44 : vector<10000x1xf32>
    %div3A = vector.broadcast %max3A_45 : vector<10000x1xf32> to vector<10000x64xf32>
    %div3A_46 = arith.divf %add3A_20, %div3A : vector<10000x64xf32>
    %get3A_47 = arith.constant 0 : index
    %get3A_48 = arith.constant 0 : index
    %get3A_49 = vector.load %arg2[%get3A_47, %get3A_48] : memref<64x64xf32, #tpu.memory_space<vmem>>, vector<64x64xf32>
    %dot_general3A = arith.constant dense<0.000000e+00> : vector<10000x64xf32>
    %dot_general3A_50 = tpu.matmul %div3A_46, %get3A_49, %dot_general3A {dimension_numbers = #tpu.dot_dimension_numbers<[1], [0], [0], [1], [0, 0, 1, 1], [], []>, transpose_lhs_hint = false} : vector<10000x64xf32>, vector<64x64xf32>, vector<10000x64xf32> -> vector<10000x64xf32>
    %swap3A = arith.constant 0 : index
    %swap3A_51 = arith.constant 0 : index
    %swap3A_52 = vector.load %arg3[%swap3A, %swap3A_51] : memref<10000x64xf32, #tpu.memory_space<vmem>>, vector<10000x64xf32>
    tpu.vector_store %arg3[%swap3A, %swap3A_51], %dot_general3A_50 {strides = array<i32>} : memref<10000x64xf32, #tpu.memory_space<vmem>>, vector<10000x64xf32>,
    return
  }
}

</mosaic_0001>

<sc_bundles>
// kernel: kernel.12.cloned.1.call-start
scs
__scs_entry_jumppad:
0x0: {  	(pc) =	sbr.rel $0x88, $3  }
0x1: {  	(tag) =	ssettag $0x0;
	lr =	simm.s32 $0x1  }
0x2: {  	[smem:$0x3F99] =	sst lr;
	_ =	strace $0xD0000000  }
0x3: {  	_ = 	snop  }
0x4: {  	_ = 	snop  }
0x5: {  	_ = 	snop  }
0x6: {  	_ = 	snop  }
0x7: {  	_ = 	snop  }
__scs_overlays_trampoline_lowered:
0x8: {  	[smem:$0x3FA8] =	sst s0  }
0x9: {  	[smem:$0x3FA9] =	sst s1  }
0xa: {  	[smem:$0x3FAA] =	sst s2  }
0xb: {  	[smem:$0x3FAB] =	sst s3  }
0xc: {  	[smem:$0x3FAC] =	sst s4  }
0xd: {  	[smem:$0x3FAD] =	sst s5  }
0xe: {  	[smem:$0x3FAE] =	sst s6  }
0xf: {  	[smem:$0x3FAF] =	sst s7  }
0x10: {  	[smem:$0x3FB0] =	sst s8  }
0x11: {  	[smem:$0x3FB1] =	sst s9;
	s0 =	simm.s32 @!p0 $0x0  }
0x12: {  	s1 =	sld [smem:$0x3F97];
	s0 =	simm.s32 @p0 $0x1  }
0x13: {  	[smem:$0x3FB2] =	sst s0;
	s0 =	simm.s32 @!p1 $0x0  }
0x14: {  	s2 =	sld [smem:$0x3F96];
	s0 =	simm.s32 @p1 $0x1  }
0x15: {  	[smem:$0x3FB3] =	sst s0;
	s0 =	simm.s32 @!p2 $0x0  }
0x16: {  	s3 =	sld [smem:$0x3FDB];
	s0 =	simm.s32 @p2 $0x1  }
0x17: {  	s4 =	simm.s32 $0x1BF5;
	[smem:$0x3FB5] =	sst s0  }
0x18: {  	s0 =	sld [smem:$0x3F98];
	_ =	swait.ge [sflag:s4], $0x0  }
0x19: {  	s7 =	sld [smem:$0x3F99]  }
0x1a: {  	s8 =	sadd.s32 $0xFFFFE003, lr  }
0x1b: {  	s9 =	sadd.s32 $0xFFFFFEF7, lr;
	s5 =	simm.s32 $0xFFFFFFFF;
	p2 =	slt.u32 s8, $0xFFFFF086  }
0x1c: {  	p1 =	slt.u32 s9, $0xF7A;
	s5 =	simm.s32 @!p2 $0x0  }
0x1d: {  	s5 =	simm.s32 @p1 $0x1;
	p0 =	seq.s32 s7, s2  }
0x1e: {  	s7 =	smul.u32 @!p0 $0xF7A, s2;
	p2 =	seq.s32 @!p0 s5, $0x0  }
0x1f: {  	s9 =	smul.u32 $0xF7A, s1;
	s8 =	simm.s32 @!p0 $0x1BF5;
	p2 =	por !p2, p0  }
0x20: {  	[sflag:s8] =	ssyncset.s32 @!p0 $0xFFFFF086;
	s6 =	sadd.s32 @!p0 s3, s7;
	s7 =	simm.s32 @!p0 $0x108  }
0x21: {  	s3 =	sadd.s32 s3, s9;
	s6 =	sadd.s32 @!p0 $0x88, s6;
	s7 =	simm.s32 @p2 $0x1082  }
0x22: {  	[simem:s7], [sflag:s8] =	dma.local @!p0 [hbm:s6], $0xF7A  }
0x23: {  	s9 =	sor.u32 $0xD0000000, s2;
	s6 =	simm.s32 $0x108;
	_ =	swait.ge @!p0 [sflag:s8], $0x0  }
0x24: {  	s3 =	sadd.s32 $0x88, s3;
	s6 =	simm.s32 @!p1 $0x1082;
	[sflag:s4] =	ssyncset.s32 $0xFFFFF086  }
0x25: {  	[simem:s6], [sflag:s4] =	dma.local [hbm:s3], $0xF7A  }
0x26: {  	[smem:$0x3F99] =	sst s1;
	(tag) =	ssettag s2;
	_ =	strace s9  }
0x27: {  	s1 =	sld [smem:$0x3FA9]  }
0x28: {  	s2 =	sld [smem:$0x3FAA]  }
0x29: {  	s4 =	sld [smem:$0x3FAC]  }
0x2a: {  	p0 =	seq.s32 s5, $0x0;
	s5 =	sld [smem:$0x3FAD]  }
0x2b: {  	s6 =	sld [smem:$0x3FAE]  }
0x2c: {  	s7 =	sld [smem:$0x3FAF]  }
0x2d: {  	s3 =	simm.s32 $0x108;
	s8 =	sld [smem:$0x3FB0]  }
0x2e: {  	s3 =	simm.s32 @!p0 $0x1082;
	s9 =	sld [smem:$0x3FB1]  }
0x2f: {  	lr =	sadd.s32 s0, s3;
	s0 =	sld [smem:$0x3FA8]  }
0x30: {  	s3 =	sld [smem:$0x3FAB]  }
0x31: {  	[smem:$0x3FB4] =	sst s10  }
0x32: {  	s10 =	sld [smem:$0x3FB2];
	_ =	sdelay $0x3  }
0x33: {  	p0 =	seq.s32 s10, $0x1;
	s10 =	sld [smem:$0x3FB4];
	_ =	sdelay $0x3  }
0x34: {  	[smem:$0x3FB4] =	sst s10  }
0x35: {  	s10 =	sld [smem:$0x3FB3];
	_ =	sdelay $0x3  }
0x36: {  	p1 =	seq.s32 s10, $0x1;
	s10 =	sld [smem:$0x3FB4];
	_ =	sdelay $0x3  }
0x37: {  	[smem:$0x3FB4] =	sst s10  }
0x38: {  	s10 =	sld [smem:$0x3FB5]  }
0x39: {  	_ = 	snop;
	(pc) =	sbr.ind lr, $3  }
0x3a: {  	_ = 	snop  }
0x3b: {  	_ = 	snop  }
0x3c: {  	p2 =	seq.s32 s10, $0x1;
	s10 =	sld [smem:$0x3FB4]  }
0x3d: {  	_ =	shalt  }
0x3e: {  	_ =	shalt  }
0x3f: {  	_ =	shalt  }
0x40: {  	_ =	shalt  }
0x41: {  	_ =	shalt  }
0x42: {  	_ =	shalt  }
0x43: {  	_ =	shalt  }
0x44: {  	_ =	shalt  }
0x45: {  	_ =	shalt  }
0x46: {  	_ =	shalt  }
0x47: {  	_ =	shalt  }
0x48: {  	_ =	shalt  }
0x49: {  	_ =	shalt  }
0x4a: {  	_ =	shalt  }
0x4b: {  	_ =	shalt  }
0x4c: {  	_ =	shalt  }
0x4d: {  	_ =	shalt  }
0x4e: {  	_ =	shalt  }
0x4f: {  	_ =	shalt  }
0x50: {  	_ =	shalt  }
0x51: {  	_ =	shalt  }
0x52: {  	_ =	shalt  }
0x53: {  	_ =	shalt  }
0x54: {  	_ =	shalt  }
0x55: {  	_ =	shalt  }
0x56: {  	_ =	shalt  }
0x57: {  	_ =	shalt  }
0x58: {  	_ =	shalt  }
0x59: {  	_ =	shalt  }
0x5a: {  	_ =	shalt  }
0x5b: {  	_ =	shalt  }
0x5c: {  	_ =	shalt  }
0x5d: {  	_ =	shalt  }
0x5e: {  	_ =	shalt  }
0x5f: {  	_ =	shalt  }
0x60: {  	_ =	shalt  }
0x61: {  	_ =	shalt  }
0x62: {  	_ =	shalt  }
0x63: {  	_ =	shalt  }
0x64: {  	_ =	shalt  }
0x65: {  	_ =	shalt  }
0x66: {  	_ =	shalt  }
0x67: {  	_ =	shalt  }
0x68: {  	_ =	shalt  }
0x69: {  	_ =	shalt  }
0x6a: {  	_ =	shalt  }
0x6b: {  	_ =	shalt  }
0x6c: {  	_ =	shalt  }
0x6d: {  	_ =	shalt  }
0x6e: {  	_ =	shalt  }
0x6f: {  	_ =	shalt  }
0x70: {  	_ =	shalt  }
0x71: {  	_ =	shalt  }
0x72: {  	_ =	shalt  }
0x73: {  	_ =	shalt  }
0x74: {  	_ =	shalt  }
0x75: {  	_ =	shalt  }
0x76: {  	_ =	shalt  }
0x77: {  	_ =	shalt  }
0x78: {  	_ =	shalt  }
0x79: {  	_ =	shalt  }
0x7a: {  	_ =	shalt  }
0x7b: {  	_ =	shalt  }
0x7c: {  	_ =	shalt  }
0x7d: {  	_ =	shalt  }
0x7e: {  	_ =	shalt  }
0x7f: {  	_ =	shalt  }
0x80: {  	_ =	shalt  }
0x81: {  	_ =	shalt  }
0x82: {  	_ =	shalt  }
0x83: {  	_ =	shalt  }
0x84: {  	_ =	shalt  }
0x85: {  	_ =	shalt  }
0x86: {  	_ =	shalt  }
0x87: {  	_ =	shalt  }
.Lfunc_end0:
.L_simem_size_0:
called_computation.1_lowered:
.L_overlay_start_0:
0x88: {  	s2 =	sld [smem:$0x3FD9]  }
0x89: {  	s3 =	sld [smem:$0x3FFE];
	_ =	sdelay $0x1  }
0x8a: {  	s1 =	srdreg.scid  }
0x8b: {  	s0 =	sand.u32 $0x1, s1  }
0x8c: {  	s16 =	sshll.u32 s0, $0xA;
	s2 =	sadd.s32 s3, s2  }
0x8d: {  	s2 =	sadd.s32 s2, s16  }
0x8e: {  	[smem:$0x3FC0] =	sst s2  }
0x8f: {  	_ = 	snop  }
0x90: {  	(tm) =	ssettm $0x1  }
0x91: {  	s17 =	sld [smem:$0x3FFB];
	_ =	sdelay $0x3  }
0x92: {  	_ =	strace s17  }
0x93: {  	s2 =	sld [smem:$0x3FFC];
	_ =	sdelay $0x3  }
0x94: {  	_ =	strace s2  }
0x95: {  	s2 =	sld [smem:$0x3FFD];
	_ =	sdelay $0x3  }
0x96: {  	_ =	strace s2  }
0x97: {  	_ =	strace $0x8FFFFFFF  }
0x98: {  	s18 =	sld [smem:$0x3FDB];
	_ =	sdelay $0x1  }
0x99: {  	s19 =	simm.s32 $_scs_section_size  }
0x9a: {  	s4 =	simm.s32 $_size__tile_overlayer_lowered;
	s5 =	simm.s32 $_tile_overlayer_lowered  }
0x9b: {  	s22 =	simm.s32 $0x1BFF;
	s21 =	sshll.u32 s5, $0x1;
	s2 =	sadd.s32 s19, s18  }
0x9c: {  	s6 =	simm.s32 $0x0;
	s20 =	sshll.u32 s4, $0x1;
	s4 =	sadd.s32 s21, s2  }
0x9d: {  	[timem:s6], [sflag:s22] =	dma.local [hbm:s4], s20  }
0x9e: {  	_ =	swait.ge [sflag:s22], s20  }
0x9f: {  	s3 =	ssub.s32 $0x0, s20;
	[sflag:s22] =	ssyncset.done $0x0  }
0xa0: {  	[sflag:s22] =	ssyncadd.s32 s3;
	_ =	sdelay $0x1  }
0xa1: {  	s23 =	simm.s32 $0x1B8B  }
0xa2: {  	_ =	swait.ge [sflag:s23], $0x1  }
0xa3: {  	[sflag:s23] =	ssyncset.done $0x0  }
0xa4: {  	s25 =	simm.s32 $0x1B8E;
	s24 =	sld [smem:$0x3FFE];
	[sflag:s23] =	ssyncadd.s32 $0xFFFFFFFF  }
0xa5: {  	s26 =	simm.s32 $execute0_lowered;
	[smem:$0x3FD2] =	sst s25  }
0xa6: {  	s4 =	sshll.u32 s26, $0x1;
	_ =	strace $0x80000046;
	[dreg:$0x1] =	wrdreg $0xFFFFFFFF  }
0xa7: {  	s28 =	simm.s32 $_size_execute0_lowered;
	s2 =	sadd.s32 s2, s4;
	[dreg:$0x0] =	wrdreg $0x0  }
0xa8: {  	s4 =	sshll.u32 s28, $0x1;
	[dreg:$0x2] =	wrdreg s2  }
0xa9: {  	[dreg:$0x3] =	wrdreg s4  }
0xaa: {  	[dreg:$0x4] =	wrdreg $0xC0  }
0xab: {  	_ =	task [dreg:s6], $0x5FFFF  }
0xac: {  	[dreg:$0x1] =	wrdreg $0xFFFFFFFF  }
0xad: {  	[dreg:$0x0] =	wrdreg $0x60  }
0xae: {  	[dreg:$0x2] =	wrdreg s24  }
0xaf: {  	[dreg:$0x3] =	wrdreg $0xA  }
0xb0: {  	_ =	task.clear_ibuf [dreg:s6], $0x4FFFF;
	_ =	strace $0x90000046  }
0xb1: {  	s29 =	simm.s32 $0xA;
	_ =	strace $0x80000048  }
0xb2: {  	_ =	swait.ge [sflag:s29], $0x1  }
0xb3: {  	[sflag:s29] =	ssyncadd.s32 $0xFFFFFFFF  }
0xb4: {  	_ =	strace $0x90000048  }
0xb5: {  	_ =	sfence  }
0xb6: {  	s30 =	sld [smem:$0x0];
	_ =	sdelay $0x2  }
0xb7: {  	s31 =	sshll.u32 s1, $0xD;
	s1 =	sshrl.u32 s1, $0x2  }
0xb8: {  	s3 =	sand.u32 $0x4000, s31;
	s1 =	sadd.s32 s1, s30  }
0xb9: {  	s0 =	sor.u32 s3, s0;
	s1 =	sshll.u32 s1, $0x11  }
0xba: {  	s0 =	sor.u32 s1, s0  }
0xbb: {  	s0 =	sadd.s32 $0x8F2B, s0  }
0xbc: {  	[sflag:s0] =	ssyncadd.remote.s32 $0x1  }
0xbd: {  	_ =	sfence.sel $0xFFFF  }
0xbe: {  	[dreg:$0x0] =	wrdreg $0xFFFFFFFF;
	(pc) =	sbr.abs _section_cstart, $3  }
0xbf: {  	[dreg:$0x1] =	wrdreg $0xFFFFFFFF  }
0xc0: {  	_ =	task.clear_ibuf [dreg:s6], $0x2FFFF;
	_ =	strace $0x9FFFFFFF  }
0xc1: {  	(tm) =	ssettm $0x7FFFFFFF  }
tec
execute0_lowered:
.L_overlay_start_1:
0x0: {  	(tag) =	ssettag $0x1  }
0x1: {  	s0 =	srdreg.scid;
	s1 =	rddreg [dreg:$0x0]  }
0x2: {  	s19 =	stileid.u32;
	s20 =	rddreg [dreg:$0x1];
	s3 =	simm.s32 $0x0  }
0x3: {  	s10 =	simm.s32 $0xC400;
	s11 =	simm.s32 $0x200;
	s12 =	simm.s32 $0x280  }
0x4: {  	s13 =	simm.s32 $0x300;
	s14 =	simm.s32 $0x380;
	p2 =	por $0x0, $0x0  }
0x5: {  	s0 =	sand.u32 $0x1, s0;
	s2 =	sshll.u32 s19, $0x1;
	[smem:$0x7FF] =	sst s3  }
0x6: {  	s6 =	sadd.s32 $0x2A00, s1;
	s7 =	sadd.s32 $0x2C400, s1;
	s17 =	sadd.s32 $0x2E400, s1  }
0x7: {  	s21 =	sadd.s32 $0x5100, s1;
	p1 =	sgt.u32 s19, $0x6;
	s18 =	sor.u32 s0, s2  }
0x8: {  	_ =	strace $0x80000047;
	s2 =	sadd.s32 $0x5200, s1;
	s0 =	ssub.s32 $0x2, s0  }
0x9: {  	[dreg:$0x5] =	wrdreg s21;
	s1 =	sadd.s32 $0x164400, s1;
	s4 =	sshll.u32 s18, $0xA  }
0xa: {  	s9 =	sshll.u32 s18, $0xE;
	s22 =	sshll.u32 s18, $0x7;
	[dreg:$0x6] =	wrdreg s1  }
0xb: {  	s28 =	sshrl.u32 s0, $0x1;
	p0 =	sne.s32 s18, $0xE;
	s5 =	sor.u32 $0x10000, s4  }
0xc: {  	s15 =	sadd.s32 s7, s9;
	s23 =	sadd.s32 s6, s22;
	s4 =	sor.u32 $0x8000, s4  }
0xd: {  	s24 =	sadd.s32 s9, s17;
	s0 =	ssub.s32 s0, s28;
	s9 =	simm.s32 $0x8400  }
0xe: {  	s8 =	sshrl.u32 s5, $0x3;
	s5 =	sshll.u32 s5, $0x4;
	[dreg:$0x7] =	wrdreg s23  }
0xf: {  	s16 =	sadd.s32 $0x102000, s15;
	s25 =	sshrl.u32 s4, $0x3;
	[dreg:$0x8] =	wrdreg s24  }
0x10: {  	s4 =	sshll.u32 s4, $0x4;
	s0 =	smax.u32 s0, $0x1;
	s8 =	sadd.s32 s6, s8  }
0x11: {  	s5 =	sadd.s32 s7, s5;
	[dreg:$0x4] =	wrdreg s16;
	s31 =	sadd.s32 $0xFFFFFFFF, s0  }
0x12: {  	s26 =	sadd.s32 s6, s25;
	s1 =	rddreg [dreg:$0x7];
	p3 =	sne.s32 s31, $0x0  }
.Ltmp0:
0x13: {  	s29 =	sadd.s32 s7, s4;
	[dreg:$0x2] =	wrdreg s8;
	(pc) =	sbr.rel @!p3 .LBB2_1-.Ltmp0, $4  }
0x14: {  	s30 =	sadd.s32 s4, s17;
	s4 =	simm.s32 $0x2;
	[dreg:$0x3] =	wrdreg s5  }
0x15: {  	s7 =	simm.s32 $0x80;
	s16 =	simm.s32 $0x100;
	[dreg:$0x9] =	wrdreg s26  }
0x16: {  	s17 =	simm.s32 $0x180;
	s6 =	simm.s32 $0x1;
	[dreg:$0xa] =	wrdreg s29  }
0x17: {  	[dreg:$0xb] =	wrdreg s30;
	s5 =	simm.s32 $0x400;
	s8 =	simm.s32 $0x4400  }
0x18: {  	[tilespmem:s3], [sflag:$0x2] =	stream.linear.gather [hbm4b:s1+s3], $0x400, $0x38;
	[tilespmem:$0x10400] =	vst v63  }
0x19: {  	_ =	swait.ge [sflag:s4], $0x400  }
0x1a: {  	[sflag:s4] =	ssyncset.done $0x0  }
0x1b: {  	[sflag:s4] =	ssyncadd.s32 $0xFFFFFC00  }
0x1c: {  	[tilespmem:s5], [sflag:$0x1] =	stream.indirect.gather [hbm4b:s2+s7], $0x80, s3, s7, $0xb8;
	[tilespmem:$0x10400] =	vst v63  }
0x1d: {  	_ = 	snop  }
0x1e: {  	[tilespmem:s8], [sflag:$0x1] =	stream.indirect.gather [hbm4b:s2+s7], $0x80, s7, s7, $0xb8;
	[tilespmem:$0x10400] =	vst v63  }
0x1f: {  	_ = 	snop  }
0x20: {  	[tilespmem:s9], [sflag:$0x1] =	stream.indirect.gather [hbm4b:s2+s7], $0x80, s16, s7, $0xb8;
	[tilespmem:$0x10400] =	vst v63  }
0x21: {  	_ = 	snop  }
0x22: {  	[tilespmem:s10], [sflag:$0x1] =	stream.indirect.gather [hbm4b:s2+s7], $0x80, s17, s7, $0xb8;
	[tilespmem:$0x10400] =	vst v63  }
0x23: {  	_ =	swait.ge [sflag:s6], $0x4000  }
0x24: {  	[sflag:s6] =	ssyncset.done $0x0  }
0x25: {  	[sflag:s6] =	ssyncadd.s32 $0xFFFFC000  }
0x26: {  	_ =	swait.ge [sflag:s6], $0x4000  }
0x27: {  	[sflag:s6] =	ssyncset.done $0x0  }
0x28: {  	[sflag:s6] =	ssyncadd.s32 $0xFFFFC000  }
0x29: {  	_ =	swait.ge [sflag:s6], $0x4000  }
0x2a: {  	[sflag:s6] =	ssyncset.done $0x0  }
0x2b: {  	[sflag:s6] =	ssyncadd.s32 $0xFFFFC000  }
0x2c: {  	_ =	swait.ge [sflag:s6], $0x4000  }
0x2d: {  	[sflag:s6] =	ssyncset.done $0x0  }
0x2e: {  	[sflag:s6] =	ssyncadd.s32 $0xFFFFC000  }
0x2f: {  	[hbm4b:s15+s3] =	stream.linear.scatter [tilespmem:s5], [sflag:$0x2], $0x10000, $0x38;
	[tilespmem:$0x10400] =	vst v63  }
0x30: {  	_ =	swait.ge [sflag:s4], $0x10000  }
0x31: {  	[sflag:s4] =	ssyncset.done $0x0  }
0x32: {  	[sflag:s4] =	ssyncadd.s32 $0xFFFF0000  }
0x33: {  	[tilespmem:s5], [sflag:$0x1] =	stream.indirect.gather [hbm4b:s2+s7], $0x80, s11, s7, $0xb8;
	[tilespmem:$0x10400] =	vst v63  }
0x34: {  	_ = 	snop  }
0x35: {  	[tilespmem:s8], [sflag:$0x1] =	stream.indirect.gather [hbm4b:s2+s7], $0x80, s12, s7, $0xb8;
	[tilespmem:$0x10400] =	vst v63  }
0x36: {  	_ = 	snop  }
0x37: {  	[tilespmem:s9], [sflag:$0x1] =	stream.indirect.gather [hbm4b:s2+s7], $0x80, s13, s7, $0xb8;
	[tilespmem:$0x10400] =	vst v63  }
0x38: {  	_ = 	snop  }
0x39: {  	[tilespmem:s10], [sflag:$0x1] =	stream.indirect.gather [hbm4b:s2+s7], $0x80, s14, s7, $0xb8;
	[tilespmem:$0x10400] =	vst v63  }
0x3a: {  	_ =	swait.ge [sflag:s6], $0x4000  }
0x3b: {  	[sflag:s6] =	ssyncset.done $0x0  }
0x3c: {  	[sflag:s6] =	ssyncadd.s32 $0xFFFFC000  }
0x3d: {  	_ =	swait.ge [sflag:s6], $0x4000  }
0x3e: {  	[sflag:s6] =	ssyncset.done $0x0  }
0x3f: {  	[sflag:s6] =	ssyncadd.s32 $0xFFFFC000  }
0x40: {  	_ =	swait.ge [sflag:s6], $0x4000  }
0x41: {  	[sflag:s6] =	ssyncset.done $0x0  }
0x42: {  	[sflag:s6] =	ssyncadd.s32 $0xFFFFC000  }
0x43: {  	_ =	swait.ge [sflag:s6], $0x4000  }
0x44: {  	[sflag:s6] =	ssyncset.done $0x0  }
0x45: {  	s0 =	rddreg [dreg:$0x8];
	[sflag:s6] =	ssyncadd.s32 $0xFFFFC000  }
0x46: {  	[hbm4b:s0+s3] =	stream.linear.scatter [tilespmem:s5], [sflag:$0x2], $0x10000, $0x38;
	[tilespmem:$0x10400] =	vst v63  }
0x47: {  	_ =	swait.ge [sflag:s4], $0x10000  }
0x48: {  	[sflag:s4] =	ssyncset.done $0x0  }
0x49: {  	s24 =	rddreg [dreg:$0x9];
	[sflag:s4] =	ssyncadd.s32 $0xFFFF0000  }
0x4a: {  	[tilespmem:s3], [sflag:$0x2] =	stream.linear.gather [hbm4b:s24+s3], $0x400, $0x38;
	[tilespmem:$0x10400] =	vst v63  }
0x4b: {  	_ =	swait.ge [sflag:s4], $0x400  }
0x4c: {  	[sflag:s4] =	ssyncset.done $0x0  }
0x4d: {  	[sflag:s4] =	ssyncadd.s32 $0xFFFFFC00  }
0x4e: {  	[tilespmem:s5], [sflag:$0x1] =	stream.indirect.gather [hbm4b:s2+s7], $0x80, s3, s7, $0xb8;
	[tilespmem:$0x10400] =	vst v63  }
0x4f: {  	_ = 	snop  }
0x50: {  	[tilespmem:s8], [sflag:$0x1] =	stream.indirect.gather [hbm4b:s2+s7], $0x80, s7, s7, $0xb8;
	[tilespmem:$0x10400] =	vst v63  }
0x51: {  	_ = 	snop  }
0x52: {  	[tilespmem:s9], [sflag:$0x1] =	stream.indirect.gather [hbm4b:s2+s7], $0x80, s16, s7, $0xb8;
	[tilespmem:$0x10400] =	vst v63  }
0x53: {  	_ = 	snop  }
0x54: {  	[tilespmem:s10], [sflag:$0x1] =	stream.indirect.gather [hbm4b:s2+s7], $0x80, s17, s7, $0xb8;
	[tilespmem:$0x10400] =	vst v63  }
0x55: {  	_ =	swait.ge [sflag:s6], $0x4000  }
0x56: {  	[sflag:s6] =	ssyncset.done $0x0  }
0x57: {  	[sflag:s6] =	ssyncadd.s32 $0xFFFFC000  }
0x58: {  	_ =	swait.ge [sflag:s6], $0x4000  }
0x59: {  	[sflag:s6] =	ssyncset.done $0x0  }
0x5a: {  	[sflag:s6] =	ssyncadd.s32 $0xFFFFC000  }
0x5b: {  	_ =	swait.ge [sflag:s6], $0x4000  }
0x5c: {  	[sflag:s6] =	ssyncset.done $0x0  }
0x5d: {  	[sflag:s6] =	ssyncadd.s32 $0xFFFFC000  }
0x5e: {  	_ =	swait.ge [sflag:s6], $0x4000  }
0x5f: {  	[sflag:s6] =	ssyncset.done $0x0  }
0x60: {  	s25 =	rddreg [dreg:$0xa];
	[sflag:s6] =	ssyncadd.s32 $0xFFFFC000  }
0x61: {  	[hbm4b:s25+s3] =	stream.linear.scatter [tilespmem:s5], [sflag:$0x2], $0x10000, $0x38;
	[tilespmem:$0x10400] =	vst v63  }
0x62: {  	_ =	swait.ge [sflag:s4], $0x10000  }
0x63: {  	[sflag:s4] =	ssyncset.done $0x0  }
0x64: {  	[sflag:s4] =	ssyncadd.s32 $0xFFFF0000  }
0x65: {  	[tilespmem:s5], [sflag:$0x1] =	stream.indirect.gather [hbm4b:s2+s7], $0x80, s11, s7, $0xb8;
	[tilespmem:$0x10400] =	vst v63  }
0x66: {  	_ = 	snop  }
0x67: {  	[tilespmem:s8], [sflag:$0x1] =	stream.indirect.gather [hbm4b:s2+s7], $0x80, s12, s7, $0xb8;
	[tilespmem:$0x10400] =	vst v63  }
0x68: {  	_ = 	snop  }
0x69: {  	[tilespmem:s9], [sflag:$0x1] =	stream.indirect.gather [hbm4b:s2+s7], $0x80, s13, s7, $0xb8;
	[tilespmem:$0x10400] =	vst v63  }
0x6a: {  	_ = 	snop  }
0x6b: {  	[tilespmem:s10], [sflag:$0x1] =	stream.indirect.gather [hbm4b:s2+s7], $0x80, s14, s7, $0xb8;
	[tilespmem:$0x10400] =	vst v63  }
0x6c: {  	_ =	swait.ge [sflag:s6], $0x4000  }
0x6d: {  	[sflag:s6] =	ssyncset.done $0x0  }
0x6e: {  	[sflag:s6] =	ssyncadd.s32 $0xFFFFC000  }
0x6f: {  	_ =	swait.ge [sflag:s6], $0x4000  }
0x70: {  	[sflag:s6] =	ssyncset.done $0x0  }
0x71: {  	[sflag:s6] =	ssyncadd.s32 $0xFFFFC000  }
0x72: {  	_ =	swait.ge [sflag:s6], $0x4000  }
0x73: {  	[sflag:s6] =	ssyncset.done $0x0  }
0x74: {  	[sflag:s6] =	ssyncadd.s32 $0xFFFFC000  }
0x75: {  	_ =	swait.ge [sflag:s6], $0x4000  }
0x76: {  	[sflag:s6] =	ssyncset.done $0x0  }
0x77: {  	s26 =	rddreg [dreg:$0xb];
	[sflag:s6] =	ssyncadd.s32 $0xFFFFC000  }
0x78: {  	[hbm4b:s26+s3] =	stream.linear.scatter [tilespmem:s5], [sflag:$0x2], $0x10000, $0x38;
	[tilespmem:$0x10400] =	vst v63  }
0x79: {  	_ =	swait.ge [sflag:s4], $0x10000  }
0x7a: {  	s18 =	simm.s32 @!p1 $0x0;
	[sflag:s4] =	ssyncset.done $0x0  }
0x7b: {  	s19 =	simm.s32 @!p1 $0x2;
	s0 =	rddreg [dreg:$0x2];
	[sflag:s4] =	ssyncadd.s32 $0xFFFF0000  }
0x7c: {  	[tilespmem:s18], [sflag:$0x2] =	stream.linear.gather @!p1 [hbm4b:s0+s18], $0x400, $0x38;
	[tilespmem:$0x10400] =	vst v63  }
0x7d: {  	_ =	swait.ge @!p1 [sflag:s19], $0x400  }
0x7e: {  	[sflag:s19] =	ssyncset.done @!p1 $0x0  }
0x7f: {  	s20 =	simm.s32 @!p1 $0x80;
	s21 =	simm.s32 @!p1 $0x400;
	[sflag:s19] =	ssyncadd.s32 @!p1 $0xFFFFFC00  }
0x80: {  	[tilespmem:s21], [sflag:$0x1] =	stream.indirect.gather @!p1 [hbm4b:s2+s20], $0x80, s18, s20, $0xb8;
	[tilespmem:$0x10400] =	vst v63  }
0x81: {  	s22 =	simm.s32 @!p1 $0x4400  }
0x82: {  	[tilespmem:s22], [sflag:$0x1] =	stream.indirect.gather @!p1 [hbm4b:s2+s20], $0x80, s20, s20, $0xb8;
	[tilespmem:$0x10400] =	vst v63  }
0x83: {  	s24 =	simm.s32 @!p1 $0x8400;
	s0 =	simm.s32 @!p1 $0x100  }
0x84: {  	[tilespmem:s24], [sflag:$0x1] =	stream.indirect.gather @!p1 [hbm4b:s2+s20], $0x80, s0, s20, $0xb8;
	[tilespmem:$0x10400] =	vst v63  }
0x85: {  	s28 =	simm.s32 @!p1 $0x1;
	s26 =	simm.s32 @!p1 $0xC400;
	s0 =	simm.s32 @!p1 $0x180  }
0x86: {  	[tilespmem:s26], [sflag:$0x1] =	stream.indirect.gather @!p1 [hbm4b:s2+s20], $0x80, s0, s20, $0xb8;
	[tilespmem:$0x10400] =	vst v63  }
0x87: {  	_ =	swait.ge @!p1 [sflag:s28], $0x4000  }
0x88: {  	[sflag:s28] =	ssyncset.done @!p1 $0x0  }
0x89: {  	[sflag:s28] =	ssyncadd.s32 @!p1 $0xFFFFC000  }
0x8a: {  	_ =	swait.ge @!p1 [sflag:s28], $0x4000  }
0x8b: {  	[sflag:s28] =	ssyncset.done @!p1 $0x0  }
0x8c: {  	[sflag:s28] =	ssyncadd.s32 @!p1 $0xFFFFC000  }
0x8d: {  	_ =	swait.ge @!p1 [sflag:s28], $0x4000  }
0x8e: {  	[sflag:s28] =	ssyncset.done @!p1 $0x0  }
0x8f: {  	[sflag:s28] =	ssyncadd.s32 @!p1 $0xFFFFC000  }
0x90: {  	_ =	swait.ge @!p1 [sflag:s28], $0x4000  }
0x91: {  	[sflag:s28] =	ssyncset.done @!p1 $0x0  }
0x92: {  	s0 =	rddreg [dreg:$0x3];
	[sflag:s28] =	ssyncadd.s32 @!p1 $0xFFFFC000  }
0x93: {  	[hbm4b:s0+s18] =	stream.linear.scatter @!p1 [tilespmem:s21], [sflag:$0x2], $0x10000, $0x38;
	[tilespmem:$0x10400] =	vst v63  }
0x94: {  	_ =	swait.ge @!p1 [sflag:s19], $0x10000  }
0x95: {  	[sflag:s19] =	ssyncset.done @!p1 $0x0  }
0x96: {  	s0 =	simm.s32 @!p1 $0x200;
	[sflag:s19] =	ssyncadd.s32 @!p1 $0xFFFF0000  }
0x97: {  	[tilespmem:s21], [sflag:$0x1] =	stream.indirect.gather @!p1 [hbm4b:s2+s20], $0x80, s0, s20, $0xb8;
	[tilespmem:$0x10400] =	vst v63  }
0x98: {  	s0 =	simm.s32 @!p1 $0x280  }
0x99: {  	[tilespmem:s22], [sflag:$0x1] =	stream.indirect.gather @!p1 [hbm4b:s2+s20], $0x80, s0, s20, $0xb8;
	[tilespmem:$0x10400] =	vst v63  }
0x9a: {  	s0 =	simm.s32 @!p1 $0x300  }
0x9b: {  	[tilespmem:s24], [sflag:$0x1] =	stream.indirect.gather @!p1 [hbm4b:s2+s20], $0x80, s0, s20, $0xb8;
	[tilespmem:$0x10400] =	vst v63  }
0x9c: {  	s0 =	simm.s32 @!p1 $0x380  }
0x9d: {  	[tilespmem:s26], [sflag:$0x1] =	stream.indirect.gather @!p1 [hbm4b:s2+s20], $0x80, s0, s20, $0xb8;
	[tilespmem:$0x10400] =	vst v63  }
0x9e: {  	_ =	swait.ge @!p1 [sflag:s28], $0x4000  }
0x9f: {  	[sflag:s28] =	ssyncset.done @!p1 $0x0  }
0xa0: {  	[sflag:s28] =	ssyncadd.s32 @!p1 $0xFFFFC000  }
0xa1: {  	_ =	swait.ge @!p1 [sflag:s28], $0x4000  }
0xa2: {  	[sflag:s28] =	ssyncset.done @!p1 $0x0  }
0xa3: {  	[sflag:s28] =	ssyncadd.s32 @!p1 $0xFFFFC000  }
0xa4: {  	_ =	swait.ge @!p1 [sflag:s28], $0x4000  }
0xa5: {  	[sflag:s28] =	ssyncset.done @!p1 $0x0  }
0xa6: {  	[sflag:s28] =	ssyncadd.s32 @!p1 $0xFFFFC000  }
0xa7: {  	_ =	swait.ge @!p1 [sflag:s28], $0x4000  }
0xa8: {  	[sflag:s28] =	ssyncset.done @!p1 $0x0  }
0xa9: {  	s0 =	rddreg [dreg:$0x4];
	[sflag:s28] =	ssyncadd.s32 @!p1 $0xFFFFC000  }
0xaa: {  	[hbm4b:s0+s18] =	stream.linear.scatter @!p1 [tilespmem:s21], [sflag:$0x2], $0x10000, $0x38;
	[tilespmem:$0x10400] =	vst v63  }
0xab: {  	_ =	swait.ge @!p1 [sflag:s19], $0x10000  }
0xac: {  	s23 =	simm.s32 @!p0 $0x0;
	[sflag:s19] =	ssyncset.done @!p1 $0x0  }
0xad: {  	s0 =	simm.s32 @!p0 $0x2;
	s1 =	rddreg [dreg:$0x5];
	[sflag:s19] =	ssyncadd.s32 @!p1 $0xFFFF0000  }
0xae: {  	[tilespmem:s23], [sflag:$0x2] =	stream.linear.gather @!p0 [hbm4b:s1+s23], $0x80, $0x38;
	[tilespmem:$0x10400] =	vst v63  }
0xaf: {  	_ =	swait.ge @!p0 [sflag:s0], $0x80  }
0xb0: {  	s29 =	simm.s32 @!p0 $0x80;
	s30 =	simm.s32 @!p0 $0x400;
	[sflag:s0] =	ssyncset.done @!p0 $0x0  }
0xb1: {  	s31 =	sadd.s32 $0xFFFFFFFF, s31;
	s25 =	simm.s32 @!p0 $0x1;
	[sflag:s0] =	ssyncadd.s32 @!p0 $0xFFFFFF80  }
0xb2: {  	[tilespmem:s30], [sflag:$0x1] =	stream.indirect.gather @!p0 [hbm4b:s2+s29], $0x80, s23, s29, $0xb8;
	[tilespmem:$0x10400] =	vst v63  }
0xb3: {  	p3 =	sne.s32 s31, $0x0;
	_ =	swait.ge @!p0 [sflag:s25], $0x4000  }
.Ltmp1:
0xb4: {  	[sflag:s25] =	ssyncset.done @!p0 $0x0;
	(pc) =	sbr.rel @!p3 .LBB2_3-.Ltmp1, $4  }
0xb5: {  	s1 =	rddreg [dreg:$0x6];
	[sflag:s25] =	ssyncadd.s32 @!p0 $0xFFFFC000  }
0xb6: {  	[hbm4b:s1+s23] =	stream.linear.scatter @!p0 [tilespmem:s30], [sflag:$0x2], $0x4000, $0x38;
	[tilespmem:$0x10400] =	vst v63  }
0xb7: {  	_ =	swait.ge @!p0 [sflag:s0], $0x4000  }
0xb8: {  	p2 =	por $0x1, $0x1;
	s1 =	rddreg [dreg:$0x7];
	[sflag:s0] =	ssyncset.done @!p0 $0x0  }
.LBB2_4:
0xb9: {  	[sflag:s0] =	ssyncadd.s32 @!p0 $0xFFFFC000  }
0xba: {  	[tilespmem:s3], [sflag:$0x2] =	stream.linear.gather [hbm4b:s1+s3], $0x400, $0x38;
	[tilespmem:$0x10400] =	vst v63  }
0xbb: {  	_ =	swait.ge [sflag:s4], $0x400  }
0xbc: {  	[sflag:s4] =	ssyncset.done $0x0  }
0xbd: {  	[sflag:s4] =	ssyncadd.s32 $0xFFFFFC00  }
0xbe: {  	[tilespmem:s5], [sflag:$0x1] =	stream.indirect.gather [hbm4b:s2+s7], $0x80, s3, s7, $0xb8;
	[tilespmem:$0x10400] =	vst v63  }
0xbf: {  	_ = 	snop  }
0xc0: {  	[tilespmem:s8], [sflag:$0x1] =	stream.indirect.gather [hbm4b:s2+s7], $0x80, s7, s7, $0xb8;
	[tilespmem:$0x10400] =	vst v63  }
0xc1: {  	_ = 	snop  }
0xc2: {  	[tilespmem:s9], [sflag:$0x1] =	stream.indirect.gather [hbm4b:s2+s7], $0x80, s16, s7, $0xb8;
	[tilespmem:$0x10400] =	vst v63  }
0xc3: {  	_ = 	snop  }
0xc4: {  	[tilespmem:s10], [sflag:$0x1] =	stream.indirect.gather [hbm4b:s2+s7], $0x80, s17, s7, $0xb8;
	[tilespmem:$0x10400] =	vst v63  }
0xc5: {  	_ =	swait.ge [sflag:s6], $0x4000  }
0xc6: {  	[sflag:s6] =	ssyncset.done $0x0  }
0xc7: {  	[sflag:s6] =	ssyncadd.s32 $0xFFFFC000  }
0xc8: {  	_ =	swait.ge [sflag:s6], $0x4000  }
0xc9: {  	[sflag:s6] =	ssyncset.done $0x0  }
0xca: {  	[sflag:s6] =	ssyncadd.s32 $0xFFFFC000  }
0xcb: {  	_ =	swait.ge [sflag:s6], $0x4000  }
0xcc: {  	[sflag:s6] =	ssyncset.done $0x0  }
0xcd: {  	[sflag:s6] =	ssyncadd.s32 $0xFFFFC000  }
0xce: {  	_ =	swait.ge [sflag:s6], $0x4000  }
0xcf: {  	[sflag:s6] =	ssyncset.done $0x0  }
0xd0: {  	[sflag:s6] =	ssyncadd.s32 $0xFFFFC000  }
0xd1: {  	[hbm4b:s15+s3] =	stream.linear.scatter [tilespmem:s5], [sflag:$0x2], $0x10000, $0x38;
	[tilespmem:$0x10400] =	vst v63  }
0xd2: {  	_ =	swait.ge [sflag:s4], $0x10000  }
0xd3: {  	[sflag:s4] =	ssyncset.done $0x0  }
0xd4: {  	[sflag:s4] =	ssyncadd.s32 $0xFFFF0000  }
0xd5: {  	[tilespmem:s5], [sflag:$0x1] =	stream.indirect.gather [hbm4b:s2+s7], $0x80, s11, s7, $0xb8;
	[tilespmem:$0x10400] =	vst v63  }
0xd6: {  	_ = 	snop  }
0xd7: {  	[tilespmem:s8], [sflag:$0x1] =	stream.indirect.gather [hbm4b:s2+s7], $0x80, s12, s7, $0xb8;
	[tilespmem:$0x10400] =	vst v63  }
0xd8: {  	_ = 	snop  }
0xd9: {  	[tilespmem:s9], [sflag:$0x1] =	stream.indirect.gather [hbm4b:s2+s7], $0x80, s13, s7, $0xb8;
	[tilespmem:$0x10400] =	vst v63  }
0xda: {  	_ = 	snop  }
0xdb: {  	[tilespmem:s10], [sflag:$0x1] =	stream.indirect.gather [hbm4b:s2+s7], $0x80, s14, s7, $0xb8;
	[tilespmem:$0x10400] =	vst v63  }
0xdc: {  	_ =	swait.ge [sflag:s6], $0x4000  }
0xdd: {  	[sflag:s6] =	ssyncset.done $0x0  }
0xde: {  	[sflag:s6] =	ssyncadd.s32 $0xFFFFC000  }
0xdf: {  	_ =	swait.ge [sflag:s6], $0x4000  }
0xe0: {  	[sflag:s6] =	ssyncset.done $0x0  }
0xe1: {  	[sflag:s6] =	ssyncadd.s32 $0xFFFFC000  }
0xe2: {  	_ =	swait.ge [sflag:s6], $0x4000  }
0xe3: {  	[sflag:s6] =	ssyncset.done $0x0  }
0xe4: {  	[sflag:s6] =	ssyncadd.s32 $0xFFFFC000  }
0xe5: {  	_ =	swait.ge [sflag:s6], $0x4000  }
0xe6: {  	[sflag:s6] =	ssyncset.done $0x0  }
0xe7: {  	s1 =	rddreg [dreg:$0x8];
	[sflag:s6] =	ssyncadd.s32 $0xFFFFC000  }
0xe8: {  	[hbm4b:s1+s3] =	stream.linear.scatter [tilespmem:s5], [sflag:$0x2], $0x10000, $0x38;
	[tilespmem:$0x10400] =	vst v63  }
0xe9: {  	_ =	swait.ge [sflag:s4], $0x10000  }
0xea: {  	[sflag:s4] =	ssyncset.done $0x0  }
0xeb: {  	s1 =	rddreg [dreg:$0x9];
	[sflag:s4] =	ssyncadd.s32 $0xFFFF0000  }
0xec: {  	[tilespmem:s3], [sflag:$0x2] =	stream.linear.gather [hbm4b:s1+s3], $0x400, $0x38;
	[tilespmem:$0x10400] =	vst v63  }
0xed: {  	_ =	swait.ge [sflag:s4], $0x400  }
0xee: {  	[sflag:s4] =	ssyncset.done $0x0  }
0xef: {  	[sflag:s4] =	ssyncadd.s32 $0xFFFFFC00  }
0xf0: {  	[tilespmem:s5], [sflag:$0x1] =	stream.indirect.gather [hbm4b:s2+s7], $0x80, s3, s7, $0xb8;
	[tilespmem:$0x10400] =	vst v63  }
0xf1: {  	_ = 	snop  }
0xf2: {  	[tilespmem:s8], [sflag:$0x1] =	stream.indirect.gather [hbm4b:s2+s7], $0x80, s7, s7, $0xb8;
	[tilespmem:$0x10400] =	vst v63  }
0xf3: {  	_ = 	snop  }
0xf4: {  	[tilespmem:s9], [sflag:$0x1] =	stream.indirect.gather [hbm4b:s2+s7], $0x80, s16, s7, $0xb8;
	[tilespmem:$0x10400] =	vst v63  }
0xf5: {  	_ = 	snop  }
0xf6: {  	[tilespmem:s10], [sflag:$0x1] =	stream.indirect.gather [hbm4b:s2+s7], $0x80, s17, s7, $0xb8;
	[tilespmem:$0x10400] =	vst v63  }
0xf7: {  	_ =	swait.ge [sflag:s6], $0x4000  }
0xf8: {  	[sflag:s6] =	ssyncset.done $0x0  }
0xf9: {  	[sflag:s6] =	ssyncadd.s32 $0xFFFFC000  }
0xfa: {  	_ =	swait.ge [sflag:s6], $0x4000  }
0xfb: {  	[sflag:s6] =	ssyncset.done $0x0  }
0xfc: {  	[sflag:s6] =	ssyncadd.s32 $0xFFFFC000  }
0xfd: {  	_ =	swait.ge [sflag:s6], $0x4000  }
0xfe: {  	[sflag:s6] =	ssyncset.done $0x0  }
0xff: {  	[sflag:s6] =	ssyncadd.s32 $0xFFFFC000  }
0x100: {  	_ =	swait.ge [sflag:s6], $0x4000  }
0x101: {  	[sflag:s6] =	ssyncset.done $0x0  }
0x102: {  	s1 =	rddreg [dreg:$0xa];
	[sflag:s6] =	ssyncadd.s32 $0xFFFFC000  }
0x103: {  	[hbm4b:s1+s3] =	stream.linear.scatter [tilespmem:s5], [sflag:$0x2], $0x10000, $0x38;
	[tilespmem:$0x10400] =	vst v63  }
0x104: {  	_ =	swait.ge [sflag:s4], $0x10000  }
0x105: {  	[sflag:s4] =	ssyncset.done $0x0  }
0x106: {  	[sflag:s4] =	ssyncadd.s32 $0xFFFF0000  }
0x107: {  	[tilespmem:s5], [sflag:$0x1] =	stream.indirect.gather [hbm4b:s2+s7], $0x80, s11, s7, $0xb8;
	[tilespmem:$0x10400] =	vst v63  }
0x108: {  	_ = 	snop  }
0x109: {  	[tilespmem:s8], [sflag:$0x1] =	stream.indirect.gather [hbm4b:s2+s7], $0x80, s12, s7, $0xb8;
	[tilespmem:$0x10400] =	vst v63  }
0x10a: {  	_ = 	snop  }
0x10b: {  	[tilespmem:s9], [sflag:$0x1] =	stream.indirect.gather [hbm4b:s2+s7], $0x80, s13, s7, $0xb8;
	[tilespmem:$0x10400] =	vst v63  }
0x10c: {  	_ = 	snop  }
0x10d: {  	[tilespmem:s10], [sflag:$0x1] =	stream.indirect.gather [hbm4b:s2+s7], $0x80, s14, s7, $0xb8;
	[tilespmem:$0x10400] =	vst v63  }
0x10e: {  	_ =	swait.ge [sflag:s6], $0x4000  }
0x10f: {  	[sflag:s6] =	ssyncset.done $0x0  }
0x110: {  	[sflag:s6] =	ssyncadd.s32 $0xFFFFC000  }
0x111: {  	_ =	swait.ge [sflag:s6], $0x4000  }
0x112: {  	[sflag:s6] =	ssyncset.done $0x0  }
0x113: {  	[sflag:s6] =	ssyncadd.s32 $0xFFFFC000  }
0x114: {  	_ =	swait.ge [sflag:s6], $0x4000  }
0x115: {  	[sflag:s6] =	ssyncset.done $0x0  }
0x116: {  	[sflag:s6] =	ssyncadd.s32 $0xFFFFC000  }
0x117: {  	_ =	swait.ge [sflag:s6], $0x4000  }
0x118: {  	[sflag:s6] =	ssyncset.done $0x0  }
0x119: {  	s1 =	rddreg [dreg:$0xb];
	[sflag:s6] =	ssyncadd.s32 $0xFFFFC000  }
0x11a: {  	[hbm4b:s1+s3] =	stream.linear.scatter [tilespmem:s5], [sflag:$0x2], $0x10000, $0x38;
	[tilespmem:$0x10400] =	vst v63  }
0x11b: {  	_ =	swait.ge [sflag:s4], $0x10000  }
0x11c: {  	[sflag:s4] =	ssyncset.done $0x0  }
0x11d: {  	s1 =	rddreg [dreg:$0x2];
	[sflag:s4] =	ssyncadd.s32 $0xFFFF0000  }
0x11e: {  	[tilespmem:s18], [sflag:$0x2] =	stream.linear.gather @!p1 [hbm4b:s1+s18], $0x400, $0x38;
	[tilespmem:$0x10400] =	vst v63  }
0x11f: {  	_ =	swait.ge @!p1 [sflag:s19], $0x400  }
0x120: {  	[sflag:s19] =	ssyncset.done @!p1 $0x0  }
0x121: {  	[sflag:s19] =	ssyncadd.s32 @!p1 $0xFFFFFC00  }
0x122: {  	[tilespmem:s21], [sflag:$0x1] =	stream.indirect.gather @!p1 [hbm4b:s2+s20], $0x80, s18, s20, $0xb8;
	[tilespmem:$0x10400] =	vst v63  }
0x123: {  	_ = 	snop  }
0x124: {  	[tilespmem:s22], [sflag:$0x1] =	stream.indirect.gather @!p1 [hbm4b:s2+s20], $0x80, s20, s20, $0xb8;
	[tilespmem:$0x10400] =	vst v63  }
0x125: {  	s1 =	simm.s32 @!p1 $0x100  }
0x126: {  	[tilespmem:s24], [sflag:$0x1] =	stream.indirect.gather @!p1 [hbm4b:s2+s20], $0x80, s1, s20, $0xb8;
	[tilespmem:$0x10400] =	vst v63  }
0x127: {  	s1 =	simm.s32 @!p1 $0x180  }
0x128: {  	[tilespmem:s26], [sflag:$0x1] =	stream.indirect.gather @!p1 [hbm4b:s2+s20], $0x80, s1, s20, $0xb8;
	[tilespmem:$0x10400] =	vst v63  }
0x129: {  	_ =	swait.ge @!p1 [sflag:s28], $0x4000  }
0x12a: {  	[sflag:s28] =	ssyncset.done @!p1 $0x0  }
0x12b: {  	[sflag:s28] =	ssyncadd.s32 @!p1 $0xFFFFC000  }
0x12c: {  	_ =	swait.ge @!p1 [sflag:s28], $0x4000  }
0x12d: {  	[sflag:s28] =	ssyncset.done @!p1 $0x0  }
0x12e: {  	[sflag:s28] =	ssyncadd.s32 @!p1 $0xFFFFC000  }
0x12f: {  	_ =	swait.ge @!p1 [sflag:s28], $0x4000  }
0x130: {  	[sflag:s28] =	ssyncset.done @!p1 $0x0  }
0x131: {  	[sflag:s28] =	ssyncadd.s32 @!p1 $0xFFFFC000  }
0x132: {  	_ =	swait.ge @!p1 [sflag:s28], $0x4000  }
0x133: {  	[sflag:s28] =	ssyncset.done @!p1 $0x0  }
0x134: {  	s1 =	rddreg [dreg:$0x3];
	[sflag:s28] =	ssyncadd.s32 @!p1 $0xFFFFC000  }
0x135: {  	[hbm4b:s1+s18] =	stream.linear.scatter @!p1 [tilespmem:s21], [sflag:$0x2], $0x10000, $0x38;
	[tilespmem:$0x10400] =	vst v63  }
0x136: {  	_ =	swait.ge @!p1 [sflag:s19], $0x10000  }
0x137: {  	[sflag:s19] =	ssyncset.done @!p1 $0x0  }
0x138: {  	s1 =	simm.s32 @!p1 $0x200;
	[sflag:s19] =	ssyncadd.s32 @!p1 $0xFFFF0000  }
0x139: {  	[tilespmem:s21], [sflag:$0x1] =	stream.indirect.gather @!p1 [hbm4b:s2+s20], $0x80, s1, s20, $0xb8;
	[tilespmem:$0x10400] =	vst v63  }
0x13a: {  	s1 =	simm.s32 @!p1 $0x280  }
0x13b: {  	[tilespmem:s22], [sflag:$0x1] =	stream.indirect.gather @!p1 [hbm4b:s2+s20], $0x80, s1, s20, $0xb8;
	[tilespmem:$0x10400] =	vst v63  }
0x13c: {  	s1 =	simm.s32 @!p1 $0x300  }
0x13d: {  	[tilespmem:s24], [sflag:$0x1] =	stream.indirect.gather @!p1 [hbm4b:s2+s20], $0x80, s1, s20, $0xb8;
	[tilespmem:$0x10400] =	vst v63  }
0x13e: {  	s1 =	simm.s32 @!p1 $0x380  }
0x13f: {  	[tilespmem:s26], [sflag:$0x1] =	stream.indirect.gather @!p1 [hbm4b:s2+s20], $0x80, s1, s20, $0xb8;
	[tilespmem:$0x10400] =	vst v63  }
0x140: {  	_ =	swait.ge @!p1 [sflag:s28], $0x4000  }
0x141: {  	[sflag:s28] =	ssyncset.done @!p1 $0x0  }
0x142: {  	[sflag:s28] =	ssyncadd.s32 @!p1 $0xFFFFC000  }
0x143: {  	_ =	swait.ge @!p1 [sflag:s28], $0x4000  }
0x144: {  	[sflag:s28] =	ssyncset.done @!p1 $0x0  }
0x145: {  	[sflag:s28] =	ssyncadd.s32 @!p1 $0xFFFFC000  }
0x146: {  	_ =	swait.ge @!p1 [sflag:s28], $0x4000  }
0x147: {  	[sflag:s28] =	ssyncset.done @!p1 $0x0  }
0x148: {  	[sflag:s28] =	ssyncadd.s32 @!p1 $0xFFFFC000  }
0x149: {  	_ =	swait.ge @!p1 [sflag:s28], $0x4000  }
0x14a: {  	[sflag:s28] =	ssyncset.done @!p1 $0x0  }
0x14b: {  	s1 =	rddreg [dreg:$0x4];
	[sflag:s28] =	ssyncadd.s32 @!p1 $0xFFFFC000  }
0x14c: {  	[hbm4b:s1+s18] =	stream.linear.scatter @!p1 [tilespmem:s21], [sflag:$0x2], $0x10000, $0x38;
	[tilespmem:$0x10400] =	vst v63  }
0x14d: {  	_ =	swait.ge @!p1 [sflag:s19], $0x10000  }
0x14e: {  	[sflag:s19] =	ssyncset.done @!p1 $0x0  }
0x14f: {  	s1 =	rddreg [dreg:$0x5];
	[sflag:s19] =	ssyncadd.s32 @!p1 $0xFFFF0000  }
0x150: {  	[tilespmem:s23], [sflag:$0x2] =	stream.linear.gather @!p0 [hbm4b:s1+s23], $0x80, $0x38;
	[tilespmem:$0x10400] =	vst v63  }
0x151: {  	_ =	swait.ge @!p0 [sflag:s0], $0x80  }
0x152: {  	[sflag:s0] =	ssyncset.done @!p0 $0x0  }
0x153: {  	s31 =	sadd.s32 $0xFFFFFFFF, s31;
	[sflag:s0] =	ssyncadd.s32 @!p0 $0xFFFFFF80  }
0x154: {  	[tilespmem:s30], [sflag:$0x1] =	stream.indirect.gather @!p0 [hbm4b:s2+s29], $0x80, s23, s29, $0xb8;
	[tilespmem:$0x10400] =	vst v63  }
0x155: {  	p3 =	sne.s32 s31, $0x0;
	_ =	swait.ge @!p0 [sflag:s25], $0x4000  }
.Ltmp2:
0x156: {  	[sflag:s25] =	ssyncset.done @!p0 $0x0;
	(pc) =	sbr.rel @p3 .LBB2_4-.Ltmp2, $4  }
0x157: {  	s1 =	rddreg [dreg:$0x6];
	[sflag:s25] =	ssyncadd.s32 @!p0 $0xFFFFC000  }
0x158: {  	[hbm4b:s1+s23] =	stream.linear.scatter @!p0 [tilespmem:s30], [sflag:$0x2], $0x4000, $0x38;
	[tilespmem:$0x10400] =	vst v63  }
0x159: {  	_ =	swait.ge @!p0 [sflag:s0], $0x4000  }
0x15a: {  	s1 =	rddreg [dreg:$0x7];
	[sflag:s0] =	ssyncset.done @!p0 $0x0  }
0x15b: {  	s19 =	stileid.u32;
	s20 =	rddreg [dreg:$0x1]  }
.LBB2_6:
0x15c: {  	p2 =	por p0, !p2  }
0x15d: {  	[sflag:s0] =	ssyncadd.s32 @!p2 $0xFFFFC000  }
0x15e: {  	[tilespmem:s3], [sflag:$0x2] =	stream.linear.gather [hbm4b:s1+s3], $0x400, $0x38;
	[tilespmem:$0x10400] =	vst v63  }
0x15f: {  	_ =	swait.ge [sflag:s4], $0x400  }
0x160: {  	[sflag:s4] =	ssyncset.done $0x0  }
0x161: {  	[sflag:s4] =	ssyncadd.s32 $0xFFFFFC00  }
0x162: {  	[tilespmem:s5], [sflag:$0x1] =	stream.indirect.gather [hbm4b:s2+s7], $0x80, s3, s7, $0xb8;
	[tilespmem:$0x10400] =	vst v63  }
0x163: {  	_ = 	snop  }
0x164: {  	[tilespmem:s8], [sflag:$0x1] =	stream.indirect.gather [hbm4b:s2+s7], $0x80, s7, s7, $0xb8;
	[tilespmem:$0x10400] =	vst v63  }
0x165: {  	_ = 	snop  }
0x166: {  	[tilespmem:s9], [sflag:$0x1] =	stream.indirect.gather [hbm4b:s2+s7], $0x80, s16, s7, $0xb8;
	[tilespmem:$0x10400] =	vst v63  }
0x167: {  	_ = 	snop  }
0x168: {  	[tilespmem:s10], [sflag:$0x1] =	stream.indirect.gather [hbm4b:s2+s7], $0x80, s17, s7, $0xb8;
	[tilespmem:$0x10400] =	vst v63  }
0x169: {  	_ =	swait.ge [sflag:s6], $0x4000  }
0x16a: {  	[sflag:s6] =	ssyncset.done $0x0  }
0x16b: {  	[sflag:s6] =	ssyncadd.s32 $0xFFFFC000  }
0x16c: {  	_ =	swait.ge [sflag:s6], $0x4000  }
0x16d: {  	[sflag:s6] =	ssyncset.done $0x0  }
0x16e: {  	[sflag:s6] =	ssyncadd.s32 $0xFFFFC000  }
0x16f: {  	_ =	swait.ge [sflag:s6], $0x4000  }
0x170: {  	[sflag:s6] =	ssyncset.done $0x0  }
0x171: {  	[sflag:s6] =	ssyncadd.s32 $0xFFFFC000  }
0x172: {  	_ =	swait.ge [sflag:s6], $0x4000  }
0x173: {  	[sflag:s6] =	ssyncset.done $0x0  }
0x174: {  	[sflag:s6] =	ssyncadd.s32 $0xFFFFC000  }
0x175: {  	[hbm4b:s15+s3] =	stream.linear.scatter [tilespmem:s5], [sflag:$0x2], $0x10000, $0x38;
	[tilespmem:$0x10400] =	vst v63  }
0x176: {  	_ =	swait.ge [sflag:s4], $0x10000  }
0x177: {  	[sflag:s4] =	ssyncset.done $0x0  }
0x178: {  	[sflag:s4] =	ssyncadd.s32 $0xFFFF0000  }
0x179: {  	[tilespmem:s5], [sflag:$0x1] =	stream.indirect.gather [hbm4b:s2+s7], $0x80, s11, s7, $0xb8;
	[tilespmem:$0x10400] =	vst v63  }
0x17a: {  	_ = 	snop  }
0x17b: {  	[tilespmem:s8], [sflag:$0x1] =	stream.indirect.gather [hbm4b:s2+s7], $0x80, s12, s7, $0xb8;
	[tilespmem:$0x10400] =	vst v63  }
0x17c: {  	_ = 	snop  }
0x17d: {  	[tilespmem:s9], [sflag:$0x1] =	stream.indirect.gather [hbm4b:s2+s7], $0x80, s13, s7, $0xb8;
	[tilespmem:$0x10400] =	vst v63  }
0x17e: {  	_ = 	snop  }
0x17f: {  	[tilespmem:s10], [sflag:$0x1] =	stream.indirect.gather [hbm4b:s2+s7], $0x80, s14, s7, $0xb8;
	[tilespmem:$0x10400] =	vst v63  }
0x180: {  	_ =	swait.ge [sflag:s6], $0x4000  }
0x181: {  	[sflag:s6] =	ssyncset.done $0x0  }
0x182: {  	[sflag:s6] =	ssyncadd.s32 $0xFFFFC000  }
0x183: {  	_ =	swait.ge [sflag:s6], $0x4000  }
0x184: {  	[sflag:s6] =	ssyncset.done $0x0  }
0x185: {  	[sflag:s6] =	ssyncadd.s32 $0xFFFFC000  }
0x186: {  	_ =	swait.ge [sflag:s6], $0x4000  }
0x187: {  	[sflag:s6] =	ssyncset.done $0x0  }
0x188: {  	[sflag:s6] =	ssyncadd.s32 $0xFFFFC000  }
0x189: {  	_ =	swait.ge [sflag:s6], $0x4000  }
0x18a: {  	[sflag:s6] =	ssyncset.done $0x0  }
0x18b: {  	s28 =	rddreg [dreg:$0x8];
	[sflag:s6] =	ssyncadd.s32 $0xFFFFC000  }
0x18c: {  	[hbm4b:s28+s3] =	stream.linear.scatter [tilespmem:s5], [sflag:$0x2], $0x10000, $0x38;
	[tilespmem:$0x10400] =	vst v63  }
0x18d: {  	_ =	swait.ge [sflag:s4], $0x10000  }
0x18e: {  	[sflag:s4] =	ssyncset.done $0x0  }
0x18f: {  	s29 =	rddreg [dreg:$0x9];
	[sflag:s4] =	ssyncadd.s32 $0xFFFF0000  }
0x190: {  	[tilespmem:s3], [sflag:$0x2] =	stream.linear.gather [hbm4b:s29+s3], $0x400, $0x38;
	[tilespmem:$0x10400] =	vst v63  }
0x191: {  	_ =	swait.ge [sflag:s4], $0x400  }
0x192: {  	[sflag:s4] =	ssyncset.done $0x0  }
0x193: {  	[sflag:s4] =	ssyncadd.s32 $0xFFFFFC00  }
0x194: {  	[tilespmem:s5], [sflag:$0x1] =	stream.indirect.gather [hbm4b:s2+s7], $0x80, s3, s7, $0xb8;
	[tilespmem:$0x10400] =	vst v63  }
0x195: {  	_ = 	snop  }
0x196: {  	[tilespmem:s8], [sflag:$0x1] =	stream.indirect.gather [hbm4b:s2+s7], $0x80, s7, s7, $0xb8;
	[tilespmem:$0x10400] =	vst v63  }
0x197: {  	_ = 	snop  }
0x198: {  	[tilespmem:s9], [sflag:$0x1] =	stream.indirect.gather [hbm4b:s2+s7], $0x80, s16, s7, $0xb8;
	[tilespmem:$0x10400] =	vst v63  }
0x199: {  	_ = 	snop  }
0x19a: {  	[tilespmem:s10], [sflag:$0x1] =	stream.indirect.gather [hbm4b:s2+s7], $0x80, s17, s7, $0xb8;
	[tilespmem:$0x10400] =	vst v63  }
0x19b: {  	_ =	swait.ge [sflag:s6], $0x4000  }
0x19c: {  	[sflag:s6] =	ssyncset.done $0x0  }
0x19d: {  	[sflag:s6] =	ssyncadd.s32 $0xFFFFC000  }
0x19e: {  	_ =	swait.ge [sflag:s6], $0x4000  }
0x19f: {  	[sflag:s6] =	ssyncset.done $0x0  }
0x1a0: {  	[sflag:s6] =	ssyncadd.s32 $0xFFFFC000  }
0x1a1: {  	_ =	swait.ge [sflag:s6], $0x4000  }
0x1a2: {  	[sflag:s6] =	ssyncset.done $0x0  }
0x1a3: {  	[sflag:s6] =	ssyncadd.s32 $0xFFFFC000  }
0x1a4: {  	_ =	swait.ge [sflag:s6], $0x4000  }
0x1a5: {  	[sflag:s6] =	ssyncset.done $0x0  }
0x1a6: {  	s30 =	rddreg [dreg:$0xa];
	[sflag:s6] =	ssyncadd.s32 $0xFFFFC000  }
0x1a7: {  	[hbm4b:s30+s3] =	stream.linear.scatter [tilespmem:s5], [sflag:$0x2], $0x10000, $0x38;
	[tilespmem:$0x10400] =	vst v63  }
0x1a8: {  	_ =	swait.ge [sflag:s4], $0x10000  }
0x1a9: {  	[sflag:s4] =	ssyncset.done $0x0  }
0x1aa: {  	[sflag:s4] =	ssyncadd.s32 $0xFFFF0000  }
0x1ab: {  	[tilespmem:s5], [sflag:$0x1] =	stream.indirect.gather [hbm4b:s2+s7], $0x80, s11, s7, $0xb8;
	[tilespmem:$0x10400] =	vst v63  }
0x1ac: {  	_ = 	snop  }
0x1ad: {  	[tilespmem:s8], [sflag:$0x1] =	stream.indirect.gather [hbm4b:s2+s7], $0x80, s12, s7, $0xb8;
	[tilespmem:$0x10400] =	vst v63  }
0x1ae: {  	_ = 	snop  }
0x1af: {  	[tilespmem:s9], [sflag:$0x1] =	stream.indirect.gather [hbm4b:s2+s7], $0x80, s13, s7, $0xb8;
	[tilespmem:$0x10400] =	vst v63  }
0x1b0: {  	_ = 	snop  }
0x1b1: {  	[tilespmem:s10], [sflag:$0x1] =	stream.indirect.gather [hbm4b:s2+s7], $0x80, s14, s7, $0xb8;
	[tilespmem:$0x10400] =	vst v63  }
0x1b2: {  	_ =	swait.ge [sflag:s6], $0x4000  }
0x1b3: {  	[sflag:s6] =	ssyncset.done $0x0  }
0x1b4: {  	[sflag:s6] =	ssyncadd.s32 $0xFFFFC000  }
0x1b5: {  	_ =	swait.ge [sflag:s6], $0x4000  }
0x1b6: {  	[sflag:s6] =	ssyncset.done $0x0  }
0x1b7: {  	[sflag:s6] =	ssyncadd.s32 $0xFFFFC000  }
0x1b8: {  	_ =	swait.ge [sflag:s6], $0x4000  }
0x1b9: {  	[sflag:s6] =	ssyncset.done $0x0  }
0x1ba: {  	[sflag:s6] =	ssyncadd.s32 $0xFFFFC000  }
0x1bb: {  	_ =	swait.ge [sflag:s6], $0x4000  }
0x1bc: {  	[sflag:s6] =	ssyncset.done $0x0  }
0x1bd: {  	s31 =	rddreg [dreg:$0xb];
	[sflag:s6] =	ssyncadd.s32 $0xFFFFC000  }
0x1be: {  	[hbm4b:s31+s3] =	stream.linear.scatter [tilespmem:s5], [sflag:$0x2], $0x10000, $0x38;
	[tilespmem:$0x10400] =	vst v63  }
0x1bf: {  	_ =	swait.ge [sflag:s4], $0x10000  }
0x1c0: {  	s1 =	simm.s32 @!p1 $0x0;
	[sflag:s4] =	ssyncset.done $0x0  }
0x1c1: {  	s3 =	simm.s32 @!p1 $0x2;
	s0 =	rddreg [dreg:$0x2];
	[sflag:s4] =	ssyncadd.s32 $0xFFFF0000  }
0x1c2: {  	[tilespmem:s1], [sflag:$0x2] =	stream.linear.gather @!p1 [hbm4b:s0+s1], $0x400, $0x38;
	[tilespmem:$0x10400] =	vst v63  }
0x1c3: {  	_ =	swait.ge @!p1 [sflag:s3], $0x400  }
0x1c4: {  	[sflag:s3] =	ssyncset.done @!p1 $0x0  }
0x1c5: {  	s4 =	simm.s32 @!p1 $0x400;
	s0 =	simm.s32 @!p1 $0x80;
	[sflag:s3] =	ssyncadd.s32 @!p1 $0xFFFFFC00  }
0x1c6: {  	[tilespmem:s4], [sflag:$0x1] =	stream.indirect.gather @!p1 [hbm4b:s2+s0], $0x80, s1, s0, $0xb8;
	[tilespmem:$0x10400] =	vst v63  }
0x1c7: {  	s5 =	simm.s32 @!p1 $0x4400  }
0x1c8: {  	[tilespmem:s5], [sflag:$0x1] =	stream.indirect.gather @!p1 [hbm4b:s2+s0], $0x80, s0, s0, $0xb8;
	[tilespmem:$0x10400] =	vst v63  }
0x1c9: {  	s7 =	simm.s32 @!p1 $0x8400;
	s6 =	simm.s32 @!p1 $0x100  }
0x1ca: {  	[tilespmem:s7], [sflag:$0x1] =	stream.indirect.gather @!p1 [hbm4b:s2+s0], $0x80, s6, s0, $0xb8;
	[tilespmem:$0x10400] =	vst v63  }
0x1cb: {  	s8 =	simm.s32 @!p1 $0xC400;
	s9 =	simm.s32 @!p1 $0x1;
	s6 =	simm.s32 @!p1 $0x180  }
0x1cc: {  	[tilespmem:s8], [sflag:$0x1] =	stream.indirect.gather @!p1 [hbm4b:s2+s0], $0x80, s6, s0, $0xb8;
	[tilespmem:$0x10400] =	vst v63  }
0x1cd: {  	_ =	swait.ge @!p1 [sflag:s9], $0x4000  }
0x1ce: {  	[sflag:s9] =	ssyncset.done @!p1 $0x0  }
0x1cf: {  	[sflag:s9] =	ssyncadd.s32 @!p1 $0xFFFFC000  }
0x1d0: {  	_ =	swait.ge @!p1 [sflag:s9], $0x4000  }
0x1d1: {  	[sflag:s9] =	ssyncset.done @!p1 $0x0  }
0x1d2: {  	[sflag:s9] =	ssyncadd.s32 @!p1 $0xFFFFC000  }
0x1d3: {  	_ =	swait.ge @!p1 [sflag:s9], $0x4000  }
0x1d4: {  	[sflag:s9] =	ssyncset.done @!p1 $0x0  }
0x1d5: {  	[sflag:s9] =	ssyncadd.s32 @!p1 $0xFFFFC000  }
0x1d6: {  	_ =	swait.ge @!p1 [sflag:s9], $0x4000  }
0x1d7: {  	[sflag:s9] =	ssyncset.done @!p1 $0x0  }
0x1d8: {  	s6 =	rddreg [dreg:$0x3];
	[sflag:s9] =	ssyncadd.s32 @!p1 $0xFFFFC000  }
0x1d9: {  	[hbm4b:s6+s1] =	stream.linear.scatter @!p1 [tilespmem:s4], [sflag:$0x2], $0x10000, $0x38;
	[tilespmem:$0x10400] =	vst v63  }
0x1da: {  	_ =	swait.ge @!p1 [sflag:s3], $0x10000  }
0x1db: {  	[sflag:s3] =	ssyncset.done @!p1 $0x0  }
0x1dc: {  	s6 =	simm.s32 @!p1 $0x200;
	[sflag:s3] =	ssyncadd.s32 @!p1 $0xFFFF0000  }
0x1dd: {  	[tilespmem:s4], [sflag:$0x1] =	stream.indirect.gather @!p1 [hbm4b:s2+s0], $0x80, s6, s0, $0xb8;
	[tilespmem:$0x10400] =	vst v63  }
0x1de: {  	s6 =	simm.s32 @!p1 $0x280  }
0x1df: {  	[tilespmem:s5], [sflag:$0x1] =	stream.indirect.gather @!p1 [hbm4b:s2+s0], $0x80, s6, s0, $0xb8;
	[tilespmem:$0x10400] =	vst v63  }
0x1e0: {  	s5 =	simm.s32 @!p1 $0x300  }
0x1e1: {  	[tilespmem:s7], [sflag:$0x1] =	stream.indirect.gather @!p1 [hbm4b:s2+s0], $0x80, s5, s0, $0xb8;
	[tilespmem:$0x10400] =	vst v63  }
0x1e2: {  	s5 =	simm.s32 @!p1 $0x380  }
0x1e3: {  	[tilespmem:s8], [sflag:$0x1] =	stream.indirect.gather @!p1 [hbm4b:s2+s0], $0x80, s5, s0, $0xb8;
	[tilespmem:$0x10400] =	vst v63  }
0x1e4: {  	_ =	swait.ge @!p1 [sflag:s9], $0x4000  }
0x1e5: {  	[sflag:s9] =	ssyncset.done @!p1 $0x0  }
0x1e6: {  	[sflag:s9] =	ssyncadd.s32 @!p1 $0xFFFFC000  }
0x1e7: {  	_ =	swait.ge @!p1 [sflag:s9], $0x4000  }
0x1e8: {  	[sflag:s9] =	ssyncset.done @!p1 $0x0  }
0x1e9: {  	[sflag:s9] =	ssyncadd.s32 @!p1 $0xFFFFC000  }
0x1ea: {  	_ =	swait.ge @!p1 [sflag:s9], $0x4000  }
0x1eb: {  	[sflag:s9] =	ssyncset.done @!p1 $0x0  }
0x1ec: {  	[sflag:s9] =	ssyncadd.s32 @!p1 $0xFFFFC000  }
0x1ed: {  	_ =	swait.ge @!p1 [sflag:s9], $0x4000  }
0x1ee: {  	[sflag:s9] =	ssyncset.done @!p1 $0x0  }
0x1ef: {  	s0 =	rddreg [dreg:$0x4];
	[sflag:s9] =	ssyncadd.s32 @!p1 $0xFFFFC000  }
0x1f0: {  	[hbm4b:s0+s1] =	stream.linear.scatter @!p1 [tilespmem:s4], [sflag:$0x2], $0x10000, $0x38;
	[tilespmem:$0x10400] =	vst v63  }
0x1f1: {  	_ =	swait.ge @!p1 [sflag:s3], $0x10000  }
0x1f2: {  	s1 =	simm.s32 @!p0 $0x0;
	[sflag:s3] =	ssyncset.done @!p1 $0x0  }
0x1f3: {  	s0 =	rddreg [dreg:$0x5];
	[sflag:s3] =	ssyncadd.s32 @!p1 $0xFFFF0000;
	s3 =	simm.s32 @!p0 $0x2  }
0x1f4: {  	[tilespmem:s1], [sflag:$0x2] =	stream.linear.gather @!p0 [hbm4b:s0+s1], $0x80, $0x38;
	[tilespmem:$0x10400] =	vst v63  }
0x1f5: {  	_ =	swait.ge @!p0 [sflag:s3], $0x80  }
0x1f6: {  	s5 =	simm.s32 @!p0 $0x400;
	[sflag:s3] =	ssyncset.done @!p0 $0x0  }
0x1f7: {  	s4 =	simm.s32 @!p0 $0x80;
	s0 =	simm.s32 @!p0 $0x1;
	[sflag:s3] =	ssyncadd.s32 @!p0 $0xFFFFFF80  }
0x1f8: {  	[tilespmem:s5], [sflag:$0x1] =	stream.indirect.gather @!p0 [hbm4b:s2+s4], $0x80, s1, s4, $0xb8;
	[tilespmem:$0x10400] =	vst v63  }
0x1f9: {  	_ =	swait.ge @!p0 [sflag:s0], $0x4000  }
0x1fa: {  	[sflag:s0] =	ssyncset.done @!p0 $0x0  }
0x1fb: {  	s2 =	rddreg [dreg:$0x6];
	[sflag:s0] =	ssyncadd.s32 @!p0 $0xFFFFC000  }
0x1fc: {  	[hbm4b:s2+s1] =	stream.linear.scatter @!p0 [tilespmem:s5], [sflag:$0x2], $0x4000, $0x38;
	[tilespmem:$0x10400] =	vst v63  }
0x1fd: {  	_ =	swait.ge @!p0 [sflag:s3], $0x4000  }
0x1fe: {  	[sflag:s3] =	ssyncset.done @!p0 $0x0  }
0x1ff: {  	[sflag:s3] =	ssyncadd.s32 @!p0 $0xFFFFC000  }
0x200: {  	_ =	sfence.sel $0x180000  }
0x201: {  	[bflag:$0x0] =	sbarrier.arrive $0xFFFF  }
0x202: {  	p0 =	sne.s32 s19, $0x0;
	_ =	strace $0x90000047  }
0x203: {  	s0 =	sadd.s32 @!p0 $0x100000, s20;
	[bflag:$0x2] =	sbarrier.arrive $0xFFFF  }
0x204: {  	[sflag:s0] =	ssyncadd.tile.s32 @!p0 $0x1;
	_ =	shalt  }
.LBB2_1:
.Ltmp3:
0x205: {  	(pc) =	sbr.rel .LBB2_6-.Ltmp3, $2  }
0x206: {  	_ =	sdelay $0x2  }
0x207: {  	_ = 	snop  }
.LBB2_3:
.Ltmp4:
0x208: {  	(pc) =	sbr.rel .LBB2_6-.Ltmp4, $2  }
0x209: {  	_ =	sdelay $0x2  }
0x20a: {  	s19 =	stileid.u32;
	s20 =	rddreg [dreg:$0x1]  }
.Lfunc_end2:
_tile_overlayer_lowered:
.L_overlay_start_2:
0x20b: {  	(tag) =	ssettag $0x2  }
0x20c: {  	s0 =	rddreg [dreg:$0x0];
	s2 =	stileid.u32  }
0x20d: {  	s1 =	rddreg [dreg:$0x1];
	p0 =	sne.s32 s2, $0x0  }
0x20e: {  	s3 =	rddreg [dreg:$0x2];
	[bflag:$0x3] =	sbarrier.arrive $0xFFFF;
	s2 =	simm.s32 @!p0 $0x1C02  }
0x20f: {  	[timem:s3], [sflag:s2] =	dma.local @!p0 [hbm:s0], s1  }
0x210: {  	s0 =	simm.s32 @!p0 $0x2  }
0x211: {  	_ =	swait.ge @!p0 [sflag:s0], s1  }
0x212: {  	s1 =	ssub.s32 @!p0 $0x0, s1;
	[sflag:s0] =	ssyncset.done @!p0 $0x0  }
0x213: {  	[sflag:s0] =	ssyncadd.s32 @!p0 s1  }
0x214: {  	[bflag:$0x3] =	sbarrier.arrive $0xFFFF  }
0x215: {  	_ =	shalt  }

// kernel: kernel.15.cloned.1.call-start
scs
__scs_entry_jumppad:
0x0: {  	(pc) =	sbr.rel $0x88, $3  }
0x1: {  	(tag) =	ssettag $0x0;
	lr =	simm.s32 $0x1  }
0x2: {  	[smem:$0x3F99] =	sst lr;
	_ =	strace $0xD0000000  }
0x3: {  	_ = 	snop  }
0x4: {  	_ = 	snop  }
0x5: {  	_ = 	snop  }
0x6: {  	_ = 	snop  }
0x7: {  	_ = 	snop  }
__scs_overlays_trampoline_lowered:
0x8: {  	[smem:$0x3FA8] =	sst s0  }
0x9: {  	[smem:$0x3FA9] =	sst s1  }
0xa: {  	[smem:$0x3FAA] =	sst s2  }
0xb: {  	[smem:$0x3FAB] =	sst s3  }
0xc: {  	[smem:$0x3FAC] =	sst s4  }
0xd: {  	[smem:$0x3FAD] =	sst s5  }
0xe: {  	[smem:$0x3FAE] =	sst s6  }
0xf: {  	[smem:$0x3FAF] =	sst s7  }
0x10: {  	[smem:$0x3FB0] =	sst s8  }
0x11: {  	[smem:$0x3FB1] =	sst s9;
	s0 =	simm.s32 @!p0 $0x0  }
0x12: {  	s1 =	sld [smem:$0x3F97];
	s0 =	simm.s32 @p0 $0x1  }
0x13: {  	[smem:$0x3FB2] =	sst s0;
	s0 =	simm.s32 @!p1 $0x0  }
0x14: {  	s2 =	sld [smem:$0x3F96];
	s0 =	simm.s32 @p1 $0x1  }
0x15: {  	[smem:$0x3FB3] =	sst s0;
	s0 =	simm.s32 @!p2 $0x0  }
0x16: {  	s3 =	sld [smem:$0x3FDB];
	s0 =	simm.s32 @p2 $0x1  }
0x17: {  	s4 =	simm.s32 $0x1BF5;
	[smem:$0x3FB5] =	sst s0  }
0x18: {  	s0 =	sld [smem:$0x3F98];
	_ =	swait.ge [sflag:s4], $0x0  }
0x19: {  	s7 =	sld [smem:$0x3F99]  }
0x1a: {  	s8 =	sadd.s32 $0xFFFFE003, lr  }
0x1b: {  	s9 =	sadd.s32 $0xFFFFFEF7, lr;
	s5 =	simm.s32 $0xFFFFFFFF;
	p2 =	slt.u32 s8, $0xFFFFF086  }
0x1c: {  	p1 =	slt.u32 s9, $0xF7A;
	s5 =	simm.s32 @!p2 $0x0  }
0x1d: {  	s5 =	simm.s32 @p1 $0x1;
	p0 =	seq.s32 s7, s2  }
0x1e: {  	s7 =	smul.u32 @!p0 $0xF7A, s2;
	p2 =	seq.s32 @!p0 s5, $0x0  }
0x1f: {  	s9 =	smul.u32 $0xF7A, s1;
	s8 =	simm.s32 @!p0 $0x1BF5;
	p2 =	por !p2, p0  }
0x20: {  	[sflag:s8] =	ssyncset.s32 @!p0 $0xFFFFF086;
	s6 =	sadd.s32 @!p0 s3, s7;
	s7 =	simm.s32 @!p0 $0x108  }
0x21: {  	s3 =	sadd.s32 s3, s9;
	s6 =	sadd.s32 @!p0 $0x88, s6;
	s7 =	simm.s32 @p2 $0x1082  }
0x22: {  	[simem:s7], [sflag:s8] =	dma.local @!p0 [hbm:s6], $0xF7A  }
0x23: {  	s9 =	sor.u32 $0xD0000000, s2;
	s6 =	simm.s32 $0x108;
	_ =	swait.ge @!p0 [sflag:s8], $0x0  }
0x24: {  	s3 =	sadd.s32 $0x88, s3;
	s6 =	simm.s32 @!p1 $0x1082;
	[sflag:s4] =	ssyncset.s32 $0xFFFFF086  }
0x25: {  	[simem:s6], [sflag:s4] =	dma.local [hbm:s3], $0xF7A  }
0x26: {  	[smem:$0x3F99] =	sst s1;
	(tag) =	ssettag s2;
	_ =	strace s9  }
0x27: {  	s1 =	sld [smem:$0x3FA9]  }
0x28: {  	s2 =	sld [smem:$0x3FAA]  }
0x29: {  	s4 =	sld [smem:$0x3FAC]  }
0x2a: {  	p0 =	seq.s32 s5, $0x0;
	s5 =	sld [smem:$0x3FAD]  }
0x2b: {  	s6 =	sld [smem:$0x3FAE]  }
0x2c: {  	s7 =	sld [smem:$0x3FAF]  }
0x2d: {  	s3 =	simm.s32 $0x108;
	s8 =	sld [smem:$0x3FB0]  }
0x2e: {  	s3 =	simm.s32 @!p0 $0x1082;
	s9 =	sld [smem:$0x3FB1]  }
0x2f: {  	lr =	sadd.s32 s0, s3;
	s0 =	sld [smem:$0x3FA8]  }
0x30: {  	s3 =	sld [smem:$0x3FAB]  }
0x31: {  	[smem:$0x3FB4] =	sst s10  }
0x32: {  	s10 =	sld [smem:$0x3FB2];
	_ =	sdelay $0x3  }
0x33: {  	p0 =	seq.s32 s10, $0x1;
	s10 =	sld [smem:$0x3FB4];
	_ =	sdelay $0x3  }
0x34: {  	[smem:$0x3FB4] =	sst s10  }
0x35: {  	s10 =	sld [smem:$0x3FB3];
	_ =	sdelay $0x3  }
0x36: {  	p1 =	seq.s32 s10, $0x1;
	s10 =	sld [smem:$0x3FB4];
	_ =	sdelay $0x3  }
0x37: {  	[smem:$0x3FB4] =	sst s10  }
0x38: {  	s10 =	sld [smem:$0x3FB5]  }
0x39: {  	_ = 	snop;
	(pc) =	sbr.ind lr, $3  }
0x3a: {  	_ = 	snop  }
0x3b: {  	_ = 	snop  }
0x3c: {  	p2 =	seq.s32 s10, $0x1;
	s10 =	sld [smem:$0x3FB4]  }
0x3d: {  	_ =	shalt  }
0x3e: {  	_ =	shalt  }
0x3f: {  	_ =	shalt  }
0x40: {  	_ =	shalt  }
0x41: {  	_ =	shalt  }
0x42: {  	_ =	shalt  }
0x43: {  	_ =	shalt  }
0x44: {  	_ =	shalt  }
0x45: {  	_ =	shalt  }
0x46: {  	_ =	shalt  }
0x47: {  	_ =	shalt  }
0x48: {  	_ =	shalt  }
0x49: {  	_ =	shalt  }
0x4a: {  	_ =	shalt  }
0x4b: {  	_ =	shalt  }
0x4c: {  	_ =	shalt  }
0x4d: {  	_ =	shalt  }
0x4e: {  	_ =	shalt  }
0x4f: {  	_ =	shalt  }
0x50: {  	_ =	shalt  }
0x51: {  	_ =	shalt  }
0x52: {  	_ =	shalt  }
0x53: {  	_ =	shalt  }
0x54: {  	_ =	shalt  }
0x55: {  	_ =	shalt  }
0x56: {  	_ =	shalt  }
0x57: {  	_ =	shalt  }
0x58: {  	_ =	shalt  }
0x59: {  	_ =	shalt  }
0x5a: {  	_ =	shalt  }
0x5b: {  	_ =	shalt  }
0x5c: {  	_ =	shalt  }
0x5d: {  	_ =	shalt  }
0x5e: {  	_ =	shalt  }
0x5f: {  	_ =	shalt  }
0x60: {  	_ =	shalt  }
0x61: {  	_ =	shalt  }
0x62: {  	_ =	shalt  }
0x63: {  	_ =	shalt  }
0x64: {  	_ =	shalt  }
0x65: {  	_ =	shalt  }
0x66: {  	_ =	shalt  }
0x67: {  	_ =	shalt  }
0x68: {  	_ =	shalt  }
0x69: {  	_ =	shalt  }
0x6a: {  	_ =	shalt  }
0x6b: {  	_ =	shalt  }
0x6c: {  	_ =	shalt  }
0x6d: {  	_ =	shalt  }
0x6e: {  	_ =	shalt  }
0x6f: {  	_ =	shalt  }
0x70: {  	_ =	shalt  }
0x71: {  	_ =	shalt  }
0x72: {  	_ =	shalt  }
0x73: {  	_ =	shalt  }
0x74: {  	_ =	shalt  }
0x75: {  	_ =	shalt  }
0x76: {  	_ =	shalt  }
0x77: {  	_ =	shalt  }
0x78: {  	_ =	shalt  }
0x79: {  	_ =	shalt  }
0x7a: {  	_ =	shalt  }
0x7b: {  	_ =	shalt  }
0x7c: {  	_ =	shalt  }
0x7d: {  	_ =	shalt  }
0x7e: {  	_ =	shalt  }
0x7f: {  	_ =	shalt  }
0x80: {  	_ =	shalt  }
0x81: {  	_ =	shalt  }
0x82: {  	_ =	shalt  }
0x83: {  	_ =	shalt  }
0x84: {  	_ =	shalt  }
0x85: {  	_ =	shalt  }
0x86: {  	_ =	shalt  }
0x87: {  	_ =	shalt  }
.Lfunc_end0:
.L_simem_size_0:
called_computation.2_lowered:
.L_overlay_start_0:
0x88: {  	s2 =	sld [smem:$0x3FD9]  }
0x89: {  	s3 =	sld [smem:$0x3FFE];
	_ =	sdelay $0x1  }
0x8a: {  	s1 =	srdreg.scid  }
0x8b: {  	s0 =	sand.u32 $0x1, s1  }
0x8c: {  	s17 =	sshll.u32 s0, $0xA;
	s2 =	sadd.s32 s3, s2  }
0x8d: {  	s2 =	sadd.s32 s2, s17  }
0x8e: {  	[smem:$0x3FC0] =	sst s2  }
0x8f: {  	_ = 	snop  }
0x90: {  	s18 =	sld [smem:$0x3FD0];
	(tm) =	ssettm $0x1  }
0x91: {  	s19 =	sld [smem:$0x3FFB];
	_ =	sdelay $0x3  }
0x92: {  	_ =	strace s19  }
0x93: {  	s2 =	sld [smem:$0x3FFC];
	_ =	sdelay $0x3  }
0x94: {  	_ =	strace s2  }
0x95: {  	s2 =	sld [smem:$0x3FFD];
	_ =	sdelay $0x3  }
0x96: {  	_ =	strace s2  }
0x97: {  	_ =	strace $0x8FFFFFFF  }
0x98: {  	s20 =	sld [smem:$0x3FDB];
	_ =	sdelay $0x1  }
0x99: {  	s4 =	simm.s32 $_scs_section_size  }
0x9a: {  	s5 =	simm.s32 $_size__tile_overlayer_lowered;
	s6 =	simm.s32 $_tile_overlayer_lowered  }
0x9b: {  	s7 =	simm.s32 $0x1BFF;
	s21 =	sshll.u32 s6, $0x1;
	s4 =	sadd.s32 s4, s20  }
0x9c: {  	s22 =	simm.s32 $0x0;
	s5 =	sshll.u32 s5, $0x1;
	s6 =	sadd.s32 s21, s4  }
0x9d: {  	[timem:s22], [sflag:s7] =	dma.local [hbm:s6], s5  }
0x9e: {  	_ =	swait.ge [sflag:s7], s5  }
0x9f: {  	s5 =	ssub.s32 $0x0, s5;
	[sflag:s7] =	ssyncset.done $0x0  }
0xa0: {  	[sflag:s7] =	ssyncadd.s32 s5;
	_ =	sdelay $0x1  }
0xa1: {  	s23 =	simm.s32 $0x1B8B  }
0xa2: {  	_ =	swait.ge [sflag:s23], $0x1  }
0xa3: {  	[sflag:s23] =	ssyncset.done $0x0  }
0xa4: {  	[sflag:s23] =	ssyncadd.s32 $0xFFFFFFFF  }
0xa5: {  	s5 =	sld [smem:$0x0]  }
0xa6: {  	s6 =	sand.u32 $0xFFFFFFFE, s1  }
0xa7: {  	p0 =	sne.s32 s1, s6  }
0xa8: {  	s6 =	sshll.u32 @p0 s6, $0xE  }
0xa9: {  	s6 =	sadd.s32 @p0 $0x11B8D, s6;
	s7 =	sshll.u32 @p0 s5, $0x11  }
0xaa: {  	s6 =	sor.u32 @p0 s7, s6  }
0xab: {  	[sflag:s6] =	ssyncadd.remote.s32 @p0 $0x1;
	_ =	sdelay $0x1  }
0xac: {  	s6 =	simm.s32 @p0 $0x1B8D  }
0xad: {  	_ =	swait.eq @p0 [sflag:s6], $0x1  }
0xae: {  	[sflag:s6] =	ssyncadd.s32 @p0 $0xFFFFFFFF  }
0xaf: {  	s7 =	sshll.u32 @!p0 s1, $0xE  }
0xb0: {  	s7 =	sor.u32 @!p0 $0x4000, s7;
	s6 =	simm.s32 @!p0 $0x1B8D  }
0xb1: {  	s5 =	sshll.u32 @!p0 s5, $0x11;
	s7 =	sadd.s32 @!p0 $0x11B8D, s7;
	_ =	swait.eq @!p0 [sflag:s6], $0x1  }
0xb2: {  	s5 =	sor.u32 @!p0 s5, s7;
	[sflag:s6] =	ssyncadd.s32 @!p0 $0xFFFFFFFF  }
0xb3: {  	s25 =	simm.s32 $0x1B8E;
	s24 =	sld [smem:$0x3FFE];
	[sflag:s5] =	ssyncadd.remote.s32 @!p0 $0x1  }
0xb4: {  	s26 =	simm.s32 $execute0_lowered;
	[smem:$0x3FD2] =	sst s25  }
0xb5: {  	s6 =	sshll.u32 s26, $0x1;
	_ =	strace $0x8000004F;
	[dreg:$0x1] =	wrdreg $0xFFFFFFFF  }
0xb6: {  	s28 =	simm.s32 $_size_execute0_lowered;
	s4 =	sadd.s32 s4, s6;
	[dreg:$0x0] =	wrdreg $0x0  }
0xb7: {  	s6 =	sshll.u32 s28, $0x1;
	[dreg:$0x2] =	wrdreg s4  }
0xb8: {  	[dreg:$0x3] =	wrdreg s6  }
0xb9: {  	[dreg:$0x4] =	wrdreg $0xC0  }
0xba: {  	_ =	task [dreg:s22], $0x5FFFF  }
0xbb: {  	[dreg:$0x1] =	wrdreg $0xFFFFFFFF  }
0xbc: {  	[dreg:$0x0] =	wrdreg $0x60  }
0xbd: {  	[dreg:$0x2] =	wrdreg s24  }
0xbe: {  	[dreg:$0x3] =	wrdreg s18  }
0xbf: {  	[dreg:$0x4] =	wrdreg $0x84000  }
0xc0: {  	[dreg:$0x5] =	wrdreg $0x9  }
0xc1: {  	_ =	task.clear_ibuf [dreg:s22], $0x6FFFF;
	_ =	strace $0x9000004F  }
0xc2: {  	s29 =	simm.s32 $0x9;
	_ =	strace $0x80000051  }
0xc3: {  	_ =	swait.ge [sflag:s29], $0x1  }
0xc4: {  	[sflag:s29] =	ssyncadd.s32 $0xFFFFFFFF  }
0xc5: {  	_ =	strace $0x90000051  }
0xc6: {  	_ =	sfence  }
0xc7: {  	s30 =	sld [smem:$0x0];
	_ =	sdelay $0x2  }
0xc8: {  	s31 =	sshll.u32 s1, $0xD;
	s1 =	sshrl.u32 s1, $0x2  }
0xc9: {  	s4 =	sand.u32 $0x4000, s31;
	s1 =	sadd.s32 s1, s30  }
0xca: {  	s0 =	sor.u32 s4, s0;
	s1 =	sshll.u32 s1, $0x11  }
0xcb: {  	s0 =	sor.u32 s1, s0  }
0xcc: {  	s0 =	sadd.s32 $0x8F2B, s0  }
0xcd: {  	[sflag:s0] =	ssyncadd.remote.s32 $0x1  }
0xce: {  	_ =	sfence.sel $0xFFFF  }
0xcf: {  	[dreg:$0x0] =	wrdreg $0xFFFFFFFF;
	(pc) =	sbr.abs _section_cstart, $3  }
0xd0: {  	[dreg:$0x1] =	wrdreg $0xFFFFFFFF  }
0xd1: {  	_ =	task.clear_ibuf [dreg:s22], $0x2FFFF;
	_ =	strace $0x9FFFFFFF  }
0xd2: {  	(tm) =	ssettm $0x7FFFFFFF  }
0xd3: {  	_ =	shalt  }
tec
execute0_lowered:
.L_overlay_start_1:
0x0: {  	(tag) =	ssettag $0x1  }
0x1: {  	s0 =	rddreg [dreg:$0x0]  }
0x2: {  	s1 =	rddreg [dreg:$0x1]  }
0x3: {  	s2 =	rddreg [dreg:$0x2];
	s3 =	simm.s32 $0x0  }
0x4: {  	s4 =	srdreg.scid;
	s11 =	stileid.u32;
	s28 =	simm.s32 $0x200  }
0x5: {  	s29 =	simm.s32 $0x280;
	s30 =	simm.s32 $0x300;
	s31 =	simm.s32 $0x380  }
0x6: {  	[smem:$0x7FF] =	sst s3;
	s7 =	sand.u32 $0x1, s4;
	s4 =	sadd.s32 $0x513400, s0  }
0x7: {  	s10 =	sadd.s32 $0xA1800, s0;
	s8 =	sshll.u32 s11, $0x1;
	s14 =	sshll.u32 s11, $0xE  }
0x8: {  	s9 =	sadd.s32 $0x515400, s0;
	s23 =	sor.u32 $0x40, s11;
	p0 =	sne.s32 s11, $0x0  }
0x9: {  	p2 =	sgt.u32 s11, $0x6;
	_ =	strace $0x80000050;
	s5 =	ssub.s32 $0x2, s7  }
0xa: {  	s13 =	smul.u32 $0x138800, s7;
	s7 =	sor.u32 s7, s8;
	s16 =	sor.u32 $0x40000, s14  }
0xb: {  	s20 =	sor.u32 $0x80000, s14;
	s21 =	sor.u32 $0xC0000, s14;
	p1 =	slt.u32 s23, $0x4E  }
0xc: {  	s6 =	sshrl.u32 s5, $0x1;
	p4 =	sne.s32 @!p1 s11, $0xE;
	s15 =	sadd.s32 s13, s14  }
0xd: {  	s17 =	sshrl.u32 s13, $0x3;
	s18 =	sadd.s32 s13, s16;
	s24 =	sadd.s32 s13, s20  }
0xe: {  	s25 =	sadd.s32 s13, s21;
	s14 =	sadd.s32 s14, s2;
	s15 =	sshrl.u32 s15, $0x3  }
0xf: {  	s19 =	sadd.s32 s10, s17;
	[dreg:$0x16] =	wrdreg s14;
	s15 =	sadd.s32 s10, s15  }
0x10: {  	s22 =	sshrl.u32 s18, $0x3;
	s18 =	sor.u32 $0x40, s7;
	[dreg:$0x4] =	wrdreg s15  }
0x11: {  	s15 =	sadd.s32 s10, s22;
	s22 =	sshll.u32 s23, $0xE;
	s23 =	sshll.u32 s18, $0x7  }
0x12: {  	[dreg:$0x5] =	wrdreg s15;
	s15 =	sshrl.u32 s24, $0x3;
	s11 =	sadd.s32 s1, s23  }
0x13: {  	s26 =	sshrl.u32 s25, $0x3;
	s15 =	sadd.s32 s10, s15;
	[dreg:$0x9] =	wrdreg s11  }
0x14: {  	s13 =	sadd.s32 s13, s22;
	s11 =	sadd.s32 $0x27000, s19;
	[dreg:$0x6] =	wrdreg s15  }
0x15: {  	s13 =	sshrl.u32 s13, $0x3;
	s19 =	sadd.s32 s16, s2;
	[dreg:$0x14] =	wrdreg s11  }
0x16: {  	s15 =	sadd.s32 s10, s26;
	s10 =	sadd.s32 s10, s13;
	[dreg:$0x17] =	wrdreg s19  }
0x17: {  	s12 =	ssub.s32 s5, s6;
	[dreg:$0x8] =	wrdreg s10;
	s10 =	sshll.u32 s18, $0xE  }
0x18: {  	s5 =	sadd.s32 $0x513C00, s0;
	[dreg:$0x7] =	wrdreg s15;
	s24 =	sadd.s32 s4, s10  }
0x19: {  	s6 =	sadd.s32 $0x514400, s0;
	s25 =	sadd.s32 s10, s5;
	[dreg:$0xa] =	wrdreg s24  }
0x1a: {  	s8 =	sadd.s32 $0x514C00, s0;
	s26 =	sadd.s32 s10, s6;
	[dreg:$0xb] =	wrdreg s25  }
0x1b: {  	p3 =	sne.s32 s7, $0xE;
	s13 =	sadd.s32 s10, s8;
	[dreg:$0xc] =	wrdreg s26  }
0x1c: {  	s15 =	sadd.s32 $0x515C00, s0;
	s23 =	sadd.s32 s10, s9;
	[dreg:$0xd] =	wrdreg s13  }
0x1d: {  	s17 =	sadd.s32 $0x516400, s0;
	[dreg:$0xe] =	wrdreg s23;
	s24 =	sadd.s32 s10, s15  }
0x1e: {  	s18 =	sadd.s32 $0x516C00, s0;
	s25 =	sadd.s32 s10, s17;
	[dreg:$0xf] =	wrdreg s24  }
0x1f: {  	p4 =	por p4, p1;
	s10 =	sadd.s32 s10, s18;
	[dreg:$0x10] =	wrdreg s25  }
0x20: {  	s14 =	simm.s32 $0x180;
	s26 =	sadd.s32 $0x2C400, s0;
	[dreg:$0x11] =	wrdreg s10  }
0x21: {  	s16 =	simm.s32 $0x0;
	s0 =	sadd.s32 $0x64B400, s0;
	[dreg:$0x12] =	wrdreg s26  }
0x22: {  	s11 =	simm.s32 $0x80;
	s13 =	smax.u32 s12, $0x1;
	[dreg:$0x13] =	wrdreg s0  }
0x23: {  	s23 =	sadd.s32 s20, s2;
	s12 =	simm.s32 $0x2;
	[dreg:$0x15] =	wrdreg s13  }
.Ltmp0:
0x24: {  	[dreg:$0x18] =	wrdreg s23;
	s24 =	sadd.s32 s21, s2;
	(pc) =	sbr.rel .LBB2_1-.Ltmp0, $4  }
0x25: {  	s25 =	sadd.s32 s22, s2;
	s26 =	sadd.s32 $0x2700, s1;
	[dreg:$0x19] =	wrdreg s24  }
0x26: {  	s23 =	sadd.s32 $0x138000, s2;
	s10 =	simm.s32 $0x1;
	[dreg:$0x1a] =	wrdreg s25  }
0x27: {  	s13 =	simm.s32 $0x100;
	s0 =	simm.s32 $0x4;
	[dreg:$0x1b] =	wrdreg s26  }
0x28: {  	s24 =	simm.s32 $0x3;
	s25 =	simm.s32 $0x400;
	s26 =	simm.s32 $0x4400  }
.LBB2_5:
0x29: {  	s19 =	simm.s32 @!p3 $0x0;
	s20 =	rddreg [dreg:$0x1b]  }
0x2a: {  	[tilespmem:s19], [sflag:$0x3] =	stream.linear.gather @!p3 [hbm4b:s20+s19], $0x400, $0x38;
	[tilespmem:$0x1BC80] =	vst v63  }
0x2b: {  	s20 =	simm.s32 @!p3 $0x3  }
0x2c: {  	_ =	swait.ge @!p3 [sflag:s20], $0x400  }
0x2d: {  	[sflag:s20] =	ssyncset.done @!p3 $0x0  }
0x2e: {  	s21 =	simm.s32 @!p3 $0x400;
	s22 =	rddreg [dreg:$0x13];
	[sflag:s20] =	ssyncadd.s32 @!p3 $0xFFFFFC00  }
0x2f: {  	[tilespmem:s21], [sflag:$0x3] =	stream.linear.gather @!p3 [hbm4b:s22+s19], $0x4000, $0x38;
	[tilespmem:$0x1BC80] =	vst v63  }
0x30: {  	_ =	swait.ge @!p3 [sflag:s20], $0x4000  }
0x31: {  	[sflag:s20] =	ssyncset.done @!p3 $0x0  }
0x32: {  	[sflag:s20] =	ssyncadd.s32 @!p3 $0xFFFFC000;
	s20 =	simm.s32 @!p3 $0x80  }
0x33: {  	[spmem:s2] =	stream.indirect.scatter.add.f32 @!p3 [tilespmem:s21], [sflag:$0x2], $0x80, s19, s20, $0xb8;
	[tilespmem:$0x1BC80] =	vst v63  }
0x34: {  	s19 =	simm.s32 @!p3 $0x2  }
0x35: {  	_ =	swait.ge @!p3 [sflag:s19], $0x4000  }
0x36: {  	[sflag:s19] =	ssyncset.done @!p3 $0x0  }
0x37: {  	[sflag:s19] =	ssyncadd.s32 @!p3 $0xFFFFC000  }
0x38: {  	[bflag:$0x0] =	sbarrier.arrive $0xFFFF  }
0x39: {  	s20 =	rddreg [dreg:$0x16]  }
0x3a: {  	[tilespmem:s25], [sflag:$0x4] =	stream.linear.gather [spmem:s20], $0x4000, $0x38;
	[tilespmem:$0x1BC80] =	vst v63  }
0x3b: {  	_ =	swait.ge [sflag:s0], $0x4000  }
0x3c: {  	[sflag:s0] =	ssyncset.done $0x0  }
0x3d: {  	s21 =	rddreg [dreg:$0x4];
	[sflag:s0] =	ssyncadd.s32 $0xFFFFC000  }
0x3e: {  	[hbm4b:s21+s3] =	stream.linear.scatter [tilespmem:s25], [sflag:$0x4], $0x4000, $0x38;
	[tilespmem:$0x1BC80] =	vst v63  }
0x3f: {  	_ =	swait.ge [sflag:s0], $0x4000  }
0x40: {  	[sflag:s0] =	ssyncset.done $0x0  }
0x41: {  	s22 =	rddreg [dreg:$0x17];
	[sflag:s0] =	ssyncadd.s32 $0xFFFFC000  }
0x42: {  	[tilespmem:s25], [sflag:$0x4] =	stream.linear.gather [spmem:s22], $0x4000, $0x38;
	[tilespmem:$0x1BC80] =	vst v63  }
0x43: {  	_ =	swait.ge [sflag:s0], $0x4000  }
0x44: {  	[sflag:s0] =	ssyncset.done $0x0  }
0x45: {  	s20 =	rddreg [dreg:$0x5];
	[sflag:s0] =	ssyncadd.s32 $0xFFFFC000  }
0x46: {  	[hbm4b:s20+s3] =	stream.linear.scatter [tilespmem:s25], [sflag:$0x4], $0x4000, $0x38;
	[tilespmem:$0x1BC80] =	vst v63  }
0x47: {  	_ =	swait.ge [sflag:s0], $0x4000  }
0x48: {  	[sflag:s0] =	ssyncset.done $0x0  }
0x49: {  	s21 =	rddreg [dreg:$0x18];
	[sflag:s0] =	ssyncadd.s32 $0xFFFFC000  }
0x4a: {  	[tilespmem:s25], [sflag:$0x4] =	stream.linear.gather [spmem:s21], $0x4000, $0x38;
	[tilespmem:$0x1BC80] =	vst v63  }
0x4b: {  	_ =	swait.ge [sflag:s0], $0x4000  }
0x4c: {  	[sflag:s0] =	ssyncset.done $0x0  }
0x4d: {  	s22 =	rddreg [dreg:$0x6];
	[sflag:s0] =	ssyncadd.s32 $0xFFFFC000  }
0x4e: {  	[hbm4b:s22+s3] =	stream.linear.scatter [tilespmem:s25], [sflag:$0x4], $0x4000, $0x38;
	[tilespmem:$0x1BC80] =	vst v63  }
0x4f: {  	_ =	swait.ge [sflag:s0], $0x4000  }
0x50: {  	[sflag:s0] =	ssyncset.done $0x0  }
0x51: {  	s20 =	rddreg [dreg:$0x19];
	[sflag:s0] =	ssyncadd.s32 $0xFFFFC000  }
0x52: {  	[tilespmem:s25], [sflag:$0x4] =	stream.linear.gather [spmem:s20], $0x4000, $0x38;
	[tilespmem:$0x1BC80] =	vst v63  }
0x53: {  	_ =	swait.ge [sflag:s0], $0x4000  }
0x54: {  	[sflag:s0] =	ssyncset.done $0x0  }
0x55: {  	s21 =	rddreg [dreg:$0x7];
	[sflag:s0] =	ssyncadd.s32 $0xFFFFC000  }
0x56: {  	[hbm4b:s21+s3] =	stream.linear.scatter [tilespmem:s25], [sflag:$0x4], $0x4000, $0x38;
	[tilespmem:$0x1BC80] =	vst v63  }
0x57: {  	_ =	swait.ge [sflag:s0], $0x4000  }
0x58: {  	[sflag:s0] =	ssyncset.done $0x0  }
0x59: {  	s19 =	simm.s32 @p1 $0x400;
	s20 =	rddreg [dreg:$0x1a];
	[sflag:s0] =	ssyncadd.s32 $0xFFFFC000  }
0x5a: {  	[tilespmem:s19], [sflag:$0x4] =	stream.linear.gather @p1 [spmem:s20], $0x4000, $0x38;
	[tilespmem:$0x1BC80] =	vst v63  }
0x5b: {  	s20 =	simm.s32 @p1 $0x4  }
0x5c: {  	_ =	swait.ge @p1 [sflag:s20], $0x4000  }
0x5d: {  	[sflag:s20] =	ssyncset.done @p1 $0x0  }
0x5e: {  	s21 =	simm.s32 @p1 $0x0;
	s22 =	rddreg [dreg:$0x8];
	[sflag:s20] =	ssyncadd.s32 @p1 $0xFFFFC000  }
0x5f: {  	[hbm4b:s22+s21] =	stream.linear.scatter @p1 [tilespmem:s19], [sflag:$0x4], $0x4000, $0x38;
	[tilespmem:$0x1BC80] =	vst v63  }
0x60: {  	_ =	swait.ge @p1 [sflag:s20], $0x4000  }
0x61: {  	[sflag:s20] =	ssyncset.done @p1 $0x0  }
0x62: {  	s19 =	simm.s32 @!p4 $0x400;
	[sflag:s20] =	ssyncadd.s32 @p1 $0xFFFFC000;
	s20 =	simm.s32 @!p4 $0x4  }
0x63: {  	[tilespmem:s19], [sflag:$0x4] =	stream.linear.gather @!p4 [spmem:s23], $0x800, $0x38;
	[tilespmem:$0x1BC80] =	vst v63  }
0x64: {  	_ =	swait.ge @!p4 [sflag:s20], $0x800  }
0x65: {  	[sflag:s20] =	ssyncset.done @!p4 $0x0  }
0x66: {  	s21 =	rddreg [dreg:$0x14];
	[sflag:s20] =	ssyncadd.s32 @!p4 $0xFFFFF800;
	s20 =	simm.s32 @!p4 $0x0  }
0x67: {  	[hbm4b:s21+s20] =	stream.linear.scatter @!p4 [tilespmem:s19], [sflag:$0x3], $0x800, $0x38;
	[tilespmem:$0x1BC80] =	vst v63  }
0x68: {  	s19 =	simm.s32 @!p4 $0x3  }
0x69: {  	_ =	swait.ge @!p4 [sflag:s19], $0x800  }
0x6a: {  	s16 =	sadd.s32 $0x1, s16;
	s22 =	rddreg [dreg:$0x15]  }
0x6b: {  	p5 =	sne.s32 s16, s22  }
.Ltmp1:
0x6c: {  	_ = 	snop;
	(pc) =	sbr.rel @!p5 .LBB2_6-.Ltmp1, $3  }
0x6d: {  	_ =	sdelay $0x1  }
0x6e: {  	[sflag:s19] =	ssyncset.done @!p4 $0x0  }
0x6f: {  	[sflag:s19] =	ssyncadd.s32 @!p4 $0xFFFFF800  }
.LBB2_1:
0x70: {  	s19 =	sshrl.u32 @!p0 s2, $0x3;
	s20 =	simm.s32 @!p0 $0x1C03;
	s21 =	rddreg [dreg:$0x12]  }
0x71: {  	[spmem:s19], [sflag:s20] =	dma.local @!p0 [hbm:s21], $0x27100  }
0x72: {  	s19 =	simm.s32 @!p0 $0x3  }
0x73: {  	_ =	swait.ge @!p0 [sflag:s19], $0x27100  }
0x74: {  	[sflag:s19] =	ssyncset.done @!p0 $0x0  }
0x75: {  	[sflag:s19] =	ssyncadd.s32 @!p0 $0xFFFD8F00  }
0x76: {  	p5 =	por $0x1, $0x1;
	s19 =	simm.s32 $0x0;
	[bflag:$0x0] =	sbarrier.arrive $0xFFFF  }
.LBB2_2:
0x77: {  	s19 =	sor.u32 s7, s19  }
0x78: {  	s20 =	sshll.u32 s19, $0x7  }
0x79: {  	s20 =	sadd.s32 s1, s20  }
0x7a: {  	[tilespmem:s3], [sflag:$0x3] =	stream.linear.gather [hbm4b:s20+s3], $0x400, $0x38;
	[tilespmem:$0x1BC80] =	vst v63  }
0x7b: {  	_ =	swait.ge [sflag:s24], $0x400  }
0x7c: {  	s19 =	sshll.u32 s19, $0xE;
	[sflag:s24] =	ssyncset.done $0x0  }
0x7d: {  	s22 =	sadd.s32 s4, s19;
	[sflag:s24] =	ssyncadd.s32 $0xFFFFFC00  }
0x7e: {  	[tilespmem:s25], [sflag:$0x1] =	stream.linear.gather [hbm4b:s22+s3], $0x4000, $0x38;
	[tilespmem:$0x1BC80] =	vst v63  }
0x7f: {  	s21 =	sadd.s32 s19, s5  }
0x80: {  	[tilespmem:s26], [sflag:$0x1] =	stream.linear.gather [hbm4b:s21+s3], $0x4000, $0x38;
	[tilespmem:$0x1BC80] =	vst v63  }
0x81: {  	_ =	swait.ge [sflag:s10], $0x4000  }
0x82: {  	[sflag:s10] =	ssyncset.done $0x0  }
0x83: {  	[sflag:s10] =	ssyncadd.s32 $0xFFFFC000  }
0x84: {  	[spmem:s2] =	stream.indirect.scatter.add.f32 [tilespmem:s25], [sflag:$0x2], $0x80, s3, s11, $0xb8;
	[tilespmem:$0x1BC80] =	vst v63  }
0x85: {  	_ =	swait.ge [sflag:s12], $0x4000  }
0x86: {  	[sflag:s12] =	ssyncset.done $0x0  }
0x87: {  	s22 =	sadd.s32 s19, s6;
	[sflag:s12] =	ssyncadd.s32 $0xFFFFC000  }
0x88: {  	[tilespmem:s25], [sflag:$0x1] =	stream.linear.gather [hbm4b:s22+s3], $0x4000, $0x38;
	[tilespmem:$0x1BC80] =	vst v63  }
0x89: {  	_ =	swait.ge [sflag:s10], $0x4000  }
0x8a: {  	[sflag:s10] =	ssyncset.done $0x0  }
0x8b: {  	[sflag:s10] =	ssyncadd.s32 $0xFFFFC000  }
0x8c: {  	[spmem:s2] =	stream.indirect.scatter.add.f32 [tilespmem:s26], [sflag:$0x2], $0x80, s11, s11, $0xb8;
	[tilespmem:$0x1BC80] =	vst v63  }
0x8d: {  	_ =	swait.ge [sflag:s12], $0x4000  }
0x8e: {  	[sflag:s12] =	ssyncset.done $0x0  }
0x8f: {  	s21 =	sadd.s32 s19, s8;
	[sflag:s12] =	ssyncadd.s32 $0xFFFFC000  }
0x90: {  	[tilespmem:s26], [sflag:$0x1] =	stream.linear.gather [hbm4b:s21+s3], $0x4000, $0x38;
	[tilespmem:$0x1BC80] =	vst v63  }
0x91: {  	_ =	swait.ge [sflag:s10], $0x4000  }
0x92: {  	[sflag:s10] =	ssyncset.done $0x0  }
0x93: {  	[sflag:s10] =	ssyncadd.s32 $0xFFFFC000  }
0x94: {  	[spmem:s2] =	stream.indirect.scatter.add.f32 [tilespmem:s25], [sflag:$0x2], $0x80, s13, s11, $0xb8;
	[tilespmem:$0x1BC80] =	vst v63  }
0x95: {  	_ =	swait.ge [sflag:s12], $0x4000  }
0x96: {  	[sflag:s12] =	ssyncset.done $0x0  }
0x97: {  	s22 =	sadd.s32 s19, s9;
	[sflag:s12] =	ssyncadd.s32 $0xFFFFC000  }
0x98: {  	[tilespmem:s25], [sflag:$0x1] =	stream.linear.gather [hbm4b:s22+s3], $0x4000, $0x38;
	[tilespmem:$0x1BC80] =	vst v63  }
0x99: {  	_ =	swait.ge [sflag:s10], $0x4000  }
0x9a: {  	[sflag:s10] =	ssyncset.done $0x0  }
0x9b: {  	[sflag:s10] =	ssyncadd.s32 $0xFFFFC000  }
0x9c: {  	[spmem:s2] =	stream.indirect.scatter.add.f32 [tilespmem:s26], [sflag:$0x2], $0x80, s14, s11, $0xb8;
	[tilespmem:$0x1BC80] =	vst v63  }
0x9d: {  	_ =	swait.ge [sflag:s12], $0x4000  }
0x9e: {  	[sflag:s12] =	ssyncset.done $0x0  }
0x9f: {  	s21 =	sadd.s32 s19, s15;
	[sflag:s12] =	ssyncadd.s32 $0xFFFFC000  }
0xa0: {  	[tilespmem:s26], [sflag:$0x1] =	stream.linear.gather [hbm4b:s21+s3], $0x4000, $0x38;
	[tilespmem:$0x1BC80] =	vst v63  }
0xa1: {  	_ =	swait.ge [sflag:s10], $0x4000  }
0xa2: {  	[sflag:s10] =	ssyncset.done $0x0  }
0xa3: {  	[sflag:s10] =	ssyncadd.s32 $0xFFFFC000  }
0xa4: {  	[spmem:s2] =	stream.indirect.scatter.add.f32 [tilespmem:s25], [sflag:$0x2], $0x80, s28, s11, $0xb8;
	[tilespmem:$0x1BC80] =	vst v63  }
0xa5: {  	_ =	swait.ge [sflag:s12], $0x4000  }
0xa6: {  	[sflag:s12] =	ssyncset.done $0x0  }
0xa7: {  	s22 =	sadd.s32 s19, s17;
	[sflag:s12] =	ssyncadd.s32 $0xFFFFC000  }
0xa8: {  	[tilespmem:s25], [sflag:$0x1] =	stream.linear.gather [hbm4b:s22+s3], $0x4000, $0x38;
	[tilespmem:$0x1BC80] =	vst v63  }
0xa9: {  	_ =	swait.ge [sflag:s10], $0x4000  }
0xaa: {  	[sflag:s10] =	ssyncset.done $0x0  }
0xab: {  	[sflag:s10] =	ssyncadd.s32 $0xFFFFC000  }
0xac: {  	[spmem:s2] =	stream.indirect.scatter.add.f32 [tilespmem:s26], [sflag:$0x2], $0x80, s29, s11, $0xb8;
	[tilespmem:$0x1BC80] =	vst v63  }
0xad: {  	_ =	swait.ge [sflag:s12], $0x4000  }
0xae: {  	[sflag:s12] =	ssyncset.done $0x0  }
0xaf: {  	s19 =	sadd.s32 s19, s18;
	[sflag:s12] =	ssyncadd.s32 $0xFFFFC000  }
0xb0: {  	[tilespmem:s26], [sflag:$0x1] =	stream.linear.gather [hbm4b:s19+s3], $0x4000, $0x38;
	[tilespmem:$0x1BC80] =	vst v63  }
0xb1: {  	_ =	swait.ge [sflag:s10], $0x4000  }
0xb2: {  	[sflag:s10] =	ssyncset.done $0x0  }
0xb3: {  	[sflag:s10] =	ssyncadd.s32 $0xFFFFC000  }
0xb4: {  	[spmem:s2] =	stream.indirect.scatter.add.f32 [tilespmem:s25], [sflag:$0x2], $0x80, s30, s11, $0xb8;
	[tilespmem:$0x1BC80] =	vst v63  }
0xb5: {  	_ =	swait.ge [sflag:s10], $0x4000  }
0xb6: {  	[sflag:s10] =	ssyncset.done $0x0  }
0xb7: {  	[sflag:s10] =	ssyncadd.s32 $0xFFFFC000  }
0xb8: {  	[spmem:s2] =	stream.indirect.scatter.add.f32 [tilespmem:s26], [sflag:$0x2], $0x80, s31, s11, $0xb8;
	[tilespmem:$0x1BC80] =	vst v63  }
0xb9: {  	p6 =	por p5, p5;
	_ =	swait.ge [sflag:s12], $0x4000  }
.Ltmp2:
0xba: {  	[sflag:s12] =	ssyncset.done $0x0;
	(pc) =	sbr.rel @p6 .LBB2_2-.Ltmp2, $4  }
0xbb: {  	[sflag:s12] =	ssyncadd.s32 $0xFFFFC000  }
0xbc: {  	_ =	swait.ge [sflag:s12], $0x4000  }
0xbd: {  	[sflag:s12] =	ssyncset.done $0x0  }
0xbe: {  	p5 =	por $0x0, $0x0;
	s19 =	simm.s32 $0x20;
	[sflag:s12] =	ssyncadd.s32 $0xFFFFC000  }
.Ltmp3:
0xbf: {  	(pc) =	sbr.rel @p2 .LBB2_5-.Ltmp3, $1  }
0xc0: {  	_ =	sdelay $0x3  }
0xc1: {  	s19 =	rddreg [dreg:$0x9]  }
0xc2: {  	[tilespmem:s3], [sflag:$0x3] =	stream.linear.gather [hbm4b:s19+s3], $0x400, $0x38;
	[tilespmem:$0x1BC80] =	vst v63  }
0xc3: {  	_ =	swait.ge [sflag:s24], $0x400  }
0xc4: {  	[sflag:s24] =	ssyncset.done $0x0  }
0xc5: {  	s21 =	rddreg [dreg:$0xa];
	[sflag:s24] =	ssyncadd.s32 $0xFFFFFC00  }
0xc6: {  	[tilespmem:s25], [sflag:$0x1] =	stream.linear.gather [hbm4b:s21+s3], $0x4000, $0x38;
	[tilespmem:$0x1BC80] =	vst v63  }
0xc7: {  	s22 =	rddreg [dreg:$0xb]  }
0xc8: {  	[tilespmem:s26], [sflag:$0x1] =	stream.linear.gather [hbm4b:s22+s3], $0x4000, $0x38;
	[tilespmem:$0x1BC80] =	vst v63  }
0xc9: {  	_ =	swait.ge [sflag:s10], $0x4000  }
0xca: {  	[sflag:s10] =	ssyncset.done $0x0  }
0xcb: {  	[sflag:s10] =	ssyncadd.s32 $0xFFFFC000  }
0xcc: {  	[spmem:s2] =	stream.indirect.scatter.add.f32 [tilespmem:s25], [sflag:$0x2], $0x80, s3, s11, $0xb8;
	[tilespmem:$0x1BC80] =	vst v63  }
0xcd: {  	_ =	swait.ge [sflag:s12], $0x4000  }
0xce: {  	[sflag:s12] =	ssyncset.done $0x0  }
0xcf: {  	s20 =	rddreg [dreg:$0xc];
	[sflag:s12] =	ssyncadd.s32 $0xFFFFC000  }
0xd0: {  	[tilespmem:s25], [sflag:$0x1] =	stream.linear.gather [hbm4b:s20+s3], $0x4000, $0x38;
	[tilespmem:$0x1BC80] =	vst v63  }
0xd1: {  	_ =	swait.ge [sflag:s10], $0x4000  }
0xd2: {  	[sflag:s10] =	ssyncset.done $0x0  }
0xd3: {  	[sflag:s10] =	ssyncadd.s32 $0xFFFFC000  }
0xd4: {  	[spmem:s2] =	stream.indirect.scatter.add.f32 [tilespmem:s26], [sflag:$0x2], $0x80, s11, s11, $0xb8;
	[tilespmem:$0x1BC80] =	vst v63  }
0xd5: {  	_ =	swait.ge [sflag:s12], $0x4000  }
0xd6: {  	[sflag:s12] =	ssyncset.done $0x0  }
0xd7: {  	s21 =	rddreg [dreg:$0xd];
	[sflag:s12] =	ssyncadd.s32 $0xFFFFC000  }
0xd8: {  	[tilespmem:s26], [sflag:$0x1] =	stream.linear.gather [hbm4b:s21+s3], $0x4000, $0x38;
	[tilespmem:$0x1BC80] =	vst v63  }
0xd9: {  	_ =	swait.ge [sflag:s10], $0x4000  }
0xda: {  	[sflag:s10] =	ssyncset.done $0x0  }
0xdb: {  	[sflag:s10] =	ssyncadd.s32 $0xFFFFC000  }
0xdc: {  	[spmem:s2] =	stream.indirect.scatter.add.f32 [tilespmem:s25], [sflag:$0x2], $0x80, s13, s11, $0xb8;
	[tilespmem:$0x1BC80] =	vst v63  }
0xdd: {  	_ =	swait.ge [sflag:s12], $0x4000  }
0xde: {  	[sflag:s12] =	ssyncset.done $0x0  }
0xdf: {  	s22 =	rddreg [dreg:$0xe];
	[sflag:s12] =	ssyncadd.s32 $0xFFFFC000  }
0xe0: {  	[tilespmem:s25], [sflag:$0x1] =	stream.linear.gather [hbm4b:s22+s3], $0x4000, $0x38;
	[tilespmem:$0x1BC80] =	vst v63  }
0xe1: {  	_ =	swait.ge [sflag:s10], $0x4000  }
0xe2: {  	[sflag:s10] =	ssyncset.done $0x0  }
0xe3: {  	[sflag:s10] =	ssyncadd.s32 $0xFFFFC000  }
0xe4: {  	[spmem:s2] =	stream.indirect.scatter.add.f32 [tilespmem:s26], [sflag:$0x2], $0x80, s14, s11, $0xb8;
	[tilespmem:$0x1BC80] =	vst v63  }
0xe5: {  	_ =	swait.ge [sflag:s12], $0x4000  }
0xe6: {  	[sflag:s12] =	ssyncset.done $0x0  }
0xe7: {  	s20 =	rddreg [dreg:$0xf];
	[sflag:s12] =	ssyncadd.s32 $0xFFFFC000  }
0xe8: {  	[tilespmem:s26], [sflag:$0x1] =	stream.linear.gather [hbm4b:s20+s3], $0x4000, $0x38;
	[tilespmem:$0x1BC80] =	vst v63  }
0xe9: {  	_ =	swait.ge [sflag:s10], $0x4000  }
0xea: {  	[sflag:s10] =	ssyncset.done $0x0  }
0xeb: {  	[sflag:s10] =	ssyncadd.s32 $0xFFFFC000  }
0xec: {  	[spmem:s2] =	stream.indirect.scatter.add.f32 [tilespmem:s25], [sflag:$0x2], $0x80, s28, s11, $0xb8;
	[tilespmem:$0x1BC80] =	vst v63  }
0xed: {  	_ =	swait.ge [sflag:s12], $0x4000  }
0xee: {  	[sflag:s12] =	ssyncset.done $0x0  }
0xef: {  	s21 =	rddreg [dreg:$0x10];
	[sflag:s12] =	ssyncadd.s32 $0xFFFFC000  }
0xf0: {  	[tilespmem:s25], [sflag:$0x1] =	stream.linear.gather [hbm4b:s21+s3], $0x4000, $0x38;
	[tilespmem:$0x1BC80] =	vst v63  }
0xf1: {  	_ =	swait.ge [sflag:s10], $0x4000  }
0xf2: {  	[sflag:s10] =	ssyncset.done $0x0  }
0xf3: {  	[sflag:s10] =	ssyncadd.s32 $0xFFFFC000  }
0xf4: {  	[spmem:s2] =	stream.indirect.scatter.add.f32 [tilespmem:s26], [sflag:$0x2], $0x80, s29, s11, $0xb8;
	[tilespmem:$0x1BC80] =	vst v63  }
0xf5: {  	_ =	swait.ge [sflag:s12], $0x4000  }
0xf6: {  	[sflag:s12] =	ssyncset.done $0x0  }
0xf7: {  	s22 =	rddreg [dreg:$0x11];
	[sflag:s12] =	ssyncadd.s32 $0xFFFFC000  }
0xf8: {  	[tilespmem:s26], [sflag:$0x1] =	stream.linear.gather [hbm4b:s22+s3], $0x4000, $0x38;
	[tilespmem:$0x1BC80] =	vst v63  }
0xf9: {  	_ =	swait.ge [sflag:s10], $0x4000  }
0xfa: {  	[sflag:s10] =	ssyncset.done $0x0  }
0xfb: {  	[sflag:s10] =	ssyncadd.s32 $0xFFFFC000  }
0xfc: {  	[spmem:s2] =	stream.indirect.scatter.add.f32 [tilespmem:s25], [sflag:$0x2], $0x80, s30, s11, $0xb8;
	[tilespmem:$0x1BC80] =	vst v63  }
0xfd: {  	_ =	swait.ge [sflag:s10], $0x4000  }
0xfe: {  	[sflag:s10] =	ssyncset.done $0x0  }
0xff: {  	[sflag:s10] =	ssyncadd.s32 $0xFFFFC000  }
0x100: {  	[spmem:s2] =	stream.indirect.scatter.add.f32 [tilespmem:s26], [sflag:$0x2], $0x80, s31, s11, $0xb8;
	[tilespmem:$0x1BC80] =	vst v63  }
0x101: {  	_ =	swait.ge [sflag:s12], $0x4000  }
.Ltmp4:
0x102: {  	[sflag:s12] =	ssyncset.done $0x0;
	(pc) =	sbr.rel .LBB2_5-.Ltmp4, $4  }
0x103: {  	[sflag:s12] =	ssyncadd.s32 $0xFFFFC000  }
0x104: {  	_ =	swait.ge [sflag:s12], $0x4000  }
0x105: {  	[sflag:s12] =	ssyncset.done $0x0  }
0x106: {  	[sflag:s12] =	ssyncadd.s32 $0xFFFFC000  }
.LBB2_6:
0x107: {  	_ =	sfence.sel $0x180000  }
0x108: {  	[bflag:$0x0] =	sbarrier.arrive $0xFFFF  }
0x109: {  	_ =	strace $0x90000050  }
0x10a: {  	[bflag:$0x2] =	sbarrier.arrive $0xFFFF  }
0x10b: {  	s0 =	rddreg [dreg:$0x3]  }
0x10c: {  	s0 =	sadd.s32 @!p0 $0x100000, s0  }
0x10d: {  	[sflag:s0] =	ssyncadd.tile.s32 @!p0 $0x1;
	_ =	shalt  }
.Lfunc_end2:
_tile_overlayer_lowered:
.L_overlay_start_2:
0x10e: {  	(tag) =	ssettag $0x2  }
0x10f: {  	s0 =	rddreg [dreg:$0x0];
	s2 =	stileid.u32  }
0x110: {  	s1 =	rddreg [dreg:$0x1];
	p0 =	sne.s32 s2, $0x0  }
0x111: {  	s3 =	rddreg [dreg:$0x2];
	[bflag:$0x3] =	sbarrier.arrive $0xFFFF;
	s2 =	simm.s32 @!p0 $0x1C03  }
0x112: {  	[timem:s3], [sflag:s2] =	dma.local @!p0 [hbm:s0], s1  }
0x113: {  	s0 =	simm.s32 @!p0 $0x3  }
0x114: {  	_ =	swait.ge @!p0 [sflag:s0], s1  }
0x115: {  	s1 =	ssub.s32 @!p0 $0x0, s1;
	[sflag:s0] =	ssyncset.done @!p0 $0x0  }
0x116: {  	[sflag:s0] =	ssyncadd.s32 @!p0 s1  }
0x117: {  	[bflag:$0x3] =	sbarrier.arrive $0xFFFF  }
0x118: {  	_ =	shalt  }

// kernel: kernel.18.cloned.1.call-start
scs
__scs_entry_jumppad:
0x0: {  	(pc) =	sbr.rel $0x88, $3  }
0x1: {  	(tag) =	ssettag $0x0;
	lr =	simm.s32 $0x1  }
0x2: {  	[smem:$0x3F99] =	sst lr;
	_ =	strace $0xD0000000  }
0x3: {  	_ = 	snop  }
0x4: {  	_ = 	snop  }
0x5: {  	_ = 	snop  }
0x6: {  	_ = 	snop  }
0x7: {  	_ = 	snop  }
__scs_overlays_trampoline_lowered:
0x8: {  	[smem:$0x3FA8] =	sst s0  }
0x9: {  	[smem:$0x3FA9] =	sst s1  }
0xa: {  	[smem:$0x3FAA] =	sst s2  }
0xb: {  	[smem:$0x3FAB] =	sst s3  }
0xc: {  	[smem:$0x3FAC] =	sst s4  }
0xd: {  	[smem:$0x3FAD] =	sst s5  }
0xe: {  	[smem:$0x3FAE] =	sst s6  }
0xf: {  	[smem:$0x3FAF] =	sst s7  }
0x10: {  	[smem:$0x3FB0] =	sst s8  }
0x11: {  	[smem:$0x3FB1] =	sst s9;
	s0 =	simm.s32 @!p0 $0x0  }
0x12: {  	s1 =	sld [smem:$0x3F97];
	s0 =	simm.s32 @p0 $0x1  }
0x13: {  	[smem:$0x3FB2] =	sst s0;
	s0 =	simm.s32 @!p1 $0x0  }
0x14: {  	s2 =	sld [smem:$0x3F96];
	s0 =	simm.s32 @p1 $0x1  }
0x15: {  	[smem:$0x3FB3] =	sst s0;
	s0 =	simm.s32 @!p2 $0x0  }
0x16: {  	s3 =	sld [smem:$0x3FDB];
	s0 =	simm.s32 @p2 $0x1  }
0x17: {  	s4 =	simm.s32 $0x1BF5;
	[smem:$0x3FB5] =	sst s0  }
0x18: {  	s0 =	sld [smem:$0x3F98];
	_ =	swait.ge [sflag:s4], $0x0  }
0x19: {  	s7 =	sld [smem:$0x3F99]  }
0x1a: {  	s8 =	sadd.s32 $0xFFFFE003, lr  }
0x1b: {  	s9 =	sadd.s32 $0xFFFFFEF7, lr;
	s5 =	simm.s32 $0xFFFFFFFF;
	p2 =	slt.u32 s8, $0xFFFFF086  }
0x1c: {  	p1 =	slt.u32 s9, $0xF7A;
	s5 =	simm.s32 @!p2 $0x0  }
0x1d: {  	s5 =	simm.s32 @p1 $0x1;
	p0 =	seq.s32 s7, s2  }
0x1e: {  	s7 =	smul.u32 @!p0 $0xF7A, s2;
	p2 =	seq.s32 @!p0 s5, $0x0  }
0x1f: {  	s9 =	smul.u32 $0xF7A, s1;
	s8 =	simm.s32 @!p0 $0x1BF5;
	p2 =	por !p2, p0  }
0x20: {  	[sflag:s8] =	ssyncset.s32 @!p0 $0xFFFFF086;
	s6 =	sadd.s32 @!p0 s3, s7;
	s7 =	simm.s32 @!p0 $0x108  }
0x21: {  	s3 =	sadd.s32 s3, s9;
	s6 =	sadd.s32 @!p0 $0x88, s6;
	s7 =	simm.s32 @p2 $0x1082  }
0x22: {  	[simem:s7], [sflag:s8] =	dma.local @!p0 [hbm:s6], $0xF7A  }
0x23: {  	s9 =	sor.u32 $0xD0000000, s2;
	s6 =	simm.s32 $0x108;
	_ =	swait.ge @!p0 [sflag:s8], $0x0  }
0x24: {  	s3 =	sadd.s32 $0x88, s3;
	s6 =	simm.s32 @!p1 $0x1082;
	[sflag:s4] =	ssyncset.s32 $0xFFFFF086  }
0x25: {  	[simem:s6], [sflag:s4] =	dma.local [hbm:s3], $0xF7A  }
0x26: {  	[smem:$0x3F99] =	sst s1;
	(tag) =	ssettag s2;
	_ =	strace s9  }
0x27: {  	s1 =	sld [smem:$0x3FA9]  }
0x28: {  	s2 =	sld [smem:$0x3FAA]  }
0x29: {  	s4 =	sld [smem:$0x3FAC]  }
0x2a: {  	p0 =	seq.s32 s5, $0x0;
	s5 =	sld [smem:$0x3FAD]  }
0x2b: {  	s6 =	sld [smem:$0x3FAE]  }
0x2c: {  	s7 =	sld [smem:$0x3FAF]  }
0x2d: {  	s3 =	simm.s32 $0x108;
	s8 =	sld [smem:$0x3FB0]  }
0x2e: {  	s3 =	simm.s32 @!p0 $0x1082;
	s9 =	sld [smem:$0x3FB1]  }
0x2f: {  	lr =	sadd.s32 s0, s3;
	s0 =	sld [smem:$0x3FA8]  }
0x30: {  	s3 =	sld [smem:$0x3FAB]  }
0x31: {  	[smem:$0x3FB4] =	sst s10  }
0x32: {  	s10 =	sld [smem:$0x3FB2];
	_ =	sdelay $0x3  }
0x33: {  	p0 =	seq.s32 s10, $0x1;
	s10 =	sld [smem:$0x3FB4];
	_ =	sdelay $0x3  }
0x34: {  	[smem:$0x3FB4] =	sst s10  }
0x35: {  	s10 =	sld [smem:$0x3FB3];
	_ =	sdelay $0x3  }
0x36: {  	p1 =	seq.s32 s10, $0x1;
	s10 =	sld [smem:$0x3FB4];
	_ =	sdelay $0x3  }
0x37: {  	[smem:$0x3FB4] =	sst s10  }
0x38: {  	s10 =	sld [smem:$0x3FB5]  }
0x39: {  	_ = 	snop;
	(pc) =	sbr.ind lr, $3  }
0x3a: {  	_ = 	snop  }
0x3b: {  	_ = 	snop  }
0x3c: {  	p2 =	seq.s32 s10, $0x1;
	s10 =	sld [smem:$0x3FB4]  }
0x3d: {  	_ =	shalt  }
0x3e: {  	_ =	shalt  }
0x3f: {  	_ =	shalt  }
0x40: {  	_ =	shalt  }
0x41: {  	_ =	shalt  }
0x42: {  	_ =	shalt  }
0x43: {  	_ =	shalt  }
0x44: {  	_ =	shalt  }
0x45: {  	_ =	shalt  }
0x46: {  	_ =	shalt  }
0x47: {  	_ =	shalt  }
0x48: {  	_ =	shalt  }
0x49: {  	_ =	shalt  }
0x4a: {  	_ =	shalt  }
0x4b: {  	_ =	shalt  }
0x4c: {  	_ =	shalt  }
0x4d: {  	_ =	shalt  }
0x4e: {  	_ =	shalt  }
0x4f: {  	_ =	shalt  }
0x50: {  	_ =	shalt  }
0x51: {  	_ =	shalt  }
0x52: {  	_ =	shalt  }
0x53: {  	_ =	shalt  }
0x54: {  	_ =	shalt  }
0x55: {  	_ =	shalt  }
0x56: {  	_ =	shalt  }
0x57: {  	_ =	shalt  }
0x58: {  	_ =	shalt  }
0x59: {  	_ =	shalt  }
0x5a: {  	_ =	shalt  }
0x5b: {  	_ =	shalt  }
0x5c: {  	_ =	shalt  }
0x5d: {  	_ =	shalt  }
0x5e: {  	_ =	shalt  }
0x5f: {  	_ =	shalt  }
0x60: {  	_ =	shalt  }
0x61: {  	_ =	shalt  }
0x62: {  	_ =	shalt  }
0x63: {  	_ =	shalt  }
0x64: {  	_ =	shalt  }
0x65: {  	_ =	shalt  }
0x66: {  	_ =	shalt  }
0x67: {  	_ =	shalt  }
0x68: {  	_ =	shalt  }
0x69: {  	_ =	shalt  }
0x6a: {  	_ =	shalt  }
0x6b: {  	_ =	shalt  }
0x6c: {  	_ =	shalt  }
0x6d: {  	_ =	shalt  }
0x6e: {  	_ =	shalt  }
0x6f: {  	_ =	shalt  }
0x70: {  	_ =	shalt  }
0x71: {  	_ =	shalt  }
0x72: {  	_ =	shalt  }
0x73: {  	_ =	shalt  }
0x74: {  	_ =	shalt  }
0x75: {  	_ =	shalt  }
0x76: {  	_ =	shalt  }
0x77: {  	_ =	shalt  }
0x78: {  	_ =	shalt  }
0x79: {  	_ =	shalt  }
0x7a: {  	_ =	shalt  }
0x7b: {  	_ =	shalt  }
0x7c: {  	_ =	shalt  }
0x7d: {  	_ =	shalt  }
0x7e: {  	_ =	shalt  }
0x7f: {  	_ =	shalt  }
0x80: {  	_ =	shalt  }
0x81: {  	_ =	shalt  }
0x82: {  	_ =	shalt  }
0x83: {  	_ =	shalt  }
0x84: {  	_ =	shalt  }
0x85: {  	_ =	shalt  }
0x86: {  	_ =	shalt  }
0x87: {  	_ =	shalt  }
.Lfunc_end0:
.L_simem_size_0:
called_computation.3_lowered:
.L_overlay_start_0:
0x88: {  	s2 =	sld [smem:$0x3FD9]  }
0x89: {  	s3 =	sld [smem:$0x3FFE];
	_ =	sdelay $0x1  }
0x8a: {  	s1 =	srdreg.scid  }
0x8b: {  	s0 =	sand.u32 $0x1, s1  }
0x8c: {  	s17 =	sshll.u32 s0, $0xA;
	s2 =	sadd.s32 s3, s2  }
0x8d: {  	s2 =	sadd.s32 s2, s17  }
0x8e: {  	[smem:$0x3FC0] =	sst s2  }
0x8f: {  	_ = 	snop  }
0x90: {  	(tm) =	ssettm $0x1  }
0x91: {  	s18 =	sld [smem:$0x3FFB];
	_ =	sdelay $0x3  }
0x92: {  	_ =	strace s18  }
0x93: {  	s2 =	sld [smem:$0x3FFC];
	_ =	sdelay $0x3  }
0x94: {  	_ =	strace s2  }
0x95: {  	s2 =	sld [smem:$0x3FFD];
	_ =	sdelay $0x3  }
0x96: {  	_ =	strace s2  }
0x97: {  	_ =	strace $0x8FFFFFFF  }
0x98: {  	s19 =	sld [smem:$0x3FDB];
	_ =	sdelay $0x1  }
0x99: {  	s20 =	simm.s32 $_scs_section_size  }
0x9a: {  	s4 =	simm.s32 $_size__tile_overlayer_lowered;
	s5 =	simm.s32 $_tile_overlayer_lowered  }
0x9b: {  	s6 =	simm.s32 $0x1BFF;
	s21 =	sshll.u32 s5, $0x1;
	s3 =	sadd.s32 s20, s19  }
0x9c: {  	s22 =	simm.s32 $0x0;
	s4 =	sshll.u32 s4, $0x1;
	s5 =	sadd.s32 s21, s3  }
0x9d: {  	[timem:s22], [sflag:s6] =	dma.local [hbm:s5], s4  }
0x9e: {  	_ =	swait.ge [sflag:s6], s4  }
0x9f: {  	s4 =	ssub.s32 $0x0, s4;
	[sflag:s6] =	ssyncset.done $0x0  }
0xa0: {  	[sflag:s6] =	ssyncadd.s32 s4;
	_ =	sdelay $0x1  }
0xa1: {  	s23 =	simm.s32 $0x1B8B  }
0xa2: {  	_ =	swait.ge [sflag:s23], $0x1  }
0xa3: {  	[sflag:s23] =	ssyncset.done $0x0  }
0xa4: {  	[sflag:s23] =	ssyncadd.s32 $0xFFFFFFFF  }
0xa5: {  	s4 =	sld [smem:$0x0]  }
0xa6: {  	s5 =	sand.u32 $0xFFFFFFFE, s1  }
0xa7: {  	p0 =	sne.s32 s1, s5  }
0xa8: {  	s5 =	sshll.u32 @p0 s5, $0xE  }
0xa9: {  	s5 =	sadd.s32 @p0 $0x11B8D, s5;
	s6 =	sshll.u32 @p0 s4, $0x11  }
0xaa: {  	s5 =	sor.u32 @p0 s6, s5  }
0xab: {  	[sflag:s5] =	ssyncadd.remote.s32 @p0 $0x1;
	_ =	sdelay $0x1  }
0xac: {  	s5 =	simm.s32 @p0 $0x1B8D  }
0xad: {  	_ =	swait.eq @p0 [sflag:s5], $0x1  }
0xae: {  	[sflag:s5] =	ssyncadd.s32 @p0 $0xFFFFFFFF  }
0xaf: {  	s6 =	sshll.u32 @!p0 s1, $0xE  }
0xb0: {  	s6 =	sor.u32 @!p0 $0x4000, s6;
	s5 =	simm.s32 @!p0 $0x1B8D  }
0xb1: {  	s4 =	sshll.u32 @!p0 s4, $0x11;
	s6 =	sadd.s32 @!p0 $0x11B8D, s6;
	_ =	swait.eq @!p0 [sflag:s5], $0x1  }
0xb2: {  	s4 =	sor.u32 @!p0 s4, s6;
	[sflag:s5] =	ssyncadd.s32 @!p0 $0xFFFFFFFF  }
0xb3: {  	s25 =	simm.s32 $0x1B8E;
	s24 =	sld [smem:$0x3FFE];
	[sflag:s4] =	ssyncadd.remote.s32 @!p0 $0x1  }
0xb4: {  	s26 =	simm.s32 $execute0_lowered;
	[smem:$0x3FD2] =	sst s25  }
0xb5: {  	s5 =	sshll.u32 s26, $0x1;
	_ =	strace $0x8000004C;
	[dreg:$0x1] =	wrdreg $0xFFFFFFFF  }
0xb6: {  	s28 =	simm.s32 $_size_execute0_lowered;
	s3 =	sadd.s32 s3, s5;
	[dreg:$0x0] =	wrdreg $0x0  }
0xb7: {  	s5 =	sshll.u32 s28, $0x1;
	[dreg:$0x2] =	wrdreg s3  }
0xb8: {  	[dreg:$0x3] =	wrdreg s5  }
0xb9: {  	[dreg:$0x4] =	wrdreg $0xC0  }
0xba: {  	_ =	task [dreg:s22], $0x5FFFF  }
0xbb: {  	[dreg:$0x1] =	wrdreg $0xFFFFFFFF  }
0xbc: {  	[dreg:$0x0] =	wrdreg $0x60  }
0xbd: {  	[dreg:$0x2] =	wrdreg s24  }
0xbe: {  	[dreg:$0x3] =	wrdreg $0x84000  }
0xbf: {  	[dreg:$0x4] =	wrdreg $0xA  }
0xc0: {  	_ =	task.clear_ibuf [dreg:s22], $0x5FFFF;
	_ =	strace $0x9000004C  }
0xc1: {  	s29 =	simm.s32 $0xA;
	_ =	strace $0x8000004E  }
0xc2: {  	_ =	swait.ge [sflag:s29], $0x1  }
0xc3: {  	[sflag:s29] =	ssyncadd.s32 $0xFFFFFFFF  }
0xc4: {  	_ =	strace $0x9000004E  }
0xc5: {  	_ =	sfence  }
0xc6: {  	s30 =	sld [smem:$0x0];
	_ =	sdelay $0x2  }
0xc7: {  	s31 =	sshll.u32 s1, $0xD;
	s1 =	sshrl.u32 s1, $0x2  }
0xc8: {  	s4 =	sand.u32 $0x4000, s31;
	s1 =	sadd.s32 s1, s30  }
0xc9: {  	s0 =	sor.u32 s4, s0;
	s1 =	sshll.u32 s1, $0x11  }
0xca: {  	s0 =	sor.u32 s1, s0  }
0xcb: {  	s0 =	sadd.s32 $0x8F2B, s0  }
0xcc: {  	[sflag:s0] =	ssyncadd.remote.s32 $0x1  }
0xcd: {  	_ =	sfence.sel $0xFFFF  }
0xce: {  	[dreg:$0x0] =	wrdreg $0xFFFFFFFF;
	(pc) =	sbr.abs _section_cstart, $3  }
0xcf: {  	[dreg:$0x1] =	wrdreg $0xFFFFFFFF  }
0xd0: {  	_ =	task.clear_ibuf [dreg:s22], $0x2FFFF;
	_ =	strace $0x9FFFFFFF  }
0xd1: {  	(tm) =	ssettm $0x7FFFFFFF  }
tec
execute0_lowered:
.L_overlay_start_1:
0x0: {  	(tag) =	ssettag $0x1  }
0x1: {  	s0 =	rddreg [dreg:$0x0]  }
0x2: {  	s1 =	rddreg [dreg:$0x1];
	s2 =	simm.s32 $0x0;
	s3 =	srdreg.scid  }
0x3: {  	s11 =	stileid.u32;
	s28 =	simm.s32 $0x4400;
	s29 =	simm.s32 $0x280  }
0x4: {  	s30 =	simm.s32 $0x300;
	s31 =	simm.s32 $0x380;
	[smem:$0x7FF] =	sst s2  }
0x5: {  	s5 =	sand.u32 $0x1, s3;
	s3 =	sadd.s32 $0x3DAC00, s0;
	s4 =	sadd.s32 $0x3D8400, s0  }
0x6: {  	s7 =	sadd.s32 $0x2C400, s0;
	s10 =	sadd.s32 $0x53600, s0;
	s23 =	sshll.u32 s11, $0x1  }
0x7: {  	s25 =	sor.u32 $0x40, s11;
	p0 =	sne.s32 s11, $0x0;
	p2 =	sgt.u32 s11, $0x6  }
0x8: {  	_ =	strace $0x8000004D;
	s6 =	ssub.s32 $0x2, s5;
	[dreg:$0x3] =	wrdreg s7  }
0x9: {  	s13 =	smul.u32 $0x138800, s5;
	s7 =	sor.u32 s5, s23;
	s5 =	sshll.u32 s11, $0xE  }
0xa: {  	s23 =	sshll.u32 s25, $0xE;
	p1 =	slt.u32 s25, $0x4E;
	s22 =	sshrl.u32 s6, $0x1  }
0xb: {  	s16 =	sor.u32 $0x40000, s5;
	s19 =	sor.u32 $0x40, s7;
	p4 =	sne.s32 @!p1 s11, $0xE  }
0xc: {  	s12 =	ssub.s32 s6, s22;
	s14 =	sadd.s32 s13, s5;
	s15 =	sshrl.u32 s13, $0x3  }
0xd: {  	s17 =	sadd.s32 s13, s16;
	s22 =	sor.u32 $0xC0000, s5;
	s21 =	sshll.u32 s19, $0x7  }
0xe: {  	s14 =	sshrl.u32 s14, $0x3;
	s20 =	sadd.s32 s10, s15;
	s11 =	sadd.s32 s4, s21  }
0xf: {  	s24 =	sshrl.u32 s17, $0x3;
	s14 =	sadd.s32 s10, s14;
	[dreg:$0x9] =	wrdreg s11  }
0x10: {  	s18 =	sadd.s32 s13, s22;
	[dreg:$0x4] =	wrdreg s14;
	s14 =	sadd.s32 s10, s24  }
0x11: {  	s18 =	sshrl.u32 s18, $0x3;
	[dreg:$0x5] =	wrdreg s14;
	s14 =	sor.u32 $0x80000, s5  }
0x12: {  	s11 =	sadd.s32 $0x27000, s20;
	s20 =	sadd.s32 s5, s1;
	s26 =	sadd.s32 s13, s14  }
0x13: {  	[dreg:$0x14] =	wrdreg s11;
	s13 =	sadd.s32 s13, s23;
	s15 =	sshrl.u32 s26, $0x3  }
0x14: {  	[dreg:$0x16] =	wrdreg s20;
	s13 =	sshrl.u32 s13, $0x3;
	s15 =	sadd.s32 s10, s15  }
0x15: {  	[dreg:$0x6] =	wrdreg s15;
	s15 =	sadd.s32 s10, s18;
	s10 =	sadd.s32 s10, s13  }
0x16: {  	s8 =	sadd.s32 $0x3DBC00, s0;
	[dreg:$0x8] =	wrdreg s10;
	s10 =	sshll.u32 s19, $0xE  }
0x17: {  	s6 =	sadd.s32 $0x3DB400, s0;
	[dreg:$0x7] =	wrdreg s15;
	s24 =	sadd.s32 s3, s10  }
0x18: {  	s9 =	sadd.s32 $0x3DC400, s0;
	s25 =	sadd.s32 s10, s6;
	[dreg:$0xa] =	wrdreg s24  }
0x19: {  	p3 =	sne.s32 s7, $0xE;
	s26 =	sadd.s32 s10, s8;
	[dreg:$0xb] =	wrdreg s25  }
0x1a: {  	s15 =	sadd.s32 $0x3DCC00, s0;
	s13 =	sadd.s32 s10, s9;
	[dreg:$0xc] =	wrdreg s26  }
0x1b: {  	s17 =	sadd.s32 $0x3DD400, s0;
	s21 =	sadd.s32 s10, s15;
	[dreg:$0xd] =	wrdreg s13  }
0x1c: {  	s18 =	sadd.s32 $0x3DDC00, s0;
	[dreg:$0xe] =	wrdreg s21;
	s24 =	sadd.s32 s10, s17  }
0x1d: {  	s19 =	sadd.s32 $0x3DE400, s0;
	s25 =	sadd.s32 s10, s18;
	[dreg:$0xf] =	wrdreg s24  }
0x1e: {  	p4 =	por p4, p1;
	s10 =	sadd.s32 s10, s19;
	[dreg:$0x10] =	wrdreg s25  }
0x1f: {  	s11 =	simm.s32 $0x2;
	s26 =	sadd.s32 $0x3DAB00, s0;
	[dreg:$0x11] =	wrdreg s10  }
0x20: {  	s5 =	simm.s32 $0x1;
	s0 =	sadd.s32 $0x512C00, s0;
	[dreg:$0x12] =	wrdreg s26  }
0x21: {  	s13 =	smax.u32 s12, $0x1;
	s21 =	sadd.s32 s16, s1;
	[dreg:$0x13] =	wrdreg s0  }
0x22: {  	s12 =	simm.s32 $0x100;
	s16 =	simm.s32 $0x0;
	[dreg:$0x15] =	wrdreg s13  }
.Ltmp0:
0x23: {  	[dreg:$0x17] =	wrdreg s21;
	s24 =	sadd.s32 s14, s1;
	(pc) =	sbr.rel .LBB2_1-.Ltmp0, $4  }
0x24: {  	s25 =	sadd.s32 s22, s1;
	s26 =	sadd.s32 s23, s1;
	[dreg:$0x18] =	wrdreg s24  }
0x25: {  	s10 =	simm.s32 $0x80;
	s13 =	simm.s32 $0x180;
	[dreg:$0x19] =	wrdreg s25  }
0x26: {  	s14 =	simm.s32 $0x200;
	s0 =	simm.s32 $0x4;
	[dreg:$0x1a] =	wrdreg s26  }
0x27: {  	s24 =	sadd.s32 $0x138000, s1;
	s25 =	simm.s32 $0x3;
	s26 =	simm.s32 $0x400  }
.LBB2_5:
0x28: {  	s20 =	simm.s32 @!p3 $0x0;
	s21 =	rddreg [dreg:$0x12]  }
0x29: {  	[tilespmem:s20], [sflag:$0x3] =	stream.linear.gather @!p3 [hbm4b:s21+s20], $0x400, $0x38;
	[tilespmem:$0x1BC80] =	vst v63  }
0x2a: {  	s21 =	simm.s32 @!p3 $0x3  }
0x2b: {  	_ =	swait.ge @!p3 [sflag:s21], $0x400  }
0x2c: {  	[sflag:s21] =	ssyncset.done @!p3 $0x0  }
0x2d: {  	s22 =	simm.s32 @!p3 $0x400;
	s23 =	rddreg [dreg:$0x13];
	[sflag:s21] =	ssyncadd.s32 @!p3 $0xFFFFFC00  }
0x2e: {  	[tilespmem:s22], [sflag:$0x3] =	stream.linear.gather @!p3 [hbm4b:s23+s20], $0x4000, $0x38;
	[tilespmem:$0x1BC80] =	vst v63  }
0x2f: {  	_ =	swait.ge @!p3 [sflag:s21], $0x4000  }
0x30: {  	[sflag:s21] =	ssyncset.done @!p3 $0x0  }
0x31: {  	[sflag:s21] =	ssyncadd.s32 @!p3 $0xFFFFC000;
	s21 =	simm.s32 @!p3 $0x80  }
0x32: {  	[spmem:s1] =	stream.indirect.scatter.add.f32 @!p3 [tilespmem:s22], [sflag:$0x2], $0x80, s20, s21, $0xb8;
	[tilespmem:$0x1BC80] =	vst v63  }
0x33: {  	s20 =	simm.s32 @!p3 $0x2  }
0x34: {  	_ =	swait.ge @!p3 [sflag:s20], $0x4000  }
0x35: {  	[sflag:s20] =	ssyncset.done @!p3 $0x0  }
0x36: {  	[sflag:s20] =	ssyncadd.s32 @!p3 $0xFFFFC000  }
0x37: {  	[bflag:$0x0] =	sbarrier.arrive $0xFFFF  }
0x38: {  	s21 =	rddreg [dreg:$0x16]  }
0x39: {  	[tilespmem:s26], [sflag:$0x4] =	stream.linear.gather [spmem:s21], $0x4000, $0x38;
	[tilespmem:$0x1BC80] =	vst v63  }
0x3a: {  	_ =	swait.ge [sflag:s0], $0x4000  }
0x3b: {  	[sflag:s0] =	ssyncset.done $0x0  }
0x3c: {  	s22 =	rddreg [dreg:$0x4];
	[sflag:s0] =	ssyncadd.s32 $0xFFFFC000  }
0x3d: {  	[hbm4b:s22+s2] =	stream.linear.scatter [tilespmem:s26], [sflag:$0x4], $0x4000, $0x38;
	[tilespmem:$0x1BC80] =	vst v63  }
0x3e: {  	_ =	swait.ge [sflag:s0], $0x4000  }
0x3f: {  	[sflag:s0] =	ssyncset.done $0x0  }
0x40: {  	s23 =	rddreg [dreg:$0x17];
	[sflag:s0] =	ssyncadd.s32 $0xFFFFC000  }
0x41: {  	[tilespmem:s26], [sflag:$0x4] =	stream.linear.gather [spmem:s23], $0x4000, $0x38;
	[tilespmem:$0x1BC80] =	vst v63  }
0x42: {  	_ =	swait.ge [sflag:s0], $0x4000  }
0x43: {  	[sflag:s0] =	ssyncset.done $0x0  }
0x44: {  	s21 =	rddreg [dreg:$0x5];
	[sflag:s0] =	ssyncadd.s32 $0xFFFFC000  }
0x45: {  	[hbm4b:s21+s2] =	stream.linear.scatter [tilespmem:s26], [sflag:$0x4], $0x4000, $0x38;
	[tilespmem:$0x1BC80] =	vst v63  }
0x46: {  	_ =	swait.ge [sflag:s0], $0x4000  }
0x47: {  	[sflag:s0] =	ssyncset.done $0x0  }
0x48: {  	s22 =	rddreg [dreg:$0x18];
	[sflag:s0] =	ssyncadd.s32 $0xFFFFC000  }
0x49: {  	[tilespmem:s26], [sflag:$0x4] =	stream.linear.gather [spmem:s22], $0x4000, $0x38;
	[tilespmem:$0x1BC80] =	vst v63  }
0x4a: {  	_ =	swait.ge [sflag:s0], $0x4000  }
0x4b: {  	[sflag:s0] =	ssyncset.done $0x0  }
0x4c: {  	s23 =	rddreg [dreg:$0x6];
	[sflag:s0] =	ssyncadd.s32 $0xFFFFC000  }
0x4d: {  	[hbm4b:s23+s2] =	stream.linear.scatter [tilespmem:s26], [sflag:$0x4], $0x4000, $0x38;
	[tilespmem:$0x1BC80] =	vst v63  }
0x4e: {  	_ =	swait.ge [sflag:s0], $0x4000  }
0x4f: {  	[sflag:s0] =	ssyncset.done $0x0  }
0x50: {  	s21 =	rddreg [dreg:$0x19];
	[sflag:s0] =	ssyncadd.s32 $0xFFFFC000  }
0x51: {  	[tilespmem:s26], [sflag:$0x4] =	stream.linear.gather [spmem:s21], $0x4000, $0x38;
	[tilespmem:$0x1BC80] =	vst v63  }
0x52: {  	_ =	swait.ge [sflag:s0], $0x4000  }
0x53: {  	[sflag:s0] =	ssyncset.done $0x0  }
0x54: {  	s22 =	rddreg [dreg:$0x7];
	[sflag:s0] =	ssyncadd.s32 $0xFFFFC000  }
0x55: {  	[hbm4b:s22+s2] =	stream.linear.scatter [tilespmem:s26], [sflag:$0x4], $0x4000, $0x38;
	[tilespmem:$0x1BC80] =	vst v63  }
0x56: {  	_ =	swait.ge [sflag:s0], $0x4000  }
0x57: {  	[sflag:s0] =	ssyncset.done $0x0  }
0x58: {  	s20 =	simm.s32 @p1 $0x400;
	s21 =	rddreg [dreg:$0x1a];
	[sflag:s0] =	ssyncadd.s32 $0xFFFFC000  }
0x59: {  	[tilespmem:s20], [sflag:$0x4] =	stream.linear.gather @p1 [spmem:s21], $0x4000, $0x38;
	[tilespmem:$0x1BC80] =	vst v63  }
0x5a: {  	s21 =	simm.s32 @p1 $0x4  }
0x5b: {  	_ =	swait.ge @p1 [sflag:s21], $0x4000  }
0x5c: {  	[sflag:s21] =	ssyncset.done @p1 $0x0  }
0x5d: {  	s22 =	simm.s32 @p1 $0x0;
	s23 =	rddreg [dreg:$0x8];
	[sflag:s21] =	ssyncadd.s32 @p1 $0xFFFFC000  }
0x5e: {  	[hbm4b:s23+s22] =	stream.linear.scatter @p1 [tilespmem:s20], [sflag:$0x4], $0x4000, $0x38;
	[tilespmem:$0x1BC80] =	vst v63  }
0x5f: {  	_ =	swait.ge @p1 [sflag:s21], $0x4000  }
0x60: {  	[sflag:s21] =	ssyncset.done @p1 $0x0  }
0x61: {  	s20 =	simm.s32 @!p4 $0x400;
	[sflag:s21] =	ssyncadd.s32 @p1 $0xFFFFC000;
	s21 =	simm.s32 @!p4 $0x4  }
0x62: {  	[tilespmem:s20], [sflag:$0x4] =	stream.linear.gather @!p4 [spmem:s24], $0x800, $0x38;
	[tilespmem:$0x1BC80] =	vst v63  }
0x63: {  	_ =	swait.ge @!p4 [sflag:s21], $0x800  }
0x64: {  	[sflag:s21] =	ssyncset.done @!p4 $0x0  }
0x65: {  	s22 =	rddreg [dreg:$0x14];
	[sflag:s21] =	ssyncadd.s32 @!p4 $0xFFFFF800;
	s21 =	simm.s32 @!p4 $0x0  }
0x66: {  	[hbm4b:s22+s21] =	stream.linear.scatter @!p4 [tilespmem:s20], [sflag:$0x3], $0x800, $0x38;
	[tilespmem:$0x1BC80] =	vst v63  }
0x67: {  	s20 =	simm.s32 @!p4 $0x3  }
0x68: {  	_ =	swait.ge @!p4 [sflag:s20], $0x800  }
0x69: {  	s16 =	sadd.s32 $0x1, s16;
	s23 =	rddreg [dreg:$0x15]  }
0x6a: {  	p5 =	sne.s32 s16, s23  }
.Ltmp1:
0x6b: {  	_ = 	snop;
	(pc) =	sbr.rel @!p5 .LBB2_6-.Ltmp1, $3  }
0x6c: {  	_ =	sdelay $0x1  }
0x6d: {  	[sflag:s20] =	ssyncset.done @!p4 $0x0  }
0x6e: {  	[sflag:s20] =	ssyncadd.s32 @!p4 $0xFFFFF800  }
.LBB2_1:
0x6f: {  	s20 =	sshrl.u32 @!p0 s1, $0x3;
	s21 =	simm.s32 @!p0 $0x1C03;
	s22 =	rddreg [dreg:$0x3]  }
0x70: {  	[spmem:s20], [sflag:s21] =	dma.local @!p0 [hbm:s22], $0x27100  }
0x71: {  	s20 =	simm.s32 @!p0 $0x3  }
0x72: {  	_ =	swait.ge @!p0 [sflag:s20], $0x27100  }
0x73: {  	[sflag:s20] =	ssyncset.done @!p0 $0x0  }
0x74: {  	[sflag:s20] =	ssyncadd.s32 @!p0 $0xFFFD8F00  }
0x75: {  	p5 =	por $0x1, $0x1;
	s20 =	simm.s32 $0x0;
	[bflag:$0x0] =	sbarrier.arrive $0xFFFF  }
.LBB2_2:
0x76: {  	s20 =	sor.u32 s7, s20  }
0x77: {  	s21 =	sshll.u32 s20, $0x7  }
0x78: {  	s21 =	sadd.s32 s4, s21  }
0x79: {  	[tilespmem:s2], [sflag:$0x3] =	stream.linear.gather [hbm4b:s21+s2], $0x400, $0x38;
	[tilespmem:$0x1BC80] =	vst v63  }
0x7a: {  	_ =	swait.ge [sflag:s25], $0x400  }
0x7b: {  	s20 =	sshll.u32 s20, $0xE;
	[sflag:s25] =	ssyncset.done $0x0  }
0x7c: {  	s23 =	sadd.s32 s3, s20;
	[sflag:s25] =	ssyncadd.s32 $0xFFFFFC00  }
0x7d: {  	[tilespmem:s26], [sflag:$0x1] =	stream.linear.gather [hbm4b:s23+s2], $0x4000, $0x38;
	[tilespmem:$0x1BC80] =	vst v63  }
0x7e: {  	s22 =	sadd.s32 s20, s6  }
0x7f: {  	[tilespmem:s28], [sflag:$0x1] =	stream.linear.gather [hbm4b:s22+s2], $0x4000, $0x38;
	[tilespmem:$0x1BC80] =	vst v63  }
0x80: {  	_ =	swait.ge [sflag:s5], $0x4000  }
0x81: {  	[sflag:s5] =	ssyncset.done $0x0  }
0x82: {  	[sflag:s5] =	ssyncadd.s32 $0xFFFFC000  }
0x83: {  	[spmem:s1] =	stream.indirect.scatter.add.f32 [tilespmem:s26], [sflag:$0x2], $0x80, s2, s10, $0xb8;
	[tilespmem:$0x1BC80] =	vst v63  }
0x84: {  	_ =	swait.ge [sflag:s11], $0x4000  }
0x85: {  	[sflag:s11] =	ssyncset.done $0x0  }
0x86: {  	s23 =	sadd.s32 s20, s8;
	[sflag:s11] =	ssyncadd.s32 $0xFFFFC000  }
0x87: {  	[tilespmem:s26], [sflag:$0x1] =	stream.linear.gather [hbm4b:s23+s2], $0x4000, $0x38;
	[tilespmem:$0x1BC80] =	vst v63  }
0x88: {  	_ =	swait.ge [sflag:s5], $0x4000  }
0x89: {  	[sflag:s5] =	ssyncset.done $0x0  }
0x8a: {  	[sflag:s5] =	ssyncadd.s32 $0xFFFFC000  }
0x8b: {  	[spmem:s1] =	stream.indirect.scatter.add.f32 [tilespmem:s28], [sflag:$0x2], $0x80, s10, s10, $0xb8;
	[tilespmem:$0x1BC80] =	vst v63  }
0x8c: {  	_ =	swait.ge [sflag:s11], $0x4000  }
0x8d: {  	[sflag:s11] =	ssyncset.done $0x0  }
0x8e: {  	s22 =	sadd.s32 s20, s9;
	[sflag:s11] =	ssyncadd.s32 $0xFFFFC000  }
0x8f: {  	[tilespmem:s28], [sflag:$0x1] =	stream.linear.gather [hbm4b:s22+s2], $0x4000, $0x38;
	[tilespmem:$0x1BC80] =	vst v63  }
0x90: {  	_ =	swait.ge [sflag:s5], $0x4000  }
0x91: {  	[sflag:s5] =	ssyncset.done $0x0  }
0x92: {  	[sflag:s5] =	ssyncadd.s32 $0xFFFFC000  }
0x93: {  	[spmem:s1] =	stream.indirect.scatter.add.f32 [tilespmem:s26], [sflag:$0x2], $0x80, s12, s10, $0xb8;
	[tilespmem:$0x1BC80] =	vst v63  }
0x94: {  	_ =	swait.ge [sflag:s11], $0x4000  }
0x95: {  	[sflag:s11] =	ssyncset.done $0x0  }
0x96: {  	s23 =	sadd.s32 s20, s15;
	[sflag:s11] =	ssyncadd.s32 $0xFFFFC000  }
0x97: {  	[tilespmem:s26], [sflag:$0x1] =	stream.linear.gather [hbm4b:s23+s2], $0x4000, $0x38;
	[tilespmem:$0x1BC80] =	vst v63  }
0x98: {  	_ =	swait.ge [sflag:s5], $0x4000  }
0x99: {  	[sflag:s5] =	ssyncset.done $0x0  }
0x9a: {  	[sflag:s5] =	ssyncadd.s32 $0xFFFFC000  }
0x9b: {  	[spmem:s1] =	stream.indirect.scatter.add.f32 [tilespmem:s28], [sflag:$0x2], $0x80, s13, s10, $0xb8;
	[tilespmem:$0x1BC80] =	vst v63  }
0x9c: {  	_ =	swait.ge [sflag:s11], $0x4000  }
0x9d: {  	[sflag:s11] =	ssyncset.done $0x0  }
0x9e: {  	s22 =	sadd.s32 s20, s17;
	[sflag:s11] =	ssyncadd.s32 $0xFFFFC000  }
0x9f: {  	[tilespmem:s28], [sflag:$0x1] =	stream.linear.gather [hbm4b:s22+s2], $0x4000, $0x38;
	[tilespmem:$0x1BC80] =	vst v63  }
0xa0: {  	_ =	swait.ge [sflag:s5], $0x4000  }
0xa1: {  	[sflag:s5] =	ssyncset.done $0x0  }
0xa2: {  	[sflag:s5] =	ssyncadd.s32 $0xFFFFC000  }
0xa3: {  	[spmem:s1] =	stream.indirect.scatter.add.f32 [tilespmem:s26], [sflag:$0x2], $0x80, s14, s10, $0xb8;
	[tilespmem:$0x1BC80] =	vst v63  }
0xa4: {  	_ =	swait.ge [sflag:s11], $0x4000  }
0xa5: {  	[sflag:s11] =	ssyncset.done $0x0  }
0xa6: {  	s23 =	sadd.s32 s20, s18;
	[sflag:s11] =	ssyncadd.s32 $0xFFFFC000  }
0xa7: {  	[tilespmem:s26], [sflag:$0x1] =	stream.linear.gather [hbm4b:s23+s2], $0x4000, $0x38;
	[tilespmem:$0x1BC80] =	vst v63  }
0xa8: {  	_ =	swait.ge [sflag:s5], $0x4000  }
0xa9: {  	[sflag:s5] =	ssyncset.done $0x0  }
0xaa: {  	[sflag:s5] =	ssyncadd.s32 $0xFFFFC000  }
0xab: {  	[spmem:s1] =	stream.indirect.scatter.add.f32 [tilespmem:s28], [sflag:$0x2], $0x80, s29, s10, $0xb8;
	[tilespmem:$0x1BC80] =	vst v63  }
0xac: {  	_ =	swait.ge [sflag:s11], $0x4000  }
0xad: {  	[sflag:s11] =	ssyncset.done $0x0  }
0xae: {  	s20 =	sadd.s32 s20, s19;
	[sflag:s11] =	ssyncadd.s32 $0xFFFFC000  }
0xaf: {  	[tilespmem:s28], [sflag:$0x1] =	stream.linear.gather [hbm4b:s20+s2], $0x4000, $0x38;
	[tilespmem:$0x1BC80] =	vst v63  }
0xb0: {  	_ =	swait.ge [sflag:s5], $0x4000  }
0xb1: {  	[sflag:s5] =	ssyncset.done $0x0  }
0xb2: {  	[sflag:s5] =	ssyncadd.s32 $0xFFFFC000  }
0xb3: {  	[spmem:s1] =	stream.indirect.scatter.add.f32 [tilespmem:s26], [sflag:$0x2], $0x80, s30, s10, $0xb8;
	[tilespmem:$0x1BC80] =	vst v63  }
0xb4: {  	_ =	swait.ge [sflag:s5], $0x4000  }
0xb5: {  	[sflag:s5] =	ssyncset.done $0x0  }
0xb6: {  	[sflag:s5] =	ssyncadd.s32 $0xFFFFC000  }
0xb7: {  	[spmem:s1] =	stream.indirect.scatter.add.f32 [tilespmem:s28], [sflag:$0x2], $0x80, s31, s10, $0xb8;
	[tilespmem:$0x1BC80] =	vst v63  }
0xb8: {  	p6 =	por p5, p5;
	_ =	swait.ge [sflag:s11], $0x4000  }
.Ltmp2:
0xb9: {  	[sflag:s11] =	ssyncset.done $0x0;
	(pc) =	sbr.rel @p6 .LBB2_2-.Ltmp2, $4  }
0xba: {  	[sflag:s11] =	ssyncadd.s32 $0xFFFFC000  }
0xbb: {  	_ =	swait.ge [sflag:s11], $0x4000  }
0xbc: {  	[sflag:s11] =	ssyncset.done $0x0  }
0xbd: {  	p5 =	por $0x0, $0x0;
	s20 =	simm.s32 $0x20;
	[sflag:s11] =	ssyncadd.s32 $0xFFFFC000  }
.Ltmp3:
0xbe: {  	(pc) =	sbr.rel @p2 .LBB2_5-.Ltmp3, $1  }
0xbf: {  	_ =	sdelay $0x3  }
0xc0: {  	s20 =	rddreg [dreg:$0x9]  }
0xc1: {  	[tilespmem:s2], [sflag:$0x3] =	stream.linear.gather [hbm4b:s20+s2], $0x400, $0x38;
	[tilespmem:$0x1BC80] =	vst v63  }
0xc2: {  	_ =	swait.ge [sflag:s25], $0x400  }
0xc3: {  	[sflag:s25] =	ssyncset.done $0x0  }
0xc4: {  	s22 =	rddreg [dreg:$0xa];
	[sflag:s25] =	ssyncadd.s32 $0xFFFFFC00  }
0xc5: {  	[tilespmem:s26], [sflag:$0x1] =	stream.linear.gather [hbm4b:s22+s2], $0x4000, $0x38;
	[tilespmem:$0x1BC80] =	vst v63  }
0xc6: {  	s23 =	rddreg [dreg:$0xb]  }
0xc7: {  	[tilespmem:s28], [sflag:$0x1] =	stream.linear.gather [hbm4b:s23+s2], $0x4000, $0x38;
	[tilespmem:$0x1BC80] =	vst v63  }
0xc8: {  	_ =	swait.ge [sflag:s5], $0x4000  }
0xc9: {  	[sflag:s5] =	ssyncset.done $0x0  }
0xca: {  	[sflag:s5] =	ssyncadd.s32 $0xFFFFC000  }
0xcb: {  	[spmem:s1] =	stream.indirect.scatter.add.f32 [tilespmem:s26], [sflag:$0x2], $0x80, s2, s10, $0xb8;
	[tilespmem:$0x1BC80] =	vst v63  }
0xcc: {  	_ =	swait.ge [sflag:s11], $0x4000  }
0xcd: {  	[sflag:s11] =	ssyncset.done $0x0  }
0xce: {  	s21 =	rddreg [dreg:$0xc];
	[sflag:s11] =	ssyncadd.s32 $0xFFFFC000  }
0xcf: {  	[tilespmem:s26], [sflag:$0x1] =	stream.linear.gather [hbm4b:s21+s2], $0x4000, $0x38;
	[tilespmem:$0x1BC80] =	vst v63  }
0xd0: {  	_ =	swait.ge [sflag:s5], $0x4000  }
0xd1: {  	[sflag:s5] =	ssyncset.done $0x0  }
0xd2: {  	[sflag:s5] =	ssyncadd.s32 $0xFFFFC000  }
0xd3: {  	[spmem:s1] =	stream.indirect.scatter.add.f32 [tilespmem:s28], [sflag:$0x2], $0x80, s10, s10, $0xb8;
	[tilespmem:$0x1BC80] =	vst v63  }
0xd4: {  	_ =	swait.ge [sflag:s11], $0x4000  }
0xd5: {  	[sflag:s11] =	ssyncset.done $0x0  }
0xd6: {  	s22 =	rddreg [dreg:$0xd];
	[sflag:s11] =	ssyncadd.s32 $0xFFFFC000  }
0xd7: {  	[tilespmem:s28], [sflag:$0x1] =	stream.linear.gather [hbm4b:s22+s2], $0x4000, $0x38;
	[tilespmem:$0x1BC80] =	vst v63  }
0xd8: {  	_ =	swait.ge [sflag:s5], $0x4000  }
0xd9: {  	[sflag:s5] =	ssyncset.done $0x0  }
0xda: {  	[sflag:s5] =	ssyncadd.s32 $0xFFFFC000  }
0xdb: {  	[spmem:s1] =	stream.indirect.scatter.add.f32 [tilespmem:s26], [sflag:$0x2], $0x80, s12, s10, $0xb8;
	[tilespmem:$0x1BC80] =	vst v63  }
0xdc: {  	_ =	swait.ge [sflag:s11], $0x4000  }
0xdd: {  	[sflag:s11] =	ssyncset.done $0x0  }
0xde: {  	s23 =	rddreg [dreg:$0xe];
	[sflag:s11] =	ssyncadd.s32 $0xFFFFC000  }
0xdf: {  	[tilespmem:s26], [sflag:$0x1] =	stream.linear.gather [hbm4b:s23+s2], $0x4000, $0x38;
	[tilespmem:$0x1BC80] =	vst v63  }
0xe0: {  	_ =	swait.ge [sflag:s5], $0x4000  }
0xe1: {  	[sflag:s5] =	ssyncset.done $0x0  }
0xe2: {  	[sflag:s5] =	ssyncadd.s32 $0xFFFFC000  }
0xe3: {  	[spmem:s1] =	stream.indirect.scatter.add.f32 [tilespmem:s28], [sflag:$0x2], $0x80, s13, s10, $0xb8;
	[tilespmem:$0x1BC80] =	vst v63  }
0xe4: {  	_ =	swait.ge [sflag:s11], $0x4000  }
0xe5: {  	[sflag:s11] =	ssyncset.done $0x0  }
0xe6: {  	s21 =	rddreg [dreg:$0xf];
	[sflag:s11] =	ssyncadd.s32 $0xFFFFC000  }
0xe7: {  	[tilespmem:s28], [sflag:$0x1] =	stream.linear.gather [hbm4b:s21+s2], $0x4000, $0x38;
	[tilespmem:$0x1BC80] =	vst v63  }
0xe8: {  	_ =	swait.ge [sflag:s5], $0x4000  }
0xe9: {  	[sflag:s5] =	ssyncset.done $0x0  }
0xea: {  	[sflag:s5] =	ssyncadd.s32 $0xFFFFC000  }
0xeb: {  	[spmem:s1] =	stream.indirect.scatter.add.f32 [tilespmem:s26], [sflag:$0x2], $0x80, s14, s10, $0xb8;
	[tilespmem:$0x1BC80] =	vst v63  }
0xec: {  	_ =	swait.ge [sflag:s11], $0x4000  }
0xed: {  	[sflag:s11] =	ssyncset.done $0x0  }
0xee: {  	s22 =	rddreg [dreg:$0x10];
	[sflag:s11] =	ssyncadd.s32 $0xFFFFC000  }
0xef: {  	[tilespmem:s26], [sflag:$0x1] =	stream.linear.gather [hbm4b:s22+s2], $0x4000, $0x38;
	[tilespmem:$0x1BC80] =	vst v63  }
0xf0: {  	_ =	swait.ge [sflag:s5], $0x4000  }
0xf1: {  	[sflag:s5] =	ssyncset.done $0x0  }
0xf2: {  	[sflag:s5] =	ssyncadd.s32 $0xFFFFC000  }
0xf3: {  	[spmem:s1] =	stream.indirect.scatter.add.f32 [tilespmem:s28], [sflag:$0x2], $0x80, s29, s10, $0xb8;
	[tilespmem:$0x1BC80] =	vst v63  }
0xf4: {  	_ =	swait.ge [sflag:s11], $0x4000  }
0xf5: {  	[sflag:s11] =	ssyncset.done $0x0  }
0xf6: {  	s23 =	rddreg [dreg:$0x11];
	[sflag:s11] =	ssyncadd.s32 $0xFFFFC000  }
0xf7: {  	[tilespmem:s28], [sflag:$0x1] =	stream.linear.gather [hbm4b:s23+s2], $0x4000, $0x38;
	[tilespmem:$0x1BC80] =	vst v63  }
0xf8: {  	_ =	swait.ge [sflag:s5], $0x4000  }
0xf9: {  	[sflag:s5] =	ssyncset.done $0x0  }
0xfa: {  	[sflag:s5] =	ssyncadd.s32 $0xFFFFC000  }
0xfb: {  	[spmem:s1] =	stream.indirect.scatter.add.f32 [tilespmem:s26], [sflag:$0x2], $0x80, s30, s10, $0xb8;
	[tilespmem:$0x1BC80] =	vst v63  }
0xfc: {  	_ =	swait.ge [sflag:s5], $0x4000  }
0xfd: {  	[sflag:s5] =	ssyncset.done $0x0  }
0xfe: {  	[sflag:s5] =	ssyncadd.s32 $0xFFFFC000  }
0xff: {  	[spmem:s1] =	stream.indirect.scatter.add.f32 [tilespmem:s28], [sflag:$0x2], $0x80, s31, s10, $0xb8;
	[tilespmem:$0x1BC80] =	vst v63  }
0x100: {  	_ =	swait.ge [sflag:s11], $0x4000  }
.Ltmp4:
0x101: {  	[sflag:s11] =	ssyncset.done $0x0;
	(pc) =	sbr.rel .LBB2_5-.Ltmp4, $4  }
0x102: {  	[sflag:s11] =	ssyncadd.s32 $0xFFFFC000  }
0x103: {  	_ =	swait.ge [sflag:s11], $0x4000  }
0x104: {  	[sflag:s11] =	ssyncset.done $0x0  }
0x105: {  	[sflag:s11] =	ssyncadd.s32 $0xFFFFC000  }
.LBB2_6:
0x106: {  	_ =	sfence.sel $0x180000  }
0x107: {  	[bflag:$0x0] =	sbarrier.arrive $0xFFFF  }
0x108: {  	_ =	strace $0x9000004D  }
0x109: {  	[bflag:$0x2] =	sbarrier.arrive $0xFFFF  }
0x10a: {  	s0 =	rddreg [dreg:$0x2]  }
0x10b: {  	s0 =	sadd.s32 @!p0 $0x100000, s0  }
0x10c: {  	[sflag:s0] =	ssyncadd.tile.s32 @!p0 $0x1;
	_ =	shalt  }
.Lfunc_end2:
_tile_overlayer_lowered:
.L_overlay_start_2:
0x10d: {  	(tag) =	ssettag $0x2  }
0x10e: {  	s0 =	rddreg [dreg:$0x0];
	s2 =	stileid.u32  }
0x10f: {  	s1 =	rddreg [dreg:$0x1];
	p0 =	sne.s32 s2, $0x0  }
0x110: {  	s3 =	rddreg [dreg:$0x2];
	[bflag:$0x3] =	sbarrier.arrive $0xFFFF;
	s2 =	simm.s32 @!p0 $0x1C03  }
0x111: {  	[timem:s3], [sflag:s2] =	dma.local @!p0 [hbm:s0], s1  }
0x112: {  	s0 =	simm.s32 @!p0 $0x3  }
0x113: {  	_ =	swait.ge @!p0 [sflag:s0], s1  }
0x114: {  	s1 =	ssub.s32 @!p0 $0x0, s1;
	[sflag:s0] =	ssyncset.done @!p0 $0x0  }
0x115: {  	[sflag:s0] =	ssyncadd.s32 @!p0 s1  }
0x116: {  	[bflag:$0x3] =	sbarrier.arrive $0xFFFF  }
0x117: {  	_ =	shalt  }

// kernel: kernel.9.cloned.1.call-start
scs
__scs_entry_jumppad:
0x0: {  	(pc) =	sbr.rel $0x88, $3  }
0x1: {  	(tag) =	ssettag $0x0;
	lr =	simm.s32 $0x1  }
0x2: {  	[smem:$0x3F99] =	sst lr;
	_ =	strace $0xD0000000  }
0x3: {  	_ = 	snop  }
0x4: {  	_ = 	snop  }
0x5: {  	_ = 	snop  }
0x6: {  	_ = 	snop  }
0x7: {  	_ = 	snop  }
__scs_overlays_trampoline_lowered:
0x8: {  	[smem:$0x3FA8] =	sst s0  }
0x9: {  	[smem:$0x3FA9] =	sst s1  }
0xa: {  	[smem:$0x3FAA] =	sst s2  }
0xb: {  	[smem:$0x3FAB] =	sst s3  }
0xc: {  	[smem:$0x3FAC] =	sst s4  }
0xd: {  	[smem:$0x3FAD] =	sst s5  }
0xe: {  	[smem:$0x3FAE] =	sst s6  }
0xf: {  	[smem:$0x3FAF] =	sst s7  }
0x10: {  	[smem:$0x3FB0] =	sst s8  }
0x11: {  	[smem:$0x3FB1] =	sst s9;
	s0 =	simm.s32 @!p0 $0x0  }
0x12: {  	s1 =	sld [smem:$0x3F97];
	s0 =	simm.s32 @p0 $0x1  }
0x13: {  	[smem:$0x3FB2] =	sst s0;
	s0 =	simm.s32 @!p1 $0x0  }
0x14: {  	s2 =	sld [smem:$0x3F96];
	s0 =	simm.s32 @p1 $0x1  }
0x15: {  	[smem:$0x3FB3] =	sst s0;
	s0 =	simm.s32 @!p2 $0x0  }
0x16: {  	s3 =	sld [smem:$0x3FDB];
	s0 =	simm.s32 @p2 $0x1  }
0x17: {  	s4 =	simm.s32 $0x1BF5;
	[smem:$0x3FB5] =	sst s0  }
0x18: {  	s0 =	sld [smem:$0x3F98];
	_ =	swait.ge [sflag:s4], $0x0  }
0x19: {  	s7 =	sld [smem:$0x3F99]  }
0x1a: {  	s8 =	sadd.s32 $0xFFFFE003, lr  }
0x1b: {  	s9 =	sadd.s32 $0xFFFFFEF7, lr;
	s5 =	simm.s32 $0xFFFFFFFF;
	p2 =	slt.u32 s8, $0xFFFFF086  }
0x1c: {  	p1 =	slt.u32 s9, $0xF7A;
	s5 =	simm.s32 @!p2 $0x0  }
0x1d: {  	s5 =	simm.s32 @p1 $0x1;
	p0 =	seq.s32 s7, s2  }
0x1e: {  	s7 =	smul.u32 @!p0 $0xF7A, s2;
	p2 =	seq.s32 @!p0 s5, $0x0  }
0x1f: {  	s9 =	smul.u32 $0xF7A, s1;
	s8 =	simm.s32 @!p0 $0x1BF5;
	p2 =	por !p2, p0  }
0x20: {  	[sflag:s8] =	ssyncset.s32 @!p0 $0xFFFFF086;
	s6 =	sadd.s32 @!p0 s3, s7;
	s7 =	simm.s32 @!p0 $0x108  }
0x21: {  	s3 =	sadd.s32 s3, s9;
	s6 =	sadd.s32 @!p0 $0x88, s6;
	s7 =	simm.s32 @p2 $0x1082  }
0x22: {  	[simem:s7], [sflag:s8] =	dma.local @!p0 [hbm:s6], $0xF7A  }
0x23: {  	s9 =	sor.u32 $0xD0000000, s2;
	s6 =	simm.s32 $0x108;
	_ =	swait.ge @!p0 [sflag:s8], $0x0  }
0x24: {  	s3 =	sadd.s32 $0x88, s3;
	s6 =	simm.s32 @!p1 $0x1082;
	[sflag:s4] =	ssyncset.s32 $0xFFFFF086  }
0x25: {  	[simem:s6], [sflag:s4] =	dma.local [hbm:s3], $0xF7A  }
0x26: {  	[smem:$0x3F99] =	sst s1;
	(tag) =	ssettag s2;
	_ =	strace s9  }
0x27: {  	s1 =	sld [smem:$0x3FA9]  }
0x28: {  	s2 =	sld [smem:$0x3FAA]  }
0x29: {  	s4 =	sld [smem:$0x3FAC]  }
0x2a: {  	p0 =	seq.s32 s5, $0x0;
	s5 =	sld [smem:$0x3FAD]  }
0x2b: {  	s6 =	sld [smem:$0x3FAE]  }
0x2c: {  	s7 =	sld [smem:$0x3FAF]  }
0x2d: {  	s3 =	simm.s32 $0x108;
	s8 =	sld [smem:$0x3FB0]  }
0x2e: {  	s3 =	simm.s32 @!p0 $0x1082;
	s9 =	sld [smem:$0x3FB1]  }
0x2f: {  	lr =	sadd.s32 s0, s3;
	s0 =	sld [smem:$0x3FA8]  }
0x30: {  	s3 =	sld [smem:$0x3FAB]  }
0x31: {  	[smem:$0x3FB4] =	sst s10  }
0x32: {  	s10 =	sld [smem:$0x3FB2];
	_ =	sdelay $0x3  }
0x33: {  	p0 =	seq.s32 s10, $0x1;
	s10 =	sld [smem:$0x3FB4];
	_ =	sdelay $0x3  }
0x34: {  	[smem:$0x3FB4] =	sst s10  }
0x35: {  	s10 =	sld [smem:$0x3FB3];
	_ =	sdelay $0x3  }
0x36: {  	p1 =	seq.s32 s10, $0x1;
	s10 =	sld [smem:$0x3FB4];
	_ =	sdelay $0x3  }
0x37: {  	[smem:$0x3FB4] =	sst s10  }
0x38: {  	s10 =	sld [smem:$0x3FB5]  }
0x39: {  	_ = 	snop;
	(pc) =	sbr.ind lr, $3  }
0x3a: {  	_ = 	snop  }
0x3b: {  	_ = 	snop  }
0x3c: {  	p2 =	seq.s32 s10, $0x1;
	s10 =	sld [smem:$0x3FB4]  }
0x3d: {  	_ =	shalt  }
0x3e: {  	_ =	shalt  }
0x3f: {  	_ =	shalt  }
0x40: {  	_ =	shalt  }
0x41: {  	_ =	shalt  }
0x42: {  	_ =	shalt  }
0x43: {  	_ =	shalt  }
0x44: {  	_ =	shalt  }
0x45: {  	_ =	shalt  }
0x46: {  	_ =	shalt  }
0x47: {  	_ =	shalt  }
0x48: {  	_ =	shalt  }
0x49: {  	_ =	shalt  }
0x4a: {  	_ =	shalt  }
0x4b: {  	_ =	shalt  }
0x4c: {  	_ =	shalt  }
0x4d: {  	_ =	shalt  }
0x4e: {  	_ =	shalt  }
0x4f: {  	_ =	shalt  }
0x50: {  	_ =	shalt  }
0x51: {  	_ =	shalt  }
0x52: {  	_ =	shalt  }
0x53: {  	_ =	shalt  }
0x54: {  	_ =	shalt  }
0x55: {  	_ =	shalt  }
0x56: {  	_ =	shalt  }
0x57: {  	_ =	shalt  }
0x58: {  	_ =	shalt  }
0x59: {  	_ =	shalt  }
0x5a: {  	_ =	shalt  }
0x5b: {  	_ =	shalt  }
0x5c: {  	_ =	shalt  }
0x5d: {  	_ =	shalt  }
0x5e: {  	_ =	shalt  }
0x5f: {  	_ =	shalt  }
0x60: {  	_ =	shalt  }
0x61: {  	_ =	shalt  }
0x62: {  	_ =	shalt  }
0x63: {  	_ =	shalt  }
0x64: {  	_ =	shalt  }
0x65: {  	_ =	shalt  }
0x66: {  	_ =	shalt  }
0x67: {  	_ =	shalt  }
0x68: {  	_ =	shalt  }
0x69: {  	_ =	shalt  }
0x6a: {  	_ =	shalt  }
0x6b: {  	_ =	shalt  }
0x6c: {  	_ =	shalt  }
0x6d: {  	_ =	shalt  }
0x6e: {  	_ =	shalt  }
0x6f: {  	_ =	shalt  }
0x70: {  	_ =	shalt  }
0x71: {  	_ =	shalt  }
0x72: {  	_ =	shalt  }
0x73: {  	_ =	shalt  }
0x74: {  	_ =	shalt  }
0x75: {  	_ =	shalt  }
0x76: {  	_ =	shalt  }
0x77: {  	_ =	shalt  }
0x78: {  	_ =	shalt  }
0x79: {  	_ =	shalt  }
0x7a: {  	_ =	shalt  }
0x7b: {  	_ =	shalt  }
0x7c: {  	_ =	shalt  }
0x7d: {  	_ =	shalt  }
0x7e: {  	_ =	shalt  }
0x7f: {  	_ =	shalt  }
0x80: {  	_ =	shalt  }
0x81: {  	_ =	shalt  }
0x82: {  	_ =	shalt  }
0x83: {  	_ =	shalt  }
0x84: {  	_ =	shalt  }
0x85: {  	_ =	shalt  }
0x86: {  	_ =	shalt  }
0x87: {  	_ =	shalt  }
.Lfunc_end0:
.L_simem_size_0:
called_computation_lowered:
.L_overlay_start_0:
0x88: {  	s2 =	sld [smem:$0x3FD9]  }
0x89: {  	s3 =	sld [smem:$0x3FFE];
	_ =	sdelay $0x1  }
0x8a: {  	s1 =	srdreg.scid  }
0x8b: {  	s0 =	sand.u32 $0x1, s1  }
0x8c: {  	s17 =	sshll.u32 s0, $0xA;
	s2 =	sadd.s32 s3, s2  }
0x8d: {  	s2 =	sadd.s32 s2, s17  }
0x8e: {  	[smem:$0x3FC0] =	sst s2  }
0x8f: {  	_ = 	snop  }
0x90: {  	(tm) =	ssettm $0x1  }
0x91: {  	s18 =	sld [smem:$0x3FFB];
	_ =	sdelay $0x3  }
0x92: {  	_ =	strace s18  }
0x93: {  	s2 =	sld [smem:$0x3FFC];
	_ =	sdelay $0x3  }
0x94: {  	_ =	strace s2  }
0x95: {  	s2 =	sld [smem:$0x3FFD];
	_ =	sdelay $0x3  }
0x96: {  	_ =	strace s2  }
0x97: {  	_ =	strace $0x8FFFFFFF  }
0x98: {  	s19 =	sld [smem:$0x3FDB];
	_ =	sdelay $0x1  }
0x99: {  	s20 =	simm.s32 $_scs_section_size  }
0x9a: {  	s4 =	simm.s32 $_size__tile_overlayer_lowered;
	s5 =	simm.s32 $_tile_overlayer_lowered  }
0x9b: {  	s6 =	simm.s32 $0x1BFF;
	s21 =	sshll.u32 s5, $0x1;
	s3 =	sadd.s32 s20, s19  }
0x9c: {  	s22 =	simm.s32 $0x0;
	s4 =	sshll.u32 s4, $0x1;
	s5 =	sadd.s32 s21, s3  }
0x9d: {  	[timem:s22], [sflag:s6] =	dma.local [hbm:s5], s4  }
0x9e: {  	_ =	swait.ge [sflag:s6], s4  }
0x9f: {  	s4 =	ssub.s32 $0x0, s4;
	[sflag:s6] =	ssyncset.done $0x0  }
0xa0: {  	[sflag:s6] =	ssyncadd.s32 s4;
	_ =	sdelay $0x1  }
0xa1: {  	s23 =	simm.s32 $0x1B8B  }
0xa2: {  	_ =	swait.ge [sflag:s23], $0x1  }
0xa3: {  	[sflag:s23] =	ssyncset.done $0x0  }
0xa4: {  	[sflag:s23] =	ssyncadd.s32 $0xFFFFFFFF  }
0xa5: {  	s4 =	sld [smem:$0x0]  }
0xa6: {  	s5 =	sand.u32 $0xFFFFFFFE, s1  }
0xa7: {  	p0 =	sne.s32 s1, s5  }
0xa8: {  	s5 =	sshll.u32 @p0 s5, $0xE  }
0xa9: {  	s5 =	sadd.s32 @p0 $0x11B8D, s5;
	s6 =	sshll.u32 @p0 s4, $0x11  }
0xaa: {  	s5 =	sor.u32 @p0 s6, s5  }
0xab: {  	[sflag:s5] =	ssyncadd.remote.s32 @p0 $0x1;
	_ =	sdelay $0x1  }
0xac: {  	s5 =	simm.s32 @p0 $0x1B8D  }
0xad: {  	_ =	swait.eq @p0 [sflag:s5], $0x1  }
0xae: {  	[sflag:s5] =	ssyncadd.s32 @p0 $0xFFFFFFFF  }
0xaf: {  	s6 =	sshll.u32 @!p0 s1, $0xE  }
0xb0: {  	s6 =	sor.u32 @!p0 $0x4000, s6;
	s5 =	simm.s32 @!p0 $0x1B8D  }
0xb1: {  	s4 =	sshll.u32 @!p0 s4, $0x11;
	s6 =	sadd.s32 @!p0 $0x11B8D, s6;
	_ =	swait.eq @!p0 [sflag:s5], $0x1  }
0xb2: {  	s4 =	sor.u32 @!p0 s4, s6;
	[sflag:s5] =	ssyncadd.s32 @!p0 $0xFFFFFFFF  }
0xb3: {  	s25 =	simm.s32 $0x1B8E;
	s24 =	sld [smem:$0x3FFE];
	[sflag:s4] =	ssyncadd.remote.s32 @!p0 $0x1  }
0xb4: {  	s26 =	simm.s32 $execute0_lowered;
	[smem:$0x3FD2] =	sst s25  }
0xb5: {  	s5 =	sshll.u32 s26, $0x1;
	_ =	strace $0x80000049;
	[dreg:$0x1] =	wrdreg $0xFFFFFFFF  }
0xb6: {  	s28 =	simm.s32 $_size_execute0_lowered;
	s3 =	sadd.s32 s3, s5;
	[dreg:$0x0] =	wrdreg $0x0  }
0xb7: {  	s5 =	sshll.u32 s28, $0x1;
	[dreg:$0x2] =	wrdreg s3  }
0xb8: {  	[dreg:$0x3] =	wrdreg s5  }
0xb9: {  	[dreg:$0x4] =	wrdreg $0xC0  }
0xba: {  	_ =	task [dreg:s22], $0x5FFFF  }
0xbb: {  	[dreg:$0x1] =	wrdreg $0xFFFFFFFF  }
0xbc: {  	[dreg:$0x0] =	wrdreg $0x60  }
0xbd: {  	[dreg:$0x2] =	wrdreg s24  }
0xbe: {  	[dreg:$0x3] =	wrdreg $0x9  }
0xbf: {  	_ =	task.clear_ibuf [dreg:s22], $0x4FFFF;
	_ =	strace $0x90000049  }
0xc0: {  	s29 =	simm.s32 $0x9;
	_ =	strace $0x8000004B  }
0xc1: {  	_ =	swait.ge [sflag:s29], $0x1  }
0xc2: {  	[sflag:s29] =	ssyncadd.s32 $0xFFFFFFFF  }
0xc3: {  	_ =	strace $0x9000004B  }
0xc4: {  	_ =	sfence  }
0xc5: {  	s30 =	sld [smem:$0x0];
	_ =	sdelay $0x2  }
0xc6: {  	s31 =	sshll.u32 s1, $0xD;
	s1 =	sshrl.u32 s1, $0x2  }
0xc7: {  	s4 =	sand.u32 $0x4000, s31;
	s1 =	sadd.s32 s1, s30  }
0xc8: {  	s0 =	sor.u32 s4, s0;
	s1 =	sshll.u32 s1, $0x11  }
0xc9: {  	s0 =	sor.u32 s1, s0  }
0xca: {  	s0 =	sadd.s32 $0x8F2B, s0  }
0xcb: {  	[sflag:s0] =	ssyncadd.remote.s32 $0x1  }
0xcc: {  	_ =	sfence.sel $0xFFFF  }
0xcd: {  	[dreg:$0x0] =	wrdreg $0xFFFFFFFF;
	(pc) =	sbr.abs _section_cstart, $3  }
0xce: {  	[dreg:$0x1] =	wrdreg $0xFFFFFFFF  }
0xcf: {  	_ =	task.clear_ibuf [dreg:s22], $0x2FFFF;
	_ =	strace $0x9FFFFFFF  }
0xd0: {  	(tm) =	ssettm $0x7FFFFFFF  }
0xd1: {  	_ =	shalt  }
tec
execute0_lowered:
.L_overlay_start_1:
0x0: {  	(tag) =	ssettag $0x1  }
0x1: {  	s0 =	srdreg.scid;
	s1 =	rddreg [dreg:$0x0]  }
0x2: {  	s19 =	stileid.u32;
	s20 =	rddreg [dreg:$0x1];
	s3 =	simm.s32 $0x0  }
0x3: {  	s10 =	simm.s32 $0xC400;
	s11 =	simm.s32 $0x200;
	s12 =	simm.s32 $0x280  }
0x4: {  	s13 =	simm.s32 $0x300;
	s14 =	simm.s32 $0x380;
	p2 =	por $0x0, $0x0  }
0x5: {  	s0 =	sand.u32 $0x1, s0;
	[smem:$0x7FF] =	sst s3;
	s6 =	sadd.s32 $0x164C00, s1  }
0x6: {  	s2 =	sshll.u32 s19, $0x1;
	s7 =	sadd.s32 $0x167400, s1;
	s17 =	sadd.s32 $0x169400, s1  }
0x7: {  	s21 =	sadd.s32 $0x167300, s1;
	p1 =	sgt.u32 s19, $0x6;
	s18 =	sor.u32 s0, s2  }
0x8: {  	_ =	strace $0x8000004A;
	s2 =	sadd.s32 $0x5200, s1;
	s0 =	ssub.s32 $0x2, s0  }
0x9: {  	[dreg:$0x5] =	wrdreg s21;
	s1 =	sadd.s32 $0x29F400, s1;
	s4 =	sshll.u32 s18, $0xA  }
0xa: {  	s9 =	sshll.u32 s18, $0xE;
	s22 =	sshll.u32 s18, $0x7;
	[dreg:$0x6] =	wrdreg s1  }
0xb: {  	s28 =	sshrl.u32 s0, $0x1;
	p0 =	sne.s32 s18, $0xE;
	s5 =	sor.u32 $0x10000, s4  }
0xc: {  	s15 =	sadd.s32 s7, s9;
	s23 =	sadd.s32 s6, s22;
	s4 =	sor.u32 $0x8000, s4  }
0xd: {  	s24 =	sadd.s32 s9, s17;
	s0 =	ssub.s32 s0, s28;
	s9 =	simm.s32 $0x8400  }
0xe: {  	s8 =	sshrl.u32 s5, $0x3;
	s5 =	sshll.u32 s5, $0x4;
	[dreg:$0x7] =	wrdreg s23  }
0xf: {  	s16 =	sadd.s32 $0x102000, s15;
	s25 =	sshrl.u32 s4, $0x3;
	[dreg:$0x8] =	wrdreg s24  }
0x10: {  	s4 =	sshll.u32 s4, $0x4;
	s0 =	smax.u32 s0, $0x1;
	s8 =	sadd.s32 s6, s8  }
0x11: {  	s5 =	sadd.s32 s7, s5;
	[dreg:$0x4] =	wrdreg s16;
	s31 =	sadd.s32 $0xFFFFFFFF, s0  }
0x12: {  	s26 =	sadd.s32 s6, s25;
	s1 =	rddreg [dreg:$0x7];
	p3 =	sne.s32 s31, $0x0  }
.Ltmp0:
0x13: {  	s29 =	sadd.s32 s7, s4;
	[dreg:$0x2] =	wrdreg s8;
	(pc) =	sbr.rel @!p3 .LBB2_1-.Ltmp0, $4  }
0x14: {  	s30 =	sadd.s32 s4, s17;
	s4 =	simm.s32 $0x2;
	[dreg:$0x3] =	wrdreg s5  }
0x15: {  	s7 =	simm.s32 $0x80;
	s16 =	simm.s32 $0x100;
	[dreg:$0x9] =	wrdreg s26  }
0x16: {  	s17 =	simm.s32 $0x180;
	s6 =	simm.s32 $0x1;
	[dreg:$0xa] =	wrdreg s29  }
0x17: {  	[dreg:$0xb] =	wrdreg s30;
	s5 =	simm.s32 $0x400;
	s8 =	simm.s32 $0x4400  }
0x18: {  	[tilespmem:s3], [sflag:$0x2] =	stream.linear.gather [hbm4b:s1+s3], $0x400, $0x38;
	[tilespmem:$0x10400] =	vst v63  }
0x19: {  	_ =	swait.ge [sflag:s4], $0x400  }
0x1a: {  	[sflag:s4] =	ssyncset.done $0x0  }
0x1b: {  	[sflag:s4] =	ssyncadd.s32 $0xFFFFFC00  }
0x1c: {  	[tilespmem:s5], [sflag:$0x1] =	stream.indirect.gather [hbm4b:s2+s7], $0x80, s3, s7, $0xb8;
	[tilespmem:$0x10400] =	vst v63  }
0x1d: {  	_ = 	snop  }
0x1e: {  	[tilespmem:s8], [sflag:$0x1] =	stream.indirect.gather [hbm4b:s2+s7], $0x80, s7, s7, $0xb8;
	[tilespmem:$0x10400] =	vst v63  }
0x1f: {  	_ = 	snop  }
0x20: {  	[tilespmem:s9], [sflag:$0x1] =	stream.indirect.gather [hbm4b:s2+s7], $0x80, s16, s7, $0xb8;
	[tilespmem:$0x10400] =	vst v63  }
0x21: {  	_ = 	snop  }
0x22: {  	[tilespmem:s10], [sflag:$0x1] =	stream.indirect.gather [hbm4b:s2+s7], $0x80, s17, s7, $0xb8;
	[tilespmem:$0x10400] =	vst v63  }
0x23: {  	_ =	swait.ge [sflag:s6], $0x4000  }
0x24: {  	[sflag:s6] =	ssyncset.done $0x0  }
0x25: {  	[sflag:s6] =	ssyncadd.s32 $0xFFFFC000  }
0x26: {  	_ =	swait.ge [sflag:s6], $0x4000  }
0x27: {  	[sflag:s6] =	ssyncset.done $0x0  }
0x28: {  	[sflag:s6] =	ssyncadd.s32 $0xFFFFC000  }
0x29: {  	_ =	swait.ge [sflag:s6], $0x4000  }
0x2a: {  	[sflag:s6] =	ssyncset.done $0x0  }
0x2b: {  	[sflag:s6] =	ssyncadd.s32 $0xFFFFC000  }
0x2c: {  	_ =	swait.ge [sflag:s6], $0x4000  }
0x2d: {  	[sflag:s6] =	ssyncset.done $0x0  }
0x2e: {  	[sflag:s6] =	ssyncadd.s32 $0xFFFFC000  }
0x2f: {  	[hbm4b:s15+s3] =	stream.linear.scatter [tilespmem:s5], [sflag:$0x2], $0x10000, $0x38;
	[tilespmem:$0x10400] =	vst v63  }
0x30: {  	_ =	swait.ge [sflag:s4], $0x10000  }
0x31: {  	[sflag:s4] =	ssyncset.done $0x0  }
0x32: {  	[sflag:s4] =	ssyncadd.s32 $0xFFFF0000  }
0x33: {  	[tilespmem:s5], [sflag:$0x1] =	stream.indirect.gather [hbm4b:s2+s7], $0x80, s11, s7, $0xb8;
	[tilespmem:$0x10400] =	vst v63  }
0x34: {  	_ = 	snop  }
0x35: {  	[tilespmem:s8], [sflag:$0x1] =	stream.indirect.gather [hbm4b:s2+s7], $0x80, s12, s7, $0xb8;
	[tilespmem:$0x10400] =	vst v63  }
0x36: {  	_ = 	snop  }
0x37: {  	[tilespmem:s9], [sflag:$0x1] =	stream.indirect.gather [hbm4b:s2+s7], $0x80, s13, s7, $0xb8;
	[tilespmem:$0x10400] =	vst v63  }
0x38: {  	_ = 	snop  }
0x39: {  	[tilespmem:s10], [sflag:$0x1] =	stream.indirect.gather [hbm4b:s2+s7], $0x80, s14, s7, $0xb8;
	[tilespmem:$0x10400] =	vst v63  }
0x3a: {  	_ =	swait.ge [sflag:s6], $0x4000  }
0x3b: {  	[sflag:s6] =	ssyncset.done $0x0  }
0x3c: {  	[sflag:s6] =	ssyncadd.s32 $0xFFFFC000  }
0x3d: {  	_ =	swait.ge [sflag:s6], $0x4000  }
0x3e: {  	[sflag:s6] =	ssyncset.done $0x0  }
0x3f: {  	[sflag:s6] =	ssyncadd.s32 $0xFFFFC000  }
0x40: {  	_ =	swait.ge [sflag:s6], $0x4000  }
0x41: {  	[sflag:s6] =	ssyncset.done $0x0  }
0x42: {  	[sflag:s6] =	ssyncadd.s32 $0xFFFFC000  }
0x43: {  	_ =	swait.ge [sflag:s6], $0x4000  }
0x44: {  	[sflag:s6] =	ssyncset.done $0x0  }
0x45: {  	s0 =	rddreg [dreg:$0x8];
	[sflag:s6] =	ssyncadd.s32 $0xFFFFC000  }
0x46: {  	[hbm4b:s0+s3] =	stream.linear.scatter [tilespmem:s5], [sflag:$0x2], $0x10000, $0x38;
	[tilespmem:$0x10400] =	vst v63  }
0x47: {  	_ =	swait.ge [sflag:s4], $0x10000  }
0x48: {  	[sflag:s4] =	ssyncset.done $0x0  }
0x49: {  	s24 =	rddreg [dreg:$0x9];
	[sflag:s4] =	ssyncadd.s32 $0xFFFF0000  }
0x4a: {  	[tilespmem:s3], [sflag:$0x2] =	stream.linear.gather [hbm4b:s24+s3], $0x400, $0x38;
	[tilespmem:$0x10400] =	vst v63  }
0x4b: {  	_ =	swait.ge [sflag:s4], $0x400  }
0x4c: {  	[sflag:s4] =	ssyncset.done $0x0  }
0x4d: {  	[sflag:s4] =	ssyncadd.s32 $0xFFFFFC00  }
0x4e: {  	[tilespmem:s5], [sflag:$0x1] =	stream.indirect.gather [hbm4b:s2+s7], $0x80, s3, s7, $0xb8;
	[tilespmem:$0x10400] =	vst v63  }
0x4f: {  	_ = 	snop  }
0x50: {  	[tilespmem:s8], [sflag:$0x1] =	stream.indirect.gather [hbm4b:s2+s7], $0x80, s7, s7, $0xb8;
	[tilespmem:$0x10400] =	vst v63  }
0x51: {  	_ = 	snop  }
0x52: {  	[tilespmem:s9], [sflag:$0x1] =	stream.indirect.gather [hbm4b:s2+s7], $0x80, s16, s7, $0xb8;
	[tilespmem:$0x10400] =	vst v63  }
0x53: {  	_ = 	snop  }
0x54: {  	[tilespmem:s10], [sflag:$0x1] =	stream.indirect.gather [hbm4b:s2+s7], $0x80, s17, s7, $0xb8;
	[tilespmem:$0x10400] =	vst v63  }
0x55: {  	_ =	swait.ge [sflag:s6], $0x4000  }
0x56: {  	[sflag:s6] =	ssyncset.done $0x0  }
0x57: {  	[sflag:s6] =	ssyncadd.s32 $0xFFFFC000  }
0x58: {  	_ =	swait.ge [sflag:s6], $0x4000  }
0x59: {  	[sflag:s6] =	ssyncset.done $0x0  }
0x5a: {  	[sflag:s6] =	ssyncadd.s32 $0xFFFFC000  }
0x5b: {  	_ =	swait.ge [sflag:s6], $0x4000  }
0x5c: {  	[sflag:s6] =	ssyncset.done $0x0  }
0x5d: {  	[sflag:s6] =	ssyncadd.s32 $0xFFFFC000  }
0x5e: {  	_ =	swait.ge [sflag:s6], $0x4000  }
0x5f: {  	[sflag:s6] =	ssyncset.done $0x0  }
0x60: {  	s25 =	rddreg [dreg:$0xa];
	[sflag:s6] =	ssyncadd.s32 $0xFFFFC000  }
0x61: {  	[hbm4b:s25+s3] =	stream.linear.scatter [tilespmem:s5], [sflag:$0x2], $0x10000, $0x38;
	[tilespmem:$0x10400] =	vst v63  }
0x62: {  	_ =	swait.ge [sflag:s4], $0x10000  }
0x63: {  	[sflag:s4] =	ssyncset.done $0x0  }
0x64: {  	[sflag:s4] =	ssyncadd.s32 $0xFFFF0000  }
0x65: {  	[tilespmem:s5], [sflag:$0x1] =	stream.indirect.gather [hbm4b:s2+s7], $0x80, s11, s7, $0xb8;
	[tilespmem:$0x10400] =	vst v63  }
0x66: {  	_ = 	snop  }
0x67: {  	[tilespmem:s8], [sflag:$0x1] =	stream.indirect.gather [hbm4b:s2+s7], $0x80, s12, s7, $0xb8;
	[tilespmem:$0x10400] =	vst v63  }
0x68: {  	_ = 	snop  }
0x69: {  	[tilespmem:s9], [sflag:$0x1] =	stream.indirect.gather [hbm4b:s2+s7], $0x80, s13, s7, $0xb8;
	[tilespmem:$0x10400] =	vst v63  }
0x6a: {  	_ = 	snop  }
0x6b: {  	[tilespmem:s10], [sflag:$0x1] =	stream.indirect.gather [hbm4b:s2+s7], $0x80, s14, s7, $0xb8;
	[tilespmem:$0x10400] =	vst v63  }
0x6c: {  	_ =	swait.ge [sflag:s6], $0x4000  }
0x6d: {  	[sflag:s6] =	ssyncset.done $0x0  }
0x6e: {  	[sflag:s6] =	ssyncadd.s32 $0xFFFFC000  }
0x6f: {  	_ =	swait.ge [sflag:s6], $0x4000  }
0x70: {  	[sflag:s6] =	ssyncset.done $0x0  }
0x71: {  	[sflag:s6] =	ssyncadd.s32 $0xFFFFC000  }
0x72: {  	_ =	swait.ge [sflag:s6], $0x4000  }
0x73: {  	[sflag:s6] =	ssyncset.done $0x0  }
0x74: {  	[sflag:s6] =	ssyncadd.s32 $0xFFFFC000  }
0x75: {  	_ =	swait.ge [sflag:s6], $0x4000  }
0x76: {  	[sflag:s6] =	ssyncset.done $0x0  }
0x77: {  	s26 =	rddreg [dreg:$0xb];
	[sflag:s6] =	ssyncadd.s32 $0xFFFFC000  }
0x78: {  	[hbm4b:s26+s3] =	stream.linear.scatter [tilespmem:s5], [sflag:$0x2], $0x10000, $0x38;
	[tilespmem:$0x10400] =	vst v63  }
0x79: {  	_ =	swait.ge [sflag:s4], $0x10000  }
0x7a: {  	s18 =	simm.s32 @!p1 $0x0;
	[sflag:s4] =	ssyncset.done $0x0  }
0x7b: {  	s19 =	simm.s32 @!p1 $0x2;
	s0 =	rddreg [dreg:$0x2];
	[sflag:s4] =	ssyncadd.s32 $0xFFFF0000  }
0x7c: {  	[tilespmem:s18], [sflag:$0x2] =	stream.linear.gather @!p1 [hbm4b:s0+s18], $0x400, $0x38;
	[tilespmem:$0x10400] =	vst v63  }
0x7d: {  	_ =	swait.ge @!p1 [sflag:s19], $0x400  }
0x7e: {  	[sflag:s19] =	ssyncset.done @!p1 $0x0  }
0x7f: {  	s20 =	simm.s32 @!p1 $0x80;
	s21 =	simm.s32 @!p1 $0x400;
	[sflag:s19] =	ssyncadd.s32 @!p1 $0xFFFFFC00  }
0x80: {  	[tilespmem:s21], [sflag:$0x1] =	stream.indirect.gather @!p1 [hbm4b:s2+s20], $0x80, s18, s20, $0xb8;
	[tilespmem:$0x10400] =	vst v63  }
0x81: {  	s22 =	simm.s32 @!p1 $0x4400  }
0x82: {  	[tilespmem:s22], [sflag:$0x1] =	stream.indirect.gather @!p1 [hbm4b:s2+s20], $0x80, s20, s20, $0xb8;
	[tilespmem:$0x10400] =	vst v63  }
0x83: {  	s24 =	simm.s32 @!p1 $0x8400;
	s0 =	simm.s32 @!p1 $0x100  }
0x84: {  	[tilespmem:s24], [sflag:$0x1] =	stream.indirect.gather @!p1 [hbm4b:s2+s20], $0x80, s0, s20, $0xb8;
	[tilespmem:$0x10400] =	vst v63  }
0x85: {  	s28 =	simm.s32 @!p1 $0x1;
	s26 =	simm.s32 @!p1 $0xC400;
	s0 =	simm.s32 @!p1 $0x180  }
0x86: {  	[tilespmem:s26], [sflag:$0x1] =	stream.indirect.gather @!p1 [hbm4b:s2+s20], $0x80, s0, s20, $0xb8;
	[tilespmem:$0x10400] =	vst v63  }
0x87: {  	_ =	swait.ge @!p1 [sflag:s28], $0x4000  }
0x88: {  	[sflag:s28] =	ssyncset.done @!p1 $0x0  }
0x89: {  	[sflag:s28] =	ssyncadd.s32 @!p1 $0xFFFFC000  }
0x8a: {  	_ =	swait.ge @!p1 [sflag:s28], $0x4000  }
0x8b: {  	[sflag:s28] =	ssyncset.done @!p1 $0x0  }
0x8c: {  	[sflag:s28] =	ssyncadd.s32 @!p1 $0xFFFFC000  }
0x8d: {  	_ =	swait.ge @!p1 [sflag:s28], $0x4000  }
0x8e: {  	[sflag:s28] =	ssyncset.done @!p1 $0x0  }
0x8f: {  	[sflag:s28] =	ssyncadd.s32 @!p1 $0xFFFFC000  }
0x90: {  	_ =	swait.ge @!p1 [sflag:s28], $0x4000  }
0x91: {  	[sflag:s28] =	ssyncset.done @!p1 $0x0  }
0x92: {  	s0 =	rddreg [dreg:$0x3];
	[sflag:s28] =	ssyncadd.s32 @!p1 $0xFFFFC000  }
0x93: {  	[hbm4b:s0+s18] =	stream.linear.scatter @!p1 [tilespmem:s21], [sflag:$0x2], $0x10000, $0x38;
	[tilespmem:$0x10400] =	vst v63  }
0x94: {  	_ =	swait.ge @!p1 [sflag:s19], $0x10000  }
0x95: {  	[sflag:s19] =	ssyncset.done @!p1 $0x0  }
0x96: {  	s0 =	simm.s32 @!p1 $0x200;
	[sflag:s19] =	ssyncadd.s32 @!p1 $0xFFFF0000  }
0x97: {  	[tilespmem:s21], [sflag:$0x1] =	stream.indirect.gather @!p1 [hbm4b:s2+s20], $0x80, s0, s20, $0xb8;
	[tilespmem:$0x10400] =	vst v63  }
0x98: {  	s0 =	simm.s32 @!p1 $0x280  }
0x99: {  	[tilespmem:s22], [sflag:$0x1] =	stream.indirect.gather @!p1 [hbm4b:s2+s20], $0x80, s0, s20, $0xb8;
	[tilespmem:$0x10400] =	vst v63  }
0x9a: {  	s0 =	simm.s32 @!p1 $0x300  }
0x9b: {  	[tilespmem:s24], [sflag:$0x1] =	stream.indirect.gather @!p1 [hbm4b:s2+s20], $0x80, s0, s20, $0xb8;
	[tilespmem:$0x10400] =	vst v63  }
0x9c: {  	s0 =	simm.s32 @!p1 $0x380  }
0x9d: {  	[tilespmem:s26], [sflag:$0x1] =	stream.indirect.gather @!p1 [hbm4b:s2+s20], $0x80, s0, s20, $0xb8;
	[tilespmem:$0x10400] =	vst v63  }
0x9e: {  	_ =	swait.ge @!p1 [sflag:s28], $0x4000  }
0x9f: {  	[sflag:s28] =	ssyncset.done @!p1 $0x0  }
0xa0: {  	[sflag:s28] =	ssyncadd.s32 @!p1 $0xFFFFC000  }
0xa1: {  	_ =	swait.ge @!p1 [sflag:s28], $0x4000  }
0xa2: {  	[sflag:s28] =	ssyncset.done @!p1 $0x0  }
0xa3: {  	[sflag:s28] =	ssyncadd.s32 @!p1 $0xFFFFC000  }
0xa4: {  	_ =	swait.ge @!p1 [sflag:s28], $0x4000  }
0xa5: {  	[sflag:s28] =	ssyncset.done @!p1 $0x0  }
0xa6: {  	[sflag:s28] =	ssyncadd.s32 @!p1 $0xFFFFC000  }
0xa7: {  	_ =	swait.ge @!p1 [sflag:s28], $0x4000  }
0xa8: {  	[sflag:s28] =	ssyncset.done @!p1 $0x0  }
0xa9: {  	s0 =	rddreg [dreg:$0x4];
	[sflag:s28] =	ssyncadd.s32 @!p1 $0xFFFFC000  }
0xaa: {  	[hbm4b:s0+s18] =	stream.linear.scatter @!p1 [tilespmem:s21], [sflag:$0x2], $0x10000, $0x38;
	[tilespmem:$0x10400] =	vst v63  }
0xab: {  	_ =	swait.ge @!p1 [sflag:s19], $0x10000  }
0xac: {  	s23 =	simm.s32 @!p0 $0x0;
	[sflag:s19] =	ssyncset.done @!p1 $0x0  }
0xad: {  	s0 =	simm.s32 @!p0 $0x2;
	s1 =	rddreg [dreg:$0x5];
	[sflag:s19] =	ssyncadd.s32 @!p1 $0xFFFF0000  }
0xae: {  	[tilespmem:s23], [sflag:$0x2] =	stream.linear.gather @!p0 [hbm4b:s1+s23], $0x80, $0x38;
	[tilespmem:$0x10400] =	vst v63  }
0xaf: {  	_ =	swait.ge @!p0 [sflag:s0], $0x80  }
0xb0: {  	s29 =	simm.s32 @!p0 $0x80;
	s30 =	simm.s32 @!p0 $0x400;
	[sflag:s0] =	ssyncset.done @!p0 $0x0  }
0xb1: {  	s31 =	sadd.s32 $0xFFFFFFFF, s31;
	s25 =	simm.s32 @!p0 $0x1;
	[sflag:s0] =	ssyncadd.s32 @!p0 $0xFFFFFF80  }
0xb2: {  	[tilespmem:s30], [sflag:$0x1] =	stream.indirect.gather @!p0 [hbm4b:s2+s29], $0x80, s23, s29, $0xb8;
	[tilespmem:$0x10400] =	vst v63  }
0xb3: {  	p3 =	sne.s32 s31, $0x0;
	_ =	swait.ge @!p0 [sflag:s25], $0x4000  }
.Ltmp1:
0xb4: {  	[sflag:s25] =	ssyncset.done @!p0 $0x0;
	(pc) =	sbr.rel @!p3 .LBB2_3-.Ltmp1, $4  }
0xb5: {  	s1 =	rddreg [dreg:$0x6];
	[sflag:s25] =	ssyncadd.s32 @!p0 $0xFFFFC000  }
0xb6: {  	[hbm4b:s1+s23] =	stream.linear.scatter @!p0 [tilespmem:s30], [sflag:$0x2], $0x4000, $0x38;
	[tilespmem:$0x10400] =	vst v63  }
0xb7: {  	_ =	swait.ge @!p0 [sflag:s0], $0x4000  }
0xb8: {  	p2 =	por $0x1, $0x1;
	s1 =	rddreg [dreg:$0x7];
	[sflag:s0] =	ssyncset.done @!p0 $0x0  }
.LBB2_4:
0xb9: {  	[sflag:s0] =	ssyncadd.s32 @!p0 $0xFFFFC000  }
0xba: {  	[tilespmem:s3], [sflag:$0x2] =	stream.linear.gather [hbm4b:s1+s3], $0x400, $0x38;
	[tilespmem:$0x10400] =	vst v63  }
0xbb: {  	_ =	swait.ge [sflag:s4], $0x400  }
0xbc: {  	[sflag:s4] =	ssyncset.done $0x0  }
0xbd: {  	[sflag:s4] =	ssyncadd.s32 $0xFFFFFC00  }
0xbe: {  	[tilespmem:s5], [sflag:$0x1] =	stream.indirect.gather [hbm4b:s2+s7], $0x80, s3, s7, $0xb8;
	[tilespmem:$0x10400] =	vst v63  }
0xbf: {  	_ = 	snop  }
0xc0: {  	[tilespmem:s8], [sflag:$0x1] =	stream.indirect.gather [hbm4b:s2+s7], $0x80, s7, s7, $0xb8;
	[tilespmem:$0x10400] =	vst v63  }
0xc1: {  	_ = 	snop  }
0xc2: {  	[tilespmem:s9], [sflag:$0x1] =	stream.indirect.gather [hbm4b:s2+s7], $0x80, s16, s7, $0xb8;
	[tilespmem:$0x10400] =	vst v63  }
0xc3: {  	_ = 	snop  }
0xc4: {  	[tilespmem:s10], [sflag:$0x1] =	stream.indirect.gather [hbm4b:s2+s7], $0x80, s17, s7, $0xb8;
	[tilespmem:$0x10400] =	vst v63  }
0xc5: {  	_ =	swait.ge [sflag:s6], $0x4000  }
0xc6: {  	[sflag:s6] =	ssyncset.done $0x0  }
0xc7: {  	[sflag:s6] =	ssyncadd.s32 $0xFFFFC000  }
0xc8: {  	_ =	swait.ge [sflag:s6], $0x4000  }
0xc9: {  	[sflag:s6] =	ssyncset.done $0x0  }
0xca: {  	[sflag:s6] =	ssyncadd.s32 $0xFFFFC000  }
0xcb: {  	_ =	swait.ge [sflag:s6], $0x4000  }
0xcc: {  	[sflag:s6] =	ssyncset.done $0x0  }
0xcd: {  	[sflag:s6] =	ssyncadd.s32 $0xFFFFC000  }
0xce: {  	_ =	swait.ge [sflag:s6], $0x4000  }
0xcf: {  	[sflag:s6] =	ssyncset.done $0x0  }
0xd0: {  	[sflag:s6] =	ssyncadd.s32 $0xFFFFC000  }
0xd1: {  	[hbm4b:s15+s3] =	stream.linear.scatter [tilespmem:s5], [sflag:$0x2], $0x10000, $0x38;
	[tilespmem:$0x10400] =	vst v63  }
0xd2: {  	_ =	swait.ge [sflag:s4], $0x10000  }
0xd3: {  	[sflag:s4] =	ssyncset.done $0x0  }
0xd4: {  	[sflag:s4] =	ssyncadd.s32 $0xFFFF0000  }
0xd5: {  	[tilespmem:s5], [sflag:$0x1] =	stream.indirect.gather [hbm4b:s2+s7], $0x80, s11, s7, $0xb8;
	[tilespmem:$0x10400] =	vst v63  }
0xd6: {  	_ = 	snop  }
0xd7: {  	[tilespmem:s8], [sflag:$0x1] =	stream.indirect.gather [hbm4b:s2+s7], $0x80, s12, s7, $0xb8;
	[tilespmem:$0x10400] =	vst v63  }
0xd8: {  	_ = 	snop  }
0xd9: {  	[tilespmem:s9], [sflag:$0x1] =	stream.indirect.gather [hbm4b:s2+s7], $0x80, s13, s7, $0xb8;
	[tilespmem:$0x10400] =	vst v63  }
0xda: {  	_ = 	snop  }
0xdb: {  	[tilespmem:s10], [sflag:$0x1] =	stream.indirect.gather [hbm4b:s2+s7], $0x80, s14, s7, $0xb8;
	[tilespmem:$0x10400] =	vst v63  }
0xdc: {  	_ =	swait.ge [sflag:s6], $0x4000  }
0xdd: {  	[sflag:s6] =	ssyncset.done $0x0  }
0xde: {  	[sflag:s6] =	ssyncadd.s32 $0xFFFFC000  }
0xdf: {  	_ =	swait.ge [sflag:s6], $0x4000  }
0xe0: {  	[sflag:s6] =	ssyncset.done $0x0  }
0xe1: {  	[sflag:s6] =	ssyncadd.s32 $0xFFFFC000  }
0xe2: {  	_ =	swait.ge [sflag:s6], $0x4000  }
0xe3: {  	[sflag:s6] =	ssyncset.done $0x0  }
0xe4: {  	[sflag:s6] =	ssyncadd.s32 $0xFFFFC000  }
0xe5: {  	_ =	swait.ge [sflag:s6], $0x4000  }
0xe6: {  	[sflag:s6] =	ssyncset.done $0x0  }
0xe7: {  	s1 =	rddreg [dreg:$0x8];
	[sflag:s6] =	ssyncadd.s32 $0xFFFFC000  }
0xe8: {  	[hbm4b:s1+s3] =	stream.linear.scatter [tilespmem:s5], [sflag:$0x2], $0x10000, $0x38;
	[tilespmem:$0x10400] =	vst v63  }
0xe9: {  	_ =	swait.ge [sflag:s4], $0x10000  }
0xea: {  	[sflag:s4] =	ssyncset.done $0x0  }
0xeb: {  	s1 =	rddreg [dreg:$0x9];
	[sflag:s4] =	ssyncadd.s32 $0xFFFF0000  }
0xec: {  	[tilespmem:s3], [sflag:$0x2] =	stream.linear.gather [hbm4b:s1+s3], $0x400, $0x38;
	[tilespmem:$0x10400] =	vst v63  }
0xed: {  	_ =	swait.ge [sflag:s4], $0x400  }
0xee: {  	[sflag:s4] =	ssyncset.done $0x0  }
0xef: {  	[sflag:s4] =	ssyncadd.s32 $0xFFFFFC00  }
0xf0: {  	[tilespmem:s5], [sflag:$0x1] =	stream.indirect.gather [hbm4b:s2+s7], $0x80, s3, s7, $0xb8;
	[tilespmem:$0x10400] =	vst v63  }
0xf1: {  	_ = 	snop  }
0xf2: {  	[tilespmem:s8], [sflag:$0x1] =	stream.indirect.gather [hbm4b:s2+s7], $0x80, s7, s7, $0xb8;
	[tilespmem:$0x10400] =	vst v63  }
0xf3: {  	_ = 	snop  }
0xf4: {  	[tilespmem:s9], [sflag:$0x1] =	stream.indirect.gather [hbm4b:s2+s7], $0x80, s16, s7, $0xb8;
	[tilespmem:$0x10400] =	vst v63  }
0xf5: {  	_ = 	snop  }
0xf6: {  	[tilespmem:s10], [sflag:$0x1] =	stream.indirect.gather [hbm4b:s2+s7], $0x80, s17, s7, $0xb8;
	[tilespmem:$0x10400] =	vst v63  }
0xf7: {  	_ =	swait.ge [sflag:s6], $0x4000  }
0xf8: {  	[sflag:s6] =	ssyncset.done $0x0  }
0xf9: {  	[sflag:s6] =	ssyncadd.s32 $0xFFFFC000  }
0xfa: {  	_ =	swait.ge [sflag:s6], $0x4000  }
0xfb: {  	[sflag:s6] =	ssyncset.done $0x0  }
0xfc: {  	[sflag:s6] =	ssyncadd.s32 $0xFFFFC000  }
0xfd: {  	_ =	swait.ge [sflag:s6], $0x4000  }
0xfe: {  	[sflag:s6] =	ssyncset.done $0x0  }
0xff: {  	[sflag:s6] =	ssyncadd.s32 $0xFFFFC000  }
0x100: {  	_ =	swait.ge [sflag:s6], $0x4000  }
0x101: {  	[sflag:s6] =	ssyncset.done $0x0  }
0x102: {  	s1 =	rddreg [dreg:$0xa];
	[sflag:s6] =	ssyncadd.s32 $0xFFFFC000  }
0x103: {  	[hbm4b:s1+s3] =	stream.linear.scatter [tilespmem:s5], [sflag:$0x2], $0x10000, $0x38;
	[tilespmem:$0x10400] =	vst v63  }
0x104: {  	_ =	swait.ge [sflag:s4], $0x10000  }
0x105: {  	[sflag:s4] =	ssyncset.done $0x0  }
0x106: {  	[sflag:s4] =	ssyncadd.s32 $0xFFFF0000  }
0x107: {  	[tilespmem:s5], [sflag:$0x1] =	stream.indirect.gather [hbm4b:s2+s7], $0x80, s11, s7, $0xb8;
	[tilespmem:$0x10400] =	vst v63  }
0x108: {  	_ = 	snop  }
0x109: {  	[tilespmem:s8], [sflag:$0x1] =	stream.indirect.gather [hbm4b:s2+s7], $0x80, s12, s7, $0xb8;
	[tilespmem:$0x10400] =	vst v63  }
0x10a: {  	_ = 	snop  }
0x10b: {  	[tilespmem:s9], [sflag:$0x1] =	stream.indirect.gather [hbm4b:s2+s7], $0x80, s13, s7, $0xb8;
	[tilespmem:$0x10400] =	vst v63  }
0x10c: {  	_ = 	snop  }
0x10d: {  	[tilespmem:s10], [sflag:$0x1] =	stream.indirect.gather [hbm4b:s2+s7], $0x80, s14, s7, $0xb8;
	[tilespmem:$0x10400] =	vst v63  }
0x10e: {  	_ =	swait.ge [sflag:s6], $0x4000  }
0x10f: {  	[sflag:s6] =	ssyncset.done $0x0  }
0x110: {  	[sflag:s6] =	ssyncadd.s32 $0xFFFFC000  }
0x111: {  	_ =	swait.ge [sflag:s6], $0x4000  }
0x112: {  	[sflag:s6] =	ssyncset.done $0x0  }
0x113: {  	[sflag:s6] =	ssyncadd.s32 $0xFFFFC000  }
0x114: {  	_ =	swait.ge [sflag:s6], $0x4000  }
0x115: {  	[sflag:s6] =	ssyncset.done $0x0  }
0x116: {  	[sflag:s6] =	ssyncadd.s32 $0xFFFFC000  }
0x117: {  	_ =	swait.ge [sflag:s6], $0x4000  }
0x118: {  	[sflag:s6] =	ssyncset.done $0x0  }
0x119: {  	s1 =	rddreg [dreg:$0xb];
	[sflag:s6] =	ssyncadd.s32 $0xFFFFC000  }
0x11a: {  	[hbm4b:s1+s3] =	stream.linear.scatter [tilespmem:s5], [sflag:$0x2], $0x10000, $0x38;
	[tilespmem:$0x10400] =	vst v63  }
0x11b: {  	_ =	swait.ge [sflag:s4], $0x10000  }
0x11c: {  	[sflag:s4] =	ssyncset.done $0x0  }
0x11d: {  	s1 =	rddreg [dreg:$0x2];
	[sflag:s4] =	ssyncadd.s32 $0xFFFF0000  }
0x11e: {  	[tilespmem:s18], [sflag:$0x2] =	stream.linear.gather @!p1 [hbm4b:s1+s18], $0x400, $0x38;
	[tilespmem:$0x10400] =	vst v63  }
0x11f: {  	_ =	swait.ge @!p1 [sflag:s19], $0x400  }
0x120: {  	[sflag:s19] =	ssyncset.done @!p1 $0x0  }
0x121: {  	[sflag:s19] =	ssyncadd.s32 @!p1 $0xFFFFFC00  }
0x122: {  	[tilespmem:s21], [sflag:$0x1] =	stream.indirect.gather @!p1 [hbm4b:s2+s20], $0x80, s18, s20, $0xb8;
	[tilespmem:$0x10400] =	vst v63  }
0x123: {  	_ = 	snop  }
0x124: {  	[tilespmem:s22], [sflag:$0x1] =	stream.indirect.gather @!p1 [hbm4b:s2+s20], $0x80, s20, s20, $0xb8;
	[tilespmem:$0x10400] =	vst v63  }
0x125: {  	s1 =	simm.s32 @!p1 $0x100  }
0x126: {  	[tilespmem:s24], [sflag:$0x1] =	stream.indirect.gather @!p1 [hbm4b:s2+s20], $0x80, s1, s20, $0xb8;
	[tilespmem:$0x10400] =	vst v63  }
0x127: {  	s1 =	simm.s32 @!p1 $0x180  }
0x128: {  	[tilespmem:s26], [sflag:$0x1] =	stream.indirect.gather @!p1 [hbm4b:s2+s20], $0x80, s1, s20, $0xb8;
	[tilespmem:$0x10400] =	vst v63  }
0x129: {  	_ =	swait.ge @!p1 [sflag:s28], $0x4000  }
0x12a: {  	[sflag:s28] =	ssyncset.done @!p1 $0x0  }
0x12b: {  	[sflag:s28] =	ssyncadd.s32 @!p1 $0xFFFFC000  }
0x12c: {  	_ =	swait.ge @!p1 [sflag:s28], $0x4000  }
0x12d: {  	[sflag:s28] =	ssyncset.done @!p1 $0x0  }
0x12e: {  	[sflag:s28] =	ssyncadd.s32 @!p1 $0xFFFFC000  }
0x12f: {  	_ =	swait.ge @!p1 [sflag:s28], $0x4000  }
0x130: {  	[sflag:s28] =	ssyncset.done @!p1 $0x0  }
0x131: {  	[sflag:s28] =	ssyncadd.s32 @!p1 $0xFFFFC000  }
0x132: {  	_ =	swait.ge @!p1 [sflag:s28], $0x4000  }
0x133: {  	[sflag:s28] =	ssyncset.done @!p1 $0x0  }
0x134: {  	s1 =	rddreg [dreg:$0x3];
	[sflag:s28] =	ssyncadd.s32 @!p1 $0xFFFFC000  }
0x135: {  	[hbm4b:s1+s18] =	stream.linear.scatter @!p1 [tilespmem:s21], [sflag:$0x2], $0x10000, $0x38;
	[tilespmem:$0x10400] =	vst v63  }
0x136: {  	_ =	swait.ge @!p1 [sflag:s19], $0x10000  }
0x137: {  	[sflag:s19] =	ssyncset.done @!p1 $0x0  }
0x138: {  	s1 =	simm.s32 @!p1 $0x200;
	[sflag:s19] =	ssyncadd.s32 @!p1 $0xFFFF0000  }
0x139: {  	[tilespmem:s21], [sflag:$0x1] =	stream.indirect.gather @!p1 [hbm4b:s2+s20], $0x80, s1, s20, $0xb8;
	[tilespmem:$0x10400] =	vst v63  }
0x13a: {  	s1 =	simm.s32 @!p1 $0x280  }
0x13b: {  	[tilespmem:s22], [sflag:$0x1] =	stream.indirect.gather @!p1 [hbm4b:s2+s20], $0x80, s1, s20, $0xb8;
	[tilespmem:$0x10400] =	vst v63  }
0x13c: {  	s1 =	simm.s32 @!p1 $0x300  }
0x13d: {  	[tilespmem:s24], [sflag:$0x1] =	stream.indirect.gather @!p1 [hbm4b:s2+s20], $0x80, s1, s20, $0xb8;
	[tilespmem:$0x10400] =	vst v63  }
0x13e: {  	s1 =	simm.s32 @!p1 $0x380  }
0x13f: {  	[tilespmem:s26], [sflag:$0x1] =	stream.indirect.gather @!p1 [hbm4b:s2+s20], $0x80, s1, s20, $0xb8;
	[tilespmem:$0x10400] =	vst v63  }
0x140: {  	_ =	swait.ge @!p1 [sflag:s28], $0x4000  }
0x141: {  	[sflag:s28] =	ssyncset.done @!p1 $0x0  }
0x142: {  	[sflag:s28] =	ssyncadd.s32 @!p1 $0xFFFFC000  }
0x143: {  	_ =	swait.ge @!p1 [sflag:s28], $0x4000  }
0x144: {  	[sflag:s28] =	ssyncset.done @!p1 $0x0  }
0x145: {  	[sflag:s28] =	ssyncadd.s32 @!p1 $0xFFFFC000  }
0x146: {  	_ =	swait.ge @!p1 [sflag:s28], $0x4000  }
0x147: {  	[sflag:s28] =	ssyncset.done @!p1 $0x0  }
0x148: {  	[sflag:s28] =	ssyncadd.s32 @!p1 $0xFFFFC000  }
0x149: {  	_ =	swait.ge @!p1 [sflag:s28], $0x4000  }
0x14a: {  	[sflag:s28] =	ssyncset.done @!p1 $0x0  }
0x14b: {  	s1 =	rddreg [dreg:$0x4];
	[sflag:s28] =	ssyncadd.s32 @!p1 $0xFFFFC000  }
0x14c: {  	[hbm4b:s1+s18] =	stream.linear.scatter @!p1 [tilespmem:s21], [sflag:$0x2], $0x10000, $0x38;
	[tilespmem:$0x10400] =	vst v63  }
0x14d: {  	_ =	swait.ge @!p1 [sflag:s19], $0x10000  }
0x14e: {  	[sflag:s19] =	ssyncset.done @!p1 $0x0  }
0x14f: {  	s1 =	rddreg [dreg:$0x5];
	[sflag:s19] =	ssyncadd.s32 @!p1 $0xFFFF0000  }
0x150: {  	[tilespmem:s23], [sflag:$0x2] =	stream.linear.gather @!p0 [hbm4b:s1+s23], $0x80, $0x38;
	[tilespmem:$0x10400] =	vst v63  }
0x151: {  	_ =	swait.ge @!p0 [sflag:s0], $0x80  }
0x152: {  	[sflag:s0] =	ssyncset.done @!p0 $0x0  }
0x153: {  	s31 =	sadd.s32 $0xFFFFFFFF, s31;
	[sflag:s0] =	ssyncadd.s32 @!p0 $0xFFFFFF80  }
0x154: {  	[tilespmem:s30], [sflag:$0x1] =	stream.indirect.gather @!p0 [hbm4b:s2+s29], $0x80, s23, s29, $0xb8;
	[tilespmem:$0x10400] =	vst v63  }
0x155: {  	p3 =	sne.s32 s31, $0x0;
	_ =	swait.ge @!p0 [sflag:s25], $0x4000  }
.Ltmp2:
0x156: {  	[sflag:s25] =	ssyncset.done @!p0 $0x0;
	(pc) =	sbr.rel @p3 .LBB2_4-.Ltmp2, $4  }
0x157: {  	s1 =	rddreg [dreg:$0x6];
	[sflag:s25] =	ssyncadd.s32 @!p0 $0xFFFFC000  }
0x158: {  	[hbm4b:s1+s23] =	stream.linear.scatter @!p0 [tilespmem:s30], [sflag:$0x2], $0x4000, $0x38;
	[tilespmem:$0x10400] =	vst v63  }
0x159: {  	_ =	swait.ge @!p0 [sflag:s0], $0x4000  }
0x15a: {  	s1 =	rddreg [dreg:$0x7];
	[sflag:s0] =	ssyncset.done @!p0 $0x0  }
0x15b: {  	s19 =	stileid.u32;
	s20 =	rddreg [dreg:$0x1]  }
.LBB2_6:
0x15c: {  	p2 =	por p0, !p2  }
0x15d: {  	[sflag:s0] =	ssyncadd.s32 @!p2 $0xFFFFC000  }
0x15e: {  	[tilespmem:s3], [sflag:$0x2] =	stream.linear.gather [hbm4b:s1+s3], $0x400, $0x38;
	[tilespmem:$0x10400] =	vst v63  }
0x15f: {  	_ =	swait.ge [sflag:s4], $0x400  }
0x160: {  	[sflag:s4] =	ssyncset.done $0x0  }
0x161: {  	[sflag:s4] =	ssyncadd.s32 $0xFFFFFC00  }
0x162: {  	[tilespmem:s5], [sflag:$0x1] =	stream.indirect.gather [hbm4b:s2+s7], $0x80, s3, s7, $0xb8;
	[tilespmem:$0x10400] =	vst v63  }
0x163: {  	_ = 	snop  }
0x164: {  	[tilespmem:s8], [sflag:$0x1] =	stream.indirect.gather [hbm4b:s2+s7], $0x80, s7, s7, $0xb8;
	[tilespmem:$0x10400] =	vst v63  }
0x165: {  	_ = 	snop  }
0x166: {  	[tilespmem:s9], [sflag:$0x1] =	stream.indirect.gather [hbm4b:s2+s7], $0x80, s16, s7, $0xb8;
	[tilespmem:$0x10400] =	vst v63  }
0x167: {  	_ = 	snop  }
0x168: {  	[tilespmem:s10], [sflag:$0x1] =	stream.indirect.gather [hbm4b:s2+s7], $0x80, s17, s7, $0xb8;
	[tilespmem:$0x10400] =	vst v63  }
0x169: {  	_ =	swait.ge [sflag:s6], $0x4000  }
0x16a: {  	[sflag:s6] =	ssyncset.done $0x0  }
0x16b: {  	[sflag:s6] =	ssyncadd.s32 $0xFFFFC000  }
0x16c: {  	_ =	swait.ge [sflag:s6], $0x4000  }
0x16d: {  	[sflag:s6] =	ssyncset.done $0x0  }
0x16e: {  	[sflag:s6] =	ssyncadd.s32 $0xFFFFC000  }
0x16f: {  	_ =	swait.ge [sflag:s6], $0x4000  }
0x170: {  	[sflag:s6] =	ssyncset.done $0x0  }
0x171: {  	[sflag:s6] =	ssyncadd.s32 $0xFFFFC000  }
0x172: {  	_ =	swait.ge [sflag:s6], $0x4000  }
0x173: {  	[sflag:s6] =	ssyncset.done $0x0  }
0x174: {  	[sflag:s6] =	ssyncadd.s32 $0xFFFFC000  }
0x175: {  	[hbm4b:s15+s3] =	stream.linear.scatter [tilespmem:s5], [sflag:$0x2], $0x10000, $0x38;
	[tilespmem:$0x10400] =	vst v63  }
0x176: {  	_ =	swait.ge [sflag:s4], $0x10000  }
0x177: {  	[sflag:s4] =	ssyncset.done $0x0  }
0x178: {  	[sflag:s4] =	ssyncadd.s32 $0xFFFF0000  }
0x179: {  	[tilespmem:s5], [sflag:$0x1] =	stream.indirect.gather [hbm4b:s2+s7], $0x80, s11, s7, $0xb8;
	[tilespmem:$0x10400] =	vst v63  }
0x17a: {  	_ = 	snop  }
0x17b: {  	[tilespmem:s8], [sflag:$0x1] =	stream.indirect.gather [hbm4b:s2+s7], $0x80, s12, s7, $0xb8;
	[tilespmem:$0x10400] =	vst v63  }
0x17c: {  	_ = 	snop  }
0x17d: {  	[tilespmem:s9], [sflag:$0x1] =	stream.indirect.gather [hbm4b:s2+s7], $0x80, s13, s7, $0xb8;
	[tilespmem:$0x10400] =	vst v63  }
0x17e: {  	_ = 	snop  }
0x17f: {  	[tilespmem:s10], [sflag:$0x1] =	stream.indirect.gather [hbm4b:s2+s7], $0x80, s14, s7, $0xb8;
	[tilespmem:$0x10400] =	vst v63  }
0x180: {  	_ =	swait.ge [sflag:s6], $0x4000  }
0x181: {  	[sflag:s6] =	ssyncset.done $0x0  }
0x182: {  	[sflag:s6] =	ssyncadd.s32 $0xFFFFC000  }
0x183: {  	_ =	swait.ge [sflag:s6], $0x4000  }
0x184: {  	[sflag:s6] =	ssyncset.done $0x0  }
0x185: {  	[sflag:s6] =	ssyncadd.s32 $0xFFFFC000  }
0x186: {  	_ =	swait.ge [sflag:s6], $0x4000  }
0x187: {  	[sflag:s6] =	ssyncset.done $0x0  }
0x188: {  	[sflag:s6] =	ssyncadd.s32 $0xFFFFC000  }
0x189: {  	_ =	swait.ge [sflag:s6], $0x4000  }
0x18a: {  	[sflag:s6] =	ssyncset.done $0x0  }
0x18b: {  	s28 =	rddreg [dreg:$0x8];
	[sflag:s6] =	ssyncadd.s32 $0xFFFFC000  }
0x18c: {  	[hbm4b:s28+s3] =	stream.linear.scatter [tilespmem:s5], [sflag:$0x2], $0x10000, $0x38;
	[tilespmem:$0x10400] =	vst v63  }
0x18d: {  	_ =	swait.ge [sflag:s4], $0x10000  }
0x18e: {  	[sflag:s4] =	ssyncset.done $0x0  }
0x18f: {  	s29 =	rddreg [dreg:$0x9];
	[sflag:s4] =	ssyncadd.s32 $0xFFFF0000  }
0x190: {  	[tilespmem:s3], [sflag:$0x2] =	stream.linear.gather [hbm4b:s29+s3], $0x400, $0x38;
	[tilespmem:$0x10400] =	vst v63  }
0x191: {  	_ =	swait.ge [sflag:s4], $0x400  }
0x192: {  	[sflag:s4] =	ssyncset.done $0x0  }
0x193: {  	[sflag:s4] =	ssyncadd.s32 $0xFFFFFC00  }
0x194: {  	[tilespmem:s5], [sflag:$0x1] =	stream.indirect.gather [hbm4b:s2+s7], $0x80, s3, s7, $0xb8;
	[tilespmem:$0x10400] =	vst v63  }
0x195: {  	_ = 	snop  }
0x196: {  	[tilespmem:s8], [sflag:$0x1] =	stream.indirect.gather [hbm4b:s2+s7], $0x80, s7, s7, $0xb8;
	[tilespmem:$0x10400] =	vst v63  }
0x197: {  	_ = 	snop  }
0x198: {  	[tilespmem:s9], [sflag:$0x1] =	stream.indirect.gather [hbm4b:s2+s7], $0x80, s16, s7, $0xb8;
	[tilespmem:$0x10400] =	vst v63  }
0x199: {  	_ = 	snop  }
0x19a: {  	[tilespmem:s10], [sflag:$0x1] =	stream.indirect.gather [hbm4b:s2+s7], $0x80, s17, s7, $0xb8;
	[tilespmem:$0x10400] =	vst v63  }
0x19b: {  	_ =	swait.ge [sflag:s6], $0x4000  }
0x19c: {  	[sflag:s6] =	ssyncset.done $0x0  }
0x19d: {  	[sflag:s6] =	ssyncadd.s32 $0xFFFFC000  }
0x19e: {  	_ =	swait.ge [sflag:s6], $0x4000  }
0x19f: {  	[sflag:s6] =	ssyncset.done $0x0  }
0x1a0: {  	[sflag:s6] =	ssyncadd.s32 $0xFFFFC000  }
0x1a1: {  	_ =	swait.ge [sflag:s6], $0x4000  }
0x1a2: {  	[sflag:s6] =	ssyncset.done $0x0  }
0x1a3: {  	[sflag:s6] =	ssyncadd.s32 $0xFFFFC000  }
0x1a4: {  	_ =	swait.ge [sflag:s6], $0x4000  }
0x1a5: {  	[sflag:s6] =	ssyncset.done $0x0  }
0x1a6: {  	s30 =	rddreg [dreg:$0xa];
	[sflag:s6] =	ssyncadd.s32 $0xFFFFC000  }
0x1a7: {  	[hbm4b:s30+s3] =	stream.linear.scatter [tilespmem:s5], [sflag:$0x2], $0x10000, $0x38;
	[tilespmem:$0x10400] =	vst v63  }
0x1a8: {  	_ =	swait.ge [sflag:s4], $0x10000  }
0x1a9: {  	[sflag:s4] =	ssyncset.done $0x0  }
0x1aa: {  	[sflag:s4] =	ssyncadd.s32 $0xFFFF0000  }
0x1ab: {  	[tilespmem:s5], [sflag:$0x1] =	stream.indirect.gather [hbm4b:s2+s7], $0x80, s11, s7, $0xb8;
	[tilespmem:$0x10400] =	vst v63  }
0x1ac: {  	_ = 	snop  }
0x1ad: {  	[tilespmem:s8], [sflag:$0x1] =	stream.indirect.gather [hbm4b:s2+s7], $0x80, s12, s7, $0xb8;
	[tilespmem:$0x10400] =	vst v63  }
0x1ae: {  	_ = 	snop  }
0x1af: {  	[tilespmem:s9], [sflag:$0x1] =	stream.indirect.gather [hbm4b:s2+s7], $0x80, s13, s7, $0xb8;
	[tilespmem:$0x10400] =	vst v63  }
0x1b0: {  	_ = 	snop  }
0x1b1: {  	[tilespmem:s10], [sflag:$0x1] =	stream.indirect.gather [hbm4b:s2+s7], $0x80, s14, s7, $0xb8;
	[tilespmem:$0x10400] =	vst v63  }
0x1b2: {  	_ =	swait.ge [sflag:s6], $0x4000  }
0x1b3: {  	[sflag:s6] =	ssyncset.done $0x0  }
0x1b4: {  	[sflag:s6] =	ssyncadd.s32 $0xFFFFC000  }
0x1b5: {  	_ =	swait.ge [sflag:s6], $0x4000  }
0x1b6: {  	[sflag:s6] =	ssyncset.done $0x0  }
0x1b7: {  	[sflag:s6] =	ssyncadd.s32 $0xFFFFC000  }
0x1b8: {  	_ =	swait.ge [sflag:s6], $0x4000  }
0x1b9: {  	[sflag:s6] =	ssyncset.done $0x0  }
0x1ba: {  	[sflag:s6] =	ssyncadd.s32 $0xFFFFC000  }
0x1bb: {  	_ =	swait.ge [sflag:s6], $0x4000  }
0x1bc: {  	[sflag:s6] =	ssyncset.done $0x0  }
0x1bd: {  	s31 =	rddreg [dreg:$0xb];
	[sflag:s6] =	ssyncadd.s32 $0xFFFFC000  }
0x1be: {  	[hbm4b:s31+s3] =	stream.linear.scatter [tilespmem:s5], [sflag:$0x2], $0x10000, $0x38;
	[tilespmem:$0x10400] =	vst v63  }
0x1bf: {  	_ =	swait.ge [sflag:s4], $0x10000  }
0x1c0: {  	s1 =	simm.s32 @!p1 $0x0;
	[sflag:s4] =	ssyncset.done $0x0  }
0x1c1: {  	s3 =	simm.s32 @!p1 $0x2;
	s0 =	rddreg [dreg:$0x2];
	[sflag:s4] =	ssyncadd.s32 $0xFFFF0000  }
0x1c2: {  	[tilespmem:s1], [sflag:$0x2] =	stream.linear.gather @!p1 [hbm4b:s0+s1], $0x400, $0x38;
	[tilespmem:$0x10400] =	vst v63  }
0x1c3: {  	_ =	swait.ge @!p1 [sflag:s3], $0x400  }
0x1c4: {  	[sflag:s3] =	ssyncset.done @!p1 $0x0  }
0x1c5: {  	s4 =	simm.s32 @!p1 $0x400;
	s0 =	simm.s32 @!p1 $0x80;
	[sflag:s3] =	ssyncadd.s32 @!p1 $0xFFFFFC00  }
0x1c6: {  	[tilespmem:s4], [sflag:$0x1] =	stream.indirect.gather @!p1 [hbm4b:s2+s0], $0x80, s1, s0, $0xb8;
	[tilespmem:$0x10400] =	vst v63  }
0x1c7: {  	s5 =	simm.s32 @!p1 $0x4400  }
0x1c8: {  	[tilespmem:s5], [sflag:$0x1] =	stream.indirect.gather @!p1 [hbm4b:s2+s0], $0x80, s0, s0, $0xb8;
	[tilespmem:$0x10400] =	vst v63  }
0x1c9: {  	s7 =	simm.s32 @!p1 $0x8400;
	s6 =	simm.s32 @!p1 $0x100  }
0x1ca: {  	[tilespmem:s7], [sflag:$0x1] =	stream.indirect.gather @!p1 [hbm4b:s2+s0], $0x80, s6, s0, $0xb8;
	[tilespmem:$0x10400] =	vst v63  }
0x1cb: {  	s8 =	simm.s32 @!p1 $0xC400;
	s9 =	simm.s32 @!p1 $0x1;
	s6 =	simm.s32 @!p1 $0x180  }
0x1cc: {  	[tilespmem:s8], [sflag:$0x1] =	stream.indirect.gather @!p1 [hbm4b:s2+s0], $0x80, s6, s0, $0xb8;
	[tilespmem:$0x10400] =	vst v63  }
0x1cd: {  	_ =	swait.ge @!p1 [sflag:s9], $0x4000  }
0x1ce: {  	[sflag:s9] =	ssyncset.done @!p1 $0x0  }
0x1cf: {  	[sflag:s9] =	ssyncadd.s32 @!p1 $0xFFFFC000  }
0x1d0: {  	_ =	swait.ge @!p1 [sflag:s9], $0x4000  }
0x1d1: {  	[sflag:s9] =	ssyncset.done @!p1 $0x0  }
0x1d2: {  	[sflag:s9] =	ssyncadd.s32 @!p1 $0xFFFFC000  }
0x1d3: {  	_ =	swait.ge @!p1 [sflag:s9], $0x4000  }
0x1d4: {  	[sflag:s9] =	ssyncset.done @!p1 $0x0  }
0x1d5: {  	[sflag:s9] =	ssyncadd.s32 @!p1 $0xFFFFC000  }
0x1d6: {  	_ =	swait.ge @!p1 [sflag:s9], $0x4000  }
0x1d7: {  	[sflag:s9] =	ssyncset.done @!p1 $0x0  }
0x1d8: {  	s6 =	rddreg [dreg:$0x3];
	[sflag:s9] =	ssyncadd.s32 @!p1 $0xFFFFC000  }
0x1d9: {  	[hbm4b:s6+s1] =	stream.linear.scatter @!p1 [tilespmem:s4], [sflag:$0x2], $0x10000, $0x38;
	[tilespmem:$0x10400] =	vst v63  }
0x1da: {  	_ =	swait.ge @!p1 [sflag:s3], $0x10000  }
0x1db: {  	[sflag:s3] =	ssyncset.done @!p1 $0x0  }
0x1dc: {  	s6 =	simm.s32 @!p1 $0x200;
	[sflag:s3] =	ssyncadd.s32 @!p1 $0xFFFF0000  }
0x1dd: {  	[tilespmem:s4], [sflag:$0x1] =	stream.indirect.gather @!p1 [hbm4b:s2+s0], $0x80, s6, s0, $0xb8;
	[tilespmem:$0x10400] =	vst v63  }
0x1de: {  	s6 =	simm.s32 @!p1 $0x280  }
0x1df: {  	[tilespmem:s5], [sflag:$0x1] =	stream.indirect.gather @!p1 [hbm4b:s2+s0], $0x80, s6, s0, $0xb8;
	[tilespmem:$0x10400] =	vst v63  }
0x1e0: {  	s5 =	simm.s32 @!p1 $0x300  }
0x1e1: {  	[tilespmem:s7], [sflag:$0x1] =	stream.indirect.gather @!p1 [hbm4b:s2+s0], $0x80, s5, s0, $0xb8;
	[tilespmem:$0x10400] =	vst v63  }
0x1e2: {  	s5 =	simm.s32 @!p1 $0x380  }
0x1e3: {  	[tilespmem:s8], [sflag:$0x1] =	stream.indirect.gather @!p1 [hbm4b:s2+s0], $0x80, s5, s0, $0xb8;
	[tilespmem:$0x10400] =	vst v63  }
0x1e4: {  	_ =	swait.ge @!p1 [sflag:s9], $0x4000  }
0x1e5: {  	[sflag:s9] =	ssyncset.done @!p1 $0x0  }
0x1e6: {  	[sflag:s9] =	ssyncadd.s32 @!p1 $0xFFFFC000  }
0x1e7: {  	_ =	swait.ge @!p1 [sflag:s9], $0x4000  }
0x1e8: {  	[sflag:s9] =	ssyncset.done @!p1 $0x0  }
0x1e9: {  	[sflag:s9] =	ssyncadd.s32 @!p1 $0xFFFFC000  }
0x1ea: {  	_ =	swait.ge @!p1 [sflag:s9], $0x4000  }
0x1eb: {  	[sflag:s9] =	ssyncset.done @!p1 $0x0  }
0x1ec: {  	[sflag:s9] =	ssyncadd.s32 @!p1 $0xFFFFC000  }
0x1ed: {  	_ =	swait.ge @!p1 [sflag:s9], $0x4000  }
0x1ee: {  	[sflag:s9] =	ssyncset.done @!p1 $0x0  }
0x1ef: {  	s0 =	rddreg [dreg:$0x4];
	[sflag:s9] =	ssyncadd.s32 @!p1 $0xFFFFC000  }
0x1f0: {  	[hbm4b:s0+s1] =	stream.linear.scatter @!p1 [tilespmem:s4], [sflag:$0x2], $0x10000, $0x38;
	[tilespmem:$0x10400] =	vst v63  }
0x1f1: {  	_ =	swait.ge @!p1 [sflag:s3], $0x10000  }
0x1f2: {  	s1 =	simm.s32 @!p0 $0x0;
	[sflag:s3] =	ssyncset.done @!p1 $0x0  }
0x1f3: {  	s0 =	rddreg [dreg:$0x5];
	[sflag:s3] =	ssyncadd.s32 @!p1 $0xFFFF0000;
	s3 =	simm.s32 @!p0 $0x2  }
0x1f4: {  	[tilespmem:s1], [sflag:$0x2] =	stream.linear.gather @!p0 [hbm4b:s0+s1], $0x80, $0x38;
	[tilespmem:$0x10400] =	vst v63  }
0x1f5: {  	_ =	swait.ge @!p0 [sflag:s3], $0x80  }
0x1f6: {  	s5 =	simm.s32 @!p0 $0x400;
	[sflag:s3] =	ssyncset.done @!p0 $0x0  }
0x1f7: {  	s4 =	simm.s32 @!p0 $0x80;
	s0 =	simm.s32 @!p0 $0x1;
	[sflag:s3] =	ssyncadd.s32 @!p0 $0xFFFFFF80  }
0x1f8: {  	[tilespmem:s5], [sflag:$0x1] =	stream.indirect.gather @!p0 [hbm4b:s2+s4], $0x80, s1, s4, $0xb8;
	[tilespmem:$0x10400] =	vst v63  }
0x1f9: {  	_ =	swait.ge @!p0 [sflag:s0], $0x4000  }
0x1fa: {  	[sflag:s0] =	ssyncset.done @!p0 $0x0  }
0x1fb: {  	s2 =	rddreg [dreg:$0x6];
	[sflag:s0] =	ssyncadd.s32 @!p0 $0xFFFFC000  }
0x1fc: {  	[hbm4b:s2+s1] =	stream.linear.scatter @!p0 [tilespmem:s5], [sflag:$0x2], $0x4000, $0x38;
	[tilespmem:$0x10400] =	vst v63  }
0x1fd: {  	_ =	swait.ge @!p0 [sflag:s3], $0x4000  }
0x1fe: {  	[sflag:s3] =	ssyncset.done @!p0 $0x0  }
0x1ff: {  	[sflag:s3] =	ssyncadd.s32 @!p0 $0xFFFFC000  }
0x200: {  	_ =	sfence.sel $0x180000  }
0x201: {  	[bflag:$0x0] =	sbarrier.arrive $0xFFFF  }
0x202: {  	p0 =	sne.s32 s19, $0x0;
	_ =	strace $0x9000004A  }
0x203: {  	s0 =	sadd.s32 @!p0 $0x100000, s20;
	[bflag:$0x2] =	sbarrier.arrive $0xFFFF  }
0x204: {  	[sflag:s0] =	ssyncadd.tile.s32 @!p0 $0x1;
	_ =	shalt  }
.LBB2_1:
.Ltmp3:
0x205: {  	(pc) =	sbr.rel .LBB2_6-.Ltmp3, $2  }
0x206: {  	_ =	sdelay $0x2  }
0x207: {  	_ = 	snop  }
.LBB2_3:
.Ltmp4:
0x208: {  	(pc) =	sbr.rel .LBB2_6-.Ltmp4, $2  }
0x209: {  	_ =	sdelay $0x2  }
0x20a: {  	s19 =	stileid.u32;
	s20 =	rddreg [dreg:$0x1]  }
.Lfunc_end2:
_tile_overlayer_lowered:
.L_overlay_start_2:
0x20b: {  	(tag) =	ssettag $0x2  }
0x20c: {  	s0 =	rddreg [dreg:$0x0];
	s2 =	stileid.u32  }
0x20d: {  	s1 =	rddreg [dreg:$0x1];
	p0 =	sne.s32 s2, $0x0  }
0x20e: {  	s3 =	rddreg [dreg:$0x2];
	[bflag:$0x3] =	sbarrier.arrive $0xFFFF;
	s2 =	simm.s32 @!p0 $0x1C02  }
0x20f: {  	[timem:s3], [sflag:s2] =	dma.local @!p0 [hbm:s0], s1  }
0x210: {  	s0 =	simm.s32 @!p0 $0x2  }
0x211: {  	_ =	swait.ge @!p0 [sflag:s0], s1  }
0x212: {  	s1 =	ssub.s32 @!p0 $0x0, s1;
	[sflag:s0] =	ssyncset.done @!p0 $0x0  }
0x213: {  	[sflag:s0] =	ssyncadd.s32 @!p0 s1  }
0x214: {  	[bflag:$0x3] =	sbarrier.arrive $0xFFFF  }
0x215: {  	_ =	shalt  }

</sc_bundles>
